<compile_context>
chip_gen: v7x
topology: tpu7x:2x2x1
jax: 0.10.2.dev20260603
libtpu: 0.0.44.dev20260713+nightly
codegen_flags: <defaults>
</compile_context>

<pallas_src>
import functools

import jax
import jax.numpy as jnp
from jax import lax
from jax.experimental import pallas as pl
from jax.experimental.pallas import tpu as pltpu
from jax.experimental.pallas import tpu_sc as plsc

VOCAB = 1000000
EMB = 32
BATCH = 4096
HIST = 200

NC = 2
NS = 16
NW = NC * NS
BT = BATCH // NW
H = 2
NH = HIST // H
NBUF = 2
NG = BT // 16

_mesh = plsc.VectorSubcoreMesh(
    core_axis_name="c", subcore_axis_name="s", num_cores=NC, num_subcores=NS
)


@functools.partial(
    pl.kernel,
    out_type=jax.ShapeDtypeStruct((HIST, EMB, BATCH), jnp.float32),
    mesh=_mesh,
    scratch_types=[
        pltpu.VMEM((NBUF, H, BT), jnp.int32),
        pltpu.VMEM((NBUF, H, BT), jnp.int32),
        pltpu.VMEM((NBUF, H, BT), jnp.int32),
        pltpu.VMEM((NBUF, H, BT, 128), jnp.float32),
        pltpu.VMEM((NBUF, H, EMB, BT), jnp.float32),
        pltpu.SemaphoreType.DMA((NBUF,)),
        pltpu.SemaphoreType.DMA((NBUF,)),
        pltpu.SemaphoreType.DMA((NBUF,)),
    ],
    compiler_params=pltpu.CompilerParams(needs_layout_passes=False),
)
def _emb_lookup(idxt_hbm, table_hbm, out_hbm, idx_v, rowidx_v, subb_v,
                rows_v, trans_v, sem_idx, sem_gat, sem_out):
    wid = lax.axis_index("s") * NC + lax.axis_index("c")
    b0 = wid * BT
    lanes = lax.iota(jnp.int32, 16)

    def idx_copy(k, buf):
        return pltpu.make_async_copy(
            idxt_hbm.at[pl.ds(k * H, H), pl.ds(b0, BT)], idx_v.at[buf],
            sem_idx.at[buf])

    def gather_copy(buf, hi):
        return pltpu.make_async_copy(
            table_hbm.at[rowidx_v.at[buf, hi]], rows_v.at[buf, hi],
            sem_gat.at[buf])

    def out_copy(k, buf):
        return pltpu.make_async_copy(
            trans_v.at[buf], out_hbm.at[pl.ds(k * H, H), :, pl.ds(b0, BT)],
            sem_out.at[buf])

    def rowprep(buf):
        for hi in range(H):
            for g in range(NG):
                v = idx_v[buf, hi, pl.ds(g * 16, 16)]
                rowidx_v[buf, hi, pl.ds(g * 16, 16)] = v >> 2
                subb_v[buf, hi, pl.ds(g * 16, 16)] = (v & 3) * 32

    def transpose(buf):
        subb0 = [[subb_v[buf, hi, pl.ds(g * 16, 16)] for g in range(NG)]
                 for hi in range(H)]

        def per_d(d, subbs):
            permd = (lanes + d) & 15
            for hi in range(H):
                rref = rows_v.at[buf, hi]
                tref = trans_v.at[buf, hi]
                for g in range(NG):
                    ivec = g * 16 + lanes
                    for e0 in range(0, EMB, 16):
                        evec = e0 + permd
                        vec = plsc.load_gather(rref, [ivec, subbs[hi][g] + evec])
                        plsc.store_scatter(tref, [evec, ivec], vec)
            return subbs

        lax.fori_loop(0, 16, per_d, subb0)

    idx_copy(0, 0).start()
    idx_copy(0, 0).wait()
    rowprep(0)
    for hi in range(H):
        gather_copy(0, hi).start()
    idx_copy(1, 1).start()

    def super_step(ko, carry):
        for b in range(2):
            k = 2 * ko + b
            buf = b
            nbuf = 1 - b

            @pl.when(k + 1 < NH)
            def _():
                idx_copy(k + 1, nbuf).wait()
                rowprep(nbuf)
                for hi in range(H):
                    gather_copy(nbuf, hi).start()

            for hi in range(H):
                gather_copy(buf, hi).wait()

            @pl.when(k + 2 < NH)
            def _():
                idx_copy(k + 2, buf).start()

            @pl.when(k >= 2)
            def _():
                out_copy(k - 2, buf).wait()

            transpose(buf)
            out_copy(k, buf).start()
        return carry

    lax.fori_loop(0, NH // 2, super_step, 0)
    out_copy(NH - 2, 0).wait()
    out_copy(NH - 1, 1).wait()


def kernel(indices, table):
    idxt = indices.T
    table128 = table.reshape(VOCAB // 4, 128)
    out = _emb_lookup(idxt, table128)
    return out.transpose(2, 0, 1)

# --- scband reference (transcript-rebuilt; emitter-appended) ---
"""Pipeline reference for scband-my-model-29686813950794 (READ-ONLY COPY).

The authoritative reference and input builder live on the scoring server;
editing this copy changes nothing except your own understanding.
"""

import jax, jax.numpy as jnp
import numpy as np

VOCAB = 1000000
EMB = 32
PAD = 0
BATCH = 4096
HIST = 200

def setup_inputs(seed: int = 0) -> dict:
    key = jax.random.key(seed)
    k1, k2 = jax.random.split(key)
    table = jax.random.normal(k1, (VOCAB, EMB), dtype=jnp.float32)
    # nn.Embedding zeroes the padding_idx row at init
    table = table.at[PAD].set(0.0)
    indices = jax.random.randint(k2, (BATCH, HIST), 0, VOCAB, dtype=jnp.int32)
    return {"indices": indices, "table": table}

def reference(indices, table):
    # Faithful to nn.Embedding forward: gather rows of the table
    out = jnp.take(table, indices, axis=0)
    return out

if __name__ == "__main__":
    import jax
    _d = setup_inputs()
    print(jax.jit(kernel)(*tuple(_d.values())))

</pallas_src>

<mosaic_0001>
#map = affine_map<(d0, d1) -> (0, 0)>
#map1 = affine_map<(d0, d1) -> (0, 0, 0)>
module attributes {stable_mosaic.version = 14 : i64} {
  func.func @_emb_lookup(%arg0: i32, %arg1: i32, %arg2: memref<200x4096xi32, #tpu.memory_space<hbm>>, %arg3: memref<250000x128xf32, #tpu.memory_space<hbm>>, %arg4: memref<200x32x4096xf32, #tpu.memory_space<hbm>>, %arg5: memref<2x2x128xi32, #tpu.memory_space<vmem>>, %arg6: memref<2x2x128xi32, #tpu.memory_space<vmem>>, %arg7: memref<2x2x128xi32, #tpu.memory_space<vmem>>, %arg8: memref<2x2x128x128xf32, #tpu.memory_space<vmem>>, %arg9: memref<2x2x32x128xf32, #tpu.memory_space<vmem>>, %arg10: memref<2x!tpu.dma_semaphore, #tpu.memory_space<semaphore_mem>>, %arg11: memref<2x!tpu.dma_semaphore, #tpu.memory_space<semaphore_mem>>, %arg12: memref<2x!tpu.dma_semaphore, #tpu.memory_space<semaphore_mem>>) attributes {dimension_semantics = [#tpu.dimension_semantics<core_parallel>, #tpu.dimension_semantics<subcore_parallel>], iteration_bounds = array<i64: 2, 16>, scalar_prefetch = 0 : i64, scratch_operands = 8 : i64, tpu.core_type = #tpu.core_type<sc_vector_subcore>, window_params = [{transform_indices = #map}, {transform_indices = #map}, {transform_indices = #map1}]} {
    %mul3A = arith.constant 2 : i32
    %mul3A_0 = arith.muli %arg1, %mul3A : i32
    %add3A = arith.addi %mul3A_0, %arg0 : i32
    %mul3A_1 = arith.constant 128 : i32
    %mul3A_2 = arith.muli %add3A, %mul3A_1 : i32
    %iota3A = tpu.iota {dimensions = array<i32: 0>} : vector<16xi32>
    %dma_start3A = arith.constant 0 : i32
    %dma_start3A_3 = arith.constant 0 : i32
    %dma_start3A_4 = arith.constant 0 : i32
    %dma_start3A_5 = arith.constant 0 : i32
    %dma_start3A_6 = tpu.memref_slice %arg5[%dma_start3A, %dma_start3A_4, %dma_start3A_5] : memref<2x2x128xi32, #tpu.memory_space<vmem>> -> memref<1x2x128xi32, #tpu.memory_space<vmem>>
    %dma_start3A_7 = tpu.memref_squeeze %dma_start3A_6 : memref<1x2x128xi32, #tpu.memory_space<vmem>> -> memref<2x128xi32, #tpu.memory_space<vmem>>
    %dma_start3A_8 = arith.constant 0 : i32
    %dma_start3A_9 = tpu.memref_slice %arg2[%dma_start3A_8, %mul3A_2] : memref<200x4096xi32, #tpu.memory_space<hbm>> -> memref<2x128xi32, #tpu.memory_space<hbm>>
    %dma_start3A_10 = tpu.memref_slice %arg10[%dma_start3A_3] : memref<2x!tpu.dma_semaphore, #tpu.memory_space<semaphore_mem>> -> memref<1x!tpu.dma_semaphore, #tpu.memory_space<semaphore_mem>>
    %dma_start3A_11 = tpu.memref_squeeze %dma_start3A_10 : memref<1x!tpu.dma_semaphore, #tpu.memory_space<semaphore_mem>> -> memref<!tpu.dma_semaphore, #tpu.memory_space<semaphore_mem>>
    %dma_start3A_12 = arith.constant 0 : i32
    %dma_start3A_13 = arith.constant 0 : i32
    %dma_start3A_14 = tpu.memref_slice %arg5[%dma_start3A, %dma_start3A_12, %dma_start3A_13] : memref<2x2x128xi32, #tpu.memory_space<vmem>> -> memref<1x2x128xi32, #tpu.memory_space<vmem>>
    %dma_start3A_15 = tpu.memref_squeeze %dma_start3A_14 : memref<1x2x128xi32, #tpu.memory_space<vmem>> -> memref<2x128xi32, #tpu.memory_space<vmem>>
    %dma_start3A_16 = arith.constant 0 : i32
    %dma_start3A_17 = tpu.memref_slice %arg2[%dma_start3A_16, %mul3A_2] : memref<200x4096xi32, #tpu.memory_space<hbm>> -> memref<2x128xi32, #tpu.memory_space<hbm>>
    tpu.enqueue_dma source(%dma_start3A_17 : memref<2x128xi32, #tpu.memory_space<hbm>>) target(%dma_start3A_15 : memref<2x128xi32, #tpu.memory_space<vmem>>) target_semaphore(%dma_start3A_11 : memref<!tpu.dma_semaphore, #tpu.memory_space<semaphore_mem>>)
    %dma_wait3A = arith.constant 0 : i32
    %dma_wait3A_18 = arith.constant 0 : i32
    %dma_wait3A_19 = arith.constant 0 : i32
    %dma_wait3A_20 = arith.constant 0 : i32
    %dma_wait3A_21 = tpu.memref_slice %arg5[%dma_wait3A, %dma_wait3A_19, %dma_wait3A_20] : memref<2x2x128xi32, #tpu.memory_space<vmem>> -> memref<1x2x128xi32, #tpu.memory_space<vmem>>
    %dma_wait3A_22 = tpu.memref_squeeze %dma_wait3A_21 : memref<1x2x128xi32, #tpu.memory_space<vmem>> -> memref<2x128xi32, #tpu.memory_space<vmem>>
    %dma_wait3A_23 = arith.constant 0 : i32
    %dma_wait3A_24 = tpu.memref_slice %arg2[%dma_wait3A_23, %mul3A_2] : memref<200x4096xi32, #tpu.memory_space<hbm>> -> memref<2x128xi32, #tpu.memory_space<hbm>>
    %dma_wait3A_25 = tpu.memref_slice %arg10[%dma_wait3A_18] : memref<2x!tpu.dma_semaphore, #tpu.memory_space<semaphore_mem>> -> memref<1x!tpu.dma_semaphore, #tpu.memory_space<semaphore_mem>>
    %dma_wait3A_26 = tpu.memref_squeeze %dma_wait3A_25 : memref<1x!tpu.dma_semaphore, #tpu.memory_space<semaphore_mem>> -> memref<!tpu.dma_semaphore, #tpu.memory_space<semaphore_mem>>
    %dma_wait3A_27 = arith.constant 0 : i32
    %dma_wait3A_28 = arith.constant 0 : i32
    %dma_wait3A_29 = tpu.memref_slice %arg5[%dma_wait3A, %dma_wait3A_27, %dma_wait3A_28] : memref<2x2x128xi32, #tpu.memory_space<vmem>> -> memref<1x2x128xi32, #tpu.memory_space<vmem>>
    %dma_wait3A_30 = tpu.memref_squeeze %dma_wait3A_29 : memref<1x2x128xi32, #tpu.memory_space<vmem>> -> memref<2x128xi32, #tpu.memory_space<vmem>>
    %dma_wait3A_31 = arith.constant 0 : i32
    %dma_wait3A_32 = tpu.memref_slice %arg2[%dma_wait3A_31, %mul3A_2] : memref<200x4096xi32, #tpu.memory_space<hbm>> -> memref<2x128xi32, #tpu.memory_space<hbm>>
    tpu.wait_dma2 semaphore(%dma_wait3A_26 : memref<!tpu.dma_semaphore, #tpu.memory_space<semaphore_mem>>) src(%dma_wait3A_32 : memref<2x128xi32, #tpu.memory_space<hbm>>) dst(%dma_wait3A_30 : memref<2x128xi32, #tpu.memory_space<vmem>>)
    %get3A = arith.constant 0 : i32
    %get3A_33 = arith.constant 0 : i32
    %get3A_34 = arith.index_cast %get3A : i32 to index
    %get3A_35 = arith.index_cast %get3A_33 : i32 to index
    %get3A_36 = arith.constant 0 : index
    %get3A_37 = tpu.vector_load %arg5[%get3A_34, %get3A_35, %get3A_36] {strides = array<i32>} : memref<2x2x128xi32, #tpu.memory_space<vmem>>, vector<16xi32>,
    %shift_right_arithmetic3A = arith.constant 2 : i32
    %shift_right_arithmetic3A_38 = vector.broadcast %shift_right_arithmetic3A : i32 to vector<16xi32>
    %shift_right_arithmetic3A_39 = arith.shrsi %get3A_37, %shift_right_arithmetic3A_38 : vector<16xi32>
    %swap3A = arith.constant 0 : i32
    %swap3A_40 = arith.constant 0 : i32
    %swap3A_41 = arith.index_cast %swap3A : i32 to index
    %swap3A_42 = arith.index_cast %swap3A_40 : i32 to index
    %swap3A_43 = arith.constant 0 : index
    %swap3A_44 = tpu.vector_load %arg6[%swap3A_41, %swap3A_42, %swap3A_43] {strides = array<i32>} : memref<2x2x128xi32, #tpu.memory_space<vmem>>, vector<16xi32>,
    tpu.vector_store %arg6[%swap3A_41, %swap3A_42, %swap3A_43], %shift_right_arithmetic3A_39 {strides = array<i32>} : memref<2x2x128xi32, #tpu.memory_space<vmem>>, vector<16xi32>,
    %and3A = arith.constant 3 : i32
    %and3A_45 = vector.broadcast %and3A : i32 to vector<16xi32>
    %and3A_46 = arith.andi %get3A_37, %and3A_45 : vector<16xi32>
    %mul3A_47 = arith.constant 32 : i32
    %mul3A_48 = vector.broadcast %mul3A_47 : i32 to vector<16xi32>
    %mul3A_49 = arith.muli %and3A_46, %mul3A_48 : vector<16xi32>
    %swap3A_50 = arith.constant 0 : i32
    %swap3A_51 = arith.constant 0 : i32
    %swap3A_52 = arith.index_cast %swap3A_50 : i32 to index
    %swap3A_53 = arith.index_cast %swap3A_51 : i32 to index
    %swap3A_54 = arith.constant 0 : index
    %swap3A_55 = tpu.vector_load %arg7[%swap3A_52, %swap3A_53, %swap3A_54] {strides = array<i32>} : memref<2x2x128xi32, #tpu.memory_space<vmem>>, vector<16xi32>,
    tpu.vector_store %arg7[%swap3A_52, %swap3A_53, %swap3A_54], %mul3A_49 {strides = array<i32>} : memref<2x2x128xi32, #tpu.memory_space<vmem>>, vector<16xi32>,
    %get3A_56 = arith.constant 0 : i32
    %get3A_57 = arith.constant 0 : i32
    %get3A_58 = arith.index_cast %get3A_56 : i32 to index
    %get3A_59 = arith.index_cast %get3A_57 : i32 to index
    %get3A_60 = arith.constant 16 : index
    %get3A_61 = tpu.vector_load %arg5[%get3A_58, %get3A_59, %get3A_60] {strides = array<i32>} : memref<2x2x128xi32, #tpu.memory_space<vmem>>, vector<16xi32>,
    %shift_right_arithmetic3A_62 = arith.constant 2 : i32
    %shift_right_arithmetic3A_63 = vector.broadcast %shift_right_arithmetic3A_62 : i32 to vector<16xi32>
    %shift_right_arithmetic3A_64 = arith.shrsi %get3A_61, %shift_right_arithmetic3A_63 : vector<16xi32>
    %swap3A_65 = arith.constant 0 : i32
    %swap3A_66 = arith.constant 0 : i32
    %swap3A_67 = arith.index_cast %swap3A_65 : i32 to index
    %swap3A_68 = arith.index_cast %swap3A_66 : i32 to index
    %swap3A_69 = arith.constant 16 : index
    %swap3A_70 = tpu.vector_load %arg6[%swap3A_67, %swap3A_68, %swap3A_69] {strides = array<i32>} : memref<2x2x128xi32, #tpu.memory_space<vmem>>, vector<16xi32>,
    tpu.vector_store %arg6[%swap3A_67, %swap3A_68, %swap3A_69], %shift_right_arithmetic3A_64 {strides = array<i32>} : memref<2x2x128xi32, #tpu.memory_space<vmem>>, vector<16xi32>,
    %and3A_71 = arith.constant 3 : i32
    %and3A_72 = vector.broadcast %and3A_71 : i32 to vector<16xi32>
    %and3A_73 = arith.andi %get3A_61, %and3A_72 : vector<16xi32>
    %mul3A_74 = arith.constant 32 : i32
    %mul3A_75 = vector.broadcast %mul3A_74 : i32 to vector<16xi32>
    %mul3A_76 = arith.muli %and3A_73, %mul3A_75 : vector<16xi32>
    %swap3A_77 = arith.constant 0 : i32
    %swap3A_78 = arith.constant 0 : i32
    %swap3A_79 = arith.index_cast %swap3A_77 : i32 to index
    %swap3A_80 = arith.index_cast %swap3A_78 : i32 to index
    %swap3A_81 = arith.constant 16 : index
    %swap3A_82 = tpu.vector_load %arg7[%swap3A_79, %swap3A_80, %swap3A_81] {strides = array<i32>} : memref<2x2x128xi32, #tpu.memory_space<vmem>>, vector<16xi32>,
    tpu.vector_store %arg7[%swap3A_79, %swap3A_80, %swap3A_81], %mul3A_76 {strides = array<i32>} : memref<2x2x128xi32, #tpu.memory_space<vmem>>, vector<16xi32>,
    %get3A_83 = arith.constant 0 : i32
    %get3A_84 = arith.constant 0 : i32
    %get3A_85 = arith.index_cast %get3A_83 : i32 to index
    %get3A_86 = arith.index_cast %get3A_84 : i32 to index
    %get3A_87 = arith.constant 32 : index
    %get3A_88 = tpu.vector_load %arg5[%get3A_85, %get3A_86, %get3A_87] {strides = array<i32>} : memref<2x2x128xi32, #tpu.memory_space<vmem>>, vector<16xi32>,
    %shift_right_arithmetic3A_89 = arith.constant 2 : i32
    %shift_right_arithmetic3A_90 = vector.broadcast %shift_right_arithmetic3A_89 : i32 to vector<16xi32>
    %shift_right_arithmetic3A_91 = arith.shrsi %get3A_88, %shift_right_arithmetic3A_90 : vector<16xi32>
    %swap3A_92 = arith.constant 0 : i32
    %swap3A_93 = arith.constant 0 : i32
    %swap3A_94 = arith.index_cast %swap3A_92 : i32 to index
    %swap3A_95 = arith.index_cast %swap3A_93 : i32 to index
    %swap3A_96 = arith.constant 32 : index
    %swap3A_97 = tpu.vector_load %arg6[%swap3A_94, %swap3A_95, %swap3A_96] {strides = array<i32>} : memref<2x2x128xi32, #tpu.memory_space<vmem>>, vector<16xi32>,
    tpu.vector_store %arg6[%swap3A_94, %swap3A_95, %swap3A_96], %shift_right_arithmetic3A_91 {strides = array<i32>} : memref<2x2x128xi32, #tpu.memory_space<vmem>>, vector<16xi32>,
    %and3A_98 = arith.constant 3 : i32
    %and3A_99 = vector.broadcast %and3A_98 : i32 to vector<16xi32>
    %and3A_100 = arith.andi %get3A_88, %and3A_99 : vector<16xi32>
    %mul3A_101 = arith.constant 32 : i32
    %mul3A_102 = vector.broadcast %mul3A_101 : i32 to vector<16xi32>
    %mul3A_103 = arith.muli %and3A_100, %mul3A_102 : vector<16xi32>
    %swap3A_104 = arith.constant 0 : i32
    %swap3A_105 = arith.constant 0 : i32
    %swap3A_106 = arith.index_cast %swap3A_104 : i32 to index
    %swap3A_107 = arith.index_cast %swap3A_105 : i32 to index
    %swap3A_108 = arith.constant 32 : index
    %swap3A_109 = tpu.vector_load %arg7[%swap3A_106, %swap3A_107, %swap3A_108] {strides = array<i32>} : memref<2x2x128xi32, #tpu.memory_space<vmem>>, vector<16xi32>,
    tpu.vector_store %arg7[%swap3A_106, %swap3A_107, %swap3A_108], %mul3A_103 {strides = array<i32>} : memref<2x2x128xi32, #tpu.memory_space<vmem>>, vector<16xi32>,
    %get3A_110 = arith.constant 0 : i32
    %get3A_111 = arith.constant 0 : i32
    %get3A_112 = arith.index_cast %get3A_110 : i32 to index
    %get3A_113 = arith.index_cast %get3A_111 : i32 to index
    %get3A_114 = arith.constant 48 : index
    %get3A_115 = tpu.vector_load %arg5[%get3A_112, %get3A_113, %get3A_114] {strides = array<i32>} : memref<2x2x128xi32, #tpu.memory_space<vmem>>, vector<16xi32>,
    %shift_right_arithmetic3A_116 = arith.constant 2 : i32
    %shift_right_arithmetic3A_117 = vector.broadcast %shift_right_arithmetic3A_116 : i32 to vector<16xi32>
    %shift_right_arithmetic3A_118 = arith.shrsi %get3A_115, %shift_right_arithmetic3A_117 : vector<16xi32>
    %swap3A_119 = arith.constant 0 : i32
    %swap3A_120 = arith.constant 0 : i32
    %swap3A_121 = arith.index_cast %swap3A_119 : i32 to index
    %swap3A_122 = arith.index_cast %swap3A_120 : i32 to index
    %swap3A_123 = arith.constant 48 : index
    %swap3A_124 = tpu.vector_load %arg6[%swap3A_121, %swap3A_122, %swap3A_123] {strides = array<i32>} : memref<2x2x128xi32, #tpu.memory_space<vmem>>, vector<16xi32>,
    tpu.vector_store %arg6[%swap3A_121, %swap3A_122, %swap3A_123], %shift_right_arithmetic3A_118 {strides = array<i32>} : memref<2x2x128xi32, #tpu.memory_space<vmem>>, vector<16xi32>,
    %and3A_125 = arith.constant 3 : i32
    %and3A_126 = vector.broadcast %and3A_125 : i32 to vector<16xi32>
    %and3A_127 = arith.andi %get3A_115, %and3A_126 : vector<16xi32>
    %mul3A_128 = arith.constant 32 : i32
    %mul3A_129 = vector.broadcast %mul3A_128 : i32 to vector<16xi32>
    %mul3A_130 = arith.muli %and3A_127, %mul3A_129 : vector<16xi32>
    %swap3A_131 = arith.constant 0 : i32
    %swap3A_132 = arith.constant 0 : i32
    %swap3A_133 = arith.index_cast %swap3A_131 : i32 to index
    %swap3A_134 = arith.index_cast %swap3A_132 : i32 to index
    %swap3A_135 = arith.constant 48 : index
    %swap3A_136 = tpu.vector_load %arg7[%swap3A_133, %swap3A_134, %swap3A_135] {strides = array<i32>} : memref<2x2x128xi32, #tpu.memory_space<vmem>>, vector<16xi32>,
    tpu.vector_store %arg7[%swap3A_133, %swap3A_134, %swap3A_135], %mul3A_130 {strides = array<i32>} : memref<2x2x128xi32, #tpu.memory_space<vmem>>, vector<16xi32>,
    %get3A_137 = arith.constant 0 : i32
    %get3A_138 = arith.constant 0 : i32
    %get3A_139 = arith.index_cast %get3A_137 : i32 to index
    %get3A_140 = arith.index_cast %get3A_138 : i32 to index
    %get3A_141 = arith.constant 64 : index
    %get3A_142 = tpu.vector_load %arg5[%get3A_139, %get3A_140, %get3A_141] {strides = array<i32>} : memref<2x2x128xi32, #tpu.memory_space<vmem>>, vector<16xi32>,
    %shift_right_arithmetic3A_143 = arith.constant 2 : i32
    %shift_right_arithmetic3A_144 = vector.broadcast %shift_right_arithmetic3A_143 : i32 to vector<16xi32>
    %shift_right_arithmetic3A_145 = arith.shrsi %get3A_142, %shift_right_arithmetic3A_144 : vector<16xi32>
    %swap3A_146 = arith.constant 0 : i32
    %swap3A_147 = arith.constant 0 : i32
    %swap3A_148 = arith.index_cast %swap3A_146 : i32 to index
    %swap3A_149 = arith.index_cast %swap3A_147 : i32 to index
    %swap3A_150 = arith.constant 64 : index
    %swap3A_151 = tpu.vector_load %arg6[%swap3A_148, %swap3A_149, %swap3A_150] {strides = array<i32>} : memref<2x2x128xi32, #tpu.memory_space<vmem>>, vector<16xi32>,
    tpu.vector_store %arg6[%swap3A_148, %swap3A_149, %swap3A_150], %shift_right_arithmetic3A_145 {strides = array<i32>} : memref<2x2x128xi32, #tpu.memory_space<vmem>>, vector<16xi32>,
    %and3A_152 = arith.constant 3 : i32
    %and3A_153 = vector.broadcast %and3A_152 : i32 to vector<16xi32>
    %and3A_154 = arith.andi %get3A_142, %and3A_153 : vector<16xi32>
    %mul3A_155 = arith.constant 32 : i32
    %mul3A_156 = vector.broadcast %mul3A_155 : i32 to vector<16xi32>
    %mul3A_157 = arith.muli %and3A_154, %mul3A_156 : vector<16xi32>
    %swap3A_158 = arith.constant 0 : i32
    %swap3A_159 = arith.constant 0 : i32
    %swap3A_160 = arith.index_cast %swap3A_158 : i32 to index
    %swap3A_161 = arith.index_cast %swap3A_159 : i32 to index
    %swap3A_162 = arith.constant 64 : index
    %swap3A_163 = tpu.vector_load %arg7[%swap3A_160, %swap3A_161, %swap3A_162] {strides = array<i32>} : memref<2x2x128xi32, #tpu.memory_space<vmem>>, vector<16xi32>,
    tpu.vector_store %arg7[%swap3A_160, %swap3A_161, %swap3A_162], %mul3A_157 {strides = array<i32>} : memref<2x2x128xi32, #tpu.memory_space<vmem>>, vector<16xi32>,
    %get3A_164 = arith.constant 0 : i32
    %get3A_165 = arith.constant 0 : i32
    %get3A_166 = arith.index_cast %get3A_164 : i32 to index
    %get3A_167 = arith.index_cast %get3A_165 : i32 to index
    %get3A_168 = arith.constant 80 : index
    %get3A_169 = tpu.vector_load %arg5[%get3A_166, %get3A_167, %get3A_168] {strides = array<i32>} : memref<2x2x128xi32, #tpu.memory_space<vmem>>, vector<16xi32>,
    %shift_right_arithmetic3A_170 = arith.constant 2 : i32
    %shift_right_arithmetic3A_171 = vector.broadcast %shift_right_arithmetic3A_170 : i32 to vector<16xi32>
    %shift_right_arithmetic3A_172 = arith.shrsi %get3A_169, %shift_right_arithmetic3A_171 : vector<16xi32>
    %swap3A_173 = arith.constant 0 : i32
    %swap3A_174 = arith.constant 0 : i32
    %swap3A_175 = arith.index_cast %swap3A_173 : i32 to index
    %swap3A_176 = arith.index_cast %swap3A_174 : i32 to index
    %swap3A_177 = arith.constant 80 : index
    %swap3A_178 = tpu.vector_load %arg6[%swap3A_175, %swap3A_176, %swap3A_177] {strides = array<i32>} : memref<2x2x128xi32, #tpu.memory_space<vmem>>, vector<16xi32>,
    tpu.vector_store %arg6[%swap3A_175, %swap3A_176, %swap3A_177], %shift_right_arithmetic3A_172 {strides = array<i32>} : memref<2x2x128xi32, #tpu.memory_space<vmem>>, vector<16xi32>,
    %and3A_179 = arith.constant 3 : i32
    %and3A_180 = vector.broadcast %and3A_179 : i32 to vector<16xi32>
    %and3A_181 = arith.andi %get3A_169, %and3A_180 : vector<16xi32>
    %mul3A_182 = arith.constant 32 : i32
    %mul3A_183 = vector.broadcast %mul3A_182 : i32 to vector<16xi32>
    %mul3A_184 = arith.muli %and3A_181, %mul3A_183 : vector<16xi32>
    %swap3A_185 = arith.constant 0 : i32
    %swap3A_186 = arith.constant 0 : i32
    %swap3A_187 = arith.index_cast %swap3A_185 : i32 to index
    %swap3A_188 = arith.index_cast %swap3A_186 : i32 to index
    %swap3A_189 = arith.constant 80 : index
    %swap3A_190 = tpu.vector_load %arg7[%swap3A_187, %swap3A_188, %swap3A_189] {strides = array<i32>} : memref<2x2x128xi32, #tpu.memory_space<vmem>>, vector<16xi32>,
    tpu.vector_store %arg7[%swap3A_187, %swap3A_188, %swap3A_189], %mul3A_184 {strides = array<i32>} : memref<2x2x128xi32, #tpu.memory_space<vmem>>, vector<16xi32>,
    %get3A_191 = arith.constant 0 : i32
    %get3A_192 = arith.constant 0 : i32
    %get3A_193 = arith.index_cast %get3A_191 : i32 to index
    %get3A_194 = arith.index_cast %get3A_192 : i32 to index
    %get3A_195 = arith.constant 96 : index
    %get3A_196 = tpu.vector_load %arg5[%get3A_193, %get3A_194, %get3A_195] {strides = array<i32>} : memref<2x2x128xi32, #tpu.memory_space<vmem>>, vector<16xi32>,
    %shift_right_arithmetic3A_197 = arith.constant 2 : i32
    %shift_right_arithmetic3A_198 = vector.broadcast %shift_right_arithmetic3A_197 : i32 to vector<16xi32>
    %shift_right_arithmetic3A_199 = arith.shrsi %get3A_196, %shift_right_arithmetic3A_198 : vector<16xi32>
    %swap3A_200 = arith.constant 0 : i32
    %swap3A_201 = arith.constant 0 : i32
    %swap3A_202 = arith.index_cast %swap3A_200 : i32 to index
    %swap3A_203 = arith.index_cast %swap3A_201 : i32 to index
    %swap3A_204 = arith.constant 96 : index
    %swap3A_205 = tpu.vector_load %arg6[%swap3A_202, %swap3A_203, %swap3A_204] {strides = array<i32>} : memref<2x2x128xi32, #tpu.memory_space<vmem>>, vector<16xi32>,
    tpu.vector_store %arg6[%swap3A_202, %swap3A_203, %swap3A_204], %shift_right_arithmetic3A_199 {strides = array<i32>} : memref<2x2x128xi32, #tpu.memory_space<vmem>>, vector<16xi32>,
    %and3A_206 = arith.constant 3 : i32
    %and3A_207 = vector.broadcast %and3A_206 : i32 to vector<16xi32>
    %and3A_208 = arith.andi %get3A_196, %and3A_207 : vector<16xi32>
    %mul3A_209 = arith.constant 32 : i32
    %mul3A_210 = vector.broadcast %mul3A_209 : i32 to vector<16xi32>
    %mul3A_211 = arith.muli %and3A_208, %mul3A_210 : vector<16xi32>
    %swap3A_212 = arith.constant 0 : i32
    %swap3A_213 = arith.constant 0 : i32
    %swap3A_214 = arith.index_cast %swap3A_212 : i32 to index
    %swap3A_215 = arith.index_cast %swap3A_213 : i32 to index
    %swap3A_216 = arith.constant 96 : index
    %swap3A_217 = tpu.vector_load %arg7[%swap3A_214, %swap3A_215, %swap3A_216] {strides = array<i32>} : memref<2x2x128xi32, #tpu.memory_space<vmem>>, vector<16xi32>,
    tpu.vector_store %arg7[%swap3A_214, %swap3A_215, %swap3A_216], %mul3A_211 {strides = array<i32>} : memref<2x2x128xi32, #tpu.memory_space<vmem>>, vector<16xi32>,
    %get3A_218 = arith.constant 0 : i32
    %get3A_219 = arith.constant 0 : i32
    %get3A_220 = arith.index_cast %get3A_218 : i32 to index
    %get3A_221 = arith.index_cast %get3A_219 : i32 to index
    %get3A_222 = arith.constant 112 : index
    %get3A_223 = tpu.vector_load %arg5[%get3A_220, %get3A_221, %get3A_222] {strides = array<i32>} : memref<2x2x128xi32, #tpu.memory_space<vmem>>, vector<16xi32>,
    %shift_right_arithmetic3A_224 = arith.constant 2 : i32
    %shift_right_arithmetic3A_225 = vector.broadcast %shift_right_arithmetic3A_224 : i32 to vector<16xi32>
    %shift_right_arithmetic3A_226 = arith.shrsi %get3A_223, %shift_right_arithmetic3A_225 : vector<16xi32>
    %swap3A_227 = arith.constant 0 : i32
    %swap3A_228 = arith.constant 0 : i32
    %swap3A_229 = arith.index_cast %swap3A_227 : i32 to index
    %swap3A_230 = arith.index_cast %swap3A_228 : i32 to index
    %swap3A_231 = arith.constant 112 : index
    %swap3A_232 = tpu.vector_load %arg6[%swap3A_229, %swap3A_230, %swap3A_231] {strides = array<i32>} : memref<2x2x128xi32, #tpu.memory_space<vmem>>, vector<16xi32>,
    tpu.vector_store %arg6[%swap3A_229, %swap3A_230, %swap3A_231], %shift_right_arithmetic3A_226 {strides = array<i32>} : memref<2x2x128xi32, #tpu.memory_space<vmem>>, vector<16xi32>,
    %and3A_233 = arith.constant 3 : i32
    %and3A_234 = vector.broadcast %and3A_233 : i32 to vector<16xi32>
    %and3A_235 = arith.andi %get3A_223, %and3A_234 : vector<16xi32>
    %mul3A_236 = arith.constant 32 : i32
    %mul3A_237 = vector.broadcast %mul3A_236 : i32 to vector<16xi32>
    %mul3A_238 = arith.muli %and3A_235, %mul3A_237 : vector<16xi32>
    %swap3A_239 = arith.constant 0 : i32
    %swap3A_240 = arith.constant 0 : i32
    %swap3A_241 = arith.index_cast %swap3A_239 : i32 to index
    %swap3A_242 = arith.index_cast %swap3A_240 : i32 to index
    %swap3A_243 = arith.constant 112 : index
    %swap3A_244 = tpu.vector_load %arg7[%swap3A_241, %swap3A_242, %swap3A_243] {strides = array<i32>} : memref<2x2x128xi32, #tpu.memory_space<vmem>>, vector<16xi32>,
    tpu.vector_store %arg7[%swap3A_241, %swap3A_242, %swap3A_243], %mul3A_238 {strides = array<i32>} : memref<2x2x128xi32, #tpu.memory_space<vmem>>, vector<16xi32>,
    %get3A_245 = arith.constant 0 : i32
    %get3A_246 = arith.constant 1 : i32
    %get3A_247 = arith.index_cast %get3A_245 : i32 to index
    %get3A_248 = arith.index_cast %get3A_246 : i32 to index
    %get3A_249 = arith.constant 0 : index
    %get3A_250 = tpu.vector_load %arg5[%get3A_247, %get3A_248, %get3A_249] {strides = array<i32>} : memref<2x2x128xi32, #tpu.memory_space<vmem>>, vector<16xi32>,
    %shift_right_arithmetic3A_251 = arith.constant 2 : i32
    %shift_right_arithmetic3A_252 = vector.broadcast %shift_right_arithmetic3A_251 : i32 to vector<16xi32>
    %shift_right_arithmetic3A_253 = arith.shrsi %get3A_250, %shift_right_arithmetic3A_252 : vector<16xi32>
    %swap3A_254 = arith.constant 0 : i32
    %swap3A_255 = arith.constant 1 : i32
    %swap3A_256 = arith.index_cast %swap3A_254 : i32 to index
    %swap3A_257 = arith.index_cast %swap3A_255 : i32 to index
    %swap3A_258 = arith.constant 0 : index
    %swap3A_259 = tpu.vector_load %arg6[%swap3A_256, %swap3A_257, %swap3A_258] {strides = array<i32>} : memref<2x2x128xi32, #tpu.memory_space<vmem>>, vector<16xi32>,
    tpu.vector_store %arg6[%swap3A_256, %swap3A_257, %swap3A_258], %shift_right_arithmetic3A_253 {strides = array<i32>} : memref<2x2x128xi32, #tpu.memory_space<vmem>>, vector<16xi32>,
    %and3A_260 = arith.constant 3 : i32
    %and3A_261 = vector.broadcast %and3A_260 : i32 to vector<16xi32>
    %and3A_262 = arith.andi %get3A_250, %and3A_261 : vector<16xi32>
    %mul3A_263 = arith.constant 32 : i32
    %mul3A_264 = vector.broadcast %mul3A_263 : i32 to vector<16xi32>
    %mul3A_265 = arith.muli %and3A_262, %mul3A_264 : vector<16xi32>
    %swap3A_266 = arith.constant 0 : i32
    %swap3A_267 = arith.constant 1 : i32
    %swap3A_268 = arith.index_cast %swap3A_266 : i32 to index
    %swap3A_269 = arith.index_cast %swap3A_267 : i32 to index
    %swap3A_270 = arith.constant 0 : index
    %swap3A_271 = tpu.vector_load %arg7[%swap3A_268, %swap3A_269, %swap3A_270] {strides = array<i32>} : memref<2x2x128xi32, #tpu.memory_space<vmem>>, vector<16xi32>,
    tpu.vector_store %arg7[%swap3A_268, %swap3A_269, %swap3A_270], %mul3A_265 {strides = array<i32>} : memref<2x2x128xi32, #tpu.memory_space<vmem>>, vector<16xi32>,
    %get3A_272 = arith.constant 0 : i32
    %get3A_273 = arith.constant 1 : i32
    %get3A_274 = arith.index_cast %get3A_272 : i32 to index
    %get3A_275 = arith.index_cast %get3A_273 : i32 to index
    %get3A_276 = arith.constant 16 : index
    %get3A_277 = tpu.vector_load %arg5[%get3A_274, %get3A_275, %get3A_276] {strides = array<i32>} : memref<2x2x128xi32, #tpu.memory_space<vmem>>, vector<16xi32>,
    %shift_right_arithmetic3A_278 = arith.constant 2 : i32
    %shift_right_arithmetic3A_279 = vector.broadcast %shift_right_arithmetic3A_278 : i32 to vector<16xi32>
    %shift_right_arithmetic3A_280 = arith.shrsi %get3A_277, %shift_right_arithmetic3A_279 : vector<16xi32>
    %swap3A_281 = arith.constant 0 : i32
    %swap3A_282 = arith.constant 1 : i32
    %swap3A_283 = arith.index_cast %swap3A_281 : i32 to index
    %swap3A_284 = arith.index_cast %swap3A_282 : i32 to index
    %swap3A_285 = arith.constant 16 : index
    %swap3A_286 = tpu.vector_load %arg6[%swap3A_283, %swap3A_284, %swap3A_285] {strides = array<i32>} : memref<2x2x128xi32, #tpu.memory_space<vmem>>, vector<16xi32>,
    tpu.vector_store %arg6[%swap3A_283, %swap3A_284, %swap3A_285], %shift_right_arithmetic3A_280 {strides = array<i32>} : memref<2x2x128xi32, #tpu.memory_space<vmem>>, vector<16xi32>,
    %and3A_287 = arith.constant 3 : i32
    %and3A_288 = vector.broadcast %and3A_287 : i32 to vector<16xi32>
    %and3A_289 = arith.andi %get3A_277, %and3A_288 : vector<16xi32>
    %mul3A_290 = arith.constant 32 : i32
    %mul3A_291 = vector.broadcast %mul3A_290 : i32 to vector<16xi32>
    %mul3A_292 = arith.muli %and3A_289, %mul3A_291 : vector<16xi32>
    %swap3A_293 = arith.constant 0 : i32
    %swap3A_294 = arith.constant 1 : i32
    %swap3A_295 = arith.index_cast %swap3A_293 : i32 to index
    %swap3A_296 = arith.index_cast %swap3A_294 : i32 to index
    %swap3A_297 = arith.constant 16 : index
    %swap3A_298 = tpu.vector_load %arg7[%swap3A_295, %swap3A_296, %swap3A_297] {strides = array<i32>} : memref<2x2x128xi32, #tpu.memory_space<vmem>>, vector<16xi32>,
    tpu.vector_store %arg7[%swap3A_295, %swap3A_296, %swap3A_297], %mul3A_292 {strides = array<i32>} : memref<2x2x128xi32, #tpu.memory_space<vmem>>, vector<16xi32>,
    %get3A_299 = arith.constant 0 : i32
    %get3A_300 = arith.constant 1 : i32
    %get3A_301 = arith.index_cast %get3A_299 : i32 to index
    %get3A_302 = arith.index_cast %get3A_300 : i32 to index
    %get3A_303 = arith.constant 32 : index
    %get3A_304 = tpu.vector_load %arg5[%get3A_301, %get3A_302, %get3A_303] {strides = array<i32>} : memref<2x2x128xi32, #tpu.memory_space<vmem>>, vector<16xi32>,
    %shift_right_arithmetic3A_305 = arith.constant 2 : i32
    %shift_right_arithmetic3A_306 = vector.broadcast %shift_right_arithmetic3A_305 : i32 to vector<16xi32>
    %shift_right_arithmetic3A_307 = arith.shrsi %get3A_304, %shift_right_arithmetic3A_306 : vector<16xi32>
    %swap3A_308 = arith.constant 0 : i32
    %swap3A_309 = arith.constant 1 : i32
    %swap3A_310 = arith.index_cast %swap3A_308 : i32 to index
    %swap3A_311 = arith.index_cast %swap3A_309 : i32 to index
    %swap3A_312 = arith.constant 32 : index
    %swap3A_313 = tpu.vector_load %arg6[%swap3A_310, %swap3A_311, %swap3A_312] {strides = array<i32>} : memref<2x2x128xi32, #tpu.memory_space<vmem>>, vector<16xi32>,
    tpu.vector_store %arg6[%swap3A_310, %swap3A_311, %swap3A_312], %shift_right_arithmetic3A_307 {strides = array<i32>} : memref<2x2x128xi32, #tpu.memory_space<vmem>>, vector<16xi32>,
    %and3A_314 = arith.constant 3 : i32
    %and3A_315 = vector.broadcast %and3A_314 : i32 to vector<16xi32>
    %and3A_316 = arith.andi %get3A_304, %and3A_315 : vector<16xi32>
    %mul3A_317 = arith.constant 32 : i32
    %mul3A_318 = vector.broadcast %mul3A_317 : i32 to vector<16xi32>
    %mul3A_319 = arith.muli %and3A_316, %mul3A_318 : vector<16xi32>
    %swap3A_320 = arith.constant 0 : i32
    %swap3A_321 = arith.constant 1 : i32
    %swap3A_322 = arith.index_cast %swap3A_320 : i32 to index
    %swap3A_323 = arith.index_cast %swap3A_321 : i32 to index
    %swap3A_324 = arith.constant 32 : index
    %swap3A_325 = tpu.vector_load %arg7[%swap3A_322, %swap3A_323, %swap3A_324] {strides = array<i32>} : memref<2x2x128xi32, #tpu.memory_space<vmem>>, vector<16xi32>,
    tpu.vector_store %arg7[%swap3A_322, %swap3A_323, %swap3A_324], %mul3A_319 {strides = array<i32>} : memref<2x2x128xi32, #tpu.memory_space<vmem>>, vector<16xi32>,
    %get3A_326 = arith.constant 0 : i32
    %get3A_327 = arith.constant 1 : i32
    %get3A_328 = arith.index_cast %get3A_326 : i32 to index
    %get3A_329 = arith.index_cast %get3A_327 : i32 to index
    %get3A_330 = arith.constant 48 : index
    %get3A_331 = tpu.vector_load %arg5[%get3A_328, %get3A_329, %get3A_330] {strides = array<i32>} : memref<2x2x128xi32, #tpu.memory_space<vmem>>, vector<16xi32>,
    %shift_right_arithmetic3A_332 = arith.constant 2 : i32
    %shift_right_arithmetic3A_333 = vector.broadcast %shift_right_arithmetic3A_332 : i32 to vector<16xi32>
    %shift_right_arithmetic3A_334 = arith.shrsi %get3A_331, %shift_right_arithmetic3A_333 : vector<16xi32>
    %swap3A_335 = arith.constant 0 : i32
    %swap3A_336 = arith.constant 1 : i32
    %swap3A_337 = arith.index_cast %swap3A_335 : i32 to index
    %swap3A_338 = arith.index_cast %swap3A_336 : i32 to index
    %swap3A_339 = arith.constant 48 : index
    %swap3A_340 = tpu.vector_load %arg6[%swap3A_337, %swap3A_338, %swap3A_339] {strides = array<i32>} : memref<2x2x128xi32, #tpu.memory_space<vmem>>, vector<16xi32>,
    tpu.vector_store %arg6[%swap3A_337, %swap3A_338, %swap3A_339], %shift_right_arithmetic3A_334 {strides = array<i32>} : memref<2x2x128xi32, #tpu.memory_space<vmem>>, vector<16xi32>,
    %and3A_341 = arith.constant 3 : i32
    %and3A_342 = vector.broadcast %and3A_341 : i32 to vector<16xi32>
    %and3A_343 = arith.andi %get3A_331, %and3A_342 : vector<16xi32>
    %mul3A_344 = arith.constant 32 : i32
    %mul3A_345 = vector.broadcast %mul3A_344 : i32 to vector<16xi32>
    %mul3A_346 = arith.muli %and3A_343, %mul3A_345 : vector<16xi32>
    %swap3A_347 = arith.constant 0 : i32
    %swap3A_348 = arith.constant 1 : i32
    %swap3A_349 = arith.index_cast %swap3A_347 : i32 to index
    %swap3A_350 = arith.index_cast %swap3A_348 : i32 to index
    %swap3A_351 = arith.constant 48 : index
    %swap3A_352 = tpu.vector_load %arg7[%swap3A_349, %swap3A_350, %swap3A_351] {strides = array<i32>} : memref<2x2x128xi32, #tpu.memory_space<vmem>>, vector<16xi32>,
    tpu.vector_store %arg7[%swap3A_349, %swap3A_350, %swap3A_351], %mul3A_346 {strides = array<i32>} : memref<2x2x128xi32, #tpu.memory_space<vmem>>, vector<16xi32>,
    %get3A_353 = arith.constant 0 : i32
    %get3A_354 = arith.constant 1 : i32
    %get3A_355 = arith.index_cast %get3A_353 : i32 to index
    %get3A_356 = arith.index_cast %get3A_354 : i32 to index
    %get3A_357 = arith.constant 64 : index
    %get3A_358 = tpu.vector_load %arg5[%get3A_355, %get3A_356, %get3A_357] {strides = array<i32>} : memref<2x2x128xi32, #tpu.memory_space<vmem>>, vector<16xi32>,
    %shift_right_arithmetic3A_359 = arith.constant 2 : i32
    %shift_right_arithmetic3A_360 = vector.broadcast %shift_right_arithmetic3A_359 : i32 to vector<16xi32>
    %shift_right_arithmetic3A_361 = arith.shrsi %get3A_358, %shift_right_arithmetic3A_360 : vector<16xi32>
    %swap3A_362 = arith.constant 0 : i32
    %swap3A_363 = arith.constant 1 : i32
    %swap3A_364 = arith.index_cast %swap3A_362 : i32 to index
    %swap3A_365 = arith.index_cast %swap3A_363 : i32 to index
    %swap3A_366 = arith.constant 64 : index
    %swap3A_367 = tpu.vector_load %arg6[%swap3A_364, %swap3A_365, %swap3A_366] {strides = array<i32>} : memref<2x2x128xi32, #tpu.memory_space<vmem>>, vector<16xi32>,
    tpu.vector_store %arg6[%swap3A_364, %swap3A_365, %swap3A_366], %shift_right_arithmetic3A_361 {strides = array<i32>} : memref<2x2x128xi32, #tpu.memory_space<vmem>>, vector<16xi32>,
    %and3A_368 = arith.constant 3 : i32
    %and3A_369 = vector.broadcast %and3A_368 : i32 to vector<16xi32>
    %and3A_370 = arith.andi %get3A_358, %and3A_369 : vector<16xi32>
    %mul3A_371 = arith.constant 32 : i32
    %mul3A_372 = vector.broadcast %mul3A_371 : i32 to vector<16xi32>
    %mul3A_373 = arith.muli %and3A_370, %mul3A_372 : vector<16xi32>
    %swap3A_374 = arith.constant 0 : i32
    %swap3A_375 = arith.constant 1 : i32
    %swap3A_376 = arith.index_cast %swap3A_374 : i32 to index
    %swap3A_377 = arith.index_cast %swap3A_375 : i32 to index
    %swap3A_378 = arith.constant 64 : index
    %swap3A_379 = tpu.vector_load %arg7[%swap3A_376, %swap3A_377, %swap3A_378] {strides = array<i32>} : memref<2x2x128xi32, #tpu.memory_space<vmem>>, vector<16xi32>,
    tpu.vector_store %arg7[%swap3A_376, %swap3A_377, %swap3A_378], %mul3A_373 {strides = array<i32>} : memref<2x2x128xi32, #tpu.memory_space<vmem>>, vector<16xi32>,
    %get3A_380 = arith.constant 0 : i32
    %get3A_381 = arith.constant 1 : i32
    %get3A_382 = arith.index_cast %get3A_380 : i32 to index
    %get3A_383 = arith.index_cast %get3A_381 : i32 to index
    %get3A_384 = arith.constant 80 : index
    %get3A_385 = tpu.vector_load %arg5[%get3A_382, %get3A_383, %get3A_384] {strides = array<i32>} : memref<2x2x128xi32, #tpu.memory_space<vmem>>, vector<16xi32>,
    %shift_right_arithmetic3A_386 = arith.constant 2 : i32
    %shift_right_arithmetic3A_387 = vector.broadcast %shift_right_arithmetic3A_386 : i32 to vector<16xi32>
    %shift_right_arithmetic3A_388 = arith.shrsi %get3A_385, %shift_right_arithmetic3A_387 : vector<16xi32>
    %swap3A_389 = arith.constant 0 : i32
    %swap3A_390 = arith.constant 1 : i32
    %swap3A_391 = arith.index_cast %swap3A_389 : i32 to index
    %swap3A_392 = arith.index_cast %swap3A_390 : i32 to index
    %swap3A_393 = arith.constant 80 : index
    %swap3A_394 = tpu.vector_load %arg6[%swap3A_391, %swap3A_392, %swap3A_393] {strides = array<i32>} : memref<2x2x128xi32, #tpu.memory_space<vmem>>, vector<16xi32>,
    tpu.vector_store %arg6[%swap3A_391, %swap3A_392, %swap3A_393], %shift_right_arithmetic3A_388 {strides = array<i32>} : memref<2x2x128xi32, #tpu.memory_space<vmem>>, vector<16xi32>,
    %and3A_395 = arith.constant 3 : i32
    %and3A_396 = vector.broadcast %and3A_395 : i32 to vector<16xi32>
    %and3A_397 = arith.andi %get3A_385, %and3A_396 : vector<16xi32>
    %mul3A_398 = arith.constant 32 : i32
    %mul3A_399 = vector.broadcast %mul3A_398 : i32 to vector<16xi32>
    %mul3A_400 = arith.muli %and3A_397, %mul3A_399 : vector<16xi32>
    %swap3A_401 = arith.constant 0 : i32
    %swap3A_402 = arith.constant 1 : i32
    %swap3A_403 = arith.index_cast %swap3A_401 : i32 to index
    %swap3A_404 = arith.index_cast %swap3A_402 : i32 to index
    %swap3A_405 = arith.constant 80 : index
    %swap3A_406 = tpu.vector_load %arg7[%swap3A_403, %swap3A_404, %swap3A_405] {strides = array<i32>} : memref<2x2x128xi32, #tpu.memory_space<vmem>>, vector<16xi32>,
    tpu.vector_store %arg7[%swap3A_403, %swap3A_404, %swap3A_405], %mul3A_400 {strides = array<i32>} : memref<2x2x128xi32, #tpu.memory_space<vmem>>, vector<16xi32>,
    %get3A_407 = arith.constant 0 : i32
    %get3A_408 = arith.constant 1 : i32
    %get3A_409 = arith.index_cast %get3A_407 : i32 to index
    %get3A_410 = arith.index_cast %get3A_408 : i32 to index
    %get3A_411 = arith.constant 96 : index
    %get3A_412 = tpu.vector_load %arg5[%get3A_409, %get3A_410, %get3A_411] {strides = array<i32>} : memref<2x2x128xi32, #tpu.memory_space<vmem>>, vector<16xi32>,
    %shift_right_arithmetic3A_413 = arith.constant 2 : i32
    %shift_right_arithmetic3A_414 = vector.broadcast %shift_right_arithmetic3A_413 : i32 to vector<16xi32>
    %shift_right_arithmetic3A_415 = arith.shrsi %get3A_412, %shift_right_arithmetic3A_414 : vector<16xi32>
    %swap3A_416 = arith.constant 0 : i32
    %swap3A_417 = arith.constant 1 : i32
    %swap3A_418 = arith.index_cast %swap3A_416 : i32 to index
    %swap3A_419 = arith.index_cast %swap3A_417 : i32 to index
    %swap3A_420 = arith.constant 96 : index
    %swap3A_421 = tpu.vector_load %arg6[%swap3A_418, %swap3A_419, %swap3A_420] {strides = array<i32>} : memref<2x2x128xi32, #tpu.memory_space<vmem>>, vector<16xi32>,
    tpu.vector_store %arg6[%swap3A_418, %swap3A_419, %swap3A_420], %shift_right_arithmetic3A_415 {strides = array<i32>} : memref<2x2x128xi32, #tpu.memory_space<vmem>>, vector<16xi32>,
    %and3A_422 = arith.constant 3 : i32
    %and3A_423 = vector.broadcast %and3A_422 : i32 to vector<16xi32>
    %and3A_424 = arith.andi %get3A_412, %and3A_423 : vector<16xi32>
    %mul3A_425 = arith.constant 32 : i32
    %mul3A_426 = vector.broadcast %mul3A_425 : i32 to vector<16xi32>
    %mul3A_427 = arith.muli %and3A_424, %mul3A_426 : vector<16xi32>
    %swap3A_428 = arith.constant 0 : i32
    %swap3A_429 = arith.constant 1 : i32
    %swap3A_430 = arith.index_cast %swap3A_428 : i32 to index
    %swap3A_431 = arith.index_cast %swap3A_429 : i32 to index
    %swap3A_432 = arith.constant 96 : index
    %swap3A_433 = tpu.vector_load %arg7[%swap3A_430, %swap3A_431, %swap3A_432] {strides = array<i32>} : memref<2x2x128xi32, #tpu.memory_space<vmem>>, vector<16xi32>,
    tpu.vector_store %arg7[%swap3A_430, %swap3A_431, %swap3A_432], %mul3A_427 {strides = array<i32>} : memref<2x2x128xi32, #tpu.memory_space<vmem>>, vector<16xi32>,
    %get3A_434 = arith.constant 0 : i32
    %get3A_435 = arith.constant 1 : i32
    %get3A_436 = arith.index_cast %get3A_434 : i32 to index
    %get3A_437 = arith.index_cast %get3A_435 : i32 to index
    %get3A_438 = arith.constant 112 : index
    %get3A_439 = tpu.vector_load %arg5[%get3A_436, %get3A_437, %get3A_438] {strides = array<i32>} : memref<2x2x128xi32, #tpu.memory_space<vmem>>, vector<16xi32>,
    %shift_right_arithmetic3A_440 = arith.constant 2 : i32
    %shift_right_arithmetic3A_441 = vector.broadcast %shift_right_arithmetic3A_440 : i32 to vector<16xi32>
    %shift_right_arithmetic3A_442 = arith.shrsi %get3A_439, %shift_right_arithmetic3A_441 : vector<16xi32>
    %swap3A_443 = arith.constant 0 : i32
    %swap3A_444 = arith.constant 1 : i32
    %swap3A_445 = arith.index_cast %swap3A_443 : i32 to index
    %swap3A_446 = arith.index_cast %swap3A_444 : i32 to index
    %swap3A_447 = arith.constant 112 : index
    %swap3A_448 = tpu.vector_load %arg6[%swap3A_445, %swap3A_446, %swap3A_447] {strides = array<i32>} : memref<2x2x128xi32, #tpu.memory_space<vmem>>, vector<16xi32>,
    tpu.vector_store %arg6[%swap3A_445, %swap3A_446, %swap3A_447], %shift_right_arithmetic3A_442 {strides = array<i32>} : memref<2x2x128xi32, #tpu.memory_space<vmem>>, vector<16xi32>,
    %and3A_449 = arith.constant 3 : i32
    %and3A_450 = vector.broadcast %and3A_449 : i32 to vector<16xi32>
    %and3A_451 = arith.andi %get3A_439, %and3A_450 : vector<16xi32>
    %mul3A_452 = arith.constant 32 : i32
    %mul3A_453 = vector.broadcast %mul3A_452 : i32 to vector<16xi32>
    %mul3A_454 = arith.muli %and3A_451, %mul3A_453 : vector<16xi32>
    %swap3A_455 = arith.constant 0 : i32
    %swap3A_456 = arith.constant 1 : i32
    %swap3A_457 = arith.index_cast %swap3A_455 : i32 to index
    %swap3A_458 = arith.index_cast %swap3A_456 : i32 to index
    %swap3A_459 = arith.constant 112 : index
    %swap3A_460 = tpu.vector_load %arg7[%swap3A_457, %swap3A_458, %swap3A_459] {strides = array<i32>} : memref<2x2x128xi32, #tpu.memory_space<vmem>>, vector<16xi32>,
    tpu.vector_store %arg7[%swap3A_457, %swap3A_458, %swap3A_459], %mul3A_454 {strides = array<i32>} : memref<2x2x128xi32, #tpu.memory_space<vmem>>, vector<16xi32>,
    %dma_start3A_461 = arith.constant 0 : i32
    %dma_start3A_462 = arith.constant 0 : i32
    %dma_start3A_463 = arith.constant 0 : i32
    %dma_start3A_464 = arith.constant 0 : i32
    %dma_start3A_465 = arith.constant 0 : i32
    %dma_start3A_466 = arith.constant 0 : i32
    %dma_start3A_467 = arith.constant 0 : i32
    %dma_start3A_468 = tpu.memref_slice %arg8[%dma_start3A_463, %dma_start3A_464, %dma_start3A_466, %dma_start3A_467] : memref<2x2x128x128xf32, #tpu.memory_space<vmem>> -> memref<1x1x128x128xf32, #tpu.memory_space<vmem>>
    %dma_start3A_469 = tpu.memref_squeeze %dma_start3A_468 : memref<1x1x128x128xf32, #tpu.memory_space<vmem>> -> memref<128x128xf32, #tpu.memory_space<vmem>>
    %dma_start3A_470 = arith.constant 0 : i32
    %dma_start3A_471 = tpu.memref_slice %arg6[%dma_start3A_461, %dma_start3A_462, %dma_start3A_470] : memref<2x2x128xi32, #tpu.memory_space<vmem>> -> memref<1x1x128xi32, #tpu.memory_space<vmem>>
    %dma_start3A_472 = tpu.memref_squeeze %dma_start3A_471 : memref<1x1x128xi32, #tpu.memory_space<vmem>> -> memref<128xi32, #tpu.memory_space<vmem>>
    %dma_start3A_473 = arith.constant 0 : i32
    %dma_start3A_474 = arith.constant 0 : i32
    %dma_start3A_475 = tpu.memref_slice %arg3[%dma_start3A_473, %dma_start3A_474] : memref<250000x128xf32, #tpu.memory_space<hbm>> -> memref<250000x128xf32, #tpu.memory_space<hbm>>
    %dma_start3A_476 = tpu.memref_slice %arg11[%dma_start3A_465] : memref<2x!tpu.dma_semaphore, #tpu.memory_space<semaphore_mem>> -> memref<1x!tpu.dma_semaphore, #tpu.memory_space<semaphore_mem>>
    %dma_start3A_477 = tpu.memref_squeeze %dma_start3A_476 : memref<1x!tpu.dma_semaphore, #tpu.memory_space<semaphore_mem>> -> memref<!tpu.dma_semaphore, #tpu.memory_space<semaphore_mem>>
    tpu.enqueue_indirect_dma source(%dma_start3A_475 : memref<250000x128xf32, #tpu.memory_space<hbm>>) target(%dma_start3A_469 : memref<128x128xf32, #tpu.memory_space<vmem>>) offsets(%dma_start3A_472 : memref<128xi32, #tpu.memory_space<vmem>>) semaphore(%dma_start3A_477 : memref<!tpu.dma_semaphore, #tpu.memory_space<semaphore_mem>>)
    %dma_start3A_478 = arith.constant 0 : i32
    %dma_start3A_479 = arith.constant 1 : i32
    %dma_start3A_480 = arith.constant 0 : i32
    %dma_start3A_481 = arith.constant 1 : i32
    %dma_start3A_482 = arith.constant 0 : i32
    %dma_start3A_483 = arith.constant 0 : i32
    %dma_start3A_484 = arith.constant 0 : i32
    %dma_start3A_485 = tpu.memref_slice %arg8[%dma_start3A_480, %dma_start3A_481, %dma_start3A_483, %dma_start3A_484] : memref<2x2x128x128xf32, #tpu.memory_space<vmem>> -> memref<1x1x128x128xf32, #tpu.memory_space<vmem>>
    %dma_start3A_486 = tpu.memref_squeeze %dma_start3A_485 : memref<1x1x128x128xf32, #tpu.memory_space<vmem>> -> memref<128x128xf32, #tpu.memory_space<vmem>>
    %dma_start3A_487 = arith.constant 0 : i32
    %dma_start3A_488 = tpu.memref_slice %arg6[%dma_start3A_478, %dma_start3A_479, %dma_start3A_487] : memref<2x2x128xi32, #tpu.memory_space<vmem>> -> memref<1x1x128xi32, #tpu.memory_space<vmem>>
    %dma_start3A_489 = tpu.memref_squeeze %dma_start3A_488 : memref<1x1x128xi32, #tpu.memory_space<vmem>> -> memref<128xi32, #tpu.memory_space<vmem>>
    %dma_start3A_490 = arith.constant 0 : i32
    %dma_start3A_491 = arith.constant 0 : i32
    %dma_start3A_492 = tpu.memref_slice %arg3[%dma_start3A_490, %dma_start3A_491] : memref<250000x128xf32, #tpu.memory_space<hbm>> -> memref<250000x128xf32, #tpu.memory_space<hbm>>
    %dma_start3A_493 = tpu.memref_slice %arg11[%dma_start3A_482] : memref<2x!tpu.dma_semaphore, #tpu.memory_space<semaphore_mem>> -> memref<1x!tpu.dma_semaphore, #tpu.memory_space<semaphore_mem>>
    %dma_start3A_494 = tpu.memref_squeeze %dma_start3A_493 : memref<1x!tpu.dma_semaphore, #tpu.memory_space<semaphore_mem>> -> memref<!tpu.dma_semaphore, #tpu.memory_space<semaphore_mem>>
    tpu.enqueue_indirect_dma source(%dma_start3A_492 : memref<250000x128xf32, #tpu.memory_space<hbm>>) target(%dma_start3A_486 : memref<128x128xf32, #tpu.memory_space<vmem>>) offsets(%dma_start3A_489 : memref<128xi32, #tpu.memory_space<vmem>>) semaphore(%dma_start3A_494 : memref<!tpu.dma_semaphore, #tpu.memory_space<semaphore_mem>>)
    %dma_start3A_495 = arith.constant 1 : i32
    %dma_start3A_496 = arith.constant 1 : i32
    %dma_start3A_497 = arith.constant 0 : i32
    %dma_start3A_498 = arith.constant 0 : i32
    %dma_start3A_499 = tpu.memref_slice %arg5[%dma_start3A_495, %dma_start3A_497, %dma_start3A_498] : memref<2x2x128xi32, #tpu.memory_space<vmem>> -> memref<1x2x128xi32, #tpu.memory_space<vmem>>
    %dma_start3A_500 = tpu.memref_squeeze %dma_start3A_499 : memref<1x2x128xi32, #tpu.memory_space<vmem>> -> memref<2x128xi32, #tpu.memory_space<vmem>>
    %dma_start3A_501 = arith.constant 2 : i32
    %dma_start3A_502 = tpu.memref_slice %arg2[%dma_start3A_501, %mul3A_2] : memref<200x4096xi32, #tpu.memory_space<hbm>> -> memref<2x128xi32, #tpu.memory_space<hbm>>
    %dma_start3A_503 = tpu.memref_slice %arg10[%dma_start3A_496] : memref<2x!tpu.dma_semaphore, #tpu.memory_space<semaphore_mem>> -> memref<1x!tpu.dma_semaphore, #tpu.memory_space<semaphore_mem>>
    %dma_start3A_504 = tpu.memref_squeeze %dma_start3A_503 : memref<1x!tpu.dma_semaphore, #tpu.memory_space<semaphore_mem>> -> memref<!tpu.dma_semaphore, #tpu.memory_space<semaphore_mem>>
    %dma_start3A_505 = arith.constant 0 : i32
    %dma_start3A_506 = arith.constant 0 : i32
    %dma_start3A_507 = tpu.memref_slice %arg5[%dma_start3A_495, %dma_start3A_505, %dma_start3A_506] : memref<2x2x128xi32, #tpu.memory_space<vmem>> -> memref<1x2x128xi32, #tpu.memory_space<vmem>>
    %dma_start3A_508 = tpu.memref_squeeze %dma_start3A_507 : memref<1x2x128xi32, #tpu.memory_space<vmem>> -> memref<2x128xi32, #tpu.memory_space<vmem>>
    %dma_start3A_509 = arith.constant 2 : i32
    %dma_start3A_510 = tpu.memref_slice %arg2[%dma_start3A_509, %mul3A_2] : memref<200x4096xi32, #tpu.memory_space<hbm>> -> memref<2x128xi32, #tpu.memory_space<hbm>>
    tpu.enqueue_dma source(%dma_start3A_510 : memref<2x128xi32, #tpu.memory_space<hbm>>) target(%dma_start3A_508 : memref<2x128xi32, #tpu.memory_space<vmem>>) target_semaphore(%dma_start3A_504 : memref<!tpu.dma_semaphore, #tpu.memory_space<semaphore_mem>>)
    %scan3A = arith.constant 0 : i32
    %scan3A_511 = arith.constant 0 : i32
    %scan3A_512 = arith.constant 50 : i32
    %scan3A_513 = arith.addi %scan3A_511, %scan3A_512 : i32
    %scan3A_514 = arith.constant 1 : i32
    scf.for %scan3A_556 = %scan3A_511 to %scan3A_513 step %scan3A_514  : i32 {
      %mul3A_557 = arith.constant 2 : i32
      %mul3A_558 = arith.muli %mul3A_557, %scan3A_556 : i32
      %add3A_559 = arith.constant 0 : i32
      %add3A_560 = arith.addi %mul3A_558, %add3A_559 : i32
      %add3A_561 = arith.constant 1 : i32
      %add3A_562 = arith.addi %add3A_560, %add3A_561 : i32
      %lt3A = arith.constant 100 : i32
      %lt3A_563 = arith.cmpi slt, %add3A_562, %lt3A : i32
      %convert_element_type3A = arith.extui %lt3A_563 : i1 to i32
      %cond3A = arith.constant 0 : i32
      %cond3A_564 = arith.cmpi ne, %convert_element_type3A, %cond3A : i32
      scf.if %cond3A_564 {
        %add3A_909 = arith.constant 1 : i32
        %add3A_910 = arith.addi %add3A_560, %add3A_909 : i32
        %mul3A_911 = arith.constant 2 : i32
        %mul3A_912 = arith.muli %add3A_910, %mul3A_911 : i32
        %dma_wait3A_913 = arith.constant 1 : i32
        %dma_wait3A_914 = arith.constant 1 : i32
        %dma_wait3A_915 = arith.constant 0 : i32
        %dma_wait3A_916 = arith.constant 0 : i32
        %dma_wait3A_917 = tpu.memref_slice %arg5[%dma_wait3A_913, %dma_wait3A_915, %dma_wait3A_916] : memref<2x2x128xi32, #tpu.memory_space<vmem>> -> memref<1x2x128xi32, #tpu.memory_space<vmem>>
        %dma_wait3A_918 = tpu.memref_squeeze %dma_wait3A_917 : memref<1x2x128xi32, #tpu.memory_space<vmem>> -> memref<2x128xi32, #tpu.memory_space<vmem>>
        %dma_wait3A_919 = tpu.memref_slice %arg2[%mul3A_912, %mul3A_2] : memref<200x4096xi32, #tpu.memory_space<hbm>> -> memref<2x128xi32, #tpu.memory_space<hbm>>
        %dma_wait3A_920 = tpu.memref_slice %arg10[%dma_wait3A_914] : memref<2x!tpu.dma_semaphore, #tpu.memory_space<semaphore_mem>> -> memref<1x!tpu.dma_semaphore, #tpu.memory_space<semaphore_mem>>
        %dma_wait3A_921 = tpu.memref_squeeze %dma_wait3A_920 : memref<1x!tpu.dma_semaphore, #tpu.memory_space<semaphore_mem>> -> memref<!tpu.dma_semaphore, #tpu.memory_space<semaphore_mem>>
        %dma_wait3A_922 = arith.constant 0 : i32
        %dma_wait3A_923 = arith.constant 0 : i32
        %dma_wait3A_924 = tpu.memref_slice %arg5[%dma_wait3A_913, %dma_wait3A_922, %dma_wait3A_923] : memref<2x2x128xi32, #tpu.memory_space<vmem>> -> memref<1x2x128xi32, #tpu.memory_space<vmem>>
        %dma_wait3A_925 = tpu.memref_squeeze %dma_wait3A_924 : memref<1x2x128xi32, #tpu.memory_space<vmem>> -> memref<2x128xi32, #tpu.memory_space<vmem>>
        %dma_wait3A_926 = tpu.memref_slice %arg2[%mul3A_912, %mul3A_2] : memref<200x4096xi32, #tpu.memory_space<hbm>> -> memref<2x128xi32, #tpu.memory_space<hbm>>
        tpu.wait_dma2 semaphore(%dma_wait3A_921 : memref<!tpu.dma_semaphore, #tpu.memory_space<semaphore_mem>>) src(%dma_wait3A_926 : memref<2x128xi32, #tpu.memory_space<hbm>>) dst(%dma_wait3A_925 : memref<2x128xi32, #tpu.memory_space<vmem>>)
        %get3A_927 = arith.constant 1 : i32
        %get3A_928 = arith.constant 0 : i32
        %get3A_929 = arith.index_cast %get3A_927 : i32 to index
        %get3A_930 = arith.index_cast %get3A_928 : i32 to index
        %get3A_931 = arith.constant 0 : index
        %get3A_932 = tpu.vector_load %arg5[%get3A_929, %get3A_930, %get3A_931] {strides = array<i32>} : memref<2x2x128xi32, #tpu.memory_space<vmem>>, vector<16xi32>,
        %shift_right_arithmetic3A_933 = arith.constant 2 : i32
        %shift_right_arithmetic3A_934 = vector.broadcast %shift_right_arithmetic3A_933 : i32 to vector<16xi32>
        %shift_right_arithmetic3A_935 = arith.shrsi %get3A_932, %shift_right_arithmetic3A_934 : vector<16xi32>
        %swap3A_936 = arith.constant 1 : i32
        %swap3A_937 = arith.constant 0 : i32
        %swap3A_938 = arith.index_cast %swap3A_936 : i32 to index
        %swap3A_939 = arith.index_cast %swap3A_937 : i32 to index
        %swap3A_940 = arith.constant 0 : index
        %swap3A_941 = tpu.vector_load %arg6[%swap3A_938, %swap3A_939, %swap3A_940] {strides = array<i32>} : memref<2x2x128xi32, #tpu.memory_space<vmem>>, vector<16xi32>,
        tpu.vector_store %arg6[%swap3A_938, %swap3A_939, %swap3A_940], %shift_right_arithmetic3A_935 {strides = array<i32>} : memref<2x2x128xi32, #tpu.memory_space<vmem>>, vector<16xi32>,
        %and3A_942 = arith.constant 3 : i32
        %and3A_943 = vector.broadcast %and3A_942 : i32 to vector<16xi32>
        %and3A_944 = arith.andi %get3A_932, %and3A_943 : vector<16xi32>
        %mul3A_945 = arith.constant 32 : i32
        %mul3A_946 = vector.broadcast %mul3A_945 : i32 to vector<16xi32>
        %mul3A_947 = arith.muli %and3A_944, %mul3A_946 : vector<16xi32>
        %swap3A_948 = arith.constant 1 : i32
        %swap3A_949 = arith.constant 0 : i32
        %swap3A_950 = arith.index_cast %swap3A_948 : i32 to index
        %swap3A_951 = arith.index_cast %swap3A_949 : i32 to index
        %swap3A_952 = arith.constant 0 : index
        %swap3A_953 = tpu.vector_load %arg7[%swap3A_950, %swap3A_951, %swap3A_952] {strides = array<i32>} : memref<2x2x128xi32, #tpu.memory_space<vmem>>, vector<16xi32>,
        tpu.vector_store %arg7[%swap3A_950, %swap3A_951, %swap3A_952], %mul3A_947 {strides = array<i32>} : memref<2x2x128xi32, #tpu.memory_space<vmem>>, vector<16xi32>,
        %get3A_954 = arith.constant 1 : i32
        %get3A_955 = arith.constant 0 : i32
        %get3A_956 = arith.index_cast %get3A_954 : i32 to index
        %get3A_957 = arith.index_cast %get3A_955 : i32 to index
        %get3A_958 = arith.constant 16 : index
        %get3A_959 = tpu.vector_load %arg5[%get3A_956, %get3A_957, %get3A_958] {strides = array<i32>} : memref<2x2x128xi32, #tpu.memory_space<vmem>>, vector<16xi32>,
        %shift_right_arithmetic3A_960 = arith.constant 2 : i32
        %shift_right_arithmetic3A_961 = vector.broadcast %shift_right_arithmetic3A_960 : i32 to vector<16xi32>
        %shift_right_arithmetic3A_962 = arith.shrsi %get3A_959, %shift_right_arithmetic3A_961 : vector<16xi32>
        %swap3A_963 = arith.constant 1 : i32
        %swap3A_964 = arith.constant 0 : i32
        %swap3A_965 = arith.index_cast %swap3A_963 : i32 to index
        %swap3A_966 = arith.index_cast %swap3A_964 : i32 to index
        %swap3A_967 = arith.constant 16 : index
        %swap3A_968 = tpu.vector_load %arg6[%swap3A_965, %swap3A_966, %swap3A_967] {strides = array<i32>} : memref<2x2x128xi32, #tpu.memory_space<vmem>>, vector<16xi32>,
        tpu.vector_store %arg6[%swap3A_965, %swap3A_966, %swap3A_967], %shift_right_arithmetic3A_962 {strides = array<i32>} : memref<2x2x128xi32, #tpu.memory_space<vmem>>, vector<16xi32>,
        %and3A_969 = arith.constant 3 : i32
        %and3A_970 = vector.broadcast %and3A_969 : i32 to vector<16xi32>
        %and3A_971 = arith.andi %get3A_959, %and3A_970 : vector<16xi32>
        %mul3A_972 = arith.constant 32 : i32
        %mul3A_973 = vector.broadcast %mul3A_972 : i32 to vector<16xi32>
        %mul3A_974 = arith.muli %and3A_971, %mul3A_973 : vector<16xi32>
        %swap3A_975 = arith.constant 1 : i32
        %swap3A_976 = arith.constant 0 : i32
        %swap3A_977 = arith.index_cast %swap3A_975 : i32 to index
        %swap3A_978 = arith.index_cast %swap3A_976 : i32 to index
        %swap3A_979 = arith.constant 16 : index
        %swap3A_980 = tpu.vector_load %arg7[%swap3A_977, %swap3A_978, %swap3A_979] {strides = array<i32>} : memref<2x2x128xi32, #tpu.memory_space<vmem>>, vector<16xi32>,
        tpu.vector_store %arg7[%swap3A_977, %swap3A_978, %swap3A_979], %mul3A_974 {strides = array<i32>} : memref<2x2x128xi32, #tpu.memory_space<vmem>>, vector<16xi32>,
        %get3A_981 = arith.constant 1 : i32
        %get3A_982 = arith.constant 0 : i32
        %get3A_983 = arith.index_cast %get3A_981 : i32 to index
        %get3A_984 = arith.index_cast %get3A_982 : i32 to index
        %get3A_985 = arith.constant 32 : index
        %get3A_986 = tpu.vector_load %arg5[%get3A_983, %get3A_984, %get3A_985] {strides = array<i32>} : memref<2x2x128xi32, #tpu.memory_space<vmem>>, vector<16xi32>,
        %shift_right_arithmetic3A_987 = arith.constant 2 : i32
        %shift_right_arithmetic3A_988 = vector.broadcast %shift_right_arithmetic3A_987 : i32 to vector<16xi32>
        %shift_right_arithmetic3A_989 = arith.shrsi %get3A_986, %shift_right_arithmetic3A_988 : vector<16xi32>
        %swap3A_990 = arith.constant 1 : i32
        %swap3A_991 = arith.constant 0 : i32
        %swap3A_992 = arith.index_cast %swap3A_990 : i32 to index
        %swap3A_993 = arith.index_cast %swap3A_991 : i32 to index
        %swap3A_994 = arith.constant 32 : index
        %swap3A_995 = tpu.vector_load %arg6[%swap3A_992, %swap3A_993, %swap3A_994] {strides = array<i32>} : memref<2x2x128xi32, #tpu.memory_space<vmem>>, vector<16xi32>,
        tpu.vector_store %arg6[%swap3A_992, %swap3A_993, %swap3A_994], %shift_right_arithmetic3A_989 {strides = array<i32>} : memref<2x2x128xi32, #tpu.memory_space<vmem>>, vector<16xi32>,
        %and3A_996 = arith.constant 3 : i32
        %and3A_997 = vector.broadcast %and3A_996 : i32 to vector<16xi32>
        %and3A_998 = arith.andi %get3A_986, %and3A_997 : vector<16xi32>
        %mul3A_999 = arith.constant 32 : i32
        %mul3A_1000 = vector.broadcast %mul3A_999 : i32 to vector<16xi32>
        %mul3A_1001 = arith.muli %and3A_998, %mul3A_1000 : vector<16xi32>
        %swap3A_1002 = arith.constant 1 : i32
        %swap3A_1003 = arith.constant 0 : i32
        %swap3A_1004 = arith.index_cast %swap3A_1002 : i32 to index
        %swap3A_1005 = arith.index_cast %swap3A_1003 : i32 to index
        %swap3A_1006 = arith.constant 32 : index
        %swap3A_1007 = tpu.vector_load %arg7[%swap3A_1004, %swap3A_1005, %swap3A_1006] {strides = array<i32>} : memref<2x2x128xi32, #tpu.memory_space<vmem>>, vector<16xi32>,
        tpu.vector_store %arg7[%swap3A_1004, %swap3A_1005, %swap3A_1006], %mul3A_1001 {strides = array<i32>} : memref<2x2x128xi32, #tpu.memory_space<vmem>>, vector<16xi32>,
        %get3A_1008 = arith.constant 1 : i32
        %get3A_1009 = arith.constant 0 : i32
        %get3A_1010 = arith.index_cast %get3A_1008 : i32 to index
        %get3A_1011 = arith.index_cast %get3A_1009 : i32 to index
        %get3A_1012 = arith.constant 48 : index
        %get3A_1013 = tpu.vector_load %arg5[%get3A_1010, %get3A_1011, %get3A_1012] {strides = array<i32>} : memref<2x2x128xi32, #tpu.memory_space<vmem>>, vector<16xi32>,
        %shift_right_arithmetic3A_1014 = arith.constant 2 : i32
        %shift_right_arithmetic3A_1015 = vector.broadcast %shift_right_arithmetic3A_1014 : i32 to vector<16xi32>
        %shift_right_arithmetic3A_1016 = arith.shrsi %get3A_1013, %shift_right_arithmetic3A_1015 : vector<16xi32>
        %swap3A_1017 = arith.constant 1 : i32
        %swap3A_1018 = arith.constant 0 : i32
        %swap3A_1019 = arith.index_cast %swap3A_1017 : i32 to index
        %swap3A_1020 = arith.index_cast %swap3A_1018 : i32 to index
        %swap3A_1021 = arith.constant 48 : index
        %swap3A_1022 = tpu.vector_load %arg6[%swap3A_1019, %swap3A_1020, %swap3A_1021] {strides = array<i32>} : memref<2x2x128xi32, #tpu.memory_space<vmem>>, vector<16xi32>,
        tpu.vector_store %arg6[%swap3A_1019, %swap3A_1020, %swap3A_1021], %shift_right_arithmetic3A_1016 {strides = array<i32>} : memref<2x2x128xi32, #tpu.memory_space<vmem>>, vector<16xi32>,
        %and3A_1023 = arith.constant 3 : i32
        %and3A_1024 = vector.broadcast %and3A_1023 : i32 to vector<16xi32>
        %and3A_1025 = arith.andi %get3A_1013, %and3A_1024 : vector<16xi32>
        %mul3A_1026 = arith.constant 32 : i32
        %mul3A_1027 = vector.broadcast %mul3A_1026 : i32 to vector<16xi32>
        %mul3A_1028 = arith.muli %and3A_1025, %mul3A_1027 : vector<16xi32>
        %swap3A_1029 = arith.constant 1 : i32
        %swap3A_1030 = arith.constant 0 : i32
        %swap3A_1031 = arith.index_cast %swap3A_1029 : i32 to index
        %swap3A_1032 = arith.index_cast %swap3A_1030 : i32 to index
        %swap3A_1033 = arith.constant 48 : index
        %swap3A_1034 = tpu.vector_load %arg7[%swap3A_1031, %swap3A_1032, %swap3A_1033] {strides = array<i32>} : memref<2x2x128xi32, #tpu.memory_space<vmem>>, vector<16xi32>,
        tpu.vector_store %arg7[%swap3A_1031, %swap3A_1032, %swap3A_1033], %mul3A_1028 {strides = array<i32>} : memref<2x2x128xi32, #tpu.memory_space<vmem>>, vector<16xi32>,
        %get3A_1035 = arith.constant 1 : i32
        %get3A_1036 = arith.constant 0 : i32
        %get3A_1037 = arith.index_cast %get3A_1035 : i32 to index
        %get3A_1038 = arith.index_cast %get3A_1036 : i32 to index
        %get3A_1039 = arith.constant 64 : index
        %get3A_1040 = tpu.vector_load %arg5[%get3A_1037, %get3A_1038, %get3A_1039] {strides = array<i32>} : memref<2x2x128xi32, #tpu.memory_space<vmem>>, vector<16xi32>,
        %shift_right_arithmetic3A_1041 = arith.constant 2 : i32
        %shift_right_arithmetic3A_1042 = vector.broadcast %shift_right_arithmetic3A_1041 : i32 to vector<16xi32>
        %shift_right_arithmetic3A_1043 = arith.shrsi %get3A_1040, %shift_right_arithmetic3A_1042 : vector<16xi32>
        %swap3A_1044 = arith.constant 1 : i32
        %swap3A_1045 = arith.constant 0 : i32
        %swap3A_1046 = arith.index_cast %swap3A_1044 : i32 to index
        %swap3A_1047 = arith.index_cast %swap3A_1045 : i32 to index
        %swap3A_1048 = arith.constant 64 : index
        %swap3A_1049 = tpu.vector_load %arg6[%swap3A_1046, %swap3A_1047, %swap3A_1048] {strides = array<i32>} : memref<2x2x128xi32, #tpu.memory_space<vmem>>, vector<16xi32>,
        tpu.vector_store %arg6[%swap3A_1046, %swap3A_1047, %swap3A_1048], %shift_right_arithmetic3A_1043 {strides = array<i32>} : memref<2x2x128xi32, #tpu.memory_space<vmem>>, vector<16xi32>,
        %and3A_1050 = arith.constant 3 : i32
        %and3A_1051 = vector.broadcast %and3A_1050 : i32 to vector<16xi32>
        %and3A_1052 = arith.andi %get3A_1040, %and3A_1051 : vector<16xi32>
        %mul3A_1053 = arith.constant 32 : i32
        %mul3A_1054 = vector.broadcast %mul3A_1053 : i32 to vector<16xi32>
        %mul3A_1055 = arith.muli %and3A_1052, %mul3A_1054 : vector<16xi32>
        %swap3A_1056 = arith.constant 1 : i32
        %swap3A_1057 = arith.constant 0 : i32
        %swap3A_1058 = arith.index_cast %swap3A_1056 : i32 to index
        %swap3A_1059 = arith.index_cast %swap3A_1057 : i32 to index
        %swap3A_1060 = arith.constant 64 : index
        %swap3A_1061 = tpu.vector_load %arg7[%swap3A_1058, %swap3A_1059, %swap3A_1060] {strides = array<i32>} : memref<2x2x128xi32, #tpu.memory_space<vmem>>, vector<16xi32>,
        tpu.vector_store %arg7[%swap3A_1058, %swap3A_1059, %swap3A_1060], %mul3A_1055 {strides = array<i32>} : memref<2x2x128xi32, #tpu.memory_space<vmem>>, vector<16xi32>,
        %get3A_1062 = arith.constant 1 : i32
        %get3A_1063 = arith.constant 0 : i32
        %get3A_1064 = arith.index_cast %get3A_1062 : i32 to index
        %get3A_1065 = arith.index_cast %get3A_1063 : i32 to index
        %get3A_1066 = arith.constant 80 : index
        %get3A_1067 = tpu.vector_load %arg5[%get3A_1064, %get3A_1065, %get3A_1066] {strides = array<i32>} : memref<2x2x128xi32, #tpu.memory_space<vmem>>, vector<16xi32>,
        %shift_right_arithmetic3A_1068 = arith.constant 2 : i32
        %shift_right_arithmetic3A_1069 = vector.broadcast %shift_right_arithmetic3A_1068 : i32 to vector<16xi32>
        %shift_right_arithmetic3A_1070 = arith.shrsi %get3A_1067, %shift_right_arithmetic3A_1069 : vector<16xi32>
        %swap3A_1071 = arith.constant 1 : i32
        %swap3A_1072 = arith.constant 0 : i32
        %swap3A_1073 = arith.index_cast %swap3A_1071 : i32 to index
        %swap3A_1074 = arith.index_cast %swap3A_1072 : i32 to index
        %swap3A_1075 = arith.constant 80 : index
        %swap3A_1076 = tpu.vector_load %arg6[%swap3A_1073, %swap3A_1074, %swap3A_1075] {strides = array<i32>} : memref<2x2x128xi32, #tpu.memory_space<vmem>>, vector<16xi32>,
        tpu.vector_store %arg6[%swap3A_1073, %swap3A_1074, %swap3A_1075], %shift_right_arithmetic3A_1070 {strides = array<i32>} : memref<2x2x128xi32, #tpu.memory_space<vmem>>, vector<16xi32>,
        %and3A_1077 = arith.constant 3 : i32
        %and3A_1078 = vector.broadcast %and3A_1077 : i32 to vector<16xi32>
        %and3A_1079 = arith.andi %get3A_1067, %and3A_1078 : vector<16xi32>
        %mul3A_1080 = arith.constant 32 : i32
        %mul3A_1081 = vector.broadcast %mul3A_1080 : i32 to vector<16xi32>
        %mul3A_1082 = arith.muli %and3A_1079, %mul3A_1081 : vector<16xi32>
        %swap3A_1083 = arith.constant 1 : i32
        %swap3A_1084 = arith.constant 0 : i32
        %swap3A_1085 = arith.index_cast %swap3A_1083 : i32 to index
        %swap3A_1086 = arith.index_cast %swap3A_1084 : i32 to index
        %swap3A_1087 = arith.constant 80 : index
        %swap3A_1088 = tpu.vector_load %arg7[%swap3A_1085, %swap3A_1086, %swap3A_1087] {strides = array<i32>} : memref<2x2x128xi32, #tpu.memory_space<vmem>>, vector<16xi32>,
        tpu.vector_store %arg7[%swap3A_1085, %swap3A_1086, %swap3A_1087], %mul3A_1082 {strides = array<i32>} : memref<2x2x128xi32, #tpu.memory_space<vmem>>, vector<16xi32>,
        %get3A_1089 = arith.constant 1 : i32
        %get3A_1090 = arith.constant 0 : i32
        %get3A_1091 = arith.index_cast %get3A_1089 : i32 to index
        %get3A_1092 = arith.index_cast %get3A_1090 : i32 to index
        %get3A_1093 = arith.constant 96 : index
        %get3A_1094 = tpu.vector_load %arg5[%get3A_1091, %get3A_1092, %get3A_1093] {strides = array<i32>} : memref<2x2x128xi32, #tpu.memory_space<vmem>>, vector<16xi32>,
        %shift_right_arithmetic3A_1095 = arith.constant 2 : i32
        %shift_right_arithmetic3A_1096 = vector.broadcast %shift_right_arithmetic3A_1095 : i32 to vector<16xi32>
        %shift_right_arithmetic3A_1097 = arith.shrsi %get3A_1094, %shift_right_arithmetic3A_1096 : vector<16xi32>
        %swap3A_1098 = arith.constant 1 : i32
        %swap3A_1099 = arith.constant 0 : i32
        %swap3A_1100 = arith.index_cast %swap3A_1098 : i32 to index
        %swap3A_1101 = arith.index_cast %swap3A_1099 : i32 to index
        %swap3A_1102 = arith.constant 96 : index
        %swap3A_1103 = tpu.vector_load %arg6[%swap3A_1100, %swap3A_1101, %swap3A_1102] {strides = array<i32>} : memref<2x2x128xi32, #tpu.memory_space<vmem>>, vector<16xi32>,
        tpu.vector_store %arg6[%swap3A_1100, %swap3A_1101, %swap3A_1102], %shift_right_arithmetic3A_1097 {strides = array<i32>} : memref<2x2x128xi32, #tpu.memory_space<vmem>>, vector<16xi32>,
        %and3A_1104 = arith.constant 3 : i32
        %and3A_1105 = vector.broadcast %and3A_1104 : i32 to vector<16xi32>
        %and3A_1106 = arith.andi %get3A_1094, %and3A_1105 : vector<16xi32>
        %mul3A_1107 = arith.constant 32 : i32
        %mul3A_1108 = vector.broadcast %mul3A_1107 : i32 to vector<16xi32>
        %mul3A_1109 = arith.muli %and3A_1106, %mul3A_1108 : vector<16xi32>
        %swap3A_1110 = arith.constant 1 : i32
        %swap3A_1111 = arith.constant 0 : i32
        %swap3A_1112 = arith.index_cast %swap3A_1110 : i32 to index
        %swap3A_1113 = arith.index_cast %swap3A_1111 : i32 to index
        %swap3A_1114 = arith.constant 96 : index
        %swap3A_1115 = tpu.vector_load %arg7[%swap3A_1112, %swap3A_1113, %swap3A_1114] {strides = array<i32>} : memref<2x2x128xi32, #tpu.memory_space<vmem>>, vector<16xi32>,
        tpu.vector_store %arg7[%swap3A_1112, %swap3A_1113, %swap3A_1114], %mul3A_1109 {strides = array<i32>} : memref<2x2x128xi32, #tpu.memory_space<vmem>>, vector<16xi32>,
        %get3A_1116 = arith.constant 1 : i32
        %get3A_1117 = arith.constant 0 : i32
        %get3A_1118 = arith.index_cast %get3A_1116 : i32 to index
        %get3A_1119 = arith.index_cast %get3A_1117 : i32 to index
        %get3A_1120 = arith.constant 112 : index
        %get3A_1121 = tpu.vector_load %arg5[%get3A_1118, %get3A_1119, %get3A_1120] {strides = array<i32>} : memref<2x2x128xi32, #tpu.memory_space<vmem>>, vector<16xi32>,
        %shift_right_arithmetic3A_1122 = arith.constant 2 : i32
        %shift_right_arithmetic3A_1123 = vector.broadcast %shift_right_arithmetic3A_1122 : i32 to vector<16xi32>
        %shift_right_arithmetic3A_1124 = arith.shrsi %get3A_1121, %shift_right_arithmetic3A_1123 : vector<16xi32>
        %swap3A_1125 = arith.constant 1 : i32
        %swap3A_1126 = arith.constant 0 : i32
        %swap3A_1127 = arith.index_cast %swap3A_1125 : i32 to index
        %swap3A_1128 = arith.index_cast %swap3A_1126 : i32 to index
        %swap3A_1129 = arith.constant 112 : index
        %swap3A_1130 = tpu.vector_load %arg6[%swap3A_1127, %swap3A_1128, %swap3A_1129] {strides = array<i32>} : memref<2x2x128xi32, #tpu.memory_space<vmem>>, vector<16xi32>,
        tpu.vector_store %arg6[%swap3A_1127, %swap3A_1128, %swap3A_1129], %shift_right_arithmetic3A_1124 {strides = array<i32>} : memref<2x2x128xi32, #tpu.memory_space<vmem>>, vector<16xi32>,
        %and3A_1131 = arith.constant 3 : i32
        %and3A_1132 = vector.broadcast %and3A_1131 : i32 to vector<16xi32>
        %and3A_1133 = arith.andi %get3A_1121, %and3A_1132 : vector<16xi32>
        %mul3A_1134 = arith.constant 32 : i32
        %mul3A_1135 = vector.broadcast %mul3A_1134 : i32 to vector<16xi32>
        %mul3A_1136 = arith.muli %and3A_1133, %mul3A_1135 : vector<16xi32>
        %swap3A_1137 = arith.constant 1 : i32
        %swap3A_1138 = arith.constant 0 : i32
        %swap3A_1139 = arith.index_cast %swap3A_1137 : i32 to index
        %swap3A_1140 = arith.index_cast %swap3A_1138 : i32 to index
        %swap3A_1141 = arith.constant 112 : index
        %swap3A_1142 = tpu.vector_load %arg7[%swap3A_1139, %swap3A_1140, %swap3A_1141] {strides = array<i32>} : memref<2x2x128xi32, #tpu.memory_space<vmem>>, vector<16xi32>,
        tpu.vector_store %arg7[%swap3A_1139, %swap3A_1140, %swap3A_1141], %mul3A_1136 {strides = array<i32>} : memref<2x2x128xi32, #tpu.memory_space<vmem>>, vector<16xi32>,
        %get3A_1143 = arith.constant 1 : i32
        %get3A_1144 = arith.constant 1 : i32
        %get3A_1145 = arith.index_cast %get3A_1143 : i32 to index
        %get3A_1146 = arith.index_cast %get3A_1144 : i32 to index
        %get3A_1147 = arith.constant 0 : index
        %get3A_1148 = tpu.vector_load %arg5[%get3A_1145, %get3A_1146, %get3A_1147] {strides = array<i32>} : memref<2x2x128xi32, #tpu.memory_space<vmem>>, vector<16xi32>,
        %shift_right_arithmetic3A_1149 = arith.constant 2 : i32
        %shift_right_arithmetic3A_1150 = vector.broadcast %shift_right_arithmetic3A_1149 : i32 to vector<16xi32>
        %shift_right_arithmetic3A_1151 = arith.shrsi %get3A_1148, %shift_right_arithmetic3A_1150 : vector<16xi32>
        %swap3A_1152 = arith.constant 1 : i32
        %swap3A_1153 = arith.constant 1 : i32
        %swap3A_1154 = arith.index_cast %swap3A_1152 : i32 to index
        %swap3A_1155 = arith.index_cast %swap3A_1153 : i32 to index
        %swap3A_1156 = arith.constant 0 : index
        %swap3A_1157 = tpu.vector_load %arg6[%swap3A_1154, %swap3A_1155, %swap3A_1156] {strides = array<i32>} : memref<2x2x128xi32, #tpu.memory_space<vmem>>, vector<16xi32>,
        tpu.vector_store %arg6[%swap3A_1154, %swap3A_1155, %swap3A_1156], %shift_right_arithmetic3A_1151 {strides = array<i32>} : memref<2x2x128xi32, #tpu.memory_space<vmem>>, vector<16xi32>,
        %and3A_1158 = arith.constant 3 : i32
        %and3A_1159 = vector.broadcast %and3A_1158 : i32 to vector<16xi32>
        %and3A_1160 = arith.andi %get3A_1148, %and3A_1159 : vector<16xi32>
        %mul3A_1161 = arith.constant 32 : i32
        %mul3A_1162 = vector.broadcast %mul3A_1161 : i32 to vector<16xi32>
        %mul3A_1163 = arith.muli %and3A_1160, %mul3A_1162 : vector<16xi32>
        %swap3A_1164 = arith.constant 1 : i32
        %swap3A_1165 = arith.constant 1 : i32
        %swap3A_1166 = arith.index_cast %swap3A_1164 : i32 to index
        %swap3A_1167 = arith.index_cast %swap3A_1165 : i32 to index
        %swap3A_1168 = arith.constant 0 : index
        %swap3A_1169 = tpu.vector_load %arg7[%swap3A_1166, %swap3A_1167, %swap3A_1168] {strides = array<i32>} : memref<2x2x128xi32, #tpu.memory_space<vmem>>, vector<16xi32>,
        tpu.vector_store %arg7[%swap3A_1166, %swap3A_1167, %swap3A_1168], %mul3A_1163 {strides = array<i32>} : memref<2x2x128xi32, #tpu.memory_space<vmem>>, vector<16xi32>,
        %get3A_1170 = arith.constant 1 : i32
        %get3A_1171 = arith.constant 1 : i32
        %get3A_1172 = arith.index_cast %get3A_1170 : i32 to index
        %get3A_1173 = arith.index_cast %get3A_1171 : i32 to index
        %get3A_1174 = arith.constant 16 : index
        %get3A_1175 = tpu.vector_load %arg5[%get3A_1172, %get3A_1173, %get3A_1174] {strides = array<i32>} : memref<2x2x128xi32, #tpu.memory_space<vmem>>, vector<16xi32>,
        %shift_right_arithmetic3A_1176 = arith.constant 2 : i32
        %shift_right_arithmetic3A_1177 = vector.broadcast %shift_right_arithmetic3A_1176 : i32 to vector<16xi32>
        %shift_right_arithmetic3A_1178 = arith.shrsi %get3A_1175, %shift_right_arithmetic3A_1177 : vector<16xi32>
        %swap3A_1179 = arith.constant 1 : i32
        %swap3A_1180 = arith.constant 1 : i32
        %swap3A_1181 = arith.index_cast %swap3A_1179 : i32 to index
        %swap3A_1182 = arith.index_cast %swap3A_1180 : i32 to index
        %swap3A_1183 = arith.constant 16 : index
        %swap3A_1184 = tpu.vector_load %arg6[%swap3A_1181, %swap3A_1182, %swap3A_1183] {strides = array<i32>} : memref<2x2x128xi32, #tpu.memory_space<vmem>>, vector<16xi32>,
        tpu.vector_store %arg6[%swap3A_1181, %swap3A_1182, %swap3A_1183], %shift_right_arithmetic3A_1178 {strides = array<i32>} : memref<2x2x128xi32, #tpu.memory_space<vmem>>, vector<16xi32>,
        %and3A_1185 = arith.constant 3 : i32
        %and3A_1186 = vector.broadcast %and3A_1185 : i32 to vector<16xi32>
        %and3A_1187 = arith.andi %get3A_1175, %and3A_1186 : vector<16xi32>
        %mul3A_1188 = arith.constant 32 : i32
        %mul3A_1189 = vector.broadcast %mul3A_1188 : i32 to vector<16xi32>
        %mul3A_1190 = arith.muli %and3A_1187, %mul3A_1189 : vector<16xi32>
        %swap3A_1191 = arith.constant 1 : i32
        %swap3A_1192 = arith.constant 1 : i32
        %swap3A_1193 = arith.index_cast %swap3A_1191 : i32 to index
        %swap3A_1194 = arith.index_cast %swap3A_1192 : i32 to index
        %swap3A_1195 = arith.constant 16 : index
        %swap3A_1196 = tpu.vector_load %arg7[%swap3A_1193, %swap3A_1194, %swap3A_1195] {strides = array<i32>} : memref<2x2x128xi32, #tpu.memory_space<vmem>>, vector<16xi32>,
        tpu.vector_store %arg7[%swap3A_1193, %swap3A_1194, %swap3A_1195], %mul3A_1190 {strides = array<i32>} : memref<2x2x128xi32, #tpu.memory_space<vmem>>, vector<16xi32>,
        %get3A_1197 = arith.constant 1 : i32
        %get3A_1198 = arith.constant 1 : i32
        %get3A_1199 = arith.index_cast %get3A_1197 : i32 to index
        %get3A_1200 = arith.index_cast %get3A_1198 : i32 to index
        %get3A_1201 = arith.constant 32 : index
        %get3A_1202 = tpu.vector_load %arg5[%get3A_1199, %get3A_1200, %get3A_1201] {strides = array<i32>} : memref<2x2x128xi32, #tpu.memory_space<vmem>>, vector<16xi32>,
        %shift_right_arithmetic3A_1203 = arith.constant 2 : i32
        %shift_right_arithmetic3A_1204 = vector.broadcast %shift_right_arithmetic3A_1203 : i32 to vector<16xi32>
        %shift_right_arithmetic3A_1205 = arith.shrsi %get3A_1202, %shift_right_arithmetic3A_1204 : vector<16xi32>
        %swap3A_1206 = arith.constant 1 : i32
        %swap3A_1207 = arith.constant 1 : i32
        %swap3A_1208 = arith.index_cast %swap3A_1206 : i32 to index
        %swap3A_1209 = arith.index_cast %swap3A_1207 : i32 to index
        %swap3A_1210 = arith.constant 32 : index
        %swap3A_1211 = tpu.vector_load %arg6[%swap3A_1208, %swap3A_1209, %swap3A_1210] {strides = array<i32>} : memref<2x2x128xi32, #tpu.memory_space<vmem>>, vector<16xi32>,
        tpu.vector_store %arg6[%swap3A_1208, %swap3A_1209, %swap3A_1210], %shift_right_arithmetic3A_1205 {strides = array<i32>} : memref<2x2x128xi32, #tpu.memory_space<vmem>>, vector<16xi32>,
        %and3A_1212 = arith.constant 3 : i32
        %and3A_1213 = vector.broadcast %and3A_1212 : i32 to vector<16xi32>
        %and3A_1214 = arith.andi %get3A_1202, %and3A_1213 : vector<16xi32>
        %mul3A_1215 = arith.constant 32 : i32
        %mul3A_1216 = vector.broadcast %mul3A_1215 : i32 to vector<16xi32>
        %mul3A_1217 = arith.muli %and3A_1214, %mul3A_1216 : vector<16xi32>
        %swap3A_1218 = arith.constant 1 : i32
        %swap3A_1219 = arith.constant 1 : i32
        %swap3A_1220 = arith.index_cast %swap3A_1218 : i32 to index
        %swap3A_1221 = arith.index_cast %swap3A_1219 : i32 to index
        %swap3A_1222 = arith.constant 32 : index
        %swap3A_1223 = tpu.vector_load %arg7[%swap3A_1220, %swap3A_1221, %swap3A_1222] {strides = array<i32>} : memref<2x2x128xi32, #tpu.memory_space<vmem>>, vector<16xi32>,
        tpu.vector_store %arg7[%swap3A_1220, %swap3A_1221, %swap3A_1222], %mul3A_1217 {strides = array<i32>} : memref<2x2x128xi32, #tpu.memory_space<vmem>>, vector<16xi32>,
        %get3A_1224 = arith.constant 1 : i32
        %get3A_1225 = arith.constant 1 : i32
        %get3A_1226 = arith.index_cast %get3A_1224 : i32 to index
        %get3A_1227 = arith.index_cast %get3A_1225 : i32 to index
        %get3A_1228 = arith.constant 48 : index
        %get3A_1229 = tpu.vector_load %arg5[%get3A_1226, %get3A_1227, %get3A_1228] {strides = array<i32>} : memref<2x2x128xi32, #tpu.memory_space<vmem>>, vector<16xi32>,
        %shift_right_arithmetic3A_1230 = arith.constant 2 : i32
        %shift_right_arithmetic3A_1231 = vector.broadcast %shift_right_arithmetic3A_1230 : i32 to vector<16xi32>
        %shift_right_arithmetic3A_1232 = arith.shrsi %get3A_1229, %shift_right_arithmetic3A_1231 : vector<16xi32>
        %swap3A_1233 = arith.constant 1 : i32
        %swap3A_1234 = arith.constant 1 : i32
        %swap3A_1235 = arith.index_cast %swap3A_1233 : i32 to index
        %swap3A_1236 = arith.index_cast %swap3A_1234 : i32 to index
        %swap3A_1237 = arith.constant 48 : index
        %swap3A_1238 = tpu.vector_load %arg6[%swap3A_1235, %swap3A_1236, %swap3A_1237] {strides = array<i32>} : memref<2x2x128xi32, #tpu.memory_space<vmem>>, vector<16xi32>,
        tpu.vector_store %arg6[%swap3A_1235, %swap3A_1236, %swap3A_1237], %shift_right_arithmetic3A_1232 {strides = array<i32>} : memref<2x2x128xi32, #tpu.memory_space<vmem>>, vector<16xi32>,
        %and3A_1239 = arith.constant 3 : i32
        %and3A_1240 = vector.broadcast %and3A_1239 : i32 to vector<16xi32>
        %and3A_1241 = arith.andi %get3A_1229, %and3A_1240 : vector<16xi32>
        %mul3A_1242 = arith.constant 32 : i32
        %mul3A_1243 = vector.broadcast %mul3A_1242 : i32 to vector<16xi32>
        %mul3A_1244 = arith.muli %and3A_1241, %mul3A_1243 : vector<16xi32>
        %swap3A_1245 = arith.constant 1 : i32
        %swap3A_1246 = arith.constant 1 : i32
        %swap3A_1247 = arith.index_cast %swap3A_1245 : i32 to index
        %swap3A_1248 = arith.index_cast %swap3A_1246 : i32 to index
        %swap3A_1249 = arith.constant 48 : index
        %swap3A_1250 = tpu.vector_load %arg7[%swap3A_1247, %swap3A_1248, %swap3A_1249] {strides = array<i32>} : memref<2x2x128xi32, #tpu.memory_space<vmem>>, vector<16xi32>,
        tpu.vector_store %arg7[%swap3A_1247, %swap3A_1248, %swap3A_1249], %mul3A_1244 {strides = array<i32>} : memref<2x2x128xi32, #tpu.memory_space<vmem>>, vector<16xi32>,
        %get3A_1251 = arith.constant 1 : i32
        %get3A_1252 = arith.constant 1 : i32
        %get3A_1253 = arith.index_cast %get3A_1251 : i32 to index
        %get3A_1254 = arith.index_cast %get3A_1252 : i32 to index
        %get3A_1255 = arith.constant 64 : index
        %get3A_1256 = tpu.vector_load %arg5[%get3A_1253, %get3A_1254, %get3A_1255] {strides = array<i32>} : memref<2x2x128xi32, #tpu.memory_space<vmem>>, vector<16xi32>,
        %shift_right_arithmetic3A_1257 = arith.constant 2 : i32
        %shift_right_arithmetic3A_1258 = vector.broadcast %shift_right_arithmetic3A_1257 : i32 to vector<16xi32>
        %shift_right_arithmetic3A_1259 = arith.shrsi %get3A_1256, %shift_right_arithmetic3A_1258 : vector<16xi32>
        %swap3A_1260 = arith.constant 1 : i32
        %swap3A_1261 = arith.constant 1 : i32
        %swap3A_1262 = arith.index_cast %swap3A_1260 : i32 to index
        %swap3A_1263 = arith.index_cast %swap3A_1261 : i32 to index
        %swap3A_1264 = arith.constant 64 : index
        %swap3A_1265 = tpu.vector_load %arg6[%swap3A_1262, %swap3A_1263, %swap3A_1264] {strides = array<i32>} : memref<2x2x128xi32, #tpu.memory_space<vmem>>, vector<16xi32>,
        tpu.vector_store %arg6[%swap3A_1262, %swap3A_1263, %swap3A_1264], %shift_right_arithmetic3A_1259 {strides = array<i32>} : memref<2x2x128xi32, #tpu.memory_space<vmem>>, vector<16xi32>,
        %and3A_1266 = arith.constant 3 : i32
        %and3A_1267 = vector.broadcast %and3A_1266 : i32 to vector<16xi32>
        %and3A_1268 = arith.andi %get3A_1256, %and3A_1267 : vector<16xi32>
        %mul3A_1269 = arith.constant 32 : i32
        %mul3A_1270 = vector.broadcast %mul3A_1269 : i32 to vector<16xi32>
        %mul3A_1271 = arith.muli %and3A_1268, %mul3A_1270 : vector<16xi32>
        %swap3A_1272 = arith.constant 1 : i32
        %swap3A_1273 = arith.constant 1 : i32
        %swap3A_1274 = arith.index_cast %swap3A_1272 : i32 to index
        %swap3A_1275 = arith.index_cast %swap3A_1273 : i32 to index
        %swap3A_1276 = arith.constant 64 : index
        %swap3A_1277 = tpu.vector_load %arg7[%swap3A_1274, %swap3A_1275, %swap3A_1276] {strides = array<i32>} : memref<2x2x128xi32, #tpu.memory_space<vmem>>, vector<16xi32>,
        tpu.vector_store %arg7[%swap3A_1274, %swap3A_1275, %swap3A_1276], %mul3A_1271 {strides = array<i32>} : memref<2x2x128xi32, #tpu.memory_space<vmem>>, vector<16xi32>,
        %get3A_1278 = arith.constant 1 : i32
        %get3A_1279 = arith.constant 1 : i32
        %get3A_1280 = arith.index_cast %get3A_1278 : i32 to index
        %get3A_1281 = arith.index_cast %get3A_1279 : i32 to index
        %get3A_1282 = arith.constant 80 : index
        %get3A_1283 = tpu.vector_load %arg5[%get3A_1280, %get3A_1281, %get3A_1282] {strides = array<i32>} : memref<2x2x128xi32, #tpu.memory_space<vmem>>, vector<16xi32>,
        %shift_right_arithmetic3A_1284 = arith.constant 2 : i32
        %shift_right_arithmetic3A_1285 = vector.broadcast %shift_right_arithmetic3A_1284 : i32 to vector<16xi32>
        %shift_right_arithmetic3A_1286 = arith.shrsi %get3A_1283, %shift_right_arithmetic3A_1285 : vector<16xi32>
        %swap3A_1287 = arith.constant 1 : i32
        %swap3A_1288 = arith.constant 1 : i32
        %swap3A_1289 = arith.index_cast %swap3A_1287 : i32 to index
        %swap3A_1290 = arith.index_cast %swap3A_1288 : i32 to index
        %swap3A_1291 = arith.constant 80 : index
        %swap3A_1292 = tpu.vector_load %arg6[%swap3A_1289, %swap3A_1290, %swap3A_1291] {strides = array<i32>} : memref<2x2x128xi32, #tpu.memory_space<vmem>>, vector<16xi32>,
        tpu.vector_store %arg6[%swap3A_1289, %swap3A_1290, %swap3A_1291], %shift_right_arithmetic3A_1286 {strides = array<i32>} : memref<2x2x128xi32, #tpu.memory_space<vmem>>, vector<16xi32>,
        %and3A_1293 = arith.constant 3 : i32
        %and3A_1294 = vector.broadcast %and3A_1293 : i32 to vector<16xi32>
        %and3A_1295 = arith.andi %get3A_1283, %and3A_1294 : vector<16xi32>
        %mul3A_1296 = arith.constant 32 : i32
        %mul3A_1297 = vector.broadcast %mul3A_1296 : i32 to vector<16xi32>
        %mul3A_1298 = arith.muli %and3A_1295, %mul3A_1297 : vector<16xi32>
        %swap3A_1299 = arith.constant 1 : i32
        %swap3A_1300 = arith.constant 1 : i32
        %swap3A_1301 = arith.index_cast %swap3A_1299 : i32 to index
        %swap3A_1302 = arith.index_cast %swap3A_1300 : i32 to index
        %swap3A_1303 = arith.constant 80 : index
        %swap3A_1304 = tpu.vector_load %arg7[%swap3A_1301, %swap3A_1302, %swap3A_1303] {strides = array<i32>} : memref<2x2x128xi32, #tpu.memory_space<vmem>>, vector<16xi32>,
        tpu.vector_store %arg7[%swap3A_1301, %swap3A_1302, %swap3A_1303], %mul3A_1298 {strides = array<i32>} : memref<2x2x128xi32, #tpu.memory_space<vmem>>, vector<16xi32>,
        %get3A_1305 = arith.constant 1 : i32
        %get3A_1306 = arith.constant 1 : i32
        %get3A_1307 = arith.index_cast %get3A_1305 : i32 to index
        %get3A_1308 = arith.index_cast %get3A_1306 : i32 to index
        %get3A_1309 = arith.constant 96 : index
        %get3A_1310 = tpu.vector_load %arg5[%get3A_1307, %get3A_1308, %get3A_1309] {strides = array<i32>} : memref<2x2x128xi32, #tpu.memory_space<vmem>>, vector<16xi32>,
        %shift_right_arithmetic3A_1311 = arith.constant 2 : i32
        %shift_right_arithmetic3A_1312 = vector.broadcast %shift_right_arithmetic3A_1311 : i32 to vector<16xi32>
        %shift_right_arithmetic3A_1313 = arith.shrsi %get3A_1310, %shift_right_arithmetic3A_1312 : vector<16xi32>
        %swap3A_1314 = arith.constant 1 : i32
        %swap3A_1315 = arith.constant 1 : i32
        %swap3A_1316 = arith.index_cast %swap3A_1314 : i32 to index
        %swap3A_1317 = arith.index_cast %swap3A_1315 : i32 to index
        %swap3A_1318 = arith.constant 96 : index
        %swap3A_1319 = tpu.vector_load %arg6[%swap3A_1316, %swap3A_1317, %swap3A_1318] {strides = array<i32>} : memref<2x2x128xi32, #tpu.memory_space<vmem>>, vector<16xi32>,
        tpu.vector_store %arg6[%swap3A_1316, %swap3A_1317, %swap3A_1318], %shift_right_arithmetic3A_1313 {strides = array<i32>} : memref<2x2x128xi32, #tpu.memory_space<vmem>>, vector<16xi32>,
        %and3A_1320 = arith.constant 3 : i32
        %and3A_1321 = vector.broadcast %and3A_1320 : i32 to vector<16xi32>
        %and3A_1322 = arith.andi %get3A_1310, %and3A_1321 : vector<16xi32>
        %mul3A_1323 = arith.constant 32 : i32
        %mul3A_1324 = vector.broadcast %mul3A_1323 : i32 to vector<16xi32>
        %mul3A_1325 = arith.muli %and3A_1322, %mul3A_1324 : vector<16xi32>
        %swap3A_1326 = arith.constant 1 : i32
        %swap3A_1327 = arith.constant 1 : i32
        %swap3A_1328 = arith.index_cast %swap3A_1326 : i32 to index
        %swap3A_1329 = arith.index_cast %swap3A_1327 : i32 to index
        %swap3A_1330 = arith.constant 96 : index
        %swap3A_1331 = tpu.vector_load %arg7[%swap3A_1328, %swap3A_1329, %swap3A_1330] {strides = array<i32>} : memref<2x2x128xi32, #tpu.memory_space<vmem>>, vector<16xi32>,
        tpu.vector_store %arg7[%swap3A_1328, %swap3A_1329, %swap3A_1330], %mul3A_1325 {strides = array<i32>} : memref<2x2x128xi32, #tpu.memory_space<vmem>>, vector<16xi32>,
        %get3A_1332 = arith.constant 1 : i32
        %get3A_1333 = arith.constant 1 : i32
        %get3A_1334 = arith.index_cast %get3A_1332 : i32 to index
        %get3A_1335 = arith.index_cast %get3A_1333 : i32 to index
        %get3A_1336 = arith.constant 112 : index
        %get3A_1337 = tpu.vector_load %arg5[%get3A_1334, %get3A_1335, %get3A_1336] {strides = array<i32>} : memref<2x2x128xi32, #tpu.memory_space<vmem>>, vector<16xi32>,
        %shift_right_arithmetic3A_1338 = arith.constant 2 : i32
        %shift_right_arithmetic3A_1339 = vector.broadcast %shift_right_arithmetic3A_1338 : i32 to vector<16xi32>
        %shift_right_arithmetic3A_1340 = arith.shrsi %get3A_1337, %shift_right_arithmetic3A_1339 : vector<16xi32>
        %swap3A_1341 = arith.constant 1 : i32
        %swap3A_1342 = arith.constant 1 : i32
        %swap3A_1343 = arith.index_cast %swap3A_1341 : i32 to index
        %swap3A_1344 = arith.index_cast %swap3A_1342 : i32 to index
        %swap3A_1345 = arith.constant 112 : index
        %swap3A_1346 = tpu.vector_load %arg6[%swap3A_1343, %swap3A_1344, %swap3A_1345] {strides = array<i32>} : memref<2x2x128xi32, #tpu.memory_space<vmem>>, vector<16xi32>,
        tpu.vector_store %arg6[%swap3A_1343, %swap3A_1344, %swap3A_1345], %shift_right_arithmetic3A_1340 {strides = array<i32>} : memref<2x2x128xi32, #tpu.memory_space<vmem>>, vector<16xi32>,
        %and3A_1347 = arith.constant 3 : i32
        %and3A_1348 = vector.broadcast %and3A_1347 : i32 to vector<16xi32>
        %and3A_1349 = arith.andi %get3A_1337, %and3A_1348 : vector<16xi32>
        %mul3A_1350 = arith.constant 32 : i32
        %mul3A_1351 = vector.broadcast %mul3A_1350 : i32 to vector<16xi32>
        %mul3A_1352 = arith.muli %and3A_1349, %mul3A_1351 : vector<16xi32>
        %swap3A_1353 = arith.constant 1 : i32
        %swap3A_1354 = arith.constant 1 : i32
        %swap3A_1355 = arith.index_cast %swap3A_1353 : i32 to index
        %swap3A_1356 = arith.index_cast %swap3A_1354 : i32 to index
        %swap3A_1357 = arith.constant 112 : index
        %swap3A_1358 = tpu.vector_load %arg7[%swap3A_1355, %swap3A_1356, %swap3A_1357] {strides = array<i32>} : memref<2x2x128xi32, #tpu.memory_space<vmem>>, vector<16xi32>,
        tpu.vector_store %arg7[%swap3A_1355, %swap3A_1356, %swap3A_1357], %mul3A_1352 {strides = array<i32>} : memref<2x2x128xi32, #tpu.memory_space<vmem>>, vector<16xi32>,
        %dma_start3A_1359 = arith.constant 1 : i32
        %dma_start3A_1360 = arith.constant 0 : i32
        %dma_start3A_1361 = arith.constant 1 : i32
        %dma_start3A_1362 = arith.constant 0 : i32
        %dma_start3A_1363 = arith.constant 1 : i32
        %dma_start3A_1364 = arith.constant 0 : i32
        %dma_start3A_1365 = arith.constant 0 : i32
        %dma_start3A_1366 = tpu.memref_slice %arg8[%dma_start3A_1361, %dma_start3A_1362, %dma_start3A_1364, %dma_start3A_1365] : memref<2x2x128x128xf32, #tpu.memory_space<vmem>> -> memref<1x1x128x128xf32, #tpu.memory_space<vmem>>
        %dma_start3A_1367 = tpu.memref_squeeze %dma_start3A_1366 : memref<1x1x128x128xf32, #tpu.memory_space<vmem>> -> memref<128x128xf32, #tpu.memory_space<vmem>>
        %dma_start3A_1368 = arith.constant 0 : i32
        %dma_start3A_1369 = tpu.memref_slice %arg6[%dma_start3A_1359, %dma_start3A_1360, %dma_start3A_1368] : memref<2x2x128xi32, #tpu.memory_space<vmem>> -> memref<1x1x128xi32, #tpu.memory_space<vmem>>
        %dma_start3A_1370 = tpu.memref_squeeze %dma_start3A_1369 : memref<1x1x128xi32, #tpu.memory_space<vmem>> -> memref<128xi32, #tpu.memory_space<vmem>>
        %dma_start3A_1371 = arith.constant 0 : i32
        %dma_start3A_1372 = arith.constant 0 : i32
        %dma_start3A_1373 = tpu.memref_slice %arg3[%dma_start3A_1371, %dma_start3A_1372] : memref<250000x128xf32, #tpu.memory_space<hbm>> -> memref<250000x128xf32, #tpu.memory_space<hbm>>
        %dma_start3A_1374 = tpu.memref_slice %arg11[%dma_start3A_1363] : memref<2x!tpu.dma_semaphore, #tpu.memory_space<semaphore_mem>> -> memref<1x!tpu.dma_semaphore, #tpu.memory_space<semaphore_mem>>
        %dma_start3A_1375 = tpu.memref_squeeze %dma_start3A_1374 : memref<1x!tpu.dma_semaphore, #tpu.memory_space<semaphore_mem>> -> memref<!tpu.dma_semaphore, #tpu.memory_space<semaphore_mem>>
        tpu.enqueue_indirect_dma source(%dma_start3A_1373 : memref<250000x128xf32, #tpu.memory_space<hbm>>) target(%dma_start3A_1367 : memref<128x128xf32, #tpu.memory_space<vmem>>) offsets(%dma_start3A_1370 : memref<128xi32, #tpu.memory_space<vmem>>) semaphore(%dma_start3A_1375 : memref<!tpu.dma_semaphore, #tpu.memory_space<semaphore_mem>>)
        %dma_start3A_1376 = arith.constant 1 : i32
        %dma_start3A_1377 = arith.constant 1 : i32
        %dma_start3A_1378 = arith.constant 1 : i32
        %dma_start3A_1379 = arith.constant 1 : i32
        %dma_start3A_1380 = arith.constant 1 : i32
        %dma_start3A_1381 = arith.constant 0 : i32
        %dma_start3A_1382 = arith.constant 0 : i32
        %dma_start3A_1383 = tpu.memref_slice %arg8[%dma_start3A_1378, %dma_start3A_1379, %dma_start3A_1381, %dma_start3A_1382] : memref<2x2x128x128xf32, #tpu.memory_space<vmem>> -> memref<1x1x128x128xf32, #tpu.memory_space<vmem>>
        %dma_start3A_1384 = tpu.memref_squeeze %dma_start3A_1383 : memref<1x1x128x128xf32, #tpu.memory_space<vmem>> -> memref<128x128xf32, #tpu.memory_space<vmem>>
        %dma_start3A_1385 = arith.constant 0 : i32
        %dma_start3A_1386 = tpu.memref_slice %arg6[%dma_start3A_1376, %dma_start3A_1377, %dma_start3A_1385] : memref<2x2x128xi32, #tpu.memory_space<vmem>> -> memref<1x1x128xi32, #tpu.memory_space<vmem>>
        %dma_start3A_1387 = tpu.memref_squeeze %dma_start3A_1386 : memref<1x1x128xi32, #tpu.memory_space<vmem>> -> memref<128xi32, #tpu.memory_space<vmem>>
        %dma_start3A_1388 = arith.constant 0 : i32
        %dma_start3A_1389 = arith.constant 0 : i32
        %dma_start3A_1390 = tpu.memref_slice %arg3[%dma_start3A_1388, %dma_start3A_1389] : memref<250000x128xf32, #tpu.memory_space<hbm>> -> memref<250000x128xf32, #tpu.memory_space<hbm>>
        %dma_start3A_1391 = tpu.memref_slice %arg11[%dma_start3A_1380] : memref<2x!tpu.dma_semaphore, #tpu.memory_space<semaphore_mem>> -> memref<1x!tpu.dma_semaphore, #tpu.memory_space<semaphore_mem>>
        %dma_start3A_1392 = tpu.memref_squeeze %dma_start3A_1391 : memref<1x!tpu.dma_semaphore, #tpu.memory_space<semaphore_mem>> -> memref<!tpu.dma_semaphore, #tpu.memory_space<semaphore_mem>>
        tpu.enqueue_indirect_dma source(%dma_start3A_1390 : memref<250000x128xf32, #tpu.memory_space<hbm>>) target(%dma_start3A_1384 : memref<128x128xf32, #tpu.memory_space<vmem>>) offsets(%dma_start3A_1387 : memref<128xi32, #tpu.memory_space<vmem>>) semaphore(%dma_start3A_1392 : memref<!tpu.dma_semaphore, #tpu.memory_space<semaphore_mem>>)
      } else {
      }
      %dma_wait3A_565 = arith.constant 0 : i32
      %dma_wait3A_566 = arith.constant 0 : i32
      %dma_wait3A_567 = arith.constant 0 : i32
      %dma_wait3A_568 = arith.constant 0 : i32
      %dma_wait3A_569 = arith.constant 0 : i32
      %dma_wait3A_570 = arith.constant 0 : i32
      %dma_wait3A_571 = arith.constant 0 : i32
      %dma_wait3A_572 = tpu.memref_slice %arg8[%dma_wait3A_567, %dma_wait3A_568, %dma_wait3A_570, %dma_wait3A_571] : memref<2x2x128x128xf32, #tpu.memory_space<vmem>> -> memref<1x1x128x128xf32, #tpu.memory_space<vmem>>
      %dma_wait3A_573 = tpu.memref_squeeze %dma_wait3A_572 : memref<1x1x128x128xf32, #tpu.memory_space<vmem>> -> memref<128x128xf32, #tpu.memory_space<vmem>>
      %dma_wait3A_574 = arith.constant 0 : i32
      %dma_wait3A_575 = tpu.memref_slice %arg6[%dma_wait3A_565, %dma_wait3A_566, %dma_wait3A_574] : memref<2x2x128xi32, #tpu.memory_space<vmem>> -> memref<1x1x128xi32, #tpu.memory_space<vmem>>
      %dma_wait3A_576 = tpu.memref_squeeze %dma_wait3A_575 : memref<1x1x128xi32, #tpu.memory_space<vmem>> -> memref<128xi32, #tpu.memory_space<vmem>>
      %dma_wait3A_577 = arith.constant 0 : i32
      %dma_wait3A_578 = arith.constant 0 : i32
      %dma_wait3A_579 = tpu.memref_slice %arg3[%dma_wait3A_577, %dma_wait3A_578] : memref<250000x128xf32, #tpu.memory_space<hbm>> -> memref<250000x128xf32, #tpu.memory_space<hbm>>
      %dma_wait3A_580 = tpu.memref_slice %arg11[%dma_wait3A_569] : memref<2x!tpu.dma_semaphore, #tpu.memory_space<semaphore_mem>> -> memref<1x!tpu.dma_semaphore, #tpu.memory_space<semaphore_mem>>
      %dma_wait3A_581 = tpu.memref_squeeze %dma_wait3A_580 : memref<1x!tpu.dma_semaphore, #tpu.memory_space<semaphore_mem>> -> memref<!tpu.dma_semaphore, #tpu.memory_space<semaphore_mem>>
      tpu.wait_indirect_dma semaphore(%dma_wait3A_581 : memref<!tpu.dma_semaphore, #tpu.memory_space<semaphore_mem>>) src(%dma_wait3A_579 : memref<250000x128xf32, #tpu.memory_space<hbm>>) dst(%dma_wait3A_573 : memref<128x128xf32, #tpu.memory_space<vmem>>)
      %dma_wait3A_582 = arith.constant 0 : i32
      %dma_wait3A_583 = arith.constant 1 : i32
      %dma_wait3A_584 = arith.constant 0 : i32
      %dma_wait3A_585 = arith.constant 1 : i32
      %dma_wait3A_586 = arith.constant 0 : i32
      %dma_wait3A_587 = arith.constant 0 : i32
      %dma_wait3A_588 = arith.constant 0 : i32
      %dma_wait3A_589 = tpu.memref_slice %arg8[%dma_wait3A_584, %dma_wait3A_585, %dma_wait3A_587, %dma_wait3A_588] : memref<2x2x128x128xf32, #tpu.memory_space<vmem>> -> memref<1x1x128x128xf32, #tpu.memory_space<vmem>>
      %dma_wait3A_590 = tpu.memref_squeeze %dma_wait3A_589 : memref<1x1x128x128xf32, #tpu.memory_space<vmem>> -> memref<128x128xf32, #tpu.memory_space<vmem>>
      %dma_wait3A_591 = arith.constant 0 : i32
      %dma_wait3A_592 = tpu.memref_slice %arg6[%dma_wait3A_582, %dma_wait3A_583, %dma_wait3A_591] : memref<2x2x128xi32, #tpu.memory_space<vmem>> -> memref<1x1x128xi32, #tpu.memory_space<vmem>>
      %dma_wait3A_593 = tpu.memref_squeeze %dma_wait3A_592 : memref<1x1x128xi32, #tpu.memory_space<vmem>> -> memref<128xi32, #tpu.memory_space<vmem>>
      %dma_wait3A_594 = arith.constant 0 : i32
      %dma_wait3A_595 = arith.constant 0 : i32
      %dma_wait3A_596 = tpu.memref_slice %arg3[%dma_wait3A_594, %dma_wait3A_595] : memref<250000x128xf32, #tpu.memory_space<hbm>> -> memref<250000x128xf32, #tpu.memory_space<hbm>>
      %dma_wait3A_597 = tpu.memref_slice %arg11[%dma_wait3A_586] : memref<2x!tpu.dma_semaphore, #tpu.memory_space<semaphore_mem>> -> memref<1x!tpu.dma_semaphore, #tpu.memory_space<semaphore_mem>>
      %dma_wait3A_598 = tpu.memref_squeeze %dma_wait3A_597 : memref<1x!tpu.dma_semaphore, #tpu.memory_space<semaphore_mem>> -> memref<!tpu.dma_semaphore, #tpu.memory_space<semaphore_mem>>
      tpu.wait_indirect_dma semaphore(%dma_wait3A_598 : memref<!tpu.dma_semaphore, #tpu.memory_space<semaphore_mem>>) src(%dma_wait3A_596 : memref<250000x128xf32, #tpu.memory_space<hbm>>) dst(%dma_wait3A_590 : memref<128x128xf32, #tpu.memory_space<vmem>>)
      %add3A_599 = arith.constant 2 : i32
      %add3A_600 = arith.addi %add3A_560, %add3A_599 : i32
      %lt3A_601 = arith.constant 100 : i32
      %lt3A_602 = arith.cmpi slt, %add3A_600, %lt3A_601 : i32
      %convert_element_type3A_603 = arith.extui %lt3A_602 : i1 to i32
      %cond3A_604 = arith.constant 0 : i32
      %cond3A_605 = arith.cmpi ne, %convert_element_type3A_603, %cond3A_604 : i32
      scf.if %cond3A_605 {
        %add3A_909 = arith.constant 2 : i32
        %add3A_910 = arith.addi %add3A_560, %add3A_909 : i32
        %mul3A_911 = arith.constant 2 : i32
        %mul3A_912 = arith.muli %add3A_910, %mul3A_911 : i32
        %dma_start3A_913 = arith.constant 0 : i32
        %dma_start3A_914 = arith.constant 0 : i32
        %dma_start3A_915 = arith.constant 0 : i32
        %dma_start3A_916 = arith.constant 0 : i32
        %dma_start3A_917 = tpu.memref_slice %arg5[%dma_start3A_913, %dma_start3A_915, %dma_start3A_916] : memref<2x2x128xi32, #tpu.memory_space<vmem>> -> memref<1x2x128xi32, #tpu.memory_space<vmem>>
        %dma_start3A_918 = tpu.memref_squeeze %dma_start3A_917 : memref<1x2x128xi32, #tpu.memory_space<vmem>> -> memref<2x128xi32, #tpu.memory_space<vmem>>
        %dma_start3A_919 = tpu.memref_slice %arg2[%mul3A_912, %mul3A_2] : memref<200x4096xi32, #tpu.memory_space<hbm>> -> memref<2x128xi32, #tpu.memory_space<hbm>>
        %dma_start3A_920 = tpu.memref_slice %arg10[%dma_start3A_914] : memref<2x!tpu.dma_semaphore, #tpu.memory_space<semaphore_mem>> -> memref<1x!tpu.dma_semaphore, #tpu.memory_space<semaphore_mem>>
        %dma_start3A_921 = tpu.memref_squeeze %dma_start3A_920 : memref<1x!tpu.dma_semaphore, #tpu.memory_space<semaphore_mem>> -> memref<!tpu.dma_semaphore, #tpu.memory_space<semaphore_mem>>
        %dma_start3A_922 = arith.constant 0 : i32
        %dma_start3A_923 = arith.constant 0 : i32
        %dma_start3A_924 = tpu.memref_slice %arg5[%dma_start3A_913, %dma_start3A_922, %dma_start3A_923] : memref<2x2x128xi32, #tpu.memory_space<vmem>> -> memref<1x2x128xi32, #tpu.memory_space<vmem>>
        %dma_start3A_925 = tpu.memref_squeeze %dma_start3A_924 : memref<1x2x128xi32, #tpu.memory_space<vmem>> -> memref<2x128xi32, #tpu.memory_space<vmem>>
        %dma_start3A_926 = tpu.memref_slice %arg2[%mul3A_912, %mul3A_2] : memref<200x4096xi32, #tpu.memory_space<hbm>> -> memref<2x128xi32, #tpu.memory_space<hbm>>
        tpu.enqueue_dma source(%dma_start3A_926 : memref<2x128xi32, #tpu.memory_space<hbm>>) target(%dma_start3A_925 : memref<2x128xi32, #tpu.memory_space<vmem>>) target_semaphore(%dma_start3A_921 : memref<!tpu.dma_semaphore, #tpu.memory_space<semaphore_mem>>)
      } else {
      }
      %ge3A = arith.constant 2 : i32
      %ge3A_606 = arith.cmpi sge, %add3A_560, %ge3A : i32
      %convert_element_type3A_607 = arith.extui %ge3A_606 : i1 to i32
      %cond3A_608 = arith.constant 0 : i32
      %cond3A_609 = arith.cmpi ne, %convert_element_type3A_607, %cond3A_608 : i32
      scf.if %cond3A_609 {
        %sub3A = arith.constant 2 : i32
        %sub3A_909 = arith.subi %add3A_560, %sub3A : i32
        %mul3A_910 = arith.constant 2 : i32
        %mul3A_911 = arith.muli %sub3A_909, %mul3A_910 : i32
        %dma_wait3A_912 = arith.constant 0 : i32
        %dma_wait3A_913 = arith.constant 0 : i32
        %dma_wait3A_914 = arith.constant 0 : i32
        %dma_wait3A_915 = arith.constant 0 : i32
        %dma_wait3A_916 = arith.constant 0 : i32
        %dma_wait3A_917 = tpu.memref_slice %arg9[%dma_wait3A_912, %dma_wait3A_914, %dma_wait3A_915, %dma_wait3A_916] : memref<2x2x32x128xf32, #tpu.memory_space<vmem>> -> memref<1x2x32x128xf32, #tpu.memory_space<vmem>>
        %dma_wait3A_918 = tpu.memref_squeeze %dma_wait3A_917 : memref<1x2x32x128xf32, #tpu.memory_space<vmem>> -> memref<2x32x128xf32, #tpu.memory_space<vmem>>
        %dma_wait3A_919 = arith.constant 0 : i32
        %dma_wait3A_920 = tpu.memref_slice %arg4[%mul3A_911, %dma_wait3A_919, %mul3A_2] : memref<200x32x4096xf32, #tpu.memory_space<hbm>> -> memref<2x32x128xf32, #tpu.memory_space<hbm>>
        %dma_wait3A_921 = tpu.memref_slice %arg12[%dma_wait3A_913] : memref<2x!tpu.dma_semaphore, #tpu.memory_space<semaphore_mem>> -> memref<1x!tpu.dma_semaphore, #tpu.memory_space<semaphore_mem>>
        %dma_wait3A_922 = tpu.memref_squeeze %dma_wait3A_921 : memref<1x!tpu.dma_semaphore, #tpu.memory_space<semaphore_mem>> -> memref<!tpu.dma_semaphore, #tpu.memory_space<semaphore_mem>>
        %dma_wait3A_923 = arith.constant 0 : i32
        %dma_wait3A_924 = tpu.memref_slice %arg4[%mul3A_911, %dma_wait3A_923, %mul3A_2] : memref<200x32x4096xf32, #tpu.memory_space<hbm>> -> memref<2x32x128xf32, #tpu.memory_space<hbm>>
        %dma_wait3A_925 = arith.constant 0 : i32
        %dma_wait3A_926 = arith.constant 0 : i32
        %dma_wait3A_927 = arith.constant 0 : i32
        %dma_wait3A_928 = tpu.memref_slice %arg9[%dma_wait3A_912, %dma_wait3A_925, %dma_wait3A_926, %dma_wait3A_927] : memref<2x2x32x128xf32, #tpu.memory_space<vmem>> -> memref<1x2x32x128xf32, #tpu.memory_space<vmem>>
        %dma_wait3A_929 = tpu.memref_squeeze %dma_wait3A_928 : memref<1x2x32x128xf32, #tpu.memory_space<vmem>> -> memref<2x32x128xf32, #tpu.memory_space<vmem>>
        tpu.wait_dma2 semaphore(%dma_wait3A_922 : memref<!tpu.dma_semaphore, #tpu.memory_space<semaphore_mem>>) src(%dma_wait3A_929 : memref<2x32x128xf32, #tpu.memory_space<vmem>>) dst(%dma_wait3A_924 : memref<2x32x128xf32, #tpu.memory_space<hbm>>)
      } else {
      }
      %get3A_610 = arith.constant 0 : i32
      %get3A_611 = arith.constant 0 : i32
      %get3A_612 = arith.index_cast %get3A_610 : i32 to index
      %get3A_613 = arith.index_cast %get3A_611 : i32 to index
      %get3A_614 = arith.constant 0 : index
      %get3A_615 = tpu.vector_load %arg7[%get3A_612, %get3A_613, %get3A_614] {strides = array<i32>} : memref<2x2x128xi32, #tpu.memory_space<vmem>>, vector<16xi32>,
      %get3A_616 = arith.constant 0 : i32
      %get3A_617 = arith.constant 0 : i32
      %get3A_618 = arith.index_cast %get3A_616 : i32 to index
      %get3A_619 = arith.index_cast %get3A_617 : i32 to index
      %get3A_620 = arith.constant 16 : index
      %get3A_621 = tpu.vector_load %arg7[%get3A_618, %get3A_619, %get3A_620] {strides = array<i32>} : memref<2x2x128xi32, #tpu.memory_space<vmem>>, vector<16xi32>,
      %get3A_622 = arith.constant 0 : i32
      %get3A_623 = arith.constant 0 : i32
      %get3A_624 = arith.index_cast %get3A_622 : i32 to index
      %get3A_625 = arith.index_cast %get3A_623 : i32 to index
      %get3A_626 = arith.constant 32 : index
      %get3A_627 = tpu.vector_load %arg7[%get3A_624, %get3A_625, %get3A_626] {strides = array<i32>} : memref<2x2x128xi32, #tpu.memory_space<vmem>>, vector<16xi32>,
      %get3A_628 = arith.constant 0 : i32
      %get3A_629 = arith.constant 0 : i32
      %get3A_630 = arith.index_cast %get3A_628 : i32 to index
      %get3A_631 = arith.index_cast %get3A_629 : i32 to index
      %get3A_632 = arith.constant 48 : index
      %get3A_633 = tpu.vector_load %arg7[%get3A_630, %get3A_631, %get3A_632] {strides = array<i32>} : memref<2x2x128xi32, #tpu.memory_space<vmem>>, vector<16xi32>,
      %get3A_634 = arith.constant 0 : i32
      %get3A_635 = arith.constant 0 : i32
      %get3A_636 = arith.index_cast %get3A_634 : i32 to index
      %get3A_637 = arith.index_cast %get3A_635 : i32 to index
      %get3A_638 = arith.constant 64 : index
      %get3A_639 = tpu.vector_load %arg7[%get3A_636, %get3A_637, %get3A_638] {strides = array<i32>} : memref<2x2x128xi32, #tpu.memory_space<vmem>>, vector<16xi32>,
      %get3A_640 = arith.constant 0 : i32
      %get3A_641 = arith.constant 0 : i32
      %get3A_642 = arith.index_cast %get3A_640 : i32 to index
      %get3A_643 = arith.index_cast %get3A_641 : i32 to index
      %get3A_644 = arith.constant 80 : index
      %get3A_645 = tpu.vector_load %arg7[%get3A_642, %get3A_643, %get3A_644] {strides = array<i32>} : memref<2x2x128xi32, #tpu.memory_space<vmem>>, vector<16xi32>,
      %get3A_646 = arith.constant 0 : i32
      %get3A_647 = arith.constant 0 : i32
      %get3A_648 = arith.index_cast %get3A_646 : i32 to index
      %get3A_649 = arith.index_cast %get3A_647 : i32 to index
      %get3A_650 = arith.constant 96 : index
      %get3A_651 = tpu.vector_load %arg7[%get3A_648, %get3A_649, %get3A_650] {strides = array<i32>} : memref<2x2x128xi32, #tpu.memory_space<vmem>>, vector<16xi32>,
      %get3A_652 = arith.constant 0 : i32
      %get3A_653 = arith.constant 0 : i32
      %get3A_654 = arith.index_cast %get3A_652 : i32 to index
      %get3A_655 = arith.index_cast %get3A_653 : i32 to index
      %get3A_656 = arith.constant 112 : index
      %get3A_657 = tpu.vector_load %arg7[%get3A_654, %get3A_655, %get3A_656] {strides = array<i32>} : memref<2x2x128xi32, #tpu.memory_space<vmem>>, vector<16xi32>,
      %get3A_658 = arith.constant 0 : i32
      %get3A_659 = arith.constant 1 : i32
      %get3A_660 = arith.index_cast %get3A_658 : i32 to index
      %get3A_661 = arith.index_cast %get3A_659 : i32 to index
      %get3A_662 = arith.constant 0 : index
      %get3A_663 = tpu.vector_load %arg7[%get3A_660, %get3A_661, %get3A_662] {strides = array<i32>} : memref<2x2x128xi32, #tpu.memory_space<vmem>>, vector<16xi32>,
      %get3A_664 = arith.constant 0 : i32
      %get3A_665 = arith.constant 1 : i32
      %get3A_666 = arith.index_cast %get3A_664 : i32 to index
      %get3A_667 = arith.index_cast %get3A_665 : i32 to index
      %get3A_668 = arith.constant 16 : index
      %get3A_669 = tpu.vector_load %arg7[%get3A_666, %get3A_667, %get3A_668] {strides = array<i32>} : memref<2x2x128xi32, #tpu.memory_space<vmem>>, vector<16xi32>,
      %get3A_670 = arith.constant 0 : i32
      %get3A_671 = arith.constant 1 : i32
      %get3A_672 = arith.index_cast %get3A_670 : i32 to index
      %get3A_673 = arith.index_cast %get3A_671 : i32 to index
      %get3A_674 = arith.constant 32 : index
      %get3A_675 = tpu.vector_load %arg7[%get3A_672, %get3A_673, %get3A_674] {strides = array<i32>} : memref<2x2x128xi32, #tpu.memory_space<vmem>>, vector<16xi32>,
      %get3A_676 = arith.constant 0 : i32
      %get3A_677 = arith.constant 1 : i32
      %get3A_678 = arith.index_cast %get3A_676 : i32 to index
      %get3A_679 = arith.index_cast %get3A_677 : i32 to index
      %get3A_680 = arith.constant 48 : index
      %get3A_681 = tpu.vector_load %arg7[%get3A_678, %get3A_679, %get3A_680] {strides = array<i32>} : memref<2x2x128xi32, #tpu.memory_space<vmem>>, vector<16xi32>,
      %get3A_682 = arith.constant 0 : i32
      %get3A_683 = arith.constant 1 : i32
      %get3A_684 = arith.index_cast %get3A_682 : i32 to index
      %get3A_685 = arith.index_cast %get3A_683 : i32 to index
      %get3A_686 = arith.constant 64 : index
      %get3A_687 = tpu.vector_load %arg7[%get3A_684, %get3A_685, %get3A_686] {strides = array<i32>} : memref<2x2x128xi32, #tpu.memory_space<vmem>>, vector<16xi32>,
      %get3A_688 = arith.constant 0 : i32
      %get3A_689 = arith.constant 1 : i32
      %get3A_690 = arith.index_cast %get3A_688 : i32 to index
      %get3A_691 = arith.index_cast %get3A_689 : i32 to index
      %get3A_692 = arith.constant 80 : index
      %get3A_693 = tpu.vector_load %arg7[%get3A_690, %get3A_691, %get3A_692] {strides = array<i32>} : memref<2x2x128xi32, #tpu.memory_space<vmem>>, vector<16xi32>,
      %get3A_694 = arith.constant 0 : i32
      %get3A_695 = arith.constant 1 : i32
      %get3A_696 = arith.index_cast %get3A_694 : i32 to index
      %get3A_697 = arith.index_cast %get3A_695 : i32 to index
      %get3A_698 = arith.constant 96 : index
      %get3A_699 = tpu.vector_load %arg7[%get3A_696, %get3A_697, %get3A_698] {strides = array<i32>} : memref<2x2x128xi32, #tpu.memory_space<vmem>>, vector<16xi32>,
      %get3A_700 = arith.constant 0 : i32
      %get3A_701 = arith.constant 1 : i32
      %get3A_702 = arith.index_cast %get3A_700 : i32 to index
      %get3A_703 = arith.index_cast %get3A_701 : i32 to index
      %get3A_704 = arith.constant 112 : index
      %get3A_705 = tpu.vector_load %arg7[%get3A_702, %get3A_703, %get3A_704] {strides = array<i32>} : memref<2x2x128xi32, #tpu.memory_space<vmem>>, vector<16xi32>,
      %scan3A_706 = arith.constant 0 : i32
      %scan3A_707 = arith.constant 16 : i32
      %scan3A_708 = arith.addi %scan3A_706, %scan3A_707 : i32
      %scan3A_709 = arith.constant 1 : i32
      scf.for %scan3A_909 = %scan3A_706 to %scan3A_708 step %scan3A_709  : i32 {
        %add3A_910 = vector.broadcast %scan3A_909 : i32 to vector<16xi32>
        %add3A_911 = arith.addi %iota3A, %add3A_910 : vector<16xi32>
        %and3A_912 = arith.constant 15 : i32
        %and3A_913 = vector.broadcast %and3A_912 : i32 to vector<16xi32>
        %and3A_914 = arith.andi %add3A_911, %and3A_913 : vector<16xi32>
        %add3A_915 = arith.constant 0 : i32
        %add3A_916 = vector.broadcast %add3A_915 : i32 to vector<16xi32>
        %add3A_917 = arith.addi %add3A_916, %iota3A : vector<16xi32>
        %add3A_918 = arith.constant 0 : i32
        %add3A_919 = vector.broadcast %add3A_918 : i32 to vector<16xi32>
        %add3A_920 = arith.addi %add3A_919, %and3A_914 : vector<16xi32>
        %add3A_921 = arith.addi %get3A_615, %add3A_920 : vector<16xi32>
        %gather3A = arith.constant 0 : i32
        %gather3A_922 = arith.constant 0 : i32
        %gather3A_923 = arith.constant 0 : i32
        %gather3A_924 = arith.constant 0 : i32
        %gather3A_925 = tpu.memref_slice %arg8[%gather3A, %gather3A_922, %gather3A_923, %gather3A_924] : memref<2x2x128x128xf32, #tpu.memory_space<vmem>> -> memref<1x1x128x128xf32, #tpu.memory_space<vmem>>
        %gather3A_926 = tpu.memref_squeeze %gather3A_925 : memref<1x1x128x128xf32, #tpu.memory_space<vmem>> -> memref<128x128xf32, #tpu.memory_space<vmem>>
        %gather3A_927 = tpu.vector_load_idx %gather3A_926[%add3A_917, %add3A_921] : memref<128x128xf32, #tpu.memory_space<vmem>>[vector<16xi32>, vector<16xi32>], vector<16xf32>,
        %scatter3A = arith.constant 0 : i32
        %scatter3A_928 = arith.constant 0 : i32
        %scatter3A_929 = arith.constant 0 : i32
        %scatter3A_930 = arith.constant 0 : i32
        %scatter3A_931 = tpu.memref_slice %arg9[%scatter3A, %scatter3A_928, %scatter3A_929, %scatter3A_930] : memref<2x2x32x128xf32, #tpu.memory_space<vmem>> -> memref<1x1x32x128xf32, #tpu.memory_space<vmem>>
        %scatter3A_932 = tpu.memref_squeeze %scatter3A_931 : memref<1x1x32x128xf32, #tpu.memory_space<vmem>> -> memref<32x128xf32, #tpu.memory_space<vmem>>
        tpu.vector_store_idx %scatter3A_932[%add3A_920, %add3A_917], %gather3A_927 : memref<32x128xf32, #tpu.memory_space<vmem>>[vector<16xi32>, vector<16xi32>], vector<16xf32>,
        %add3A_933 = arith.constant 16 : i32
        %add3A_934 = vector.broadcast %add3A_933 : i32 to vector<16xi32>
        %add3A_935 = arith.addi %add3A_934, %and3A_914 : vector<16xi32>
        %add3A_936 = arith.addi %get3A_615, %add3A_935 : vector<16xi32>
        %gather3A_937 = arith.constant 0 : i32
        %gather3A_938 = arith.constant 0 : i32
        %gather3A_939 = arith.constant 0 : i32
        %gather3A_940 = arith.constant 0 : i32
        %gather3A_941 = tpu.memref_slice %arg8[%gather3A_937, %gather3A_938, %gather3A_939, %gather3A_940] : memref<2x2x128x128xf32, #tpu.memory_space<vmem>> -> memref<1x1x128x128xf32, #tpu.memory_space<vmem>>
        %gather3A_942 = tpu.memref_squeeze %gather3A_941 : memref<1x1x128x128xf32, #tpu.memory_space<vmem>> -> memref<128x128xf32, #tpu.memory_space<vmem>>
        %gather3A_943 = tpu.vector_load_idx %gather3A_942[%add3A_917, %add3A_936] : memref<128x128xf32, #tpu.memory_space<vmem>>[vector<16xi32>, vector<16xi32>], vector<16xf32>,
        %scatter3A_944 = arith.constant 0 : i32
        %scatter3A_945 = arith.constant 0 : i32
        %scatter3A_946 = arith.constant 0 : i32
        %scatter3A_947 = arith.constant 0 : i32
        %scatter3A_948 = tpu.memref_slice %arg9[%scatter3A_944, %scatter3A_945, %scatter3A_946, %scatter3A_947] : memref<2x2x32x128xf32, #tpu.memory_space<vmem>> -> memref<1x1x32x128xf32, #tpu.memory_space<vmem>>
        %scatter3A_949 = tpu.memref_squeeze %scatter3A_948 : memref<1x1x32x128xf32, #tpu.memory_space<vmem>> -> memref<32x128xf32, #tpu.memory_space<vmem>>
        tpu.vector_store_idx %scatter3A_949[%add3A_935, %add3A_917], %gather3A_943 : memref<32x128xf32, #tpu.memory_space<vmem>>[vector<16xi32>, vector<16xi32>], vector<16xf32>,
        %add3A_950 = arith.constant 16 : i32
        %add3A_951 = vector.broadcast %add3A_950 : i32 to vector<16xi32>
        %add3A_952 = arith.addi %add3A_951, %iota3A : vector<16xi32>
        %add3A_953 = arith.constant 0 : i32
        %add3A_954 = vector.broadcast %add3A_953 : i32 to vector<16xi32>
        %add3A_955 = arith.addi %add3A_954, %and3A_914 : vector<16xi32>
        %add3A_956 = arith.addi %get3A_621, %add3A_955 : vector<16xi32>
        %gather3A_957 = arith.constant 0 : i32
        %gather3A_958 = arith.constant 0 : i32
        %gather3A_959 = arith.constant 0 : i32
        %gather3A_960 = arith.constant 0 : i32
        %gather3A_961 = tpu.memref_slice %arg8[%gather3A_957, %gather3A_958, %gather3A_959, %gather3A_960] : memref<2x2x128x128xf32, #tpu.memory_space<vmem>> -> memref<1x1x128x128xf32, #tpu.memory_space<vmem>>
        %gather3A_962 = tpu.memref_squeeze %gather3A_961 : memref<1x1x128x128xf32, #tpu.memory_space<vmem>> -> memref<128x128xf32, #tpu.memory_space<vmem>>
        %gather3A_963 = tpu.vector_load_idx %gather3A_962[%add3A_952, %add3A_956] : memref<128x128xf32, #tpu.memory_space<vmem>>[vector<16xi32>, vector<16xi32>], vector<16xf32>,
        %scatter3A_964 = arith.constant 0 : i32
        %scatter3A_965 = arith.constant 0 : i32
        %scatter3A_966 = arith.constant 0 : i32
        %scatter3A_967 = arith.constant 0 : i32
        %scatter3A_968 = tpu.memref_slice %arg9[%scatter3A_964, %scatter3A_965, %scatter3A_966, %scatter3A_967] : memref<2x2x32x128xf32, #tpu.memory_space<vmem>> -> memref<1x1x32x128xf32, #tpu.memory_space<vmem>>
        %scatter3A_969 = tpu.memref_squeeze %scatter3A_968 : memref<1x1x32x128xf32, #tpu.memory_space<vmem>> -> memref<32x128xf32, #tpu.memory_space<vmem>>
        tpu.vector_store_idx %scatter3A_969[%add3A_955, %add3A_952], %gather3A_963 : memref<32x128xf32, #tpu.memory_space<vmem>>[vector<16xi32>, vector<16xi32>], vector<16xf32>,
        %add3A_970 = arith.constant 16 : i32
        %add3A_971 = vector.broadcast %add3A_970 : i32 to vector<16xi32>
        %add3A_972 = arith.addi %add3A_971, %and3A_914 : vector<16xi32>
        %add3A_973 = arith.addi %get3A_621, %add3A_972 : vector<16xi32>
        %gather3A_974 = arith.constant 0 : i32
        %gather3A_975 = arith.constant 0 : i32
        %gather3A_976 = arith.constant 0 : i32
        %gather3A_977 = arith.constant 0 : i32
        %gather3A_978 = tpu.memref_slice %arg8[%gather3A_974, %gather3A_975, %gather3A_976, %gather3A_977] : memref<2x2x128x128xf32, #tpu.memory_space<vmem>> -> memref<1x1x128x128xf32, #tpu.memory_space<vmem>>
        %gather3A_979 = tpu.memref_squeeze %gather3A_978 : memref<1x1x128x128xf32, #tpu.memory_space<vmem>> -> memref<128x128xf32, #tpu.memory_space<vmem>>
        %gather3A_980 = tpu.vector_load_idx %gather3A_979[%add3A_952, %add3A_973] : memref<128x128xf32, #tpu.memory_space<vmem>>[vector<16xi32>, vector<16xi32>], vector<16xf32>,
        %scatter3A_981 = arith.constant 0 : i32
        %scatter3A_982 = arith.constant 0 : i32
        %scatter3A_983 = arith.constant 0 : i32
        %scatter3A_984 = arith.constant 0 : i32
        %scatter3A_985 = tpu.memref_slice %arg9[%scatter3A_981, %scatter3A_982, %scatter3A_983, %scatter3A_984] : memref<2x2x32x128xf32, #tpu.memory_space<vmem>> -> memref<1x1x32x128xf32, #tpu.memory_space<vmem>>
        %scatter3A_986 = tpu.memref_squeeze %scatter3A_985 : memref<1x1x32x128xf32, #tpu.memory_space<vmem>> -> memref<32x128xf32, #tpu.memory_space<vmem>>
        tpu.vector_store_idx %scatter3A_986[%add3A_972, %add3A_952], %gather3A_980 : memref<32x128xf32, #tpu.memory_space<vmem>>[vector<16xi32>, vector<16xi32>], vector<16xf32>,
        %add3A_987 = arith.constant 32 : i32
        %add3A_988 = vector.broadcast %add3A_987 : i32 to vector<16xi32>
        %add3A_989 = arith.addi %add3A_988, %iota3A : vector<16xi32>
        %add3A_990 = arith.constant 0 : i32
        %add3A_991 = vector.broadcast %add3A_990 : i32 to vector<16xi32>
        %add3A_992 = arith.addi %add3A_991, %and3A_914 : vector<16xi32>
        %add3A_993 = arith.addi %get3A_627, %add3A_992 : vector<16xi32>
        %gather3A_994 = arith.constant 0 : i32
        %gather3A_995 = arith.constant 0 : i32
        %gather3A_996 = arith.constant 0 : i32
        %gather3A_997 = arith.constant 0 : i32
        %gather3A_998 = tpu.memref_slice %arg8[%gather3A_994, %gather3A_995, %gather3A_996, %gather3A_997] : memref<2x2x128x128xf32, #tpu.memory_space<vmem>> -> memref<1x1x128x128xf32, #tpu.memory_space<vmem>>
        %gather3A_999 = tpu.memref_squeeze %gather3A_998 : memref<1x1x128x128xf32, #tpu.memory_space<vmem>> -> memref<128x128xf32, #tpu.memory_space<vmem>>
        %gather3A_1000 = tpu.vector_load_idx %gather3A_999[%add3A_989, %add3A_993] : memref<128x128xf32, #tpu.memory_space<vmem>>[vector<16xi32>, vector<16xi32>], vector<16xf32>,
        %scatter3A_1001 = arith.constant 0 : i32
        %scatter3A_1002 = arith.constant 0 : i32
        %scatter3A_1003 = arith.constant 0 : i32
        %scatter3A_1004 = arith.constant 0 : i32
        %scatter3A_1005 = tpu.memref_slice %arg9[%scatter3A_1001, %scatter3A_1002, %scatter3A_1003, %scatter3A_1004] : memref<2x2x32x128xf32, #tpu.memory_space<vmem>> -> memref<1x1x32x128xf32, #tpu.memory_space<vmem>>
        %scatter3A_1006 = tpu.memref_squeeze %scatter3A_1005 : memref<1x1x32x128xf32, #tpu.memory_space<vmem>> -> memref<32x128xf32, #tpu.memory_space<vmem>>
        tpu.vector_store_idx %scatter3A_1006[%add3A_992, %add3A_989], %gather3A_1000 : memref<32x128xf32, #tpu.memory_space<vmem>>[vector<16xi32>, vector<16xi32>], vector<16xf32>,
        %add3A_1007 = arith.constant 16 : i32
        %add3A_1008 = vector.broadcast %add3A_1007 : i32 to vector<16xi32>
        %add3A_1009 = arith.addi %add3A_1008, %and3A_914 : vector<16xi32>
        %add3A_1010 = arith.addi %get3A_627, %add3A_1009 : vector<16xi32>
        %gather3A_1011 = arith.constant 0 : i32
        %gather3A_1012 = arith.constant 0 : i32
        %gather3A_1013 = arith.constant 0 : i32
        %gather3A_1014 = arith.constant 0 : i32
        %gather3A_1015 = tpu.memref_slice %arg8[%gather3A_1011, %gather3A_1012, %gather3A_1013, %gather3A_1014] : memref<2x2x128x128xf32, #tpu.memory_space<vmem>> -> memref<1x1x128x128xf32, #tpu.memory_space<vmem>>
        %gather3A_1016 = tpu.memref_squeeze %gather3A_1015 : memref<1x1x128x128xf32, #tpu.memory_space<vmem>> -> memref<128x128xf32, #tpu.memory_space<vmem>>
        %gather3A_1017 = tpu.vector_load_idx %gather3A_1016[%add3A_989, %add3A_1010] : memref<128x128xf32, #tpu.memory_space<vmem>>[vector<16xi32>, vector<16xi32>], vector<16xf32>,
        %scatter3A_1018 = arith.constant 0 : i32
        %scatter3A_1019 = arith.constant 0 : i32
        %scatter3A_1020 = arith.constant 0 : i32
        %scatter3A_1021 = arith.constant 0 : i32
        %scatter3A_1022 = tpu.memref_slice %arg9[%scatter3A_1018, %scatter3A_1019, %scatter3A_1020, %scatter3A_1021] : memref<2x2x32x128xf32, #tpu.memory_space<vmem>> -> memref<1x1x32x128xf32, #tpu.memory_space<vmem>>
        %scatter3A_1023 = tpu.memref_squeeze %scatter3A_1022 : memref<1x1x32x128xf32, #tpu.memory_space<vmem>> -> memref<32x128xf32, #tpu.memory_space<vmem>>
        tpu.vector_store_idx %scatter3A_1023[%add3A_1009, %add3A_989], %gather3A_1017 : memref<32x128xf32, #tpu.memory_space<vmem>>[vector<16xi32>, vector<16xi32>], vector<16xf32>,
        %add3A_1024 = arith.constant 48 : i32
        %add3A_1025 = vector.broadcast %add3A_1024 : i32 to vector<16xi32>
        %add3A_1026 = arith.addi %add3A_1025, %iota3A : vector<16xi32>
        %add3A_1027 = arith.constant 0 : i32
        %add3A_1028 = vector.broadcast %add3A_1027 : i32 to vector<16xi32>
        %add3A_1029 = arith.addi %add3A_1028, %and3A_914 : vector<16xi32>
        %add3A_1030 = arith.addi %get3A_633, %add3A_1029 : vector<16xi32>
        %gather3A_1031 = arith.constant 0 : i32
        %gather3A_1032 = arith.constant 0 : i32
        %gather3A_1033 = arith.constant 0 : i32
        %gather3A_1034 = arith.constant 0 : i32
        %gather3A_1035 = tpu.memref_slice %arg8[%gather3A_1031, %gather3A_1032, %gather3A_1033, %gather3A_1034] : memref<2x2x128x128xf32, #tpu.memory_space<vmem>> -> memref<1x1x128x128xf32, #tpu.memory_space<vmem>>
        %gather3A_1036 = tpu.memref_squeeze %gather3A_1035 : memref<1x1x128x128xf32, #tpu.memory_space<vmem>> -> memref<128x128xf32, #tpu.memory_space<vmem>>
        %gather3A_1037 = tpu.vector_load_idx %gather3A_1036[%add3A_1026, %add3A_1030] : memref<128x128xf32, #tpu.memory_space<vmem>>[vector<16xi32>, vector<16xi32>], vector<16xf32>,
        %scatter3A_1038 = arith.constant 0 : i32
        %scatter3A_1039 = arith.constant 0 : i32
        %scatter3A_1040 = arith.constant 0 : i32
        %scatter3A_1041 = arith.constant 0 : i32
        %scatter3A_1042 = tpu.memref_slice %arg9[%scatter3A_1038, %scatter3A_1039, %scatter3A_1040, %scatter3A_1041] : memref<2x2x32x128xf32, #tpu.memory_space<vmem>> -> memref<1x1x32x128xf32, #tpu.memory_space<vmem>>
        %scatter3A_1043 = tpu.memref_squeeze %scatter3A_1042 : memref<1x1x32x128xf32, #tpu.memory_space<vmem>> -> memref<32x128xf32, #tpu.memory_space<vmem>>
        tpu.vector_store_idx %scatter3A_1043[%add3A_1029, %add3A_1026], %gather3A_1037 : memref<32x128xf32, #tpu.memory_space<vmem>>[vector<16xi32>, vector<16xi32>], vector<16xf32>,
        %add3A_1044 = arith.constant 16 : i32
        %add3A_1045 = vector.broadcast %add3A_1044 : i32 to vector<16xi32>
        %add3A_1046 = arith.addi %add3A_1045, %and3A_914 : vector<16xi32>
        %add3A_1047 = arith.addi %get3A_633, %add3A_1046 : vector<16xi32>
        %gather3A_1048 = arith.constant 0 : i32
        %gather3A_1049 = arith.constant 0 : i32
        %gather3A_1050 = arith.constant 0 : i32
        %gather3A_1051 = arith.constant 0 : i32
        %gather3A_1052 = tpu.memref_slice %arg8[%gather3A_1048, %gather3A_1049, %gather3A_1050, %gather3A_1051] : memref<2x2x128x128xf32, #tpu.memory_space<vmem>> -> memref<1x1x128x128xf32, #tpu.memory_space<vmem>>
        %gather3A_1053 = tpu.memref_squeeze %gather3A_1052 : memref<1x1x128x128xf32, #tpu.memory_space<vmem>> -> memref<128x128xf32, #tpu.memory_space<vmem>>
        %gather3A_1054 = tpu.vector_load_idx %gather3A_1053[%add3A_1026, %add3A_1047] : memref<128x128xf32, #tpu.memory_space<vmem>>[vector<16xi32>, vector<16xi32>], vector<16xf32>,
        %scatter3A_1055 = arith.constant 0 : i32
        %scatter3A_1056 = arith.constant 0 : i32
        %scatter3A_1057 = arith.constant 0 : i32
        %scatter3A_1058 = arith.constant 0 : i32
        %scatter3A_1059 = tpu.memref_slice %arg9[%scatter3A_1055, %scatter3A_1056, %scatter3A_1057, %scatter3A_1058] : memref<2x2x32x128xf32, #tpu.memory_space<vmem>> -> memref<1x1x32x128xf32, #tpu.memory_space<vmem>>
        %scatter3A_1060 = tpu.memref_squeeze %scatter3A_1059 : memref<1x1x32x128xf32, #tpu.memory_space<vmem>> -> memref<32x128xf32, #tpu.memory_space<vmem>>
        tpu.vector_store_idx %scatter3A_1060[%add3A_1046, %add3A_1026], %gather3A_1054 : memref<32x128xf32, #tpu.memory_space<vmem>>[vector<16xi32>, vector<16xi32>], vector<16xf32>,
        %add3A_1061 = arith.constant 64 : i32
        %add3A_1062 = vector.broadcast %add3A_1061 : i32 to vector<16xi32>
        %add3A_1063 = arith.addi %add3A_1062, %iota3A : vector<16xi32>
        %add3A_1064 = arith.constant 0 : i32
        %add3A_1065 = vector.broadcast %add3A_1064 : i32 to vector<16xi32>
        %add3A_1066 = arith.addi %add3A_1065, %and3A_914 : vector<16xi32>
        %add3A_1067 = arith.addi %get3A_639, %add3A_1066 : vector<16xi32>
        %gather3A_1068 = arith.constant 0 : i32
        %gather3A_1069 = arith.constant 0 : i32
        %gather3A_1070 = arith.constant 0 : i32
        %gather3A_1071 = arith.constant 0 : i32
        %gather3A_1072 = tpu.memref_slice %arg8[%gather3A_1068, %gather3A_1069, %gather3A_1070, %gather3A_1071] : memref<2x2x128x128xf32, #tpu.memory_space<vmem>> -> memref<1x1x128x128xf32, #tpu.memory_space<vmem>>
        %gather3A_1073 = tpu.memref_squeeze %gather3A_1072 : memref<1x1x128x128xf32, #tpu.memory_space<vmem>> -> memref<128x128xf32, #tpu.memory_space<vmem>>
        %gather3A_1074 = tpu.vector_load_idx %gather3A_1073[%add3A_1063, %add3A_1067] : memref<128x128xf32, #tpu.memory_space<vmem>>[vector<16xi32>, vector<16xi32>], vector<16xf32>,
        %scatter3A_1075 = arith.constant 0 : i32
        %scatter3A_1076 = arith.constant 0 : i32
        %scatter3A_1077 = arith.constant 0 : i32
        %scatter3A_1078 = arith.constant 0 : i32
        %scatter3A_1079 = tpu.memref_slice %arg9[%scatter3A_1075, %scatter3A_1076, %scatter3A_1077, %scatter3A_1078] : memref<2x2x32x128xf32, #tpu.memory_space<vmem>> -> memref<1x1x32x128xf32, #tpu.memory_space<vmem>>
        %scatter3A_1080 = tpu.memref_squeeze %scatter3A_1079 : memref<1x1x32x128xf32, #tpu.memory_space<vmem>> -> memref<32x128xf32, #tpu.memory_space<vmem>>
        tpu.vector_store_idx %scatter3A_1080[%add3A_1066, %add3A_1063], %gather3A_1074 : memref<32x128xf32, #tpu.memory_space<vmem>>[vector<16xi32>, vector<16xi32>], vector<16xf32>,
        %add3A_1081 = arith.constant 16 : i32
        %add3A_1082 = vector.broadcast %add3A_1081 : i32 to vector<16xi32>
        %add3A_1083 = arith.addi %add3A_1082, %and3A_914 : vector<16xi32>
        %add3A_1084 = arith.addi %get3A_639, %add3A_1083 : vector<16xi32>
        %gather3A_1085 = arith.constant 0 : i32
        %gather3A_1086 = arith.constant 0 : i32
        %gather3A_1087 = arith.constant 0 : i32
        %gather3A_1088 = arith.constant 0 : i32
        %gather3A_1089 = tpu.memref_slice %arg8[%gather3A_1085, %gather3A_1086, %gather3A_1087, %gather3A_1088] : memref<2x2x128x128xf32, #tpu.memory_space<vmem>> -> memref<1x1x128x128xf32, #tpu.memory_space<vmem>>
        %gather3A_1090 = tpu.memref_squeeze %gather3A_1089 : memref<1x1x128x128xf32, #tpu.memory_space<vmem>> -> memref<128x128xf32, #tpu.memory_space<vmem>>
        %gather3A_1091 = tpu.vector_load_idx %gather3A_1090[%add3A_1063, %add3A_1084] : memref<128x128xf32, #tpu.memory_space<vmem>>[vector<16xi32>, vector<16xi32>], vector<16xf32>,
        %scatter3A_1092 = arith.constant 0 : i32
        %scatter3A_1093 = arith.constant 0 : i32
        %scatter3A_1094 = arith.constant 0 : i32
        %scatter3A_1095 = arith.constant 0 : i32
        %scatter3A_1096 = tpu.memref_slice %arg9[%scatter3A_1092, %scatter3A_1093, %scatter3A_1094, %scatter3A_1095] : memref<2x2x32x128xf32, #tpu.memory_space<vmem>> -> memref<1x1x32x128xf32, #tpu.memory_space<vmem>>
        %scatter3A_1097 = tpu.memref_squeeze %scatter3A_1096 : memref<1x1x32x128xf32, #tpu.memory_space<vmem>> -> memref<32x128xf32, #tpu.memory_space<vmem>>
        tpu.vector_store_idx %scatter3A_1097[%add3A_1083, %add3A_1063], %gather3A_1091 : memref<32x128xf32, #tpu.memory_space<vmem>>[vector<16xi32>, vector<16xi32>], vector<16xf32>,
        %add3A_1098 = arith.constant 80 : i32
        %add3A_1099 = vector.broadcast %add3A_1098 : i32 to vector<16xi32>
        %add3A_1100 = arith.addi %add3A_1099, %iota3A : vector<16xi32>
        %add3A_1101 = arith.constant 0 : i32
        %add3A_1102 = vector.broadcast %add3A_1101 : i32 to vector<16xi32>
        %add3A_1103 = arith.addi %add3A_1102, %and3A_914 : vector<16xi32>
        %add3A_1104 = arith.addi %get3A_645, %add3A_1103 : vector<16xi32>
        %gather3A_1105 = arith.constant 0 : i32
        %gather3A_1106 = arith.constant 0 : i32
        %gather3A_1107 = arith.constant 0 : i32
        %gather3A_1108 = arith.constant 0 : i32
        %gather3A_1109 = tpu.memref_slice %arg8[%gather3A_1105, %gather3A_1106, %gather3A_1107, %gather3A_1108] : memref<2x2x128x128xf32, #tpu.memory_space<vmem>> -> memref<1x1x128x128xf32, #tpu.memory_space<vmem>>
        %gather3A_1110 = tpu.memref_squeeze %gather3A_1109 : memref<1x1x128x128xf32, #tpu.memory_space<vmem>> -> memref<128x128xf32, #tpu.memory_space<vmem>>
        %gather3A_1111 = tpu.vector_load_idx %gather3A_1110[%add3A_1100, %add3A_1104] : memref<128x128xf32, #tpu.memory_space<vmem>>[vector<16xi32>, vector<16xi32>], vector<16xf32>,
        %scatter3A_1112 = arith.constant 0 : i32
        %scatter3A_1113 = arith.constant 0 : i32
        %scatter3A_1114 = arith.constant 0 : i32
        %scatter3A_1115 = arith.constant 0 : i32
        %scatter3A_1116 = tpu.memref_slice %arg9[%scatter3A_1112, %scatter3A_1113, %scatter3A_1114, %scatter3A_1115] : memref<2x2x32x128xf32, #tpu.memory_space<vmem>> -> memref<1x1x32x128xf32, #tpu.memory_space<vmem>>
        %scatter3A_1117 = tpu.memref_squeeze %scatter3A_1116 : memref<1x1x32x128xf32, #tpu.memory_space<vmem>> -> memref<32x128xf32, #tpu.memory_space<vmem>>
        tpu.vector_store_idx %scatter3A_1117[%add3A_1103, %add3A_1100], %gather3A_1111 : memref<32x128xf32, #tpu.memory_space<vmem>>[vector<16xi32>, vector<16xi32>], vector<16xf32>,
        %add3A_1118 = arith.constant 16 : i32
        %add3A_1119 = vector.broadcast %add3A_1118 : i32 to vector<16xi32>
        %add3A_1120 = arith.addi %add3A_1119, %and3A_914 : vector<16xi32>
        %add3A_1121 = arith.addi %get3A_645, %add3A_1120 : vector<16xi32>
        %gather3A_1122 = arith.constant 0 : i32
        %gather3A_1123 = arith.constant 0 : i32
        %gather3A_1124 = arith.constant 0 : i32
        %gather3A_1125 = arith.constant 0 : i32
        %gather3A_1126 = tpu.memref_slice %arg8[%gather3A_1122, %gather3A_1123, %gather3A_1124, %gather3A_1125] : memref<2x2x128x128xf32, #tpu.memory_space<vmem>> -> memref<1x1x128x128xf32, #tpu.memory_space<vmem>>
        %gather3A_1127 = tpu.memref_squeeze %gather3A_1126 : memref<1x1x128x128xf32, #tpu.memory_space<vmem>> -> memref<128x128xf32, #tpu.memory_space<vmem>>
        %gather3A_1128 = tpu.vector_load_idx %gather3A_1127[%add3A_1100, %add3A_1121] : memref<128x128xf32, #tpu.memory_space<vmem>>[vector<16xi32>, vector<16xi32>], vector<16xf32>,
        %scatter3A_1129 = arith.constant 0 : i32
        %scatter3A_1130 = arith.constant 0 : i32
        %scatter3A_1131 = arith.constant 0 : i32
        %scatter3A_1132 = arith.constant 0 : i32
        %scatter3A_1133 = tpu.memref_slice %arg9[%scatter3A_1129, %scatter3A_1130, %scatter3A_1131, %scatter3A_1132] : memref<2x2x32x128xf32, #tpu.memory_space<vmem>> -> memref<1x1x32x128xf32, #tpu.memory_space<vmem>>
        %scatter3A_1134 = tpu.memref_squeeze %scatter3A_1133 : memref<1x1x32x128xf32, #tpu.memory_space<vmem>> -> memref<32x128xf32, #tpu.memory_space<vmem>>
        tpu.vector_store_idx %scatter3A_1134[%add3A_1120, %add3A_1100], %gather3A_1128 : memref<32x128xf32, #tpu.memory_space<vmem>>[vector<16xi32>, vector<16xi32>], vector<16xf32>,
        %add3A_1135 = arith.constant 96 : i32
        %add3A_1136 = vector.broadcast %add3A_1135 : i32 to vector<16xi32>
        %add3A_1137 = arith.addi %add3A_1136, %iota3A : vector<16xi32>
        %add3A_1138 = arith.constant 0 : i32
        %add3A_1139 = vector.broadcast %add3A_1138 : i32 to vector<16xi32>
        %add3A_1140 = arith.addi %add3A_1139, %and3A_914 : vector<16xi32>
        %add3A_1141 = arith.addi %get3A_651, %add3A_1140 : vector<16xi32>
        %gather3A_1142 = arith.constant 0 : i32
        %gather3A_1143 = arith.constant 0 : i32
        %gather3A_1144 = arith.constant 0 : i32
        %gather3A_1145 = arith.constant 0 : i32
        %gather3A_1146 = tpu.memref_slice %arg8[%gather3A_1142, %gather3A_1143, %gather3A_1144, %gather3A_1145] : memref<2x2x128x128xf32, #tpu.memory_space<vmem>> -> memref<1x1x128x128xf32, #tpu.memory_space<vmem>>
        %gather3A_1147 = tpu.memref_squeeze %gather3A_1146 : memref<1x1x128x128xf32, #tpu.memory_space<vmem>> -> memref<128x128xf32, #tpu.memory_space<vmem>>
        %gather3A_1148 = tpu.vector_load_idx %gather3A_1147[%add3A_1137, %add3A_1141] : memref<128x128xf32, #tpu.memory_space<vmem>>[vector<16xi32>, vector<16xi32>], vector<16xf32>,
        %scatter3A_1149 = arith.constant 0 : i32
        %scatter3A_1150 = arith.constant 0 : i32
        %scatter3A_1151 = arith.constant 0 : i32
        %scatter3A_1152 = arith.constant 0 : i32
        %scatter3A_1153 = tpu.memref_slice %arg9[%scatter3A_1149, %scatter3A_1150, %scatter3A_1151, %scatter3A_1152] : memref<2x2x32x128xf32, #tpu.memory_space<vmem>> -> memref<1x1x32x128xf32, #tpu.memory_space<vmem>>
        %scatter3A_1154 = tpu.memref_squeeze %scatter3A_1153 : memref<1x1x32x128xf32, #tpu.memory_space<vmem>> -> memref<32x128xf32, #tpu.memory_space<vmem>>
        tpu.vector_store_idx %scatter3A_1154[%add3A_1140, %add3A_1137], %gather3A_1148 : memref<32x128xf32, #tpu.memory_space<vmem>>[vector<16xi32>, vector<16xi32>], vector<16xf32>,
        %add3A_1155 = arith.constant 16 : i32
        %add3A_1156 = vector.broadcast %add3A_1155 : i32 to vector<16xi32>
        %add3A_1157 = arith.addi %add3A_1156, %and3A_914 : vector<16xi32>
        %add3A_1158 = arith.addi %get3A_651, %add3A_1157 : vector<16xi32>
        %gather3A_1159 = arith.constant 0 : i32
        %gather3A_1160 = arith.constant 0 : i32
        %gather3A_1161 = arith.constant 0 : i32
        %gather3A_1162 = arith.constant 0 : i32
        %gather3A_1163 = tpu.memref_slice %arg8[%gather3A_1159, %gather3A_1160, %gather3A_1161, %gather3A_1162] : memref<2x2x128x128xf32, #tpu.memory_space<vmem>> -> memref<1x1x128x128xf32, #tpu.memory_space<vmem>>
        %gather3A_1164 = tpu.memref_squeeze %gather3A_1163 : memref<1x1x128x128xf32, #tpu.memory_space<vmem>> -> memref<128x128xf32, #tpu.memory_space<vmem>>
        %gather3A_1165 = tpu.vector_load_idx %gather3A_1164[%add3A_1137, %add3A_1158] : memref<128x128xf32, #tpu.memory_space<vmem>>[vector<16xi32>, vector<16xi32>], vector<16xf32>,
        %scatter3A_1166 = arith.constant 0 : i32
        %scatter3A_1167 = arith.constant 0 : i32
        %scatter3A_1168 = arith.constant 0 : i32
        %scatter3A_1169 = arith.constant 0 : i32
        %scatter3A_1170 = tpu.memref_slice %arg9[%scatter3A_1166, %scatter3A_1167, %scatter3A_1168, %scatter3A_1169] : memref<2x2x32x128xf32, #tpu.memory_space<vmem>> -> memref<1x1x32x128xf32, #tpu.memory_space<vmem>>
        %scatter3A_1171 = tpu.memref_squeeze %scatter3A_1170 : memref<1x1x32x128xf32, #tpu.memory_space<vmem>> -> memref<32x128xf32, #tpu.memory_space<vmem>>
        tpu.vector_store_idx %scatter3A_1171[%add3A_1157, %add3A_1137], %gather3A_1165 : memref<32x128xf32, #tpu.memory_space<vmem>>[vector<16xi32>, vector<16xi32>], vector<16xf32>,
        %add3A_1172 = arith.constant 112 : i32
        %add3A_1173 = vector.broadcast %add3A_1172 : i32 to vector<16xi32>
        %add3A_1174 = arith.addi %add3A_1173, %iota3A : vector<16xi32>
        %add3A_1175 = arith.constant 0 : i32
        %add3A_1176 = vector.broadcast %add3A_1175 : i32 to vector<16xi32>
        %add3A_1177 = arith.addi %add3A_1176, %and3A_914 : vector<16xi32>
        %add3A_1178 = arith.addi %get3A_657, %add3A_1177 : vector<16xi32>
        %gather3A_1179 = arith.constant 0 : i32
        %gather3A_1180 = arith.constant 0 : i32
        %gather3A_1181 = arith.constant 0 : i32
        %gather3A_1182 = arith.constant 0 : i32
        %gather3A_1183 = tpu.memref_slice %arg8[%gather3A_1179, %gather3A_1180, %gather3A_1181, %gather3A_1182] : memref<2x2x128x128xf32, #tpu.memory_space<vmem>> -> memref<1x1x128x128xf32, #tpu.memory_space<vmem>>
        %gather3A_1184 = tpu.memref_squeeze %gather3A_1183 : memref<1x1x128x128xf32, #tpu.memory_space<vmem>> -> memref<128x128xf32, #tpu.memory_space<vmem>>
        %gather3A_1185 = tpu.vector_load_idx %gather3A_1184[%add3A_1174, %add3A_1178] : memref<128x128xf32, #tpu.memory_space<vmem>>[vector<16xi32>, vector<16xi32>], vector<16xf32>,
        %scatter3A_1186 = arith.constant 0 : i32
        %scatter3A_1187 = arith.constant 0 : i32
        %scatter3A_1188 = arith.constant 0 : i32
        %scatter3A_1189 = arith.constant 0 : i32
        %scatter3A_1190 = tpu.memref_slice %arg9[%scatter3A_1186, %scatter3A_1187, %scatter3A_1188, %scatter3A_1189] : memref<2x2x32x128xf32, #tpu.memory_space<vmem>> -> memref<1x1x32x128xf32, #tpu.memory_space<vmem>>
        %scatter3A_1191 = tpu.memref_squeeze %scatter3A_1190 : memref<1x1x32x128xf32, #tpu.memory_space<vmem>> -> memref<32x128xf32, #tpu.memory_space<vmem>>
        tpu.vector_store_idx %scatter3A_1191[%add3A_1177, %add3A_1174], %gather3A_1185 : memref<32x128xf32, #tpu.memory_space<vmem>>[vector<16xi32>, vector<16xi32>], vector<16xf32>,
        %add3A_1192 = arith.constant 16 : i32
        %add3A_1193 = vector.broadcast %add3A_1192 : i32 to vector<16xi32>
        %add3A_1194 = arith.addi %add3A_1193, %and3A_914 : vector<16xi32>
        %add3A_1195 = arith.addi %get3A_657, %add3A_1194 : vector<16xi32>
        %gather3A_1196 = arith.constant 0 : i32
        %gather3A_1197 = arith.constant 0 : i32
        %gather3A_1198 = arith.constant 0 : i32
        %gather3A_1199 = arith.constant 0 : i32
        %gather3A_1200 = tpu.memref_slice %arg8[%gather3A_1196, %gather3A_1197, %gather3A_1198, %gather3A_1199] : memref<2x2x128x128xf32, #tpu.memory_space<vmem>> -> memref<1x1x128x128xf32, #tpu.memory_space<vmem>>
        %gather3A_1201 = tpu.memref_squeeze %gather3A_1200 : memref<1x1x128x128xf32, #tpu.memory_space<vmem>> -> memref<128x128xf32, #tpu.memory_space<vmem>>
        %gather3A_1202 = tpu.vector_load_idx %gather3A_1201[%add3A_1174, %add3A_1195] : memref<128x128xf32, #tpu.memory_space<vmem>>[vector<16xi32>, vector<16xi32>], vector<16xf32>,
        %scatter3A_1203 = arith.constant 0 : i32
        %scatter3A_1204 = arith.constant 0 : i32
        %scatter3A_1205 = arith.constant 0 : i32
        %scatter3A_1206 = arith.constant 0 : i32
        %scatter3A_1207 = tpu.memref_slice %arg9[%scatter3A_1203, %scatter3A_1204, %scatter3A_1205, %scatter3A_1206] : memref<2x2x32x128xf32, #tpu.memory_space<vmem>> -> memref<1x1x32x128xf32, #tpu.memory_space<vmem>>
        %scatter3A_1208 = tpu.memref_squeeze %scatter3A_1207 : memref<1x1x32x128xf32, #tpu.memory_space<vmem>> -> memref<32x128xf32, #tpu.memory_space<vmem>>
        tpu.vector_store_idx %scatter3A_1208[%add3A_1194, %add3A_1174], %gather3A_1202 : memref<32x128xf32, #tpu.memory_space<vmem>>[vector<16xi32>, vector<16xi32>], vector<16xf32>,
        %add3A_1209 = arith.constant 0 : i32
        %add3A_1210 = vector.broadcast %add3A_1209 : i32 to vector<16xi32>
        %add3A_1211 = arith.addi %add3A_1210, %iota3A : vector<16xi32>
        %add3A_1212 = arith.constant 0 : i32
        %add3A_1213 = vector.broadcast %add3A_1212 : i32 to vector<16xi32>
        %add3A_1214 = arith.addi %add3A_1213, %and3A_914 : vector<16xi32>
        %add3A_1215 = arith.addi %get3A_663, %add3A_1214 : vector<16xi32>
        %gather3A_1216 = arith.constant 0 : i32
        %gather3A_1217 = arith.constant 1 : i32
        %gather3A_1218 = arith.constant 0 : i32
        %gather3A_1219 = arith.constant 0 : i32
        %gather3A_1220 = tpu.memref_slice %arg8[%gather3A_1216, %gather3A_1217, %gather3A_1218, %gather3A_1219] : memref<2x2x128x128xf32, #tpu.memory_space<vmem>> -> memref<1x1x128x128xf32, #tpu.memory_space<vmem>>
        %gather3A_1221 = tpu.memref_squeeze %gather3A_1220 : memref<1x1x128x128xf32, #tpu.memory_space<vmem>> -> memref<128x128xf32, #tpu.memory_space<vmem>>
        %gather3A_1222 = tpu.vector_load_idx %gather3A_1221[%add3A_1211, %add3A_1215] : memref<128x128xf32, #tpu.memory_space<vmem>>[vector<16xi32>, vector<16xi32>], vector<16xf32>,
        %scatter3A_1223 = arith.constant 0 : i32
        %scatter3A_1224 = arith.constant 1 : i32
        %scatter3A_1225 = arith.constant 0 : i32
        %scatter3A_1226 = arith.constant 0 : i32
        %scatter3A_1227 = tpu.memref_slice %arg9[%scatter3A_1223, %scatter3A_1224, %scatter3A_1225, %scatter3A_1226] : memref<2x2x32x128xf32, #tpu.memory_space<vmem>> -> memref<1x1x32x128xf32, #tpu.memory_space<vmem>>
        %scatter3A_1228 = tpu.memref_squeeze %scatter3A_1227 : memref<1x1x32x128xf32, #tpu.memory_space<vmem>> -> memref<32x128xf32, #tpu.memory_space<vmem>>
        tpu.vector_store_idx %scatter3A_1228[%add3A_1214, %add3A_1211], %gather3A_1222 : memref<32x128xf32, #tpu.memory_space<vmem>>[vector<16xi32>, vector<16xi32>], vector<16xf32>,
        %add3A_1229 = arith.constant 16 : i32
        %add3A_1230 = vector.broadcast %add3A_1229 : i32 to vector<16xi32>
        %add3A_1231 = arith.addi %add3A_1230, %and3A_914 : vector<16xi32>
        %add3A_1232 = arith.addi %get3A_663, %add3A_1231 : vector<16xi32>
        %gather3A_1233 = arith.constant 0 : i32
        %gather3A_1234 = arith.constant 1 : i32
        %gather3A_1235 = arith.constant 0 : i32
        %gather3A_1236 = arith.constant 0 : i32
        %gather3A_1237 = tpu.memref_slice %arg8[%gather3A_1233, %gather3A_1234, %gather3A_1235, %gather3A_1236] : memref<2x2x128x128xf32, #tpu.memory_space<vmem>> -> memref<1x1x128x128xf32, #tpu.memory_space<vmem>>
        %gather3A_1238 = tpu.memref_squeeze %gather3A_1237 : memref<1x1x128x128xf32, #tpu.memory_space<vmem>> -> memref<128x128xf32, #tpu.memory_space<vmem>>
        %gather3A_1239 = tpu.vector_load_idx %gather3A_1238[%add3A_1211, %add3A_1232] : memref<128x128xf32, #tpu.memory_space<vmem>>[vector<16xi32>, vector<16xi32>], vector<16xf32>,
        %scatter3A_1240 = arith.constant 0 : i32
        %scatter3A_1241 = arith.constant 1 : i32
        %scatter3A_1242 = arith.constant 0 : i32
        %scatter3A_1243 = arith.constant 0 : i32
        %scatter3A_1244 = tpu.memref_slice %arg9[%scatter3A_1240, %scatter3A_1241, %scatter3A_1242, %scatter3A_1243] : memref<2x2x32x128xf32, #tpu.memory_space<vmem>> -> memref<1x1x32x128xf32, #tpu.memory_space<vmem>>
        %scatter3A_1245 = tpu.memref_squeeze %scatter3A_1244 : memref<1x1x32x128xf32, #tpu.memory_space<vmem>> -> memref<32x128xf32, #tpu.memory_space<vmem>>
        tpu.vector_store_idx %scatter3A_1245[%add3A_1231, %add3A_1211], %gather3A_1239 : memref<32x128xf32, #tpu.memory_space<vmem>>[vector<16xi32>, vector<16xi32>], vector<16xf32>,
        %add3A_1246 = arith.constant 16 : i32
        %add3A_1247 = vector.broadcast %add3A_1246 : i32 to vector<16xi32>
        %add3A_1248 = arith.addi %add3A_1247, %iota3A : vector<16xi32>
        %add3A_1249 = arith.constant 0 : i32
        %add3A_1250 = vector.broadcast %add3A_1249 : i32 to vector<16xi32>
        %add3A_1251 = arith.addi %add3A_1250, %and3A_914 : vector<16xi32>
        %add3A_1252 = arith.addi %get3A_669, %add3A_1251 : vector<16xi32>
        %gather3A_1253 = arith.constant 0 : i32
        %gather3A_1254 = arith.constant 1 : i32
        %gather3A_1255 = arith.constant 0 : i32
        %gather3A_1256 = arith.constant 0 : i32
        %gather3A_1257 = tpu.memref_slice %arg8[%gather3A_1253, %gather3A_1254, %gather3A_1255, %gather3A_1256] : memref<2x2x128x128xf32, #tpu.memory_space<vmem>> -> memref<1x1x128x128xf32, #tpu.memory_space<vmem>>
        %gather3A_1258 = tpu.memref_squeeze %gather3A_1257 : memref<1x1x128x128xf32, #tpu.memory_space<vmem>> -> memref<128x128xf32, #tpu.memory_space<vmem>>
        %gather3A_1259 = tpu.vector_load_idx %gather3A_1258[%add3A_1248, %add3A_1252] : memref<128x128xf32, #tpu.memory_space<vmem>>[vector<16xi32>, vector<16xi32>], vector<16xf32>,
        %scatter3A_1260 = arith.constant 0 : i32
        %scatter3A_1261 = arith.constant 1 : i32
        %scatter3A_1262 = arith.constant 0 : i32
        %scatter3A_1263 = arith.constant 0 : i32
        %scatter3A_1264 = tpu.memref_slice %arg9[%scatter3A_1260, %scatter3A_1261, %scatter3A_1262, %scatter3A_1263] : memref<2x2x32x128xf32, #tpu.memory_space<vmem>> -> memref<1x1x32x128xf32, #tpu.memory_space<vmem>>
        %scatter3A_1265 = tpu.memref_squeeze %scatter3A_1264 : memref<1x1x32x128xf32, #tpu.memory_space<vmem>> -> memref<32x128xf32, #tpu.memory_space<vmem>>
        tpu.vector_store_idx %scatter3A_1265[%add3A_1251, %add3A_1248], %gather3A_1259 : memref<32x128xf32, #tpu.memory_space<vmem>>[vector<16xi32>, vector<16xi32>], vector<16xf32>,
        %add3A_1266 = arith.constant 16 : i32
        %add3A_1267 = vector.broadcast %add3A_1266 : i32 to vector<16xi32>
        %add3A_1268 = arith.addi %add3A_1267, %and3A_914 : vector<16xi32>
        %add3A_1269 = arith.addi %get3A_669, %add3A_1268 : vector<16xi32>
        %gather3A_1270 = arith.constant 0 : i32
        %gather3A_1271 = arith.constant 1 : i32
        %gather3A_1272 = arith.constant 0 : i32
        %gather3A_1273 = arith.constant 0 : i32
        %gather3A_1274 = tpu.memref_slice %arg8[%gather3A_1270, %gather3A_1271, %gather3A_1272, %gather3A_1273] : memref<2x2x128x128xf32, #tpu.memory_space<vmem>> -> memref<1x1x128x128xf32, #tpu.memory_space<vmem>>
        %gather3A_1275 = tpu.memref_squeeze %gather3A_1274 : memref<1x1x128x128xf32, #tpu.memory_space<vmem>> -> memref<128x128xf32, #tpu.memory_space<vmem>>
        %gather3A_1276 = tpu.vector_load_idx %gather3A_1275[%add3A_1248, %add3A_1269] : memref<128x128xf32, #tpu.memory_space<vmem>>[vector<16xi32>, vector<16xi32>], vector<16xf32>,
        %scatter3A_1277 = arith.constant 0 : i32
        %scatter3A_1278 = arith.constant 1 : i32
        %scatter3A_1279 = arith.constant 0 : i32
        %scatter3A_1280 = arith.constant 0 : i32
        %scatter3A_1281 = tpu.memref_slice %arg9[%scatter3A_1277, %scatter3A_1278, %scatter3A_1279, %scatter3A_1280] : memref<2x2x32x128xf32, #tpu.memory_space<vmem>> -> memref<1x1x32x128xf32, #tpu.memory_space<vmem>>
        %scatter3A_1282 = tpu.memref_squeeze %scatter3A_1281 : memref<1x1x32x128xf32, #tpu.memory_space<vmem>> -> memref<32x128xf32, #tpu.memory_space<vmem>>
        tpu.vector_store_idx %scatter3A_1282[%add3A_1268, %add3A_1248], %gather3A_1276 : memref<32x128xf32, #tpu.memory_space<vmem>>[vector<16xi32>, vector<16xi32>], vector<16xf32>,
        %add3A_1283 = arith.constant 32 : i32
        %add3A_1284 = vector.broadcast %add3A_1283 : i32 to vector<16xi32>
        %add3A_1285 = arith.addi %add3A_1284, %iota3A : vector<16xi32>
        %add3A_1286 = arith.constant 0 : i32
        %add3A_1287 = vector.broadcast %add3A_1286 : i32 to vector<16xi32>
        %add3A_1288 = arith.addi %add3A_1287, %and3A_914 : vector<16xi32>
        %add3A_1289 = arith.addi %get3A_675, %add3A_1288 : vector<16xi32>
        %gather3A_1290 = arith.constant 0 : i32
        %gather3A_1291 = arith.constant 1 : i32
        %gather3A_1292 = arith.constant 0 : i32
        %gather3A_1293 = arith.constant 0 : i32
        %gather3A_1294 = tpu.memref_slice %arg8[%gather3A_1290, %gather3A_1291, %gather3A_1292, %gather3A_1293] : memref<2x2x128x128xf32, #tpu.memory_space<vmem>> -> memref<1x1x128x128xf32, #tpu.memory_space<vmem>>
        %gather3A_1295 = tpu.memref_squeeze %gather3A_1294 : memref<1x1x128x128xf32, #tpu.memory_space<vmem>> -> memref<128x128xf32, #tpu.memory_space<vmem>>
        %gather3A_1296 = tpu.vector_load_idx %gather3A_1295[%add3A_1285, %add3A_1289] : memref<128x128xf32, #tpu.memory_space<vmem>>[vector<16xi32>, vector<16xi32>], vector<16xf32>,
        %scatter3A_1297 = arith.constant 0 : i32
        %scatter3A_1298 = arith.constant 1 : i32
        %scatter3A_1299 = arith.constant 0 : i32
        %scatter3A_1300 = arith.constant 0 : i32
        %scatter3A_1301 = tpu.memref_slice %arg9[%scatter3A_1297, %scatter3A_1298, %scatter3A_1299, %scatter3A_1300] : memref<2x2x32x128xf32, #tpu.memory_space<vmem>> -> memref<1x1x32x128xf32, #tpu.memory_space<vmem>>
        %scatter3A_1302 = tpu.memref_squeeze %scatter3A_1301 : memref<1x1x32x128xf32, #tpu.memory_space<vmem>> -> memref<32x128xf32, #tpu.memory_space<vmem>>
        tpu.vector_store_idx %scatter3A_1302[%add3A_1288, %add3A_1285], %gather3A_1296 : memref<32x128xf32, #tpu.memory_space<vmem>>[vector<16xi32>, vector<16xi32>], vector<16xf32>,
        %add3A_1303 = arith.constant 16 : i32
        %add3A_1304 = vector.broadcast %add3A_1303 : i32 to vector<16xi32>
        %add3A_1305 = arith.addi %add3A_1304, %and3A_914 : vector<16xi32>
        %add3A_1306 = arith.addi %get3A_675, %add3A_1305 : vector<16xi32>
        %gather3A_1307 = arith.constant 0 : i32
        %gather3A_1308 = arith.constant 1 : i32
        %gather3A_1309 = arith.constant 0 : i32
        %gather3A_1310 = arith.constant 0 : i32
        %gather3A_1311 = tpu.memref_slice %arg8[%gather3A_1307, %gather3A_1308, %gather3A_1309, %gather3A_1310] : memref<2x2x128x128xf32, #tpu.memory_space<vmem>> -> memref<1x1x128x128xf32, #tpu.memory_space<vmem>>
        %gather3A_1312 = tpu.memref_squeeze %gather3A_1311 : memref<1x1x128x128xf32, #tpu.memory_space<vmem>> -> memref<128x128xf32, #tpu.memory_space<vmem>>
        %gather3A_1313 = tpu.vector_load_idx %gather3A_1312[%add3A_1285, %add3A_1306] : memref<128x128xf32, #tpu.memory_space<vmem>>[vector<16xi32>, vector<16xi32>], vector<16xf32>,
        %scatter3A_1314 = arith.constant 0 : i32
        %scatter3A_1315 = arith.constant 1 : i32
        %scatter3A_1316 = arith.constant 0 : i32
        %scatter3A_1317 = arith.constant 0 : i32
        %scatter3A_1318 = tpu.memref_slice %arg9[%scatter3A_1314, %scatter3A_1315, %scatter3A_1316, %scatter3A_1317] : memref<2x2x32x128xf32, #tpu.memory_space<vmem>> -> memref<1x1x32x128xf32, #tpu.memory_space<vmem>>
        %scatter3A_1319 = tpu.memref_squeeze %scatter3A_1318 : memref<1x1x32x128xf32, #tpu.memory_space<vmem>> -> memref<32x128xf32, #tpu.memory_space<vmem>>
        tpu.vector_store_idx %scatter3A_1319[%add3A_1305, %add3A_1285], %gather3A_1313 : memref<32x128xf32, #tpu.memory_space<vmem>>[vector<16xi32>, vector<16xi32>], vector<16xf32>,
        %add3A_1320 = arith.constant 48 : i32
        %add3A_1321 = vector.broadcast %add3A_1320 : i32 to vector<16xi32>
        %add3A_1322 = arith.addi %add3A_1321, %iota3A : vector<16xi32>
        %add3A_1323 = arith.constant 0 : i32
        %add3A_1324 = vector.broadcast %add3A_1323 : i32 to vector<16xi32>
        %add3A_1325 = arith.addi %add3A_1324, %and3A_914 : vector<16xi32>
        %add3A_1326 = arith.addi %get3A_681, %add3A_1325 : vector<16xi32>
        %gather3A_1327 = arith.constant 0 : i32
        %gather3A_1328 = arith.constant 1 : i32
        %gather3A_1329 = arith.constant 0 : i32
        %gather3A_1330 = arith.constant 0 : i32
        %gather3A_1331 = tpu.memref_slice %arg8[%gather3A_1327, %gather3A_1328, %gather3A_1329, %gather3A_1330] : memref<2x2x128x128xf32, #tpu.memory_space<vmem>> -> memref<1x1x128x128xf32, #tpu.memory_space<vmem>>
        %gather3A_1332 = tpu.memref_squeeze %gather3A_1331 : memref<1x1x128x128xf32, #tpu.memory_space<vmem>> -> memref<128x128xf32, #tpu.memory_space<vmem>>
        %gather3A_1333 = tpu.vector_load_idx %gather3A_1332[%add3A_1322, %add3A_1326] : memref<128x128xf32, #tpu.memory_space<vmem>>[vector<16xi32>, vector<16xi32>], vector<16xf32>,
        %scatter3A_1334 = arith.constant 0 : i32
        %scatter3A_1335 = arith.constant 1 : i32
        %scatter3A_1336 = arith.constant 0 : i32
        %scatter3A_1337 = arith.constant 0 : i32
        %scatter3A_1338 = tpu.memref_slice %arg9[%scatter3A_1334, %scatter3A_1335, %scatter3A_1336, %scatter3A_1337] : memref<2x2x32x128xf32, #tpu.memory_space<vmem>> -> memref<1x1x32x128xf32, #tpu.memory_space<vmem>>
        %scatter3A_1339 = tpu.memref_squeeze %scatter3A_1338 : memref<1x1x32x128xf32, #tpu.memory_space<vmem>> -> memref<32x128xf32, #tpu.memory_space<vmem>>
        tpu.vector_store_idx %scatter3A_1339[%add3A_1325, %add3A_1322], %gather3A_1333 : memref<32x128xf32, #tpu.memory_space<vmem>>[vector<16xi32>, vector<16xi32>], vector<16xf32>,
        %add3A_1340 = arith.constant 16 : i32
        %add3A_1341 = vector.broadcast %add3A_1340 : i32 to vector<16xi32>
        %add3A_1342 = arith.addi %add3A_1341, %and3A_914 : vector<16xi32>
        %add3A_1343 = arith.addi %get3A_681, %add3A_1342 : vector<16xi32>
        %gather3A_1344 = arith.constant 0 : i32
        %gather3A_1345 = arith.constant 1 : i32
        %gather3A_1346 = arith.constant 0 : i32
        %gather3A_1347 = arith.constant 0 : i32
        %gather3A_1348 = tpu.memref_slice %arg8[%gather3A_1344, %gather3A_1345, %gather3A_1346, %gather3A_1347] : memref<2x2x128x128xf32, #tpu.memory_space<vmem>> -> memref<1x1x128x128xf32, #tpu.memory_space<vmem>>
        %gather3A_1349 = tpu.memref_squeeze %gather3A_1348 : memref<1x1x128x128xf32, #tpu.memory_space<vmem>> -> memref<128x128xf32, #tpu.memory_space<vmem>>
        %gather3A_1350 = tpu.vector_load_idx %gather3A_1349[%add3A_1322, %add3A_1343] : memref<128x128xf32, #tpu.memory_space<vmem>>[vector<16xi32>, vector<16xi32>], vector<16xf32>,
        %scatter3A_1351 = arith.constant 0 : i32
        %scatter3A_1352 = arith.constant 1 : i32
        %scatter3A_1353 = arith.constant 0 : i32
        %scatter3A_1354 = arith.constant 0 : i32
        %scatter3A_1355 = tpu.memref_slice %arg9[%scatter3A_1351, %scatter3A_1352, %scatter3A_1353, %scatter3A_1354] : memref<2x2x32x128xf32, #tpu.memory_space<vmem>> -> memref<1x1x32x128xf32, #tpu.memory_space<vmem>>
        %scatter3A_1356 = tpu.memref_squeeze %scatter3A_1355 : memref<1x1x32x128xf32, #tpu.memory_space<vmem>> -> memref<32x128xf32, #tpu.memory_space<vmem>>
        tpu.vector_store_idx %scatter3A_1356[%add3A_1342, %add3A_1322], %gather3A_1350 : memref<32x128xf32, #tpu.memory_space<vmem>>[vector<16xi32>, vector<16xi32>], vector<16xf32>,
        %add3A_1357 = arith.constant 64 : i32
        %add3A_1358 = vector.broadcast %add3A_1357 : i32 to vector<16xi32>
        %add3A_1359 = arith.addi %add3A_1358, %iota3A : vector<16xi32>
        %add3A_1360 = arith.constant 0 : i32
        %add3A_1361 = vector.broadcast %add3A_1360 : i32 to vector<16xi32>
        %add3A_1362 = arith.addi %add3A_1361, %and3A_914 : vector<16xi32>
        %add3A_1363 = arith.addi %get3A_687, %add3A_1362 : vector<16xi32>
        %gather3A_1364 = arith.constant 0 : i32
        %gather3A_1365 = arith.constant 1 : i32
        %gather3A_1366 = arith.constant 0 : i32
        %gather3A_1367 = arith.constant 0 : i32
        %gather3A_1368 = tpu.memref_slice %arg8[%gather3A_1364, %gather3A_1365, %gather3A_1366, %gather3A_1367] : memref<2x2x128x128xf32, #tpu.memory_space<vmem>> -> memref<1x1x128x128xf32, #tpu.memory_space<vmem>>
        %gather3A_1369 = tpu.memref_squeeze %gather3A_1368 : memref<1x1x128x128xf32, #tpu.memory_space<vmem>> -> memref<128x128xf32, #tpu.memory_space<vmem>>
        %gather3A_1370 = tpu.vector_load_idx %gather3A_1369[%add3A_1359, %add3A_1363] : memref<128x128xf32, #tpu.memory_space<vmem>>[vector<16xi32>, vector<16xi32>], vector<16xf32>,
        %scatter3A_1371 = arith.constant 0 : i32
        %scatter3A_1372 = arith.constant 1 : i32
        %scatter3A_1373 = arith.constant 0 : i32
        %scatter3A_1374 = arith.constant 0 : i32
        %scatter3A_1375 = tpu.memref_slice %arg9[%scatter3A_1371, %scatter3A_1372, %scatter3A_1373, %scatter3A_1374] : memref<2x2x32x128xf32, #tpu.memory_space<vmem>> -> memref<1x1x32x128xf32, #tpu.memory_space<vmem>>
        %scatter3A_1376 = tpu.memref_squeeze %scatter3A_1375 : memref<1x1x32x128xf32, #tpu.memory_space<vmem>> -> memref<32x128xf32, #tpu.memory_space<vmem>>
        tpu.vector_store_idx %scatter3A_1376[%add3A_1362, %add3A_1359], %gather3A_1370 : memref<32x128xf32, #tpu.memory_space<vmem>>[vector<16xi32>, vector<16xi32>], vector<16xf32>,
        %add3A_1377 = arith.constant 16 : i32
        %add3A_1378 = vector.broadcast %add3A_1377 : i32 to vector<16xi32>
        %add3A_1379 = arith.addi %add3A_1378, %and3A_914 : vector<16xi32>
        %add3A_1380 = arith.addi %get3A_687, %add3A_1379 : vector<16xi32>
        %gather3A_1381 = arith.constant 0 : i32
        %gather3A_1382 = arith.constant 1 : i32
        %gather3A_1383 = arith.constant 0 : i32
        %gather3A_1384 = arith.constant 0 : i32
        %gather3A_1385 = tpu.memref_slice %arg8[%gather3A_1381, %gather3A_1382, %gather3A_1383, %gather3A_1384] : memref<2x2x128x128xf32, #tpu.memory_space<vmem>> -> memref<1x1x128x128xf32, #tpu.memory_space<vmem>>
        %gather3A_1386 = tpu.memref_squeeze %gather3A_1385 : memref<1x1x128x128xf32, #tpu.memory_space<vmem>> -> memref<128x128xf32, #tpu.memory_space<vmem>>
        %gather3A_1387 = tpu.vector_load_idx %gather3A_1386[%add3A_1359, %add3A_1380] : memref<128x128xf32, #tpu.memory_space<vmem>>[vector<16xi32>, vector<16xi32>], vector<16xf32>,
        %scatter3A_1388 = arith.constant 0 : i32
        %scatter3A_1389 = arith.constant 1 : i32
        %scatter3A_1390 = arith.constant 0 : i32
        %scatter3A_1391 = arith.constant 0 : i32
        %scatter3A_1392 = tpu.memref_slice %arg9[%scatter3A_1388, %scatter3A_1389, %scatter3A_1390, %scatter3A_1391] : memref<2x2x32x128xf32, #tpu.memory_space<vmem>> -> memref<1x1x32x128xf32, #tpu.memory_space<vmem>>
        %scatter3A_1393 = tpu.memref_squeeze %scatter3A_1392 : memref<1x1x32x128xf32, #tpu.memory_space<vmem>> -> memref<32x128xf32, #tpu.memory_space<vmem>>
        tpu.vector_store_idx %scatter3A_1393[%add3A_1379, %add3A_1359], %gather3A_1387 : memref<32x128xf32, #tpu.memory_space<vmem>>[vector<16xi32>, vector<16xi32>], vector<16xf32>,
        %add3A_1394 = arith.constant 80 : i32
        %add3A_1395 = vector.broadcast %add3A_1394 : i32 to vector<16xi32>
        %add3A_1396 = arith.addi %add3A_1395, %iota3A : vector<16xi32>
        %add3A_1397 = arith.constant 0 : i32
        %add3A_1398 = vector.broadcast %add3A_1397 : i32 to vector<16xi32>
        %add3A_1399 = arith.addi %add3A_1398, %and3A_914 : vector<16xi32>
        %add3A_1400 = arith.addi %get3A_693, %add3A_1399 : vector<16xi32>
        %gather3A_1401 = arith.constant 0 : i32
        %gather3A_1402 = arith.constant 1 : i32
        %gather3A_1403 = arith.constant 0 : i32
        %gather3A_1404 = arith.constant 0 : i32
        %gather3A_1405 = tpu.memref_slice %arg8[%gather3A_1401, %gather3A_1402, %gather3A_1403, %gather3A_1404] : memref<2x2x128x128xf32, #tpu.memory_space<vmem>> -> memref<1x1x128x128xf32, #tpu.memory_space<vmem>>
        %gather3A_1406 = tpu.memref_squeeze %gather3A_1405 : memref<1x1x128x128xf32, #tpu.memory_space<vmem>> -> memref<128x128xf32, #tpu.memory_space<vmem>>
        %gather3A_1407 = tpu.vector_load_idx %gather3A_1406[%add3A_1396, %add3A_1400] : memref<128x128xf32, #tpu.memory_space<vmem>>[vector<16xi32>, vector<16xi32>], vector<16xf32>,
        %scatter3A_1408 = arith.constant 0 : i32
        %scatter3A_1409 = arith.constant 1 : i32
        %scatter3A_1410 = arith.constant 0 : i32
        %scatter3A_1411 = arith.constant 0 : i32
        %scatter3A_1412 = tpu.memref_slice %arg9[%scatter3A_1408, %scatter3A_1409, %scatter3A_1410, %scatter3A_1411] : memref<2x2x32x128xf32, #tpu.memory_space<vmem>> -> memref<1x1x32x128xf32, #tpu.memory_space<vmem>>
        %scatter3A_1413 = tpu.memref_squeeze %scatter3A_1412 : memref<1x1x32x128xf32, #tpu.memory_space<vmem>> -> memref<32x128xf32, #tpu.memory_space<vmem>>
        tpu.vector_store_idx %scatter3A_1413[%add3A_1399, %add3A_1396], %gather3A_1407 : memref<32x128xf32, #tpu.memory_space<vmem>>[vector<16xi32>, vector<16xi32>], vector<16xf32>,
        %add3A_1414 = arith.constant 16 : i32
        %add3A_1415 = vector.broadcast %add3A_1414 : i32 to vector<16xi32>
        %add3A_1416 = arith.addi %add3A_1415, %and3A_914 : vector<16xi32>
        %add3A_1417 = arith.addi %get3A_693, %add3A_1416 : vector<16xi32>
        %gather3A_1418 = arith.constant 0 : i32
        %gather3A_1419 = arith.constant 1 : i32
        %gather3A_1420 = arith.constant 0 : i32
        %gather3A_1421 = arith.constant 0 : i32
        %gather3A_1422 = tpu.memref_slice %arg8[%gather3A_1418, %gather3A_1419, %gather3A_1420, %gather3A_1421] : memref<2x2x128x128xf32, #tpu.memory_space<vmem>> -> memref<1x1x128x128xf32, #tpu.memory_space<vmem>>
        %gather3A_1423 = tpu.memref_squeeze %gather3A_1422 : memref<1x1x128x128xf32, #tpu.memory_space<vmem>> -> memref<128x128xf32, #tpu.memory_space<vmem>>
        %gather3A_1424 = tpu.vector_load_idx %gather3A_1423[%add3A_1396, %add3A_1417] : memref<128x128xf32, #tpu.memory_space<vmem>>[vector<16xi32>, vector<16xi32>], vector<16xf32>,
        %scatter3A_1425 = arith.constant 0 : i32
        %scatter3A_1426 = arith.constant 1 : i32
        %scatter3A_1427 = arith.constant 0 : i32
        %scatter3A_1428 = arith.constant 0 : i32
        %scatter3A_1429 = tpu.memref_slice %arg9[%scatter3A_1425, %scatter3A_1426, %scatter3A_1427, %scatter3A_1428] : memref<2x2x32x128xf32, #tpu.memory_space<vmem>> -> memref<1x1x32x128xf32, #tpu.memory_space<vmem>>
        %scatter3A_1430 = tpu.memref_squeeze %scatter3A_1429 : memref<1x1x32x128xf32, #tpu.memory_space<vmem>> -> memref<32x128xf32, #tpu.memory_space<vmem>>
        tpu.vector_store_idx %scatter3A_1430[%add3A_1416, %add3A_1396], %gather3A_1424 : memref<32x128xf32, #tpu.memory_space<vmem>>[vector<16xi32>, vector<16xi32>], vector<16xf32>,
        %add3A_1431 = arith.constant 96 : i32
        %add3A_1432 = vector.broadcast %add3A_1431 : i32 to vector<16xi32>
        %add3A_1433 = arith.addi %add3A_1432, %iota3A : vector<16xi32>
        %add3A_1434 = arith.constant 0 : i32
        %add3A_1435 = vector.broadcast %add3A_1434 : i32 to vector<16xi32>
        %add3A_1436 = arith.addi %add3A_1435, %and3A_914 : vector<16xi32>
        %add3A_1437 = arith.addi %get3A_699, %add3A_1436 : vector<16xi32>
        %gather3A_1438 = arith.constant 0 : i32
        %gather3A_1439 = arith.constant 1 : i32
        %gather3A_1440 = arith.constant 0 : i32
        %gather3A_1441 = arith.constant 0 : i32
        %gather3A_1442 = tpu.memref_slice %arg8[%gather3A_1438, %gather3A_1439, %gather3A_1440, %gather3A_1441] : memref<2x2x128x128xf32, #tpu.memory_space<vmem>> -> memref<1x1x128x128xf32, #tpu.memory_space<vmem>>
        %gather3A_1443 = tpu.memref_squeeze %gather3A_1442 : memref<1x1x128x128xf32, #tpu.memory_space<vmem>> -> memref<128x128xf32, #tpu.memory_space<vmem>>
        %gather3A_1444 = tpu.vector_load_idx %gather3A_1443[%add3A_1433, %add3A_1437] : memref<128x128xf32, #tpu.memory_space<vmem>>[vector<16xi32>, vector<16xi32>], vector<16xf32>,
        %scatter3A_1445 = arith.constant 0 : i32
        %scatter3A_1446 = arith.constant 1 : i32
        %scatter3A_1447 = arith.constant 0 : i32
        %scatter3A_1448 = arith.constant 0 : i32
        %scatter3A_1449 = tpu.memref_slice %arg9[%scatter3A_1445, %scatter3A_1446, %scatter3A_1447, %scatter3A_1448] : memref<2x2x32x128xf32, #tpu.memory_space<vmem>> -> memref<1x1x32x128xf32, #tpu.memory_space<vmem>>
        %scatter3A_1450 = tpu.memref_squeeze %scatter3A_1449 : memref<1x1x32x128xf32, #tpu.memory_space<vmem>> -> memref<32x128xf32, #tpu.memory_space<vmem>>
        tpu.vector_store_idx %scatter3A_1450[%add3A_1436, %add3A_1433], %gather3A_1444 : memref<32x128xf32, #tpu.memory_space<vmem>>[vector<16xi32>, vector<16xi32>], vector<16xf32>,
        %add3A_1451 = arith.constant 16 : i32
        %add3A_1452 = vector.broadcast %add3A_1451 : i32 to vector<16xi32>
        %add3A_1453 = arith.addi %add3A_1452, %and3A_914 : vector<16xi32>
        %add3A_1454 = arith.addi %get3A_699, %add3A_1453 : vector<16xi32>
        %gather3A_1455 = arith.constant 0 : i32
        %gather3A_1456 = arith.constant 1 : i32
        %gather3A_1457 = arith.constant 0 : i32
        %gather3A_1458 = arith.constant 0 : i32
        %gather3A_1459 = tpu.memref_slice %arg8[%gather3A_1455, %gather3A_1456, %gather3A_1457, %gather3A_1458] : memref<2x2x128x128xf32, #tpu.memory_space<vmem>> -> memref<1x1x128x128xf32, #tpu.memory_space<vmem>>
        %gather3A_1460 = tpu.memref_squeeze %gather3A_1459 : memref<1x1x128x128xf32, #tpu.memory_space<vmem>> -> memref<128x128xf32, #tpu.memory_space<vmem>>
        %gather3A_1461 = tpu.vector_load_idx %gather3A_1460[%add3A_1433, %add3A_1454] : memref<128x128xf32, #tpu.memory_space<vmem>>[vector<16xi32>, vector<16xi32>], vector<16xf32>,
        %scatter3A_1462 = arith.constant 0 : i32
        %scatter3A_1463 = arith.constant 1 : i32
        %scatter3A_1464 = arith.constant 0 : i32
        %scatter3A_1465 = arith.constant 0 : i32
        %scatter3A_1466 = tpu.memref_slice %arg9[%scatter3A_1462, %scatter3A_1463, %scatter3A_1464, %scatter3A_1465] : memref<2x2x32x128xf32, #tpu.memory_space<vmem>> -> memref<1x1x32x128xf32, #tpu.memory_space<vmem>>
        %scatter3A_1467 = tpu.memref_squeeze %scatter3A_1466 : memref<1x1x32x128xf32, #tpu.memory_space<vmem>> -> memref<32x128xf32, #tpu.memory_space<vmem>>
        tpu.vector_store_idx %scatter3A_1467[%add3A_1453, %add3A_1433], %gather3A_1461 : memref<32x128xf32, #tpu.memory_space<vmem>>[vector<16xi32>, vector<16xi32>], vector<16xf32>,
        %add3A_1468 = arith.constant 112 : i32
        %add3A_1469 = vector.broadcast %add3A_1468 : i32 to vector<16xi32>
        %add3A_1470 = arith.addi %add3A_1469, %iota3A : vector<16xi32>
        %add3A_1471 = arith.constant 0 : i32
        %add3A_1472 = vector.broadcast %add3A_1471 : i32 to vector<16xi32>
        %add3A_1473 = arith.addi %add3A_1472, %and3A_914 : vector<16xi32>
        %add3A_1474 = arith.addi %get3A_705, %add3A_1473 : vector<16xi32>
        %gather3A_1475 = arith.constant 0 : i32
        %gather3A_1476 = arith.constant 1 : i32
        %gather3A_1477 = arith.constant 0 : i32
        %gather3A_1478 = arith.constant 0 : i32
        %gather3A_1479 = tpu.memref_slice %arg8[%gather3A_1475, %gather3A_1476, %gather3A_1477, %gather3A_1478] : memref<2x2x128x128xf32, #tpu.memory_space<vmem>> -> memref<1x1x128x128xf32, #tpu.memory_space<vmem>>
        %gather3A_1480 = tpu.memref_squeeze %gather3A_1479 : memref<1x1x128x128xf32, #tpu.memory_space<vmem>> -> memref<128x128xf32, #tpu.memory_space<vmem>>
        %gather3A_1481 = tpu.vector_load_idx %gather3A_1480[%add3A_1470, %add3A_1474] : memref<128x128xf32, #tpu.memory_space<vmem>>[vector<16xi32>, vector<16xi32>], vector<16xf32>,
        %scatter3A_1482 = arith.constant 0 : i32
        %scatter3A_1483 = arith.constant 1 : i32
        %scatter3A_1484 = arith.constant 0 : i32
        %scatter3A_1485 = arith.constant 0 : i32
        %scatter3A_1486 = tpu.memref_slice %arg9[%scatter3A_1482, %scatter3A_1483, %scatter3A_1484, %scatter3A_1485] : memref<2x2x32x128xf32, #tpu.memory_space<vmem>> -> memref<1x1x32x128xf32, #tpu.memory_space<vmem>>
        %scatter3A_1487 = tpu.memref_squeeze %scatter3A_1486 : memref<1x1x32x128xf32, #tpu.memory_space<vmem>> -> memref<32x128xf32, #tpu.memory_space<vmem>>
        tpu.vector_store_idx %scatter3A_1487[%add3A_1473, %add3A_1470], %gather3A_1481 : memref<32x128xf32, #tpu.memory_space<vmem>>[vector<16xi32>, vector<16xi32>], vector<16xf32>,
        %add3A_1488 = arith.constant 16 : i32
        %add3A_1489 = vector.broadcast %add3A_1488 : i32 to vector<16xi32>
        %add3A_1490 = arith.addi %add3A_1489, %and3A_914 : vector<16xi32>
        %add3A_1491 = arith.addi %get3A_705, %add3A_1490 : vector<16xi32>
        %gather3A_1492 = arith.constant 0 : i32
        %gather3A_1493 = arith.constant 1 : i32
        %gather3A_1494 = arith.constant 0 : i32
        %gather3A_1495 = arith.constant 0 : i32
        %gather3A_1496 = tpu.memref_slice %arg8[%gather3A_1492, %gather3A_1493, %gather3A_1494, %gather3A_1495] : memref<2x2x128x128xf32, #tpu.memory_space<vmem>> -> memref<1x1x128x128xf32, #tpu.memory_space<vmem>>
        %gather3A_1497 = tpu.memref_squeeze %gather3A_1496 : memref<1x1x128x128xf32, #tpu.memory_space<vmem>> -> memref<128x128xf32, #tpu.memory_space<vmem>>
        %gather3A_1498 = tpu.vector_load_idx %gather3A_1497[%add3A_1470, %add3A_1491] : memref<128x128xf32, #tpu.memory_space<vmem>>[vector<16xi32>, vector<16xi32>], vector<16xf32>,
        %scatter3A_1499 = arith.constant 0 : i32
        %scatter3A_1500 = arith.constant 1 : i32
        %scatter3A_1501 = arith.constant 0 : i32
        %scatter3A_1502 = arith.constant 0 : i32
        %scatter3A_1503 = tpu.memref_slice %arg9[%scatter3A_1499, %scatter3A_1500, %scatter3A_1501, %scatter3A_1502] : memref<2x2x32x128xf32, #tpu.memory_space<vmem>> -> memref<1x1x32x128xf32, #tpu.memory_space<vmem>>
        %scatter3A_1504 = tpu.memref_squeeze %scatter3A_1503 : memref<1x1x32x128xf32, #tpu.memory_space<vmem>> -> memref<32x128xf32, #tpu.memory_space<vmem>>
        tpu.vector_store_idx %scatter3A_1504[%add3A_1490, %add3A_1470], %gather3A_1498 : memref<32x128xf32, #tpu.memory_space<vmem>>[vector<16xi32>, vector<16xi32>], vector<16xf32>,
      }
      %scan3A_710 = arith.constant 16 : i32
      %mul3A_711 = arith.constant 2 : i32
      %mul3A_712 = arith.muli %add3A_560, %mul3A_711 : i32
      %dma_start3A_713 = arith.constant 0 : i32
      %dma_start3A_714 = arith.constant 0 : i32
      %dma_start3A_715 = arith.constant 0 : i32
      %dma_start3A_716 = arith.constant 0 : i32
      %dma_start3A_717 = arith.constant 0 : i32
      %dma_start3A_718 = tpu.memref_slice %arg9[%dma_start3A_713, %dma_start3A_715, %dma_start3A_716, %dma_start3A_717] : memref<2x2x32x128xf32, #tpu.memory_space<vmem>> -> memref<1x2x32x128xf32, #tpu.memory_space<vmem>>
      %dma_start3A_719 = tpu.memref_squeeze %dma_start3A_718 : memref<1x2x32x128xf32, #tpu.memory_space<vmem>> -> memref<2x32x128xf32, #tpu.memory_space<vmem>>
      %dma_start3A_720 = arith.constant 0 : i32
      %dma_start3A_721 = tpu.memref_slice %arg4[%mul3A_712, %dma_start3A_720, %mul3A_2] : memref<200x32x4096xf32, #tpu.memory_space<hbm>> -> memref<2x32x128xf32, #tpu.memory_space<hbm>>
      %dma_start3A_722 = tpu.memref_slice %arg12[%dma_start3A_714] : memref<2x!tpu.dma_semaphore, #tpu.memory_space<semaphore_mem>> -> memref<1x!tpu.dma_semaphore, #tpu.memory_space<semaphore_mem>>
      %dma_start3A_723 = tpu.memref_squeeze %dma_start3A_722 : memref<1x!tpu.dma_semaphore, #tpu.memory_space<semaphore_mem>> -> memref<!tpu.dma_semaphore, #tpu.memory_space<semaphore_mem>>
      %dma_start3A_724 = arith.constant 0 : i32
      %dma_start3A_725 = tpu.memref_slice %arg4[%mul3A_712, %dma_start3A_724, %mul3A_2] : memref<200x32x4096xf32, #tpu.memory_space<hbm>> -> memref<2x32x128xf32, #tpu.memory_space<hbm>>
      %dma_start3A_726 = arith.constant 0 : i32
      %dma_start3A_727 = arith.constant 0 : i32
      %dma_start3A_728 = arith.constant 0 : i32
      %dma_start3A_729 = tpu.memref_slice %arg9[%dma_start3A_713, %dma_start3A_726, %dma_start3A_727, %dma_start3A_728] : memref<2x2x32x128xf32, #tpu.memory_space<vmem>> -> memref<1x2x32x128xf32, #tpu.memory_space<vmem>>
      %dma_start3A_730 = tpu.memref_squeeze %dma_start3A_729 : memref<1x2x32x128xf32, #tpu.memory_space<vmem>> -> memref<2x32x128xf32, #tpu.memory_space<vmem>>
      tpu.enqueue_dma source(%dma_start3A_730 : memref<2x32x128xf32, #tpu.memory_space<vmem>>) target(%dma_start3A_725 : memref<2x32x128xf32, #tpu.memory_space<hbm>>) target_semaphore(%dma_start3A_723 : memref<!tpu.dma_semaphore, #tpu.memory_space<semaphore_mem>>)
      %mul3A_731 = arith.constant 2 : i32
      %mul3A_732 = arith.muli %mul3A_731, %scan3A_556 : i32
      %add3A_733 = arith.constant 1 : i32
      %add3A_734 = arith.addi %mul3A_732, %add3A_733 : i32
      %add3A_735 = arith.constant 1 : i32
      %add3A_736 = arith.addi %add3A_734, %add3A_735 : i32
      %lt3A_737 = arith.constant 100 : i32
      %lt3A_738 = arith.cmpi slt, %add3A_736, %lt3A_737 : i32
      %convert_element_type3A_739 = arith.extui %lt3A_738 : i1 to i32
      %cond3A_740 = arith.constant 0 : i32
      %cond3A_741 = arith.cmpi ne, %convert_element_type3A_739, %cond3A_740 : i32
      scf.if %cond3A_741 {
        %add3A_909 = arith.constant 1 : i32
        %add3A_910 = arith.addi %add3A_734, %add3A_909 : i32
        %mul3A_911 = arith.constant 2 : i32
        %mul3A_912 = arith.muli %add3A_910, %mul3A_911 : i32
        %dma_wait3A_913 = arith.constant 0 : i32
        %dma_wait3A_914 = arith.constant 0 : i32
        %dma_wait3A_915 = arith.constant 0 : i32
        %dma_wait3A_916 = arith.constant 0 : i32
        %dma_wait3A_917 = tpu.memref_slice %arg5[%dma_wait3A_913, %dma_wait3A_915, %dma_wait3A_916] : memref<2x2x128xi32, #tpu.memory_space<vmem>> -> memref<1x2x128xi32, #tpu.memory_space<vmem>>
        %dma_wait3A_918 = tpu.memref_squeeze %dma_wait3A_917 : memref<1x2x128xi32, #tpu.memory_space<vmem>> -> memref<2x128xi32, #tpu.memory_space<vmem>>
        %dma_wait3A_919 = tpu.memref_slice %arg2[%mul3A_912, %mul3A_2] : memref<200x4096xi32, #tpu.memory_space<hbm>> -> memref<2x128xi32, #tpu.memory_space<hbm>>
        %dma_wait3A_920 = tpu.memref_slice %arg10[%dma_wait3A_914] : memref<2x!tpu.dma_semaphore, #tpu.memory_space<semaphore_mem>> -> memref<1x!tpu.dma_semaphore, #tpu.memory_space<semaphore_mem>>
        %dma_wait3A_921 = tpu.memref_squeeze %dma_wait3A_920 : memref<1x!tpu.dma_semaphore, #tpu.memory_space<semaphore_mem>> -> memref<!tpu.dma_semaphore, #tpu.memory_space<semaphore_mem>>
        %dma_wait3A_922 = arith.constant 0 : i32
        %dma_wait3A_923 = arith.constant 0 : i32
        %dma_wait3A_924 = tpu.memref_slice %arg5[%dma_wait3A_913, %dma_wait3A_922, %dma_wait3A_923] : memref<2x2x128xi32, #tpu.memory_space<vmem>> -> memref<1x2x128xi32, #tpu.memory_space<vmem>>
        %dma_wait3A_925 = tpu.memref_squeeze %dma_wait3A_924 : memref<1x2x128xi32, #tpu.memory_space<vmem>> -> memref<2x128xi32, #tpu.memory_space<vmem>>
        %dma_wait3A_926 = tpu.memref_slice %arg2[%mul3A_912, %mul3A_2] : memref<200x4096xi32, #tpu.memory_space<hbm>> -> memref<2x128xi32, #tpu.memory_space<hbm>>
        tpu.wait_dma2 semaphore(%dma_wait3A_921 : memref<!tpu.dma_semaphore, #tpu.memory_space<semaphore_mem>>) src(%dma_wait3A_926 : memref<2x128xi32, #tpu.memory_space<hbm>>) dst(%dma_wait3A_925 : memref<2x128xi32, #tpu.memory_space<vmem>>)
        %get3A_927 = arith.constant 0 : i32
        %get3A_928 = arith.constant 0 : i32
        %get3A_929 = arith.index_cast %get3A_927 : i32 to index
        %get3A_930 = arith.index_cast %get3A_928 : i32 to index
        %get3A_931 = arith.constant 0 : index
        %get3A_932 = tpu.vector_load %arg5[%get3A_929, %get3A_930, %get3A_931] {strides = array<i32>} : memref<2x2x128xi32, #tpu.memory_space<vmem>>, vector<16xi32>,
        %shift_right_arithmetic3A_933 = arith.constant 2 : i32
        %shift_right_arithmetic3A_934 = vector.broadcast %shift_right_arithmetic3A_933 : i32 to vector<16xi32>
        %shift_right_arithmetic3A_935 = arith.shrsi %get3A_932, %shift_right_arithmetic3A_934 : vector<16xi32>
        %swap3A_936 = arith.constant 0 : i32
        %swap3A_937 = arith.constant 0 : i32
        %swap3A_938 = arith.index_cast %swap3A_936 : i32 to index
        %swap3A_939 = arith.index_cast %swap3A_937 : i32 to index
        %swap3A_940 = arith.constant 0 : index
        %swap3A_941 = tpu.vector_load %arg6[%swap3A_938, %swap3A_939, %swap3A_940] {strides = array<i32>} : memref<2x2x128xi32, #tpu.memory_space<vmem>>, vector<16xi32>,
        tpu.vector_store %arg6[%swap3A_938, %swap3A_939, %swap3A_940], %shift_right_arithmetic3A_935 {strides = array<i32>} : memref<2x2x128xi32, #tpu.memory_space<vmem>>, vector<16xi32>,
        %and3A_942 = arith.constant 3 : i32
        %and3A_943 = vector.broadcast %and3A_942 : i32 to vector<16xi32>
        %and3A_944 = arith.andi %get3A_932, %and3A_943 : vector<16xi32>
        %mul3A_945 = arith.constant 32 : i32
        %mul3A_946 = vector.broadcast %mul3A_945 : i32 to vector<16xi32>
        %mul3A_947 = arith.muli %and3A_944, %mul3A_946 : vector<16xi32>
        %swap3A_948 = arith.constant 0 : i32
        %swap3A_949 = arith.constant 0 : i32
        %swap3A_950 = arith.index_cast %swap3A_948 : i32 to index
        %swap3A_951 = arith.index_cast %swap3A_949 : i32 to index
        %swap3A_952 = arith.constant 0 : index
        %swap3A_953 = tpu.vector_load %arg7[%swap3A_950, %swap3A_951, %swap3A_952] {strides = array<i32>} : memref<2x2x128xi32, #tpu.memory_space<vmem>>, vector<16xi32>,
        tpu.vector_store %arg7[%swap3A_950, %swap3A_951, %swap3A_952], %mul3A_947 {strides = array<i32>} : memref<2x2x128xi32, #tpu.memory_space<vmem>>, vector<16xi32>,
        %get3A_954 = arith.constant 0 : i32
        %get3A_955 = arith.constant 0 : i32
        %get3A_956 = arith.index_cast %get3A_954 : i32 to index
        %get3A_957 = arith.index_cast %get3A_955 : i32 to index
        %get3A_958 = arith.constant 16 : index
        %get3A_959 = tpu.vector_load %arg5[%get3A_956, %get3A_957, %get3A_958] {strides = array<i32>} : memref<2x2x128xi32, #tpu.memory_space<vmem>>, vector<16xi32>,
        %shift_right_arithmetic3A_960 = arith.constant 2 : i32
        %shift_right_arithmetic3A_961 = vector.broadcast %shift_right_arithmetic3A_960 : i32 to vector<16xi32>
        %shift_right_arithmetic3A_962 = arith.shrsi %get3A_959, %shift_right_arithmetic3A_961 : vector<16xi32>
        %swap3A_963 = arith.constant 0 : i32
        %swap3A_964 = arith.constant 0 : i32
        %swap3A_965 = arith.index_cast %swap3A_963 : i32 to index
        %swap3A_966 = arith.index_cast %swap3A_964 : i32 to index
        %swap3A_967 = arith.constant 16 : index
        %swap3A_968 = tpu.vector_load %arg6[%swap3A_965, %swap3A_966, %swap3A_967] {strides = array<i32>} : memref<2x2x128xi32, #tpu.memory_space<vmem>>, vector<16xi32>,
        tpu.vector_store %arg6[%swap3A_965, %swap3A_966, %swap3A_967], %shift_right_arithmetic3A_962 {strides = array<i32>} : memref<2x2x128xi32, #tpu.memory_space<vmem>>, vector<16xi32>,
        %and3A_969 = arith.constant 3 : i32
        %and3A_970 = vector.broadcast %and3A_969 : i32 to vector<16xi32>
        %and3A_971 = arith.andi %get3A_959, %and3A_970 : vector<16xi32>
        %mul3A_972 = arith.constant 32 : i32
        %mul3A_973 = vector.broadcast %mul3A_972 : i32 to vector<16xi32>
        %mul3A_974 = arith.muli %and3A_971, %mul3A_973 : vector<16xi32>
        %swap3A_975 = arith.constant 0 : i32
        %swap3A_976 = arith.constant 0 : i32
        %swap3A_977 = arith.index_cast %swap3A_975 : i32 to index
        %swap3A_978 = arith.index_cast %swap3A_976 : i32 to index
        %swap3A_979 = arith.constant 16 : index
        %swap3A_980 = tpu.vector_load %arg7[%swap3A_977, %swap3A_978, %swap3A_979] {strides = array<i32>} : memref<2x2x128xi32, #tpu.memory_space<vmem>>, vector<16xi32>,
        tpu.vector_store %arg7[%swap3A_977, %swap3A_978, %swap3A_979], %mul3A_974 {strides = array<i32>} : memref<2x2x128xi32, #tpu.memory_space<vmem>>, vector<16xi32>,
        %get3A_981 = arith.constant 0 : i32
        %get3A_982 = arith.constant 0 : i32
        %get3A_983 = arith.index_cast %get3A_981 : i32 to index
        %get3A_984 = arith.index_cast %get3A_982 : i32 to index
        %get3A_985 = arith.constant 32 : index
        %get3A_986 = tpu.vector_load %arg5[%get3A_983, %get3A_984, %get3A_985] {strides = array<i32>} : memref<2x2x128xi32, #tpu.memory_space<vmem>>, vector<16xi32>,
        %shift_right_arithmetic3A_987 = arith.constant 2 : i32
        %shift_right_arithmetic3A_988 = vector.broadcast %shift_right_arithmetic3A_987 : i32 to vector<16xi32>
        %shift_right_arithmetic3A_989 = arith.shrsi %get3A_986, %shift_right_arithmetic3A_988 : vector<16xi32>
        %swap3A_990 = arith.constant 0 : i32
        %swap3A_991 = arith.constant 0 : i32
        %swap3A_992 = arith.index_cast %swap3A_990 : i32 to index
        %swap3A_993 = arith.index_cast %swap3A_991 : i32 to index
        %swap3A_994 = arith.constant 32 : index
        %swap3A_995 = tpu.vector_load %arg6[%swap3A_992, %swap3A_993, %swap3A_994] {strides = array<i32>} : memref<2x2x128xi32, #tpu.memory_space<vmem>>, vector<16xi32>,
        tpu.vector_store %arg6[%swap3A_992, %swap3A_993, %swap3A_994], %shift_right_arithmetic3A_989 {strides = array<i32>} : memref<2x2x128xi32, #tpu.memory_space<vmem>>, vector<16xi32>,
        %and3A_996 = arith.constant 3 : i32
        %and3A_997 = vector.broadcast %and3A_996 : i32 to vector<16xi32>
        %and3A_998 = arith.andi %get3A_986, %and3A_997 : vector<16xi32>
        %mul3A_999 = arith.constant 32 : i32
        %mul3A_1000 = vector.broadcast %mul3A_999 : i32 to vector<16xi32>
        %mul3A_1001 = arith.muli %and3A_998, %mul3A_1000 : vector<16xi32>
        %swap3A_1002 = arith.constant 0 : i32
        %swap3A_1003 = arith.constant 0 : i32
        %swap3A_1004 = arith.index_cast %swap3A_1002 : i32 to index
        %swap3A_1005 = arith.index_cast %swap3A_1003 : i32 to index
        %swap3A_1006 = arith.constant 32 : index
        %swap3A_1007 = tpu.vector_load %arg7[%swap3A_1004, %swap3A_1005, %swap3A_1006] {strides = array<i32>} : memref<2x2x128xi32, #tpu.memory_space<vmem>>, vector<16xi32>,
        tpu.vector_store %arg7[%swap3A_1004, %swap3A_1005, %swap3A_1006], %mul3A_1001 {strides = array<i32>} : memref<2x2x128xi32, #tpu.memory_space<vmem>>, vector<16xi32>,
        %get3A_1008 = arith.constant 0 : i32
        %get3A_1009 = arith.constant 0 : i32
        %get3A_1010 = arith.index_cast %get3A_1008 : i32 to index
        %get3A_1011 = arith.index_cast %get3A_1009 : i32 to index
        %get3A_1012 = arith.constant 48 : index
        %get3A_1013 = tpu.vector_load %arg5[%get3A_1010, %get3A_1011, %get3A_1012] {strides = array<i32>} : memref<2x2x128xi32, #tpu.memory_space<vmem>>, vector<16xi32>,
        %shift_right_arithmetic3A_1014 = arith.constant 2 : i32
        %shift_right_arithmetic3A_1015 = vector.broadcast %shift_right_arithmetic3A_1014 : i32 to vector<16xi32>
        %shift_right_arithmetic3A_1016 = arith.shrsi %get3A_1013, %shift_right_arithmetic3A_1015 : vector<16xi32>
        %swap3A_1017 = arith.constant 0 : i32
        %swap3A_1018 = arith.constant 0 : i32
        %swap3A_1019 = arith.index_cast %swap3A_1017 : i32 to index
        %swap3A_1020 = arith.index_cast %swap3A_1018 : i32 to index
        %swap3A_1021 = arith.constant 48 : index
        %swap3A_1022 = tpu.vector_load %arg6[%swap3A_1019, %swap3A_1020, %swap3A_1021] {strides = array<i32>} : memref<2x2x128xi32, #tpu.memory_space<vmem>>, vector<16xi32>,
        tpu.vector_store %arg6[%swap3A_1019, %swap3A_1020, %swap3A_1021], %shift_right_arithmetic3A_1016 {strides = array<i32>} : memref<2x2x128xi32, #tpu.memory_space<vmem>>, vector<16xi32>,
        %and3A_1023 = arith.constant 3 : i32
        %and3A_1024 = vector.broadcast %and3A_1023 : i32 to vector<16xi32>
        %and3A_1025 = arith.andi %get3A_1013, %and3A_1024 : vector<16xi32>
        %mul3A_1026 = arith.constant 32 : i32
        %mul3A_1027 = vector.broadcast %mul3A_1026 : i32 to vector<16xi32>
        %mul3A_1028 = arith.muli %and3A_1025, %mul3A_1027 : vector<16xi32>
        %swap3A_1029 = arith.constant 0 : i32
        %swap3A_1030 = arith.constant 0 : i32
        %swap3A_1031 = arith.index_cast %swap3A_1029 : i32 to index
        %swap3A_1032 = arith.index_cast %swap3A_1030 : i32 to index
        %swap3A_1033 = arith.constant 48 : index
        %swap3A_1034 = tpu.vector_load %arg7[%swap3A_1031, %swap3A_1032, %swap3A_1033] {strides = array<i32>} : memref<2x2x128xi32, #tpu.memory_space<vmem>>, vector<16xi32>,
        tpu.vector_store %arg7[%swap3A_1031, %swap3A_1032, %swap3A_1033], %mul3A_1028 {strides = array<i32>} : memref<2x2x128xi32, #tpu.memory_space<vmem>>, vector<16xi32>,
        %get3A_1035 = arith.constant 0 : i32
        %get3A_1036 = arith.constant 0 : i32
        %get3A_1037 = arith.index_cast %get3A_1035 : i32 to index
        %get3A_1038 = arith.index_cast %get3A_1036 : i32 to index
        %get3A_1039 = arith.constant 64 : index
        %get3A_1040 = tpu.vector_load %arg5[%get3A_1037, %get3A_1038, %get3A_1039] {strides = array<i32>} : memref<2x2x128xi32, #tpu.memory_space<vmem>>, vector<16xi32>,
        %shift_right_arithmetic3A_1041 = arith.constant 2 : i32
        %shift_right_arithmetic3A_1042 = vector.broadcast %shift_right_arithmetic3A_1041 : i32 to vector<16xi32>
        %shift_right_arithmetic3A_1043 = arith.shrsi %get3A_1040, %shift_right_arithmetic3A_1042 : vector<16xi32>
        %swap3A_1044 = arith.constant 0 : i32
        %swap3A_1045 = arith.constant 0 : i32
        %swap3A_1046 = arith.index_cast %swap3A_1044 : i32 to index
        %swap3A_1047 = arith.index_cast %swap3A_1045 : i32 to index
        %swap3A_1048 = arith.constant 64 : index
        %swap3A_1049 = tpu.vector_load %arg6[%swap3A_1046, %swap3A_1047, %swap3A_1048] {strides = array<i32>} : memref<2x2x128xi32, #tpu.memory_space<vmem>>, vector<16xi32>,
        tpu.vector_store %arg6[%swap3A_1046, %swap3A_1047, %swap3A_1048], %shift_right_arithmetic3A_1043 {strides = array<i32>} : memref<2x2x128xi32, #tpu.memory_space<vmem>>, vector<16xi32>,
        %and3A_1050 = arith.constant 3 : i32
        %and3A_1051 = vector.broadcast %and3A_1050 : i32 to vector<16xi32>
        %and3A_1052 = arith.andi %get3A_1040, %and3A_1051 : vector<16xi32>
        %mul3A_1053 = arith.constant 32 : i32
        %mul3A_1054 = vector.broadcast %mul3A_1053 : i32 to vector<16xi32>
        %mul3A_1055 = arith.muli %and3A_1052, %mul3A_1054 : vector<16xi32>
        %swap3A_1056 = arith.constant 0 : i32
        %swap3A_1057 = arith.constant 0 : i32
        %swap3A_1058 = arith.index_cast %swap3A_1056 : i32 to index
        %swap3A_1059 = arith.index_cast %swap3A_1057 : i32 to index
        %swap3A_1060 = arith.constant 64 : index
        %swap3A_1061 = tpu.vector_load %arg7[%swap3A_1058, %swap3A_1059, %swap3A_1060] {strides = array<i32>} : memref<2x2x128xi32, #tpu.memory_space<vmem>>, vector<16xi32>,
        tpu.vector_store %arg7[%swap3A_1058, %swap3A_1059, %swap3A_1060], %mul3A_1055 {strides = array<i32>} : memref<2x2x128xi32, #tpu.memory_space<vmem>>, vector<16xi32>,
        %get3A_1062 = arith.constant 0 : i32
        %get3A_1063 = arith.constant 0 : i32
        %get3A_1064 = arith.index_cast %get3A_1062 : i32 to index
        %get3A_1065 = arith.index_cast %get3A_1063 : i32 to index
        %get3A_1066 = arith.constant 80 : index
        %get3A_1067 = tpu.vector_load %arg5[%get3A_1064, %get3A_1065, %get3A_1066] {strides = array<i32>} : memref<2x2x128xi32, #tpu.memory_space<vmem>>, vector<16xi32>,
        %shift_right_arithmetic3A_1068 = arith.constant 2 : i32
        %shift_right_arithmetic3A_1069 = vector.broadcast %shift_right_arithmetic3A_1068 : i32 to vector<16xi32>
        %shift_right_arithmetic3A_1070 = arith.shrsi %get3A_1067, %shift_right_arithmetic3A_1069 : vector<16xi32>
        %swap3A_1071 = arith.constant 0 : i32
        %swap3A_1072 = arith.constant 0 : i32
        %swap3A_1073 = arith.index_cast %swap3A_1071 : i32 to index
        %swap3A_1074 = arith.index_cast %swap3A_1072 : i32 to index
        %swap3A_1075 = arith.constant 80 : index
        %swap3A_1076 = tpu.vector_load %arg6[%swap3A_1073, %swap3A_1074, %swap3A_1075] {strides = array<i32>} : memref<2x2x128xi32, #tpu.memory_space<vmem>>, vector<16xi32>,
        tpu.vector_store %arg6[%swap3A_1073, %swap3A_1074, %swap3A_1075], %shift_right_arithmetic3A_1070 {strides = array<i32>} : memref<2x2x128xi32, #tpu.memory_space<vmem>>, vector<16xi32>,
        %and3A_1077 = arith.constant 3 : i32
        %and3A_1078 = vector.broadcast %and3A_1077 : i32 to vector<16xi32>
        %and3A_1079 = arith.andi %get3A_1067, %and3A_1078 : vector<16xi32>
        %mul3A_1080 = arith.constant 32 : i32
        %mul3A_1081 = vector.broadcast %mul3A_1080 : i32 to vector<16xi32>
        %mul3A_1082 = arith.muli %and3A_1079, %mul3A_1081 : vector<16xi32>
        %swap3A_1083 = arith.constant 0 : i32
        %swap3A_1084 = arith.constant 0 : i32
        %swap3A_1085 = arith.index_cast %swap3A_1083 : i32 to index
        %swap3A_1086 = arith.index_cast %swap3A_1084 : i32 to index
        %swap3A_1087 = arith.constant 80 : index
        %swap3A_1088 = tpu.vector_load %arg7[%swap3A_1085, %swap3A_1086, %swap3A_1087] {strides = array<i32>} : memref<2x2x128xi32, #tpu.memory_space<vmem>>, vector<16xi32>,
        tpu.vector_store %arg7[%swap3A_1085, %swap3A_1086, %swap3A_1087], %mul3A_1082 {strides = array<i32>} : memref<2x2x128xi32, #tpu.memory_space<vmem>>, vector<16xi32>,
        %get3A_1089 = arith.constant 0 : i32
        %get3A_1090 = arith.constant 0 : i32
        %get3A_1091 = arith.index_cast %get3A_1089 : i32 to index
        %get3A_1092 = arith.index_cast %get3A_1090 : i32 to index
        %get3A_1093 = arith.constant 96 : index
        %get3A_1094 = tpu.vector_load %arg5[%get3A_1091, %get3A_1092, %get3A_1093] {strides = array<i32>} : memref<2x2x128xi32, #tpu.memory_space<vmem>>, vector<16xi32>,
        %shift_right_arithmetic3A_1095 = arith.constant 2 : i32
        %shift_right_arithmetic3A_1096 = vector.broadcast %shift_right_arithmetic3A_1095 : i32 to vector<16xi32>
        %shift_right_arithmetic3A_1097 = arith.shrsi %get3A_1094, %shift_right_arithmetic3A_1096 : vector<16xi32>
        %swap3A_1098 = arith.constant 0 : i32
        %swap3A_1099 = arith.constant 0 : i32
        %swap3A_1100 = arith.index_cast %swap3A_1098 : i32 to index
        %swap3A_1101 = arith.index_cast %swap3A_1099 : i32 to index
        %swap3A_1102 = arith.constant 96 : index
        %swap3A_1103 = tpu.vector_load %arg6[%swap3A_1100, %swap3A_1101, %swap3A_1102] {strides = array<i32>} : memref<2x2x128xi32, #tpu.memory_space<vmem>>, vector<16xi32>,
        tpu.vector_store %arg6[%swap3A_1100, %swap3A_1101, %swap3A_1102], %shift_right_arithmetic3A_1097 {strides = array<i32>} : memref<2x2x128xi32, #tpu.memory_space<vmem>>, vector<16xi32>,
        %and3A_1104 = arith.constant 3 : i32
        %and3A_1105 = vector.broadcast %and3A_1104 : i32 to vector<16xi32>
        %and3A_1106 = arith.andi %get3A_1094, %and3A_1105 : vector<16xi32>
        %mul3A_1107 = arith.constant 32 : i32
        %mul3A_1108 = vector.broadcast %mul3A_1107 : i32 to vector<16xi32>
        %mul3A_1109 = arith.muli %and3A_1106, %mul3A_1108 : vector<16xi32>
        %swap3A_1110 = arith.constant 0 : i32
        %swap3A_1111 = arith.constant 0 : i32
        %swap3A_1112 = arith.index_cast %swap3A_1110 : i32 to index
        %swap3A_1113 = arith.index_cast %swap3A_1111 : i32 to index
        %swap3A_1114 = arith.constant 96 : index
        %swap3A_1115 = tpu.vector_load %arg7[%swap3A_1112, %swap3A_1113, %swap3A_1114] {strides = array<i32>} : memref<2x2x128xi32, #tpu.memory_space<vmem>>, vector<16xi32>,
        tpu.vector_store %arg7[%swap3A_1112, %swap3A_1113, %swap3A_1114], %mul3A_1109 {strides = array<i32>} : memref<2x2x128xi32, #tpu.memory_space<vmem>>, vector<16xi32>,
        %get3A_1116 = arith.constant 0 : i32
        %get3A_1117 = arith.constant 0 : i32
        %get3A_1118 = arith.index_cast %get3A_1116 : i32 to index
        %get3A_1119 = arith.index_cast %get3A_1117 : i32 to index
        %get3A_1120 = arith.constant 112 : index
        %get3A_1121 = tpu.vector_load %arg5[%get3A_1118, %get3A_1119, %get3A_1120] {strides = array<i32>} : memref<2x2x128xi32, #tpu.memory_space<vmem>>, vector<16xi32>,
        %shift_right_arithmetic3A_1122 = arith.constant 2 : i32
        %shift_right_arithmetic3A_1123 = vector.broadcast %shift_right_arithmetic3A_1122 : i32 to vector<16xi32>
        %shift_right_arithmetic3A_1124 = arith.shrsi %get3A_1121, %shift_right_arithmetic3A_1123 : vector<16xi32>
        %swap3A_1125 = arith.constant 0 : i32
        %swap3A_1126 = arith.constant 0 : i32
        %swap3A_1127 = arith.index_cast %swap3A_1125 : i32 to index
        %swap3A_1128 = arith.index_cast %swap3A_1126 : i32 to index
        %swap3A_1129 = arith.constant 112 : index
        %swap3A_1130 = tpu.vector_load %arg6[%swap3A_1127, %swap3A_1128, %swap3A_1129] {strides = array<i32>} : memref<2x2x128xi32, #tpu.memory_space<vmem>>, vector<16xi32>,
        tpu.vector_store %arg6[%swap3A_1127, %swap3A_1128, %swap3A_1129], %shift_right_arithmetic3A_1124 {strides = array<i32>} : memref<2x2x128xi32, #tpu.memory_space<vmem>>, vector<16xi32>,
        %and3A_1131 = arith.constant 3 : i32
        %and3A_1132 = vector.broadcast %and3A_1131 : i32 to vector<16xi32>
        %and3A_1133 = arith.andi %get3A_1121, %and3A_1132 : vector<16xi32>
        %mul3A_1134 = arith.constant 32 : i32
        %mul3A_1135 = vector.broadcast %mul3A_1134 : i32 to vector<16xi32>
        %mul3A_1136 = arith.muli %and3A_1133, %mul3A_1135 : vector<16xi32>
        %swap3A_1137 = arith.constant 0 : i32
        %swap3A_1138 = arith.constant 0 : i32
        %swap3A_1139 = arith.index_cast %swap3A_1137 : i32 to index
        %swap3A_1140 = arith.index_cast %swap3A_1138 : i32 to index
        %swap3A_1141 = arith.constant 112 : index
        %swap3A_1142 = tpu.vector_load %arg7[%swap3A_1139, %swap3A_1140, %swap3A_1141] {strides = array<i32>} : memref<2x2x128xi32, #tpu.memory_space<vmem>>, vector<16xi32>,
        tpu.vector_store %arg7[%swap3A_1139, %swap3A_1140, %swap3A_1141], %mul3A_1136 {strides = array<i32>} : memref<2x2x128xi32, #tpu.memory_space<vmem>>, vector<16xi32>,
        %get3A_1143 = arith.constant 0 : i32
        %get3A_1144 = arith.constant 1 : i32
        %get3A_1145 = arith.index_cast %get3A_1143 : i32 to index
        %get3A_1146 = arith.index_cast %get3A_1144 : i32 to index
        %get3A_1147 = arith.constant 0 : index
        %get3A_1148 = tpu.vector_load %arg5[%get3A_1145, %get3A_1146, %get3A_1147] {strides = array<i32>} : memref<2x2x128xi32, #tpu.memory_space<vmem>>, vector<16xi32>,
        %shift_right_arithmetic3A_1149 = arith.constant 2 : i32
        %shift_right_arithmetic3A_1150 = vector.broadcast %shift_right_arithmetic3A_1149 : i32 to vector<16xi32>
        %shift_right_arithmetic3A_1151 = arith.shrsi %get3A_1148, %shift_right_arithmetic3A_1150 : vector<16xi32>
        %swap3A_1152 = arith.constant 0 : i32
        %swap3A_1153 = arith.constant 1 : i32
        %swap3A_1154 = arith.index_cast %swap3A_1152 : i32 to index
        %swap3A_1155 = arith.index_cast %swap3A_1153 : i32 to index
        %swap3A_1156 = arith.constant 0 : index
        %swap3A_1157 = tpu.vector_load %arg6[%swap3A_1154, %swap3A_1155, %swap3A_1156] {strides = array<i32>} : memref<2x2x128xi32, #tpu.memory_space<vmem>>, vector<16xi32>,
        tpu.vector_store %arg6[%swap3A_1154, %swap3A_1155, %swap3A_1156], %shift_right_arithmetic3A_1151 {strides = array<i32>} : memref<2x2x128xi32, #tpu.memory_space<vmem>>, vector<16xi32>,
        %and3A_1158 = arith.constant 3 : i32
        %and3A_1159 = vector.broadcast %and3A_1158 : i32 to vector<16xi32>
        %and3A_1160 = arith.andi %get3A_1148, %and3A_1159 : vector<16xi32>
        %mul3A_1161 = arith.constant 32 : i32
        %mul3A_1162 = vector.broadcast %mul3A_1161 : i32 to vector<16xi32>
        %mul3A_1163 = arith.muli %and3A_1160, %mul3A_1162 : vector<16xi32>
        %swap3A_1164 = arith.constant 0 : i32
        %swap3A_1165 = arith.constant 1 : i32
        %swap3A_1166 = arith.index_cast %swap3A_1164 : i32 to index
        %swap3A_1167 = arith.index_cast %swap3A_1165 : i32 to index
        %swap3A_1168 = arith.constant 0 : index
        %swap3A_1169 = tpu.vector_load %arg7[%swap3A_1166, %swap3A_1167, %swap3A_1168] {strides = array<i32>} : memref<2x2x128xi32, #tpu.memory_space<vmem>>, vector<16xi32>,
        tpu.vector_store %arg7[%swap3A_1166, %swap3A_1167, %swap3A_1168], %mul3A_1163 {strides = array<i32>} : memref<2x2x128xi32, #tpu.memory_space<vmem>>, vector<16xi32>,
        %get3A_1170 = arith.constant 0 : i32
        %get3A_1171 = arith.constant 1 : i32
        %get3A_1172 = arith.index_cast %get3A_1170 : i32 to index
        %get3A_1173 = arith.index_cast %get3A_1171 : i32 to index
        %get3A_1174 = arith.constant 16 : index
        %get3A_1175 = tpu.vector_load %arg5[%get3A_1172, %get3A_1173, %get3A_1174] {strides = array<i32>} : memref<2x2x128xi32, #tpu.memory_space<vmem>>, vector<16xi32>,
        %shift_right_arithmetic3A_1176 = arith.constant 2 : i32
        %shift_right_arithmetic3A_1177 = vector.broadcast %shift_right_arithmetic3A_1176 : i32 to vector<16xi32>
        %shift_right_arithmetic3A_1178 = arith.shrsi %get3A_1175, %shift_right_arithmetic3A_1177 : vector<16xi32>
        %swap3A_1179 = arith.constant 0 : i32
        %swap3A_1180 = arith.constant 1 : i32
        %swap3A_1181 = arith.index_cast %swap3A_1179 : i32 to index
        %swap3A_1182 = arith.index_cast %swap3A_1180 : i32 to index
        %swap3A_1183 = arith.constant 16 : index
        %swap3A_1184 = tpu.vector_load %arg6[%swap3A_1181, %swap3A_1182, %swap3A_1183] {strides = array<i32>} : memref<2x2x128xi32, #tpu.memory_space<vmem>>, vector<16xi32>,
        tpu.vector_store %arg6[%swap3A_1181, %swap3A_1182, %swap3A_1183], %shift_right_arithmetic3A_1178 {strides = array<i32>} : memref<2x2x128xi32, #tpu.memory_space<vmem>>, vector<16xi32>,
        %and3A_1185 = arith.constant 3 : i32
        %and3A_1186 = vector.broadcast %and3A_1185 : i32 to vector<16xi32>
        %and3A_1187 = arith.andi %get3A_1175, %and3A_1186 : vector<16xi32>
        %mul3A_1188 = arith.constant 32 : i32
        %mul3A_1189 = vector.broadcast %mul3A_1188 : i32 to vector<16xi32>
        %mul3A_1190 = arith.muli %and3A_1187, %mul3A_1189 : vector<16xi32>
        %swap3A_1191 = arith.constant 0 : i32
        %swap3A_1192 = arith.constant 1 : i32
        %swap3A_1193 = arith.index_cast %swap3A_1191 : i32 to index
        %swap3A_1194 = arith.index_cast %swap3A_1192 : i32 to index
        %swap3A_1195 = arith.constant 16 : index
        %swap3A_1196 = tpu.vector_load %arg7[%swap3A_1193, %swap3A_1194, %swap3A_1195] {strides = array<i32>} : memref<2x2x128xi32, #tpu.memory_space<vmem>>, vector<16xi32>,
        tpu.vector_store %arg7[%swap3A_1193, %swap3A_1194, %swap3A_1195], %mul3A_1190 {strides = array<i32>} : memref<2x2x128xi32, #tpu.memory_space<vmem>>, vector<16xi32>,
        %get3A_1197 = arith.constant 0 : i32
        %get3A_1198 = arith.constant 1 : i32
        %get3A_1199 = arith.index_cast %get3A_1197 : i32 to index
        %get3A_1200 = arith.index_cast %get3A_1198 : i32 to index
        %get3A_1201 = arith.constant 32 : index
        %get3A_1202 = tpu.vector_load %arg5[%get3A_1199, %get3A_1200, %get3A_1201] {strides = array<i32>} : memref<2x2x128xi32, #tpu.memory_space<vmem>>, vector<16xi32>,
        %shift_right_arithmetic3A_1203 = arith.constant 2 : i32
        %shift_right_arithmetic3A_1204 = vector.broadcast %shift_right_arithmetic3A_1203 : i32 to vector<16xi32>
        %shift_right_arithmetic3A_1205 = arith.shrsi %get3A_1202, %shift_right_arithmetic3A_1204 : vector<16xi32>
        %swap3A_1206 = arith.constant 0 : i32
        %swap3A_1207 = arith.constant 1 : i32
        %swap3A_1208 = arith.index_cast %swap3A_1206 : i32 to index
        %swap3A_1209 = arith.index_cast %swap3A_1207 : i32 to index
        %swap3A_1210 = arith.constant 32 : index
        %swap3A_1211 = tpu.vector_load %arg6[%swap3A_1208, %swap3A_1209, %swap3A_1210] {strides = array<i32>} : memref<2x2x128xi32, #tpu.memory_space<vmem>>, vector<16xi32>,
        tpu.vector_store %arg6[%swap3A_1208, %swap3A_1209, %swap3A_1210], %shift_right_arithmetic3A_1205 {strides = array<i32>} : memref<2x2x128xi32, #tpu.memory_space<vmem>>, vector<16xi32>,
        %and3A_1212 = arith.constant 3 : i32
        %and3A_1213 = vector.broadcast %and3A_1212 : i32 to vector<16xi32>
        %and3A_1214 = arith.andi %get3A_1202, %and3A_1213 : vector<16xi32>
        %mul3A_1215 = arith.constant 32 : i32
        %mul3A_1216 = vector.broadcast %mul3A_1215 : i32 to vector<16xi32>
        %mul3A_1217 = arith.muli %and3A_1214, %mul3A_1216 : vector<16xi32>
        %swap3A_1218 = arith.constant 0 : i32
        %swap3A_1219 = arith.constant 1 : i32
        %swap3A_1220 = arith.index_cast %swap3A_1218 : i32 to index
        %swap3A_1221 = arith.index_cast %swap3A_1219 : i32 to index
        %swap3A_1222 = arith.constant 32 : index
        %swap3A_1223 = tpu.vector_load %arg7[%swap3A_1220, %swap3A_1221, %swap3A_1222] {strides = array<i32>} : memref<2x2x128xi32, #tpu.memory_space<vmem>>, vector<16xi32>,
        tpu.vector_store %arg7[%swap3A_1220, %swap3A_1221, %swap3A_1222], %mul3A_1217 {strides = array<i32>} : memref<2x2x128xi32, #tpu.memory_space<vmem>>, vector<16xi32>,
        %get3A_1224 = arith.constant 0 : i32
        %get3A_1225 = arith.constant 1 : i32
        %get3A_1226 = arith.index_cast %get3A_1224 : i32 to index
        %get3A_1227 = arith.index_cast %get3A_1225 : i32 to index
        %get3A_1228 = arith.constant 48 : index
        %get3A_1229 = tpu.vector_load %arg5[%get3A_1226, %get3A_1227, %get3A_1228] {strides = array<i32>} : memref<2x2x128xi32, #tpu.memory_space<vmem>>, vector<16xi32>,
        %shift_right_arithmetic3A_1230 = arith.constant 2 : i32
        %shift_right_arithmetic3A_1231 = vector.broadcast %shift_right_arithmetic3A_1230 : i32 to vector<16xi32>
        %shift_right_arithmetic3A_1232 = arith.shrsi %get3A_1229, %shift_right_arithmetic3A_1231 : vector<16xi32>
        %swap3A_1233 = arith.constant 0 : i32
        %swap3A_1234 = arith.constant 1 : i32
        %swap3A_1235 = arith.index_cast %swap3A_1233 : i32 to index
        %swap3A_1236 = arith.index_cast %swap3A_1234 : i32 to index
        %swap3A_1237 = arith.constant 48 : index
        %swap3A_1238 = tpu.vector_load %arg6[%swap3A_1235, %swap3A_1236, %swap3A_1237] {strides = array<i32>} : memref<2x2x128xi32, #tpu.memory_space<vmem>>, vector<16xi32>,
        tpu.vector_store %arg6[%swap3A_1235, %swap3A_1236, %swap3A_1237], %shift_right_arithmetic3A_1232 {strides = array<i32>} : memref<2x2x128xi32, #tpu.memory_space<vmem>>, vector<16xi32>,
        %and3A_1239 = arith.constant 3 : i32
        %and3A_1240 = vector.broadcast %and3A_1239 : i32 to vector<16xi32>
        %and3A_1241 = arith.andi %get3A_1229, %and3A_1240 : vector<16xi32>
        %mul3A_1242 = arith.constant 32 : i32
        %mul3A_1243 = vector.broadcast %mul3A_1242 : i32 to vector<16xi32>
        %mul3A_1244 = arith.muli %and3A_1241, %mul3A_1243 : vector<16xi32>
        %swap3A_1245 = arith.constant 0 : i32
        %swap3A_1246 = arith.constant 1 : i32
        %swap3A_1247 = arith.index_cast %swap3A_1245 : i32 to index
        %swap3A_1248 = arith.index_cast %swap3A_1246 : i32 to index
        %swap3A_1249 = arith.constant 48 : index
        %swap3A_1250 = tpu.vector_load %arg7[%swap3A_1247, %swap3A_1248, %swap3A_1249] {strides = array<i32>} : memref<2x2x128xi32, #tpu.memory_space<vmem>>, vector<16xi32>,
        tpu.vector_store %arg7[%swap3A_1247, %swap3A_1248, %swap3A_1249], %mul3A_1244 {strides = array<i32>} : memref<2x2x128xi32, #tpu.memory_space<vmem>>, vector<16xi32>,
        %get3A_1251 = arith.constant 0 : i32
        %get3A_1252 = arith.constant 1 : i32
        %get3A_1253 = arith.index_cast %get3A_1251 : i32 to index
        %get3A_1254 = arith.index_cast %get3A_1252 : i32 to index
        %get3A_1255 = arith.constant 64 : index
        %get3A_1256 = tpu.vector_load %arg5[%get3A_1253, %get3A_1254, %get3A_1255] {strides = array<i32>} : memref<2x2x128xi32, #tpu.memory_space<vmem>>, vector<16xi32>,
        %shift_right_arithmetic3A_1257 = arith.constant 2 : i32
        %shift_right_arithmetic3A_1258 = vector.broadcast %shift_right_arithmetic3A_1257 : i32 to vector<16xi32>
        %shift_right_arithmetic3A_1259 = arith.shrsi %get3A_1256, %shift_right_arithmetic3A_1258 : vector<16xi32>
        %swap3A_1260 = arith.constant 0 : i32
        %swap3A_1261 = arith.constant 1 : i32
        %swap3A_1262 = arith.index_cast %swap3A_1260 : i32 to index
        %swap3A_1263 = arith.index_cast %swap3A_1261 : i32 to index
        %swap3A_1264 = arith.constant 64 : index
        %swap3A_1265 = tpu.vector_load %arg6[%swap3A_1262, %swap3A_1263, %swap3A_1264] {strides = array<i32>} : memref<2x2x128xi32, #tpu.memory_space<vmem>>, vector<16xi32>,
        tpu.vector_store %arg6[%swap3A_1262, %swap3A_1263, %swap3A_1264], %shift_right_arithmetic3A_1259 {strides = array<i32>} : memref<2x2x128xi32, #tpu.memory_space<vmem>>, vector<16xi32>,
        %and3A_1266 = arith.constant 3 : i32
        %and3A_1267 = vector.broadcast %and3A_1266 : i32 to vector<16xi32>
        %and3A_1268 = arith.andi %get3A_1256, %and3A_1267 : vector<16xi32>
        %mul3A_1269 = arith.constant 32 : i32
        %mul3A_1270 = vector.broadcast %mul3A_1269 : i32 to vector<16xi32>
        %mul3A_1271 = arith.muli %and3A_1268, %mul3A_1270 : vector<16xi32>
        %swap3A_1272 = arith.constant 0 : i32
        %swap3A_1273 = arith.constant 1 : i32
        %swap3A_1274 = arith.index_cast %swap3A_1272 : i32 to index
        %swap3A_1275 = arith.index_cast %swap3A_1273 : i32 to index
        %swap3A_1276 = arith.constant 64 : index
        %swap3A_1277 = tpu.vector_load %arg7[%swap3A_1274, %swap3A_1275, %swap3A_1276] {strides = array<i32>} : memref<2x2x128xi32, #tpu.memory_space<vmem>>, vector<16xi32>,
        tpu.vector_store %arg7[%swap3A_1274, %swap3A_1275, %swap3A_1276], %mul3A_1271 {strides = array<i32>} : memref<2x2x128xi32, #tpu.memory_space<vmem>>, vector<16xi32>,
        %get3A_1278 = arith.constant 0 : i32
        %get3A_1279 = arith.constant 1 : i32
        %get3A_1280 = arith.index_cast %get3A_1278 : i32 to index
        %get3A_1281 = arith.index_cast %get3A_1279 : i32 to index
        %get3A_1282 = arith.constant 80 : index
        %get3A_1283 = tpu.vector_load %arg5[%get3A_1280, %get3A_1281, %get3A_1282] {strides = array<i32>} : memref<2x2x128xi32, #tpu.memory_space<vmem>>, vector<16xi32>,
        %shift_right_arithmetic3A_1284 = arith.constant 2 : i32
        %shift_right_arithmetic3A_1285 = vector.broadcast %shift_right_arithmetic3A_1284 : i32 to vector<16xi32>
        %shift_right_arithmetic3A_1286 = arith.shrsi %get3A_1283, %shift_right_arithmetic3A_1285 : vector<16xi32>
        %swap3A_1287 = arith.constant 0 : i32
        %swap3A_1288 = arith.constant 1 : i32
        %swap3A_1289 = arith.index_cast %swap3A_1287 : i32 to index
        %swap3A_1290 = arith.index_cast %swap3A_1288 : i32 to index
        %swap3A_1291 = arith.constant 80 : index
        %swap3A_1292 = tpu.vector_load %arg6[%swap3A_1289, %swap3A_1290, %swap3A_1291] {strides = array<i32>} : memref<2x2x128xi32, #tpu.memory_space<vmem>>, vector<16xi32>,
        tpu.vector_store %arg6[%swap3A_1289, %swap3A_1290, %swap3A_1291], %shift_right_arithmetic3A_1286 {strides = array<i32>} : memref<2x2x128xi32, #tpu.memory_space<vmem>>, vector<16xi32>,
        %and3A_1293 = arith.constant 3 : i32
        %and3A_1294 = vector.broadcast %and3A_1293 : i32 to vector<16xi32>
        %and3A_1295 = arith.andi %get3A_1283, %and3A_1294 : vector<16xi32>
        %mul3A_1296 = arith.constant 32 : i32
        %mul3A_1297 = vector.broadcast %mul3A_1296 : i32 to vector<16xi32>
        %mul3A_1298 = arith.muli %and3A_1295, %mul3A_1297 : vector<16xi32>
        %swap3A_1299 = arith.constant 0 : i32
        %swap3A_1300 = arith.constant 1 : i32
        %swap3A_1301 = arith.index_cast %swap3A_1299 : i32 to index
        %swap3A_1302 = arith.index_cast %swap3A_1300 : i32 to index
        %swap3A_1303 = arith.constant 80 : index
        %swap3A_1304 = tpu.vector_load %arg7[%swap3A_1301, %swap3A_1302, %swap3A_1303] {strides = array<i32>} : memref<2x2x128xi32, #tpu.memory_space<vmem>>, vector<16xi32>,
        tpu.vector_store %arg7[%swap3A_1301, %swap3A_1302, %swap3A_1303], %mul3A_1298 {strides = array<i32>} : memref<2x2x128xi32, #tpu.memory_space<vmem>>, vector<16xi32>,
        %get3A_1305 = arith.constant 0 : i32
        %get3A_1306 = arith.constant 1 : i32
        %get3A_1307 = arith.index_cast %get3A_1305 : i32 to index
        %get3A_1308 = arith.index_cast %get3A_1306 : i32 to index
        %get3A_1309 = arith.constant 96 : index
        %get3A_1310 = tpu.vector_load %arg5[%get3A_1307, %get3A_1308, %get3A_1309] {strides = array<i32>} : memref<2x2x128xi32, #tpu.memory_space<vmem>>, vector<16xi32>,
        %shift_right_arithmetic3A_1311 = arith.constant 2 : i32
        %shift_right_arithmetic3A_1312 = vector.broadcast %shift_right_arithmetic3A_1311 : i32 to vector<16xi32>
        %shift_right_arithmetic3A_1313 = arith.shrsi %get3A_1310, %shift_right_arithmetic3A_1312 : vector<16xi32>
        %swap3A_1314 = arith.constant 0 : i32
        %swap3A_1315 = arith.constant 1 : i32
        %swap3A_1316 = arith.index_cast %swap3A_1314 : i32 to index
        %swap3A_1317 = arith.index_cast %swap3A_1315 : i32 to index
        %swap3A_1318 = arith.constant 96 : index
        %swap3A_1319 = tpu.vector_load %arg6[%swap3A_1316, %swap3A_1317, %swap3A_1318] {strides = array<i32>} : memref<2x2x128xi32, #tpu.memory_space<vmem>>, vector<16xi32>,
        tpu.vector_store %arg6[%swap3A_1316, %swap3A_1317, %swap3A_1318], %shift_right_arithmetic3A_1313 {strides = array<i32>} : memref<2x2x128xi32, #tpu.memory_space<vmem>>, vector<16xi32>,
        %and3A_1320 = arith.constant 3 : i32
        %and3A_1321 = vector.broadcast %and3A_1320 : i32 to vector<16xi32>
        %and3A_1322 = arith.andi %get3A_1310, %and3A_1321 : vector<16xi32>
        %mul3A_1323 = arith.constant 32 : i32
        %mul3A_1324 = vector.broadcast %mul3A_1323 : i32 to vector<16xi32>
        %mul3A_1325 = arith.muli %and3A_1322, %mul3A_1324 : vector<16xi32>
        %swap3A_1326 = arith.constant 0 : i32
        %swap3A_1327 = arith.constant 1 : i32
        %swap3A_1328 = arith.index_cast %swap3A_1326 : i32 to index
        %swap3A_1329 = arith.index_cast %swap3A_1327 : i32 to index
        %swap3A_1330 = arith.constant 96 : index
        %swap3A_1331 = tpu.vector_load %arg7[%swap3A_1328, %swap3A_1329, %swap3A_1330] {strides = array<i32>} : memref<2x2x128xi32, #tpu.memory_space<vmem>>, vector<16xi32>,
        tpu.vector_store %arg7[%swap3A_1328, %swap3A_1329, %swap3A_1330], %mul3A_1325 {strides = array<i32>} : memref<2x2x128xi32, #tpu.memory_space<vmem>>, vector<16xi32>,
        %get3A_1332 = arith.constant 0 : i32
        %get3A_1333 = arith.constant 1 : i32
        %get3A_1334 = arith.index_cast %get3A_1332 : i32 to index
        %get3A_1335 = arith.index_cast %get3A_1333 : i32 to index
        %get3A_1336 = arith.constant 112 : index
        %get3A_1337 = tpu.vector_load %arg5[%get3A_1334, %get3A_1335, %get3A_1336] {strides = array<i32>} : memref<2x2x128xi32, #tpu.memory_space<vmem>>, vector<16xi32>,
        %shift_right_arithmetic3A_1338 = arith.constant 2 : i32
        %shift_right_arithmetic3A_1339 = vector.broadcast %shift_right_arithmetic3A_1338 : i32 to vector<16xi32>
        %shift_right_arithmetic3A_1340 = arith.shrsi %get3A_1337, %shift_right_arithmetic3A_1339 : vector<16xi32>
        %swap3A_1341 = arith.constant 0 : i32
        %swap3A_1342 = arith.constant 1 : i32
        %swap3A_1343 = arith.index_cast %swap3A_1341 : i32 to index
        %swap3A_1344 = arith.index_cast %swap3A_1342 : i32 to index
        %swap3A_1345 = arith.constant 112 : index
        %swap3A_1346 = tpu.vector_load %arg6[%swap3A_1343, %swap3A_1344, %swap3A_1345] {strides = array<i32>} : memref<2x2x128xi32, #tpu.memory_space<vmem>>, vector<16xi32>,
        tpu.vector_store %arg6[%swap3A_1343, %swap3A_1344, %swap3A_1345], %shift_right_arithmetic3A_1340 {strides = array<i32>} : memref<2x2x128xi32, #tpu.memory_space<vmem>>, vector<16xi32>,
        %and3A_1347 = arith.constant 3 : i32
        %and3A_1348 = vector.broadcast %and3A_1347 : i32 to vector<16xi32>
        %and3A_1349 = arith.andi %get3A_1337, %and3A_1348 : vector<16xi32>
        %mul3A_1350 = arith.constant 32 : i32
        %mul3A_1351 = vector.broadcast %mul3A_1350 : i32 to vector<16xi32>
        %mul3A_1352 = arith.muli %and3A_1349, %mul3A_1351 : vector<16xi32>
        %swap3A_1353 = arith.constant 0 : i32
        %swap3A_1354 = arith.constant 1 : i32
        %swap3A_1355 = arith.index_cast %swap3A_1353 : i32 to index
        %swap3A_1356 = arith.index_cast %swap3A_1354 : i32 to index
        %swap3A_1357 = arith.constant 112 : index
        %swap3A_1358 = tpu.vector_load %arg7[%swap3A_1355, %swap3A_1356, %swap3A_1357] {strides = array<i32>} : memref<2x2x128xi32, #tpu.memory_space<vmem>>, vector<16xi32>,
        tpu.vector_store %arg7[%swap3A_1355, %swap3A_1356, %swap3A_1357], %mul3A_1352 {strides = array<i32>} : memref<2x2x128xi32, #tpu.memory_space<vmem>>, vector<16xi32>,
        %dma_start3A_1359 = arith.constant 0 : i32
        %dma_start3A_1360 = arith.constant 0 : i32
        %dma_start3A_1361 = arith.constant 0 : i32
        %dma_start3A_1362 = arith.constant 0 : i32
        %dma_start3A_1363 = arith.constant 0 : i32
        %dma_start3A_1364 = arith.constant 0 : i32
        %dma_start3A_1365 = arith.constant 0 : i32
        %dma_start3A_1366 = tpu.memref_slice %arg8[%dma_start3A_1361, %dma_start3A_1362, %dma_start3A_1364, %dma_start3A_1365] : memref<2x2x128x128xf32, #tpu.memory_space<vmem>> -> memref<1x1x128x128xf32, #tpu.memory_space<vmem>>
        %dma_start3A_1367 = tpu.memref_squeeze %dma_start3A_1366 : memref<1x1x128x128xf32, #tpu.memory_space<vmem>> -> memref<128x128xf32, #tpu.memory_space<vmem>>
        %dma_start3A_1368 = arith.constant 0 : i32
        %dma_start3A_1369 = tpu.memref_slice %arg6[%dma_start3A_1359, %dma_start3A_1360, %dma_start3A_1368] : memref<2x2x128xi32, #tpu.memory_space<vmem>> -> memref<1x1x128xi32, #tpu.memory_space<vmem>>
        %dma_start3A_1370 = tpu.memref_squeeze %dma_start3A_1369 : memref<1x1x128xi32, #tpu.memory_space<vmem>> -> memref<128xi32, #tpu.memory_space<vmem>>
        %dma_start3A_1371 = arith.constant 0 : i32
        %dma_start3A_1372 = arith.constant 0 : i32
        %dma_start3A_1373 = tpu.memref_slice %arg3[%dma_start3A_1371, %dma_start3A_1372] : memref<250000x128xf32, #tpu.memory_space<hbm>> -> memref<250000x128xf32, #tpu.memory_space<hbm>>
        %dma_start3A_1374 = tpu.memref_slice %arg11[%dma_start3A_1363] : memref<2x!tpu.dma_semaphore, #tpu.memory_space<semaphore_mem>> -> memref<1x!tpu.dma_semaphore, #tpu.memory_space<semaphore_mem>>
        %dma_start3A_1375 = tpu.memref_squeeze %dma_start3A_1374 : memref<1x!tpu.dma_semaphore, #tpu.memory_space<semaphore_mem>> -> memref<!tpu.dma_semaphore, #tpu.memory_space<semaphore_mem>>
        tpu.enqueue_indirect_dma source(%dma_start3A_1373 : memref<250000x128xf32, #tpu.memory_space<hbm>>) target(%dma_start3A_1367 : memref<128x128xf32, #tpu.memory_space<vmem>>) offsets(%dma_start3A_1370 : memref<128xi32, #tpu.memory_space<vmem>>) semaphore(%dma_start3A_1375 : memref<!tpu.dma_semaphore, #tpu.memory_space<semaphore_mem>>)
        %dma_start3A_1376 = arith.constant 0 : i32
        %dma_start3A_1377 = arith.constant 1 : i32
        %dma_start3A_1378 = arith.constant 0 : i32
        %dma_start3A_1379 = arith.constant 1 : i32
        %dma_start3A_1380 = arith.constant 0 : i32
        %dma_start3A_1381 = arith.constant 0 : i32
        %dma_start3A_1382 = arith.constant 0 : i32
        %dma_start3A_1383 = tpu.memref_slice %arg8[%dma_start3A_1378, %dma_start3A_1379, %dma_start3A_1381, %dma_start3A_1382] : memref<2x2x128x128xf32, #tpu.memory_space<vmem>> -> memref<1x1x128x128xf32, #tpu.memory_space<vmem>>
        %dma_start3A_1384 = tpu.memref_squeeze %dma_start3A_1383 : memref<1x1x128x128xf32, #tpu.memory_space<vmem>> -> memref<128x128xf32, #tpu.memory_space<vmem>>
        %dma_start3A_1385 = arith.constant 0 : i32
        %dma_start3A_1386 = tpu.memref_slice %arg6[%dma_start3A_1376, %dma_start3A_1377, %dma_start3A_1385] : memref<2x2x128xi32, #tpu.memory_space<vmem>> -> memref<1x1x128xi32, #tpu.memory_space<vmem>>
        %dma_start3A_1387 = tpu.memref_squeeze %dma_start3A_1386 : memref<1x1x128xi32, #tpu.memory_space<vmem>> -> memref<128xi32, #tpu.memory_space<vmem>>
        %dma_start3A_1388 = arith.constant 0 : i32
        %dma_start3A_1389 = arith.constant 0 : i32
        %dma_start3A_1390 = tpu.memref_slice %arg3[%dma_start3A_1388, %dma_start3A_1389] : memref<250000x128xf32, #tpu.memory_space<hbm>> -> memref<250000x128xf32, #tpu.memory_space<hbm>>
        %dma_start3A_1391 = tpu.memref_slice %arg11[%dma_start3A_1380] : memref<2x!tpu.dma_semaphore, #tpu.memory_space<semaphore_mem>> -> memref<1x!tpu.dma_semaphore, #tpu.memory_space<semaphore_mem>>
        %dma_start3A_1392 = tpu.memref_squeeze %dma_start3A_1391 : memref<1x!tpu.dma_semaphore, #tpu.memory_space<semaphore_mem>> -> memref<!tpu.dma_semaphore, #tpu.memory_space<semaphore_mem>>
        tpu.enqueue_indirect_dma source(%dma_start3A_1390 : memref<250000x128xf32, #tpu.memory_space<hbm>>) target(%dma_start3A_1384 : memref<128x128xf32, #tpu.memory_space<vmem>>) offsets(%dma_start3A_1387 : memref<128xi32, #tpu.memory_space<vmem>>) semaphore(%dma_start3A_1392 : memref<!tpu.dma_semaphore, #tpu.memory_space<semaphore_mem>>)
      } else {
      }
      %dma_wait3A_742 = arith.constant 1 : i32
      %dma_wait3A_743 = arith.constant 0 : i32
      %dma_wait3A_744 = arith.constant 1 : i32
      %dma_wait3A_745 = arith.constant 0 : i32
      %dma_wait3A_746 = arith.constant 1 : i32
      %dma_wait3A_747 = arith.constant 0 : i32
      %dma_wait3A_748 = arith.constant 0 : i32
      %dma_wait3A_749 = tpu.memref_slice %arg8[%dma_wait3A_744, %dma_wait3A_745, %dma_wait3A_747, %dma_wait3A_748] : memref<2x2x128x128xf32, #tpu.memory_space<vmem>> -> memref<1x1x128x128xf32, #tpu.memory_space<vmem>>
      %dma_wait3A_750 = tpu.memref_squeeze %dma_wait3A_749 : memref<1x1x128x128xf32, #tpu.memory_space<vmem>> -> memref<128x128xf32, #tpu.memory_space<vmem>>
      %dma_wait3A_751 = arith.constant 0 : i32
      %dma_wait3A_752 = tpu.memref_slice %arg6[%dma_wait3A_742, %dma_wait3A_743, %dma_wait3A_751] : memref<2x2x128xi32, #tpu.memory_space<vmem>> -> memref<1x1x128xi32, #tpu.memory_space<vmem>>
      %dma_wait3A_753 = tpu.memref_squeeze %dma_wait3A_752 : memref<1x1x128xi32, #tpu.memory_space<vmem>> -> memref<128xi32, #tpu.memory_space<vmem>>
      %dma_wait3A_754 = arith.constant 0 : i32
      %dma_wait3A_755 = arith.constant 0 : i32
      %dma_wait3A_756 = tpu.memref_slice %arg3[%dma_wait3A_754, %dma_wait3A_755] : memref<250000x128xf32, #tpu.memory_space<hbm>> -> memref<250000x128xf32, #tpu.memory_space<hbm>>
      %dma_wait3A_757 = tpu.memref_slice %arg11[%dma_wait3A_746] : memref<2x!tpu.dma_semaphore, #tpu.memory_space<semaphore_mem>> -> memref<1x!tpu.dma_semaphore, #tpu.memory_space<semaphore_mem>>
      %dma_wait3A_758 = tpu.memref_squeeze %dma_wait3A_757 : memref<1x!tpu.dma_semaphore, #tpu.memory_space<semaphore_mem>> -> memref<!tpu.dma_semaphore, #tpu.memory_space<semaphore_mem>>
      tpu.wait_indirect_dma semaphore(%dma_wait3A_758 : memref<!tpu.dma_semaphore, #tpu.memory_space<semaphore_mem>>) src(%dma_wait3A_756 : memref<250000x128xf32, #tpu.memory_space<hbm>>) dst(%dma_wait3A_750 : memref<128x128xf32, #tpu.memory_space<vmem>>)
      %dma_wait3A_759 = arith.constant 1 : i32
      %dma_wait3A_760 = arith.constant 1 : i32
      %dma_wait3A_761 = arith.constant 1 : i32
      %dma_wait3A_762 = arith.constant 1 : i32
      %dma_wait3A_763 = arith.constant 1 : i32
      %dma_wait3A_764 = arith.constant 0 : i32
      %dma_wait3A_765 = arith.constant 0 : i32
      %dma_wait3A_766 = tpu.memref_slice %arg8[%dma_wait3A_761, %dma_wait3A_762, %dma_wait3A_764, %dma_wait3A_765] : memref<2x2x128x128xf32, #tpu.memory_space<vmem>> -> memref<1x1x128x128xf32, #tpu.memory_space<vmem>>
      %dma_wait3A_767 = tpu.memref_squeeze %dma_wait3A_766 : memref<1x1x128x128xf32, #tpu.memory_space<vmem>> -> memref<128x128xf32, #tpu.memory_space<vmem>>
      %dma_wait3A_768 = arith.constant 0 : i32
      %dma_wait3A_769 = tpu.memref_slice %arg6[%dma_wait3A_759, %dma_wait3A_760, %dma_wait3A_768] : memref<2x2x128xi32, #tpu.memory_space<vmem>> -> memref<1x1x128xi32, #tpu.memory_space<vmem>>
      %dma_wait3A_770 = tpu.memref_squeeze %dma_wait3A_769 : memref<1x1x128xi32, #tpu.memory_space<vmem>> -> memref<128xi32, #tpu.memory_space<vmem>>
      %dma_wait3A_771 = arith.constant 0 : i32
      %dma_wait3A_772 = arith.constant 0 : i32
      %dma_wait3A_773 = tpu.memref_slice %arg3[%dma_wait3A_771, %dma_wait3A_772] : memref<250000x128xf32, #tpu.memory_space<hbm>> -> memref<250000x128xf32, #tpu.memory_space<hbm>>
      %dma_wait3A_774 = tpu.memref_slice %arg11[%dma_wait3A_763] : memref<2x!tpu.dma_semaphore, #tpu.memory_space<semaphore_mem>> -> memref<1x!tpu.dma_semaphore, #tpu.memory_space<semaphore_mem>>
      %dma_wait3A_775 = tpu.memref_squeeze %dma_wait3A_774 : memref<1x!tpu.dma_semaphore, #tpu.memory_space<semaphore_mem>> -> memref<!tpu.dma_semaphore, #tpu.memory_space<semaphore_mem>>
      tpu.wait_indirect_dma semaphore(%dma_wait3A_775 : memref<!tpu.dma_semaphore, #tpu.memory_space<semaphore_mem>>) src(%dma_wait3A_773 : memref<250000x128xf32, #tpu.memory_space<hbm>>) dst(%dma_wait3A_767 : memref<128x128xf32, #tpu.memory_space<vmem>>)
      %add3A_776 = arith.constant 2 : i32
      %add3A_777 = arith.addi %add3A_734, %add3A_776 : i32
      %lt3A_778 = arith.constant 100 : i32
      %lt3A_779 = arith.cmpi slt, %add3A_777, %lt3A_778 : i32
      %convert_element_type3A_780 = arith.extui %lt3A_779 : i1 to i32
      %cond3A_781 = arith.constant 0 : i32
      %cond3A_782 = arith.cmpi ne, %convert_element_type3A_780, %cond3A_781 : i32
      scf.if %cond3A_782 {
        %add3A_909 = arith.constant 2 : i32
        %add3A_910 = arith.addi %add3A_734, %add3A_909 : i32
        %mul3A_911 = arith.constant 2 : i32
        %mul3A_912 = arith.muli %add3A_910, %mul3A_911 : i32
        %dma_start3A_913 = arith.constant 1 : i32
        %dma_start3A_914 = arith.constant 1 : i32
        %dma_start3A_915 = arith.constant 0 : i32
        %dma_start3A_916 = arith.constant 0 : i32
        %dma_start3A_917 = tpu.memref_slice %arg5[%dma_start3A_913, %dma_start3A_915, %dma_start3A_916] : memref<2x2x128xi32, #tpu.memory_space<vmem>> -> memref<1x2x128xi32, #tpu.memory_space<vmem>>
        %dma_start3A_918 = tpu.memref_squeeze %dma_start3A_917 : memref<1x2x128xi32, #tpu.memory_space<vmem>> -> memref<2x128xi32, #tpu.memory_space<vmem>>
        %dma_start3A_919 = tpu.memref_slice %arg2[%mul3A_912, %mul3A_2] : memref<200x4096xi32, #tpu.memory_space<hbm>> -> memref<2x128xi32, #tpu.memory_space<hbm>>
        %dma_start3A_920 = tpu.memref_slice %arg10[%dma_start3A_914] : memref<2x!tpu.dma_semaphore, #tpu.memory_space<semaphore_mem>> -> memref<1x!tpu.dma_semaphore, #tpu.memory_space<semaphore_mem>>
        %dma_start3A_921 = tpu.memref_squeeze %dma_start3A_920 : memref<1x!tpu.dma_semaphore, #tpu.memory_space<semaphore_mem>> -> memref<!tpu.dma_semaphore, #tpu.memory_space<semaphore_mem>>
        %dma_start3A_922 = arith.constant 0 : i32
        %dma_start3A_923 = arith.constant 0 : i32
        %dma_start3A_924 = tpu.memref_slice %arg5[%dma_start3A_913, %dma_start3A_922, %dma_start3A_923] : memref<2x2x128xi32, #tpu.memory_space<vmem>> -> memref<1x2x128xi32, #tpu.memory_space<vmem>>
        %dma_start3A_925 = tpu.memref_squeeze %dma_start3A_924 : memref<1x2x128xi32, #tpu.memory_space<vmem>> -> memref<2x128xi32, #tpu.memory_space<vmem>>
        %dma_start3A_926 = tpu.memref_slice %arg2[%mul3A_912, %mul3A_2] : memref<200x4096xi32, #tpu.memory_space<hbm>> -> memref<2x128xi32, #tpu.memory_space<hbm>>
        tpu.enqueue_dma source(%dma_start3A_926 : memref<2x128xi32, #tpu.memory_space<hbm>>) target(%dma_start3A_925 : memref<2x128xi32, #tpu.memory_space<vmem>>) target_semaphore(%dma_start3A_921 : memref<!tpu.dma_semaphore, #tpu.memory_space<semaphore_mem>>)
      } else {
      }
      %ge3A_783 = arith.constant 2 : i32
      %ge3A_784 = arith.cmpi sge, %add3A_734, %ge3A_783 : i32
      %convert_element_type3A_785 = arith.extui %ge3A_784 : i1 to i32
      %cond3A_786 = arith.constant 0 : i32
      %cond3A_787 = arith.cmpi ne, %convert_element_type3A_785, %cond3A_786 : i32
      scf.if %cond3A_787 {
        %sub3A = arith.constant 2 : i32
        %sub3A_909 = arith.subi %add3A_734, %sub3A : i32
        %mul3A_910 = arith.constant 2 : i32
        %mul3A_911 = arith.muli %sub3A_909, %mul3A_910 : i32
        %dma_wait3A_912 = arith.constant 1 : i32
        %dma_wait3A_913 = arith.constant 1 : i32
        %dma_wait3A_914 = arith.constant 0 : i32
        %dma_wait3A_915 = arith.constant 0 : i32
        %dma_wait3A_916 = arith.constant 0 : i32
        %dma_wait3A_917 = tpu.memref_slice %arg9[%dma_wait3A_912, %dma_wait3A_914, %dma_wait3A_915, %dma_wait3A_916] : memref<2x2x32x128xf32, #tpu.memory_space<vmem>> -> memref<1x2x32x128xf32, #tpu.memory_space<vmem>>
        %dma_wait3A_918 = tpu.memref_squeeze %dma_wait3A_917 : memref<1x2x32x128xf32, #tpu.memory_space<vmem>> -> memref<2x32x128xf32, #tpu.memory_space<vmem>>
        %dma_wait3A_919 = arith.constant 0 : i32
        %dma_wait3A_920 = tpu.memref_slice %arg4[%mul3A_911, %dma_wait3A_919, %mul3A_2] : memref<200x32x4096xf32, #tpu.memory_space<hbm>> -> memref<2x32x128xf32, #tpu.memory_space<hbm>>
        %dma_wait3A_921 = tpu.memref_slice %arg12[%dma_wait3A_913] : memref<2x!tpu.dma_semaphore, #tpu.memory_space<semaphore_mem>> -> memref<1x!tpu.dma_semaphore, #tpu.memory_space<semaphore_mem>>
        %dma_wait3A_922 = tpu.memref_squeeze %dma_wait3A_921 : memref<1x!tpu.dma_semaphore, #tpu.memory_space<semaphore_mem>> -> memref<!tpu.dma_semaphore, #tpu.memory_space<semaphore_mem>>
        %dma_wait3A_923 = arith.constant 0 : i32
        %dma_wait3A_924 = tpu.memref_slice %arg4[%mul3A_911, %dma_wait3A_923, %mul3A_2] : memref<200x32x4096xf32, #tpu.memory_space<hbm>> -> memref<2x32x128xf32, #tpu.memory_space<hbm>>
        %dma_wait3A_925 = arith.constant 0 : i32
        %dma_wait3A_926 = arith.constant 0 : i32
        %dma_wait3A_927 = arith.constant 0 : i32
        %dma_wait3A_928 = tpu.memref_slice %arg9[%dma_wait3A_912, %dma_wait3A_925, %dma_wait3A_926, %dma_wait3A_927] : memref<2x2x32x128xf32, #tpu.memory_space<vmem>> -> memref<1x2x32x128xf32, #tpu.memory_space<vmem>>
        %dma_wait3A_929 = tpu.memref_squeeze %dma_wait3A_928 : memref<1x2x32x128xf32, #tpu.memory_space<vmem>> -> memref<2x32x128xf32, #tpu.memory_space<vmem>>
        tpu.wait_dma2 semaphore(%dma_wait3A_922 : memref<!tpu.dma_semaphore, #tpu.memory_space<semaphore_mem>>) src(%dma_wait3A_929 : memref<2x32x128xf32, #tpu.memory_space<vmem>>) dst(%dma_wait3A_924 : memref<2x32x128xf32, #tpu.memory_space<hbm>>)
      } else {
      }
      %get3A_788 = arith.constant 1 : i32
      %get3A_789 = arith.constant 0 : i32
      %get3A_790 = arith.index_cast %get3A_788 : i32 to index
      %get3A_791 = arith.index_cast %get3A_789 : i32 to index
      %get3A_792 = arith.constant 0 : index
      %get3A_793 = tpu.vector_load %arg7[%get3A_790, %get3A_791, %get3A_792] {strides = array<i32>} : memref<2x2x128xi32, #tpu.memory_space<vmem>>, vector<16xi32>,
      %get3A_794 = arith.constant 1 : i32
      %get3A_795 = arith.constant 0 : i32
      %get3A_796 = arith.index_cast %get3A_794 : i32 to index
      %get3A_797 = arith.index_cast %get3A_795 : i32 to index
      %get3A_798 = arith.constant 16 : index
      %get3A_799 = tpu.vector_load %arg7[%get3A_796, %get3A_797, %get3A_798] {strides = array<i32>} : memref<2x2x128xi32, #tpu.memory_space<vmem>>, vector<16xi32>,
      %get3A_800 = arith.constant 1 : i32
      %get3A_801 = arith.constant 0 : i32
      %get3A_802 = arith.index_cast %get3A_800 : i32 to index
      %get3A_803 = arith.index_cast %get3A_801 : i32 to index
      %get3A_804 = arith.constant 32 : index
      %get3A_805 = tpu.vector_load %arg7[%get3A_802, %get3A_803, %get3A_804] {strides = array<i32>} : memref<2x2x128xi32, #tpu.memory_space<vmem>>, vector<16xi32>,
      %get3A_806 = arith.constant 1 : i32
      %get3A_807 = arith.constant 0 : i32
      %get3A_808 = arith.index_cast %get3A_806 : i32 to index
      %get3A_809 = arith.index_cast %get3A_807 : i32 to index
      %get3A_810 = arith.constant 48 : index
      %get3A_811 = tpu.vector_load %arg7[%get3A_808, %get3A_809, %get3A_810] {strides = array<i32>} : memref<2x2x128xi32, #tpu.memory_space<vmem>>, vector<16xi32>,
      %get3A_812 = arith.constant 1 : i32
      %get3A_813 = arith.constant 0 : i32
      %get3A_814 = arith.index_cast %get3A_812 : i32 to index
      %get3A_815 = arith.index_cast %get3A_813 : i32 to index
      %get3A_816 = arith.constant 64 : index
      %get3A_817 = tpu.vector_load %arg7[%get3A_814, %get3A_815, %get3A_816] {strides = array<i32>} : memref<2x2x128xi32, #tpu.memory_space<vmem>>, vector<16xi32>,
      %get3A_818 = arith.constant 1 : i32
      %get3A_819 = arith.constant 0 : i32
      %get3A_820 = arith.index_cast %get3A_818 : i32 to index
      %get3A_821 = arith.index_cast %get3A_819 : i32 to index
      %get3A_822 = arith.constant 80 : index
      %get3A_823 = tpu.vector_load %arg7[%get3A_820, %get3A_821, %get3A_822] {strides = array<i32>} : memref<2x2x128xi32, #tpu.memory_space<vmem>>, vector<16xi32>,
      %get3A_824 = arith.constant 1 : i32
      %get3A_825 = arith.constant 0 : i32
      %get3A_826 = arith.index_cast %get3A_824 : i32 to index
      %get3A_827 = arith.index_cast %get3A_825 : i32 to index
      %get3A_828 = arith.constant 96 : index
      %get3A_829 = tpu.vector_load %arg7[%get3A_826, %get3A_827, %get3A_828] {strides = array<i32>} : memref<2x2x128xi32, #tpu.memory_space<vmem>>, vector<16xi32>,
      %get3A_830 = arith.constant 1 : i32
      %get3A_831 = arith.constant 0 : i32
      %get3A_832 = arith.index_cast %get3A_830 : i32 to index
      %get3A_833 = arith.index_cast %get3A_831 : i32 to index
      %get3A_834 = arith.constant 112 : index
      %get3A_835 = tpu.vector_load %arg7[%get3A_832, %get3A_833, %get3A_834] {strides = array<i32>} : memref<2x2x128xi32, #tpu.memory_space<vmem>>, vector<16xi32>,
      %get3A_836 = arith.constant 1 : i32
      %get3A_837 = arith.constant 1 : i32
      %get3A_838 = arith.index_cast %get3A_836 : i32 to index
      %get3A_839 = arith.index_cast %get3A_837 : i32 to index
      %get3A_840 = arith.constant 0 : index
      %get3A_841 = tpu.vector_load %arg7[%get3A_838, %get3A_839, %get3A_840] {strides = array<i32>} : memref<2x2x128xi32, #tpu.memory_space<vmem>>, vector<16xi32>,
      %get3A_842 = arith.constant 1 : i32
      %get3A_843 = arith.constant 1 : i32
      %get3A_844 = arith.index_cast %get3A_842 : i32 to index
      %get3A_845 = arith.index_cast %get3A_843 : i32 to index
      %get3A_846 = arith.constant 16 : index
      %get3A_847 = tpu.vector_load %arg7[%get3A_844, %get3A_845, %get3A_846] {strides = array<i32>} : memref<2x2x128xi32, #tpu.memory_space<vmem>>, vector<16xi32>,
      %get3A_848 = arith.constant 1 : i32
      %get3A_849 = arith.constant 1 : i32
      %get3A_850 = arith.index_cast %get3A_848 : i32 to index
      %get3A_851 = arith.index_cast %get3A_849 : i32 to index
      %get3A_852 = arith.constant 32 : index
      %get3A_853 = tpu.vector_load %arg7[%get3A_850, %get3A_851, %get3A_852] {strides = array<i32>} : memref<2x2x128xi32, #tpu.memory_space<vmem>>, vector<16xi32>,
      %get3A_854 = arith.constant 1 : i32
      %get3A_855 = arith.constant 1 : i32
      %get3A_856 = arith.index_cast %get3A_854 : i32 to index
      %get3A_857 = arith.index_cast %get3A_855 : i32 to index
      %get3A_858 = arith.constant 48 : index
      %get3A_859 = tpu.vector_load %arg7[%get3A_856, %get3A_857, %get3A_858] {strides = array<i32>} : memref<2x2x128xi32, #tpu.memory_space<vmem>>, vector<16xi32>,
      %get3A_860 = arith.constant 1 : i32
      %get3A_861 = arith.constant 1 : i32
      %get3A_862 = arith.index_cast %get3A_860 : i32 to index
      %get3A_863 = arith.index_cast %get3A_861 : i32 to index
      %get3A_864 = arith.constant 64 : index
      %get3A_865 = tpu.vector_load %arg7[%get3A_862, %get3A_863, %get3A_864] {strides = array<i32>} : memref<2x2x128xi32, #tpu.memory_space<vmem>>, vector<16xi32>,
      %get3A_866 = arith.constant 1 : i32
      %get3A_867 = arith.constant 1 : i32
      %get3A_868 = arith.index_cast %get3A_866 : i32 to index
      %get3A_869 = arith.index_cast %get3A_867 : i32 to index
      %get3A_870 = arith.constant 80 : index
      %get3A_871 = tpu.vector_load %arg7[%get3A_868, %get3A_869, %get3A_870] {strides = array<i32>} : memref<2x2x128xi32, #tpu.memory_space<vmem>>, vector<16xi32>,
      %get3A_872 = arith.constant 1 : i32
      %get3A_873 = arith.constant 1 : i32
      %get3A_874 = arith.index_cast %get3A_872 : i32 to index
      %get3A_875 = arith.index_cast %get3A_873 : i32 to index
      %get3A_876 = arith.constant 96 : index
      %get3A_877 = tpu.vector_load %arg7[%get3A_874, %get3A_875, %get3A_876] {strides = array<i32>} : memref<2x2x128xi32, #tpu.memory_space<vmem>>, vector<16xi32>,
      %get3A_878 = arith.constant 1 : i32
      %get3A_879 = arith.constant 1 : i32
      %get3A_880 = arith.index_cast %get3A_878 : i32 to index
      %get3A_881 = arith.index_cast %get3A_879 : i32 to index
      %get3A_882 = arith.constant 112 : index
      %get3A_883 = tpu.vector_load %arg7[%get3A_880, %get3A_881, %get3A_882] {strides = array<i32>} : memref<2x2x128xi32, #tpu.memory_space<vmem>>, vector<16xi32>,
      %scan3A_884 = arith.constant 0 : i32
      %scan3A_885 = arith.constant 16 : i32
      %scan3A_886 = arith.addi %scan3A_884, %scan3A_885 : i32
      %scan3A_887 = arith.constant 1 : i32
      scf.for %scan3A_909 = %scan3A_884 to %scan3A_886 step %scan3A_887  : i32 {
        %add3A_910 = vector.broadcast %scan3A_909 : i32 to vector<16xi32>
        %add3A_911 = arith.addi %iota3A, %add3A_910 : vector<16xi32>
        %and3A_912 = arith.constant 15 : i32
        %and3A_913 = vector.broadcast %and3A_912 : i32 to vector<16xi32>
        %and3A_914 = arith.andi %add3A_911, %and3A_913 : vector<16xi32>
        %add3A_915 = arith.constant 0 : i32
        %add3A_916 = vector.broadcast %add3A_915 : i32 to vector<16xi32>
        %add3A_917 = arith.addi %add3A_916, %iota3A : vector<16xi32>
        %add3A_918 = arith.constant 0 : i32
        %add3A_919 = vector.broadcast %add3A_918 : i32 to vector<16xi32>
        %add3A_920 = arith.addi %add3A_919, %and3A_914 : vector<16xi32>
        %add3A_921 = arith.addi %get3A_793, %add3A_920 : vector<16xi32>
        %gather3A = arith.constant 1 : i32
        %gather3A_922 = arith.constant 0 : i32
        %gather3A_923 = arith.constant 0 : i32
        %gather3A_924 = arith.constant 0 : i32
        %gather3A_925 = tpu.memref_slice %arg8[%gather3A, %gather3A_922, %gather3A_923, %gather3A_924] : memref<2x2x128x128xf32, #tpu.memory_space<vmem>> -> memref<1x1x128x128xf32, #tpu.memory_space<vmem>>
        %gather3A_926 = tpu.memref_squeeze %gather3A_925 : memref<1x1x128x128xf32, #tpu.memory_space<vmem>> -> memref<128x128xf32, #tpu.memory_space<vmem>>
        %gather3A_927 = tpu.vector_load_idx %gather3A_926[%add3A_917, %add3A_921] : memref<128x128xf32, #tpu.memory_space<vmem>>[vector<16xi32>, vector<16xi32>], vector<16xf32>,
        %scatter3A = arith.constant 1 : i32
        %scatter3A_928 = arith.constant 0 : i32
        %scatter3A_929 = arith.constant 0 : i32
        %scatter3A_930 = arith.constant 0 : i32
        %scatter3A_931 = tpu.memref_slice %arg9[%scatter3A, %scatter3A_928, %scatter3A_929, %scatter3A_930] : memref<2x2x32x128xf32, #tpu.memory_space<vmem>> -> memref<1x1x32x128xf32, #tpu.memory_space<vmem>>
        %scatter3A_932 = tpu.memref_squeeze %scatter3A_931 : memref<1x1x32x128xf32, #tpu.memory_space<vmem>> -> memref<32x128xf32, #tpu.memory_space<vmem>>
        tpu.vector_store_idx %scatter3A_932[%add3A_920, %add3A_917], %gather3A_927 : memref<32x128xf32, #tpu.memory_space<vmem>>[vector<16xi32>, vector<16xi32>], vector<16xf32>,
        %add3A_933 = arith.constant 16 : i32
        %add3A_934 = vector.broadcast %add3A_933 : i32 to vector<16xi32>
        %add3A_935 = arith.addi %add3A_934, %and3A_914 : vector<16xi32>
        %add3A_936 = arith.addi %get3A_793, %add3A_935 : vector<16xi32>
        %gather3A_937 = arith.constant 1 : i32
        %gather3A_938 = arith.constant 0 : i32
        %gather3A_939 = arith.constant 0 : i32
        %gather3A_940 = arith.constant 0 : i32
        %gather3A_941 = tpu.memref_slice %arg8[%gather3A_937, %gather3A_938, %gather3A_939, %gather3A_940] : memref<2x2x128x128xf32, #tpu.memory_space<vmem>> -> memref<1x1x128x128xf32, #tpu.memory_space<vmem>>
        %gather3A_942 = tpu.memref_squeeze %gather3A_941 : memref<1x1x128x128xf32, #tpu.memory_space<vmem>> -> memref<128x128xf32, #tpu.memory_space<vmem>>
        %gather3A_943 = tpu.vector_load_idx %gather3A_942[%add3A_917, %add3A_936] : memref<128x128xf32, #tpu.memory_space<vmem>>[vector<16xi32>, vector<16xi32>], vector<16xf32>,
        %scatter3A_944 = arith.constant 1 : i32
        %scatter3A_945 = arith.constant 0 : i32
        %scatter3A_946 = arith.constant 0 : i32
        %scatter3A_947 = arith.constant 0 : i32
        %scatter3A_948 = tpu.memref_slice %arg9[%scatter3A_944, %scatter3A_945, %scatter3A_946, %scatter3A_947] : memref<2x2x32x128xf32, #tpu.memory_space<vmem>> -> memref<1x1x32x128xf32, #tpu.memory_space<vmem>>
        %scatter3A_949 = tpu.memref_squeeze %scatter3A_948 : memref<1x1x32x128xf32, #tpu.memory_space<vmem>> -> memref<32x128xf32, #tpu.memory_space<vmem>>
        tpu.vector_store_idx %scatter3A_949[%add3A_935, %add3A_917], %gather3A_943 : memref<32x128xf32, #tpu.memory_space<vmem>>[vector<16xi32>, vector<16xi32>], vector<16xf32>,
        %add3A_950 = arith.constant 16 : i32
        %add3A_951 = vector.broadcast %add3A_950 : i32 to vector<16xi32>
        %add3A_952 = arith.addi %add3A_951, %iota3A : vector<16xi32>
        %add3A_953 = arith.constant 0 : i32
        %add3A_954 = vector.broadcast %add3A_953 : i32 to vector<16xi32>
        %add3A_955 = arith.addi %add3A_954, %and3A_914 : vector<16xi32>
        %add3A_956 = arith.addi %get3A_799, %add3A_955 : vector<16xi32>
        %gather3A_957 = arith.constant 1 : i32
        %gather3A_958 = arith.constant 0 : i32
        %gather3A_959 = arith.constant 0 : i32
        %gather3A_960 = arith.constant 0 : i32
        %gather3A_961 = tpu.memref_slice %arg8[%gather3A_957, %gather3A_958, %gather3A_959, %gather3A_960] : memref<2x2x128x128xf32, #tpu.memory_space<vmem>> -> memref<1x1x128x128xf32, #tpu.memory_space<vmem>>
        %gather3A_962 = tpu.memref_squeeze %gather3A_961 : memref<1x1x128x128xf32, #tpu.memory_space<vmem>> -> memref<128x128xf32, #tpu.memory_space<vmem>>
        %gather3A_963 = tpu.vector_load_idx %gather3A_962[%add3A_952, %add3A_956] : memref<128x128xf32, #tpu.memory_space<vmem>>[vector<16xi32>, vector<16xi32>], vector<16xf32>,
        %scatter3A_964 = arith.constant 1 : i32
        %scatter3A_965 = arith.constant 0 : i32
        %scatter3A_966 = arith.constant 0 : i32
        %scatter3A_967 = arith.constant 0 : i32
        %scatter3A_968 = tpu.memref_slice %arg9[%scatter3A_964, %scatter3A_965, %scatter3A_966, %scatter3A_967] : memref<2x2x32x128xf32, #tpu.memory_space<vmem>> -> memref<1x1x32x128xf32, #tpu.memory_space<vmem>>
        %scatter3A_969 = tpu.memref_squeeze %scatter3A_968 : memref<1x1x32x128xf32, #tpu.memory_space<vmem>> -> memref<32x128xf32, #tpu.memory_space<vmem>>
        tpu.vector_store_idx %scatter3A_969[%add3A_955, %add3A_952], %gather3A_963 : memref<32x128xf32, #tpu.memory_space<vmem>>[vector<16xi32>, vector<16xi32>], vector<16xf32>,
        %add3A_970 = arith.constant 16 : i32
        %add3A_971 = vector.broadcast %add3A_970 : i32 to vector<16xi32>
        %add3A_972 = arith.addi %add3A_971, %and3A_914 : vector<16xi32>
        %add3A_973 = arith.addi %get3A_799, %add3A_972 : vector<16xi32>
        %gather3A_974 = arith.constant 1 : i32
        %gather3A_975 = arith.constant 0 : i32
        %gather3A_976 = arith.constant 0 : i32
        %gather3A_977 = arith.constant 0 : i32
        %gather3A_978 = tpu.memref_slice %arg8[%gather3A_974, %gather3A_975, %gather3A_976, %gather3A_977] : memref<2x2x128x128xf32, #tpu.memory_space<vmem>> -> memref<1x1x128x128xf32, #tpu.memory_space<vmem>>
        %gather3A_979 = tpu.memref_squeeze %gather3A_978 : memref<1x1x128x128xf32, #tpu.memory_space<vmem>> -> memref<128x128xf32, #tpu.memory_space<vmem>>
        %gather3A_980 = tpu.vector_load_idx %gather3A_979[%add3A_952, %add3A_973] : memref<128x128xf32, #tpu.memory_space<vmem>>[vector<16xi32>, vector<16xi32>], vector<16xf32>,
        %scatter3A_981 = arith.constant 1 : i32
        %scatter3A_982 = arith.constant 0 : i32
        %scatter3A_983 = arith.constant 0 : i32
        %scatter3A_984 = arith.constant 0 : i32
        %scatter3A_985 = tpu.memref_slice %arg9[%scatter3A_981, %scatter3A_982, %scatter3A_983, %scatter3A_984] : memref<2x2x32x128xf32, #tpu.memory_space<vmem>> -> memref<1x1x32x128xf32, #tpu.memory_space<vmem>>
        %scatter3A_986 = tpu.memref_squeeze %scatter3A_985 : memref<1x1x32x128xf32, #tpu.memory_space<vmem>> -> memref<32x128xf32, #tpu.memory_space<vmem>>
        tpu.vector_store_idx %scatter3A_986[%add3A_972, %add3A_952], %gather3A_980 : memref<32x128xf32, #tpu.memory_space<vmem>>[vector<16xi32>, vector<16xi32>], vector<16xf32>,
        %add3A_987 = arith.constant 32 : i32
        %add3A_988 = vector.broadcast %add3A_987 : i32 to vector<16xi32>
        %add3A_989 = arith.addi %add3A_988, %iota3A : vector<16xi32>
        %add3A_990 = arith.constant 0 : i32
        %add3A_991 = vector.broadcast %add3A_990 : i32 to vector<16xi32>
        %add3A_992 = arith.addi %add3A_991, %and3A_914 : vector<16xi32>
        %add3A_993 = arith.addi %get3A_805, %add3A_992 : vector<16xi32>
        %gather3A_994 = arith.constant 1 : i32
        %gather3A_995 = arith.constant 0 : i32
        %gather3A_996 = arith.constant 0 : i32
        %gather3A_997 = arith.constant 0 : i32
        %gather3A_998 = tpu.memref_slice %arg8[%gather3A_994, %gather3A_995, %gather3A_996, %gather3A_997] : memref<2x2x128x128xf32, #tpu.memory_space<vmem>> -> memref<1x1x128x128xf32, #tpu.memory_space<vmem>>
        %gather3A_999 = tpu.memref_squeeze %gather3A_998 : memref<1x1x128x128xf32, #tpu.memory_space<vmem>> -> memref<128x128xf32, #tpu.memory_space<vmem>>
        %gather3A_1000 = tpu.vector_load_idx %gather3A_999[%add3A_989, %add3A_993] : memref<128x128xf32, #tpu.memory_space<vmem>>[vector<16xi32>, vector<16xi32>], vector<16xf32>,
        %scatter3A_1001 = arith.constant 1 : i32
        %scatter3A_1002 = arith.constant 0 : i32
        %scatter3A_1003 = arith.constant 0 : i32
        %scatter3A_1004 = arith.constant 0 : i32
        %scatter3A_1005 = tpu.memref_slice %arg9[%scatter3A_1001, %scatter3A_1002, %scatter3A_1003, %scatter3A_1004] : memref<2x2x32x128xf32, #tpu.memory_space<vmem>> -> memref<1x1x32x128xf32, #tpu.memory_space<vmem>>
        %scatter3A_1006 = tpu.memref_squeeze %scatter3A_1005 : memref<1x1x32x128xf32, #tpu.memory_space<vmem>> -> memref<32x128xf32, #tpu.memory_space<vmem>>
        tpu.vector_store_idx %scatter3A_1006[%add3A_992, %add3A_989], %gather3A_1000 : memref<32x128xf32, #tpu.memory_space<vmem>>[vector<16xi32>, vector<16xi32>], vector<16xf32>,
        %add3A_1007 = arith.constant 16 : i32
        %add3A_1008 = vector.broadcast %add3A_1007 : i32 to vector<16xi32>
        %add3A_1009 = arith.addi %add3A_1008, %and3A_914 : vector<16xi32>
        %add3A_1010 = arith.addi %get3A_805, %add3A_1009 : vector<16xi32>
        %gather3A_1011 = arith.constant 1 : i32
        %gather3A_1012 = arith.constant 0 : i32
        %gather3A_1013 = arith.constant 0 : i32
        %gather3A_1014 = arith.constant 0 : i32
        %gather3A_1015 = tpu.memref_slice %arg8[%gather3A_1011, %gather3A_1012, %gather3A_1013, %gather3A_1014] : memref<2x2x128x128xf32, #tpu.memory_space<vmem>> -> memref<1x1x128x128xf32, #tpu.memory_space<vmem>>
        %gather3A_1016 = tpu.memref_squeeze %gather3A_1015 : memref<1x1x128x128xf32, #tpu.memory_space<vmem>> -> memref<128x128xf32, #tpu.memory_space<vmem>>
        %gather3A_1017 = tpu.vector_load_idx %gather3A_1016[%add3A_989, %add3A_1010] : memref<128x128xf32, #tpu.memory_space<vmem>>[vector<16xi32>, vector<16xi32>], vector<16xf32>,
        %scatter3A_1018 = arith.constant 1 : i32
        %scatter3A_1019 = arith.constant 0 : i32
        %scatter3A_1020 = arith.constant 0 : i32
        %scatter3A_1021 = arith.constant 0 : i32
        %scatter3A_1022 = tpu.memref_slice %arg9[%scatter3A_1018, %scatter3A_1019, %scatter3A_1020, %scatter3A_1021] : memref<2x2x32x128xf32, #tpu.memory_space<vmem>> -> memref<1x1x32x128xf32, #tpu.memory_space<vmem>>
        %scatter3A_1023 = tpu.memref_squeeze %scatter3A_1022 : memref<1x1x32x128xf32, #tpu.memory_space<vmem>> -> memref<32x128xf32, #tpu.memory_space<vmem>>
        tpu.vector_store_idx %scatter3A_1023[%add3A_1009, %add3A_989], %gather3A_1017 : memref<32x128xf32, #tpu.memory_space<vmem>>[vector<16xi32>, vector<16xi32>], vector<16xf32>,
        %add3A_1024 = arith.constant 48 : i32
        %add3A_1025 = vector.broadcast %add3A_1024 : i32 to vector<16xi32>
        %add3A_1026 = arith.addi %add3A_1025, %iota3A : vector<16xi32>
        %add3A_1027 = arith.constant 0 : i32
        %add3A_1028 = vector.broadcast %add3A_1027 : i32 to vector<16xi32>
        %add3A_1029 = arith.addi %add3A_1028, %and3A_914 : vector<16xi32>
        %add3A_1030 = arith.addi %get3A_811, %add3A_1029 : vector<16xi32>
        %gather3A_1031 = arith.constant 1 : i32
        %gather3A_1032 = arith.constant 0 : i32
        %gather3A_1033 = arith.constant 0 : i32
        %gather3A_1034 = arith.constant 0 : i32
        %gather3A_1035 = tpu.memref_slice %arg8[%gather3A_1031, %gather3A_1032, %gather3A_1033, %gather3A_1034] : memref<2x2x128x128xf32, #tpu.memory_space<vmem>> -> memref<1x1x128x128xf32, #tpu.memory_space<vmem>>
        %gather3A_1036 = tpu.memref_squeeze %gather3A_1035 : memref<1x1x128x128xf32, #tpu.memory_space<vmem>> -> memref<128x128xf32, #tpu.memory_space<vmem>>
        %gather3A_1037 = tpu.vector_load_idx %gather3A_1036[%add3A_1026, %add3A_1030] : memref<128x128xf32, #tpu.memory_space<vmem>>[vector<16xi32>, vector<16xi32>], vector<16xf32>,
        %scatter3A_1038 = arith.constant 1 : i32
        %scatter3A_1039 = arith.constant 0 : i32
        %scatter3A_1040 = arith.constant 0 : i32
        %scatter3A_1041 = arith.constant 0 : i32
        %scatter3A_1042 = tpu.memref_slice %arg9[%scatter3A_1038, %scatter3A_1039, %scatter3A_1040, %scatter3A_1041] : memref<2x2x32x128xf32, #tpu.memory_space<vmem>> -> memref<1x1x32x128xf32, #tpu.memory_space<vmem>>
        %scatter3A_1043 = tpu.memref_squeeze %scatter3A_1042 : memref<1x1x32x128xf32, #tpu.memory_space<vmem>> -> memref<32x128xf32, #tpu.memory_space<vmem>>
        tpu.vector_store_idx %scatter3A_1043[%add3A_1029, %add3A_1026], %gather3A_1037 : memref<32x128xf32, #tpu.memory_space<vmem>>[vector<16xi32>, vector<16xi32>], vector<16xf32>,
        %add3A_1044 = arith.constant 16 : i32
        %add3A_1045 = vector.broadcast %add3A_1044 : i32 to vector<16xi32>
        %add3A_1046 = arith.addi %add3A_1045, %and3A_914 : vector<16xi32>
        %add3A_1047 = arith.addi %get3A_811, %add3A_1046 : vector<16xi32>
        %gather3A_1048 = arith.constant 1 : i32
        %gather3A_1049 = arith.constant 0 : i32
        %gather3A_1050 = arith.constant 0 : i32
        %gather3A_1051 = arith.constant 0 : i32
        %gather3A_1052 = tpu.memref_slice %arg8[%gather3A_1048, %gather3A_1049, %gather3A_1050, %gather3A_1051] : memref<2x2x128x128xf32, #tpu.memory_space<vmem>> -> memref<1x1x128x128xf32, #tpu.memory_space<vmem>>
        %gather3A_1053 = tpu.memref_squeeze %gather3A_1052 : memref<1x1x128x128xf32, #tpu.memory_space<vmem>> -> memref<128x128xf32, #tpu.memory_space<vmem>>
        %gather3A_1054 = tpu.vector_load_idx %gather3A_1053[%add3A_1026, %add3A_1047] : memref<128x128xf32, #tpu.memory_space<vmem>>[vector<16xi32>, vector<16xi32>], vector<16xf32>,
        %scatter3A_1055 = arith.constant 1 : i32
        %scatter3A_1056 = arith.constant 0 : i32
        %scatter3A_1057 = arith.constant 0 : i32
        %scatter3A_1058 = arith.constant 0 : i32
        %scatter3A_1059 = tpu.memref_slice %arg9[%scatter3A_1055, %scatter3A_1056, %scatter3A_1057, %scatter3A_1058] : memref<2x2x32x128xf32, #tpu.memory_space<vmem>> -> memref<1x1x32x128xf32, #tpu.memory_space<vmem>>
        %scatter3A_1060 = tpu.memref_squeeze %scatter3A_1059 : memref<1x1x32x128xf32, #tpu.memory_space<vmem>> -> memref<32x128xf32, #tpu.memory_space<vmem>>
        tpu.vector_store_idx %scatter3A_1060[%add3A_1046, %add3A_1026], %gather3A_1054 : memref<32x128xf32, #tpu.memory_space<vmem>>[vector<16xi32>, vector<16xi32>], vector<16xf32>,
        %add3A_1061 = arith.constant 64 : i32
        %add3A_1062 = vector.broadcast %add3A_1061 : i32 to vector<16xi32>
        %add3A_1063 = arith.addi %add3A_1062, %iota3A : vector<16xi32>
        %add3A_1064 = arith.constant 0 : i32
        %add3A_1065 = vector.broadcast %add3A_1064 : i32 to vector<16xi32>
        %add3A_1066 = arith.addi %add3A_1065, %and3A_914 : vector<16xi32>
        %add3A_1067 = arith.addi %get3A_817, %add3A_1066 : vector<16xi32>
        %gather3A_1068 = arith.constant 1 : i32
        %gather3A_1069 = arith.constant 0 : i32
        %gather3A_1070 = arith.constant 0 : i32
        %gather3A_1071 = arith.constant 0 : i32
        %gather3A_1072 = tpu.memref_slice %arg8[%gather3A_1068, %gather3A_1069, %gather3A_1070, %gather3A_1071] : memref<2x2x128x128xf32, #tpu.memory_space<vmem>> -> memref<1x1x128x128xf32, #tpu.memory_space<vmem>>
        %gather3A_1073 = tpu.memref_squeeze %gather3A_1072 : memref<1x1x128x128xf32, #tpu.memory_space<vmem>> -> memref<128x128xf32, #tpu.memory_space<vmem>>
        %gather3A_1074 = tpu.vector_load_idx %gather3A_1073[%add3A_1063, %add3A_1067] : memref<128x128xf32, #tpu.memory_space<vmem>>[vector<16xi32>, vector<16xi32>], vector<16xf32>,
        %scatter3A_1075 = arith.constant 1 : i32
        %scatter3A_1076 = arith.constant 0 : i32
        %scatter3A_1077 = arith.constant 0 : i32
        %scatter3A_1078 = arith.constant 0 : i32
        %scatter3A_1079 = tpu.memref_slice %arg9[%scatter3A_1075, %scatter3A_1076, %scatter3A_1077, %scatter3A_1078] : memref<2x2x32x128xf32, #tpu.memory_space<vmem>> -> memref<1x1x32x128xf32, #tpu.memory_space<vmem>>
        %scatter3A_1080 = tpu.memref_squeeze %scatter3A_1079 : memref<1x1x32x128xf32, #tpu.memory_space<vmem>> -> memref<32x128xf32, #tpu.memory_space<vmem>>
        tpu.vector_store_idx %scatter3A_1080[%add3A_1066, %add3A_1063], %gather3A_1074 : memref<32x128xf32, #tpu.memory_space<vmem>>[vector<16xi32>, vector<16xi32>], vector<16xf32>,
        %add3A_1081 = arith.constant 16 : i32
        %add3A_1082 = vector.broadcast %add3A_1081 : i32 to vector<16xi32>
        %add3A_1083 = arith.addi %add3A_1082, %and3A_914 : vector<16xi32>
        %add3A_1084 = arith.addi %get3A_817, %add3A_1083 : vector<16xi32>
        %gather3A_1085 = arith.constant 1 : i32
        %gather3A_1086 = arith.constant 0 : i32
        %gather3A_1087 = arith.constant 0 : i32
        %gather3A_1088 = arith.constant 0 : i32
        %gather3A_1089 = tpu.memref_slice %arg8[%gather3A_1085, %gather3A_1086, %gather3A_1087, %gather3A_1088] : memref<2x2x128x128xf32, #tpu.memory_space<vmem>> -> memref<1x1x128x128xf32, #tpu.memory_space<vmem>>
        %gather3A_1090 = tpu.memref_squeeze %gather3A_1089 : memref<1x1x128x128xf32, #tpu.memory_space<vmem>> -> memref<128x128xf32, #tpu.memory_space<vmem>>
        %gather3A_1091 = tpu.vector_load_idx %gather3A_1090[%add3A_1063, %add3A_1084] : memref<128x128xf32, #tpu.memory_space<vmem>>[vector<16xi32>, vector<16xi32>], vector<16xf32>,
        %scatter3A_1092 = arith.constant 1 : i32
        %scatter3A_1093 = arith.constant 0 : i32
        %scatter3A_1094 = arith.constant 0 : i32
        %scatter3A_1095 = arith.constant 0 : i32
        %scatter3A_1096 = tpu.memref_slice %arg9[%scatter3A_1092, %scatter3A_1093, %scatter3A_1094, %scatter3A_1095] : memref<2x2x32x128xf32, #tpu.memory_space<vmem>> -> memref<1x1x32x128xf32, #tpu.memory_space<vmem>>
        %scatter3A_1097 = tpu.memref_squeeze %scatter3A_1096 : memref<1x1x32x128xf32, #tpu.memory_space<vmem>> -> memref<32x128xf32, #tpu.memory_space<vmem>>
        tpu.vector_store_idx %scatter3A_1097[%add3A_1083, %add3A_1063], %gather3A_1091 : memref<32x128xf32, #tpu.memory_space<vmem>>[vector<16xi32>, vector<16xi32>], vector<16xf32>,
        %add3A_1098 = arith.constant 80 : i32
        %add3A_1099 = vector.broadcast %add3A_1098 : i32 to vector<16xi32>
        %add3A_1100 = arith.addi %add3A_1099, %iota3A : vector<16xi32>
        %add3A_1101 = arith.constant 0 : i32
        %add3A_1102 = vector.broadcast %add3A_1101 : i32 to vector<16xi32>
        %add3A_1103 = arith.addi %add3A_1102, %and3A_914 : vector<16xi32>
        %add3A_1104 = arith.addi %get3A_823, %add3A_1103 : vector<16xi32>
        %gather3A_1105 = arith.constant 1 : i32
        %gather3A_1106 = arith.constant 0 : i32
        %gather3A_1107 = arith.constant 0 : i32
        %gather3A_1108 = arith.constant 0 : i32
        %gather3A_1109 = tpu.memref_slice %arg8[%gather3A_1105, %gather3A_1106, %gather3A_1107, %gather3A_1108] : memref<2x2x128x128xf32, #tpu.memory_space<vmem>> -> memref<1x1x128x128xf32, #tpu.memory_space<vmem>>
        %gather3A_1110 = tpu.memref_squeeze %gather3A_1109 : memref<1x1x128x128xf32, #tpu.memory_space<vmem>> -> memref<128x128xf32, #tpu.memory_space<vmem>>
        %gather3A_1111 = tpu.vector_load_idx %gather3A_1110[%add3A_1100, %add3A_1104] : memref<128x128xf32, #tpu.memory_space<vmem>>[vector<16xi32>, vector<16xi32>], vector<16xf32>,
        %scatter3A_1112 = arith.constant 1 : i32
        %scatter3A_1113 = arith.constant 0 : i32
        %scatter3A_1114 = arith.constant 0 : i32
        %scatter3A_1115 = arith.constant 0 : i32
        %scatter3A_1116 = tpu.memref_slice %arg9[%scatter3A_1112, %scatter3A_1113, %scatter3A_1114, %scatter3A_1115] : memref<2x2x32x128xf32, #tpu.memory_space<vmem>> -> memref<1x1x32x128xf32, #tpu.memory_space<vmem>>
        %scatter3A_1117 = tpu.memref_squeeze %scatter3A_1116 : memref<1x1x32x128xf32, #tpu.memory_space<vmem>> -> memref<32x128xf32, #tpu.memory_space<vmem>>
        tpu.vector_store_idx %scatter3A_1117[%add3A_1103, %add3A_1100], %gather3A_1111 : memref<32x128xf32, #tpu.memory_space<vmem>>[vector<16xi32>, vector<16xi32>], vector<16xf32>,
        %add3A_1118 = arith.constant 16 : i32
        %add3A_1119 = vector.broadcast %add3A_1118 : i32 to vector<16xi32>
        %add3A_1120 = arith.addi %add3A_1119, %and3A_914 : vector<16xi32>
        %add3A_1121 = arith.addi %get3A_823, %add3A_1120 : vector<16xi32>
        %gather3A_1122 = arith.constant 1 : i32
        %gather3A_1123 = arith.constant 0 : i32
        %gather3A_1124 = arith.constant 0 : i32
        %gather3A_1125 = arith.constant 0 : i32
        %gather3A_1126 = tpu.memref_slice %arg8[%gather3A_1122, %gather3A_1123, %gather3A_1124, %gather3A_1125] : memref<2x2x128x128xf32, #tpu.memory_space<vmem>> -> memref<1x1x128x128xf32, #tpu.memory_space<vmem>>
        %gather3A_1127 = tpu.memref_squeeze %gather3A_1126 : memref<1x1x128x128xf32, #tpu.memory_space<vmem>> -> memref<128x128xf32, #tpu.memory_space<vmem>>
        %gather3A_1128 = tpu.vector_load_idx %gather3A_1127[%add3A_1100, %add3A_1121] : memref<128x128xf32, #tpu.memory_space<vmem>>[vector<16xi32>, vector<16xi32>], vector<16xf32>,
        %scatter3A_1129 = arith.constant 1 : i32
        %scatter3A_1130 = arith.constant 0 : i32
        %scatter3A_1131 = arith.constant 0 : i32
        %scatter3A_1132 = arith.constant 0 : i32
        %scatter3A_1133 = tpu.memref_slice %arg9[%scatter3A_1129, %scatter3A_1130, %scatter3A_1131, %scatter3A_1132] : memref<2x2x32x128xf32, #tpu.memory_space<vmem>> -> memref<1x1x32x128xf32, #tpu.memory_space<vmem>>
        %scatter3A_1134 = tpu.memref_squeeze %scatter3A_1133 : memref<1x1x32x128xf32, #tpu.memory_space<vmem>> -> memref<32x128xf32, #tpu.memory_space<vmem>>
        tpu.vector_store_idx %scatter3A_1134[%add3A_1120, %add3A_1100], %gather3A_1128 : memref<32x128xf32, #tpu.memory_space<vmem>>[vector<16xi32>, vector<16xi32>], vector<16xf32>,
        %add3A_1135 = arith.constant 96 : i32
        %add3A_1136 = vector.broadcast %add3A_1135 : i32 to vector<16xi32>
        %add3A_1137 = arith.addi %add3A_1136, %iota3A : vector<16xi32>
        %add3A_1138 = arith.constant 0 : i32
        %add3A_1139 = vector.broadcast %add3A_1138 : i32 to vector<16xi32>
        %add3A_1140 = arith.addi %add3A_1139, %and3A_914 : vector<16xi32>
        %add3A_1141 = arith.addi %get3A_829, %add3A_1140 : vector<16xi32>
        %gather3A_1142 = arith.constant 1 : i32
        %gather3A_1143 = arith.constant 0 : i32
        %gather3A_1144 = arith.constant 0 : i32
        %gather3A_1145 = arith.constant 0 : i32
        %gather3A_1146 = tpu.memref_slice %arg8[%gather3A_1142, %gather3A_1143, %gather3A_1144, %gather3A_1145] : memref<2x2x128x128xf32, #tpu.memory_space<vmem>> -> memref<1x1x128x128xf32, #tpu.memory_space<vmem>>
        %gather3A_1147 = tpu.memref_squeeze %gather3A_1146 : memref<1x1x128x128xf32, #tpu.memory_space<vmem>> -> memref<128x128xf32, #tpu.memory_space<vmem>>
        %gather3A_1148 = tpu.vector_load_idx %gather3A_1147[%add3A_1137, %add3A_1141] : memref<128x128xf32, #tpu.memory_space<vmem>>[vector<16xi32>, vector<16xi32>], vector<16xf32>,
        %scatter3A_1149 = arith.constant 1 : i32
        %scatter3A_1150 = arith.constant 0 : i32
        %scatter3A_1151 = arith.constant 0 : i32
        %scatter3A_1152 = arith.constant 0 : i32
        %scatter3A_1153 = tpu.memref_slice %arg9[%scatter3A_1149, %scatter3A_1150, %scatter3A_1151, %scatter3A_1152] : memref<2x2x32x128xf32, #tpu.memory_space<vmem>> -> memref<1x1x32x128xf32, #tpu.memory_space<vmem>>
        %scatter3A_1154 = tpu.memref_squeeze %scatter3A_1153 : memref<1x1x32x128xf32, #tpu.memory_space<vmem>> -> memref<32x128xf32, #tpu.memory_space<vmem>>
        tpu.vector_store_idx %scatter3A_1154[%add3A_1140, %add3A_1137], %gather3A_1148 : memref<32x128xf32, #tpu.memory_space<vmem>>[vector<16xi32>, vector<16xi32>], vector<16xf32>,
        %add3A_1155 = arith.constant 16 : i32
        %add3A_1156 = vector.broadcast %add3A_1155 : i32 to vector<16xi32>
        %add3A_1157 = arith.addi %add3A_1156, %and3A_914 : vector<16xi32>
        %add3A_1158 = arith.addi %get3A_829, %add3A_1157 : vector<16xi32>
        %gather3A_1159 = arith.constant 1 : i32
        %gather3A_1160 = arith.constant 0 : i32
        %gather3A_1161 = arith.constant 0 : i32
        %gather3A_1162 = arith.constant 0 : i32
        %gather3A_1163 = tpu.memref_slice %arg8[%gather3A_1159, %gather3A_1160, %gather3A_1161, %gather3A_1162] : memref<2x2x128x128xf32, #tpu.memory_space<vmem>> -> memref<1x1x128x128xf32, #tpu.memory_space<vmem>>
        %gather3A_1164 = tpu.memref_squeeze %gather3A_1163 : memref<1x1x128x128xf32, #tpu.memory_space<vmem>> -> memref<128x128xf32, #tpu.memory_space<vmem>>
        %gather3A_1165 = tpu.vector_load_idx %gather3A_1164[%add3A_1137, %add3A_1158] : memref<128x128xf32, #tpu.memory_space<vmem>>[vector<16xi32>, vector<16xi32>], vector<16xf32>,
        %scatter3A_1166 = arith.constant 1 : i32
        %scatter3A_1167 = arith.constant 0 : i32
        %scatter3A_1168 = arith.constant 0 : i32
        %scatter3A_1169 = arith.constant 0 : i32
        %scatter3A_1170 = tpu.memref_slice %arg9[%scatter3A_1166, %scatter3A_1167, %scatter3A_1168, %scatter3A_1169] : memref<2x2x32x128xf32, #tpu.memory_space<vmem>> -> memref<1x1x32x128xf32, #tpu.memory_space<vmem>>
        %scatter3A_1171 = tpu.memref_squeeze %scatter3A_1170 : memref<1x1x32x128xf32, #tpu.memory_space<vmem>> -> memref<32x128xf32, #tpu.memory_space<vmem>>
        tpu.vector_store_idx %scatter3A_1171[%add3A_1157, %add3A_1137], %gather3A_1165 : memref<32x128xf32, #tpu.memory_space<vmem>>[vector<16xi32>, vector<16xi32>], vector<16xf32>,
        %add3A_1172 = arith.constant 112 : i32
        %add3A_1173 = vector.broadcast %add3A_1172 : i32 to vector<16xi32>
        %add3A_1174 = arith.addi %add3A_1173, %iota3A : vector<16xi32>
        %add3A_1175 = arith.constant 0 : i32
        %add3A_1176 = vector.broadcast %add3A_1175 : i32 to vector<16xi32>
        %add3A_1177 = arith.addi %add3A_1176, %and3A_914 : vector<16xi32>
        %add3A_1178 = arith.addi %get3A_835, %add3A_1177 : vector<16xi32>
        %gather3A_1179 = arith.constant 1 : i32
        %gather3A_1180 = arith.constant 0 : i32
        %gather3A_1181 = arith.constant 0 : i32
        %gather3A_1182 = arith.constant 0 : i32
        %gather3A_1183 = tpu.memref_slice %arg8[%gather3A_1179, %gather3A_1180, %gather3A_1181, %gather3A_1182] : memref<2x2x128x128xf32, #tpu.memory_space<vmem>> -> memref<1x1x128x128xf32, #tpu.memory_space<vmem>>
        %gather3A_1184 = tpu.memref_squeeze %gather3A_1183 : memref<1x1x128x128xf32, #tpu.memory_space<vmem>> -> memref<128x128xf32, #tpu.memory_space<vmem>>
        %gather3A_1185 = tpu.vector_load_idx %gather3A_1184[%add3A_1174, %add3A_1178] : memref<128x128xf32, #tpu.memory_space<vmem>>[vector<16xi32>, vector<16xi32>], vector<16xf32>,
        %scatter3A_1186 = arith.constant 1 : i32
        %scatter3A_1187 = arith.constant 0 : i32
        %scatter3A_1188 = arith.constant 0 : i32
        %scatter3A_1189 = arith.constant 0 : i32
        %scatter3A_1190 = tpu.memref_slice %arg9[%scatter3A_1186, %scatter3A_1187, %scatter3A_1188, %scatter3A_1189] : memref<2x2x32x128xf32, #tpu.memory_space<vmem>> -> memref<1x1x32x128xf32, #tpu.memory_space<vmem>>
        %scatter3A_1191 = tpu.memref_squeeze %scatter3A_1190 : memref<1x1x32x128xf32, #tpu.memory_space<vmem>> -> memref<32x128xf32, #tpu.memory_space<vmem>>
        tpu.vector_store_idx %scatter3A_1191[%add3A_1177, %add3A_1174], %gather3A_1185 : memref<32x128xf32, #tpu.memory_space<vmem>>[vector<16xi32>, vector<16xi32>], vector<16xf32>,
        %add3A_1192 = arith.constant 16 : i32
        %add3A_1193 = vector.broadcast %add3A_1192 : i32 to vector<16xi32>
        %add3A_1194 = arith.addi %add3A_1193, %and3A_914 : vector<16xi32>
        %add3A_1195 = arith.addi %get3A_835, %add3A_1194 : vector<16xi32>
        %gather3A_1196 = arith.constant 1 : i32
        %gather3A_1197 = arith.constant 0 : i32
        %gather3A_1198 = arith.constant 0 : i32
        %gather3A_1199 = arith.constant 0 : i32
        %gather3A_1200 = tpu.memref_slice %arg8[%gather3A_1196, %gather3A_1197, %gather3A_1198, %gather3A_1199] : memref<2x2x128x128xf32, #tpu.memory_space<vmem>> -> memref<1x1x128x128xf32, #tpu.memory_space<vmem>>
        %gather3A_1201 = tpu.memref_squeeze %gather3A_1200 : memref<1x1x128x128xf32, #tpu.memory_space<vmem>> -> memref<128x128xf32, #tpu.memory_space<vmem>>
        %gather3A_1202 = tpu.vector_load_idx %gather3A_1201[%add3A_1174, %add3A_1195] : memref<128x128xf32, #tpu.memory_space<vmem>>[vector<16xi32>, vector<16xi32>], vector<16xf32>,
        %scatter3A_1203 = arith.constant 1 : i32
        %scatter3A_1204 = arith.constant 0 : i32
        %scatter3A_1205 = arith.constant 0 : i32
        %scatter3A_1206 = arith.constant 0 : i32
        %scatter3A_1207 = tpu.memref_slice %arg9[%scatter3A_1203, %scatter3A_1204, %scatter3A_1205, %scatter3A_1206] : memref<2x2x32x128xf32, #tpu.memory_space<vmem>> -> memref<1x1x32x128xf32, #tpu.memory_space<vmem>>
        %scatter3A_1208 = tpu.memref_squeeze %scatter3A_1207 : memref<1x1x32x128xf32, #tpu.memory_space<vmem>> -> memref<32x128xf32, #tpu.memory_space<vmem>>
        tpu.vector_store_idx %scatter3A_1208[%add3A_1194, %add3A_1174], %gather3A_1202 : memref<32x128xf32, #tpu.memory_space<vmem>>[vector<16xi32>, vector<16xi32>], vector<16xf32>,
        %add3A_1209 = arith.constant 0 : i32
        %add3A_1210 = vector.broadcast %add3A_1209 : i32 to vector<16xi32>
        %add3A_1211 = arith.addi %add3A_1210, %iota3A : vector<16xi32>
        %add3A_1212 = arith.constant 0 : i32
        %add3A_1213 = vector.broadcast %add3A_1212 : i32 to vector<16xi32>
        %add3A_1214 = arith.addi %add3A_1213, %and3A_914 : vector<16xi32>
        %add3A_1215 = arith.addi %get3A_841, %add3A_1214 : vector<16xi32>
        %gather3A_1216 = arith.constant 1 : i32
        %gather3A_1217 = arith.constant 1 : i32
        %gather3A_1218 = arith.constant 0 : i32
        %gather3A_1219 = arith.constant 0 : i32
        %gather3A_1220 = tpu.memref_slice %arg8[%gather3A_1216, %gather3A_1217, %gather3A_1218, %gather3A_1219] : memref<2x2x128x128xf32, #tpu.memory_space<vmem>> -> memref<1x1x128x128xf32, #tpu.memory_space<vmem>>
        %gather3A_1221 = tpu.memref_squeeze %gather3A_1220 : memref<1x1x128x128xf32, #tpu.memory_space<vmem>> -> memref<128x128xf32, #tpu.memory_space<vmem>>
        %gather3A_1222 = tpu.vector_load_idx %gather3A_1221[%add3A_1211, %add3A_1215] : memref<128x128xf32, #tpu.memory_space<vmem>>[vector<16xi32>, vector<16xi32>], vector<16xf32>,
        %scatter3A_1223 = arith.constant 1 : i32
        %scatter3A_1224 = arith.constant 1 : i32
        %scatter3A_1225 = arith.constant 0 : i32
        %scatter3A_1226 = arith.constant 0 : i32
        %scatter3A_1227 = tpu.memref_slice %arg9[%scatter3A_1223, %scatter3A_1224, %scatter3A_1225, %scatter3A_1226] : memref<2x2x32x128xf32, #tpu.memory_space<vmem>> -> memref<1x1x32x128xf32, #tpu.memory_space<vmem>>
        %scatter3A_1228 = tpu.memref_squeeze %scatter3A_1227 : memref<1x1x32x128xf32, #tpu.memory_space<vmem>> -> memref<32x128xf32, #tpu.memory_space<vmem>>
        tpu.vector_store_idx %scatter3A_1228[%add3A_1214, %add3A_1211], %gather3A_1222 : memref<32x128xf32, #tpu.memory_space<vmem>>[vector<16xi32>, vector<16xi32>], vector<16xf32>,
        %add3A_1229 = arith.constant 16 : i32
        %add3A_1230 = vector.broadcast %add3A_1229 : i32 to vector<16xi32>
        %add3A_1231 = arith.addi %add3A_1230, %and3A_914 : vector<16xi32>
        %add3A_1232 = arith.addi %get3A_841, %add3A_1231 : vector<16xi32>
        %gather3A_1233 = arith.constant 1 : i32
        %gather3A_1234 = arith.constant 1 : i32
        %gather3A_1235 = arith.constant 0 : i32
        %gather3A_1236 = arith.constant 0 : i32
        %gather3A_1237 = tpu.memref_slice %arg8[%gather3A_1233, %gather3A_1234, %gather3A_1235, %gather3A_1236] : memref<2x2x128x128xf32, #tpu.memory_space<vmem>> -> memref<1x1x128x128xf32, #tpu.memory_space<vmem>>
        %gather3A_1238 = tpu.memref_squeeze %gather3A_1237 : memref<1x1x128x128xf32, #tpu.memory_space<vmem>> -> memref<128x128xf32, #tpu.memory_space<vmem>>
        %gather3A_1239 = tpu.vector_load_idx %gather3A_1238[%add3A_1211, %add3A_1232] : memref<128x128xf32, #tpu.memory_space<vmem>>[vector<16xi32>, vector<16xi32>], vector<16xf32>,
        %scatter3A_1240 = arith.constant 1 : i32
        %scatter3A_1241 = arith.constant 1 : i32
        %scatter3A_1242 = arith.constant 0 : i32
        %scatter3A_1243 = arith.constant 0 : i32
        %scatter3A_1244 = tpu.memref_slice %arg9[%scatter3A_1240, %scatter3A_1241, %scatter3A_1242, %scatter3A_1243] : memref<2x2x32x128xf32, #tpu.memory_space<vmem>> -> memref<1x1x32x128xf32, #tpu.memory_space<vmem>>
        %scatter3A_1245 = tpu.memref_squeeze %scatter3A_1244 : memref<1x1x32x128xf32, #tpu.memory_space<vmem>> -> memref<32x128xf32, #tpu.memory_space<vmem>>
        tpu.vector_store_idx %scatter3A_1245[%add3A_1231, %add3A_1211], %gather3A_1239 : memref<32x128xf32, #tpu.memory_space<vmem>>[vector<16xi32>, vector<16xi32>], vector<16xf32>,
        %add3A_1246 = arith.constant 16 : i32
        %add3A_1247 = vector.broadcast %add3A_1246 : i32 to vector<16xi32>
        %add3A_1248 = arith.addi %add3A_1247, %iota3A : vector<16xi32>
        %add3A_1249 = arith.constant 0 : i32
        %add3A_1250 = vector.broadcast %add3A_1249 : i32 to vector<16xi32>
        %add3A_1251 = arith.addi %add3A_1250, %and3A_914 : vector<16xi32>
        %add3A_1252 = arith.addi %get3A_847, %add3A_1251 : vector<16xi32>
        %gather3A_1253 = arith.constant 1 : i32
        %gather3A_1254 = arith.constant 1 : i32
        %gather3A_1255 = arith.constant 0 : i32
        %gather3A_1256 = arith.constant 0 : i32
        %gather3A_1257 = tpu.memref_slice %arg8[%gather3A_1253, %gather3A_1254, %gather3A_1255, %gather3A_1256] : memref<2x2x128x128xf32, #tpu.memory_space<vmem>> -> memref<1x1x128x128xf32, #tpu.memory_space<vmem>>
        %gather3A_1258 = tpu.memref_squeeze %gather3A_1257 : memref<1x1x128x128xf32, #tpu.memory_space<vmem>> -> memref<128x128xf32, #tpu.memory_space<vmem>>
        %gather3A_1259 = tpu.vector_load_idx %gather3A_1258[%add3A_1248, %add3A_1252] : memref<128x128xf32, #tpu.memory_space<vmem>>[vector<16xi32>, vector<16xi32>], vector<16xf32>,
        %scatter3A_1260 = arith.constant 1 : i32
        %scatter3A_1261 = arith.constant 1 : i32
        %scatter3A_1262 = arith.constant 0 : i32
        %scatter3A_1263 = arith.constant 0 : i32
        %scatter3A_1264 = tpu.memref_slice %arg9[%scatter3A_1260, %scatter3A_1261, %scatter3A_1262, %scatter3A_1263] : memref<2x2x32x128xf32, #tpu.memory_space<vmem>> -> memref<1x1x32x128xf32, #tpu.memory_space<vmem>>
        %scatter3A_1265 = tpu.memref_squeeze %scatter3A_1264 : memref<1x1x32x128xf32, #tpu.memory_space<vmem>> -> memref<32x128xf32, #tpu.memory_space<vmem>>
        tpu.vector_store_idx %scatter3A_1265[%add3A_1251, %add3A_1248], %gather3A_1259 : memref<32x128xf32, #tpu.memory_space<vmem>>[vector<16xi32>, vector<16xi32>], vector<16xf32>,
        %add3A_1266 = arith.constant 16 : i32
        %add3A_1267 = vector.broadcast %add3A_1266 : i32 to vector<16xi32>
        %add3A_1268 = arith.addi %add3A_1267, %and3A_914 : vector<16xi32>
        %add3A_1269 = arith.addi %get3A_847, %add3A_1268 : vector<16xi32>
        %gather3A_1270 = arith.constant 1 : i32
        %gather3A_1271 = arith.constant 1 : i32
        %gather3A_1272 = arith.constant 0 : i32
        %gather3A_1273 = arith.constant 0 : i32
        %gather3A_1274 = tpu.memref_slice %arg8[%gather3A_1270, %gather3A_1271, %gather3A_1272, %gather3A_1273] : memref<2x2x128x128xf32, #tpu.memory_space<vmem>> -> memref<1x1x128x128xf32, #tpu.memory_space<vmem>>
        %gather3A_1275 = tpu.memref_squeeze %gather3A_1274 : memref<1x1x128x128xf32, #tpu.memory_space<vmem>> -> memref<128x128xf32, #tpu.memory_space<vmem>>
        %gather3A_1276 = tpu.vector_load_idx %gather3A_1275[%add3A_1248, %add3A_1269] : memref<128x128xf32, #tpu.memory_space<vmem>>[vector<16xi32>, vector<16xi32>], vector<16xf32>,
        %scatter3A_1277 = arith.constant 1 : i32
        %scatter3A_1278 = arith.constant 1 : i32
        %scatter3A_1279 = arith.constant 0 : i32
        %scatter3A_1280 = arith.constant 0 : i32
        %scatter3A_1281 = tpu.memref_slice %arg9[%scatter3A_1277, %scatter3A_1278, %scatter3A_1279, %scatter3A_1280] : memref<2x2x32x128xf32, #tpu.memory_space<vmem>> -> memref<1x1x32x128xf32, #tpu.memory_space<vmem>>
        %scatter3A_1282 = tpu.memref_squeeze %scatter3A_1281 : memref<1x1x32x128xf32, #tpu.memory_space<vmem>> -> memref<32x128xf32, #tpu.memory_space<vmem>>
        tpu.vector_store_idx %scatter3A_1282[%add3A_1268, %add3A_1248], %gather3A_1276 : memref<32x128xf32, #tpu.memory_space<vmem>>[vector<16xi32>, vector<16xi32>], vector<16xf32>,
        %add3A_1283 = arith.constant 32 : i32
        %add3A_1284 = vector.broadcast %add3A_1283 : i32 to vector<16xi32>
        %add3A_1285 = arith.addi %add3A_1284, %iota3A : vector<16xi32>
        %add3A_1286 = arith.constant 0 : i32
        %add3A_1287 = vector.broadcast %add3A_1286 : i32 to vector<16xi32>
        %add3A_1288 = arith.addi %add3A_1287, %and3A_914 : vector<16xi32>
        %add3A_1289 = arith.addi %get3A_853, %add3A_1288 : vector<16xi32>
        %gather3A_1290 = arith.constant 1 : i32
        %gather3A_1291 = arith.constant 1 : i32
        %gather3A_1292 = arith.constant 0 : i32
        %gather3A_1293 = arith.constant 0 : i32
        %gather3A_1294 = tpu.memref_slice %arg8[%gather3A_1290, %gather3A_1291, %gather3A_1292, %gather3A_1293] : memref<2x2x128x128xf32, #tpu.memory_space<vmem>> -> memref<1x1x128x128xf32, #tpu.memory_space<vmem>>
        %gather3A_1295 = tpu.memref_squeeze %gather3A_1294 : memref<1x1x128x128xf32, #tpu.memory_space<vmem>> -> memref<128x128xf32, #tpu.memory_space<vmem>>
        %gather3A_1296 = tpu.vector_load_idx %gather3A_1295[%add3A_1285, %add3A_1289] : memref<128x128xf32, #tpu.memory_space<vmem>>[vector<16xi32>, vector<16xi32>], vector<16xf32>,
        %scatter3A_1297 = arith.constant 1 : i32
        %scatter3A_1298 = arith.constant 1 : i32
        %scatter3A_1299 = arith.constant 0 : i32
        %scatter3A_1300 = arith.constant 0 : i32
        %scatter3A_1301 = tpu.memref_slice %arg9[%scatter3A_1297, %scatter3A_1298, %scatter3A_1299, %scatter3A_1300] : memref<2x2x32x128xf32, #tpu.memory_space<vmem>> -> memref<1x1x32x128xf32, #tpu.memory_space<vmem>>
        %scatter3A_1302 = tpu.memref_squeeze %scatter3A_1301 : memref<1x1x32x128xf32, #tpu.memory_space<vmem>> -> memref<32x128xf32, #tpu.memory_space<vmem>>
        tpu.vector_store_idx %scatter3A_1302[%add3A_1288, %add3A_1285], %gather3A_1296 : memref<32x128xf32, #tpu.memory_space<vmem>>[vector<16xi32>, vector<16xi32>], vector<16xf32>,
        %add3A_1303 = arith.constant 16 : i32
        %add3A_1304 = vector.broadcast %add3A_1303 : i32 to vector<16xi32>
        %add3A_1305 = arith.addi %add3A_1304, %and3A_914 : vector<16xi32>
        %add3A_1306 = arith.addi %get3A_853, %add3A_1305 : vector<16xi32>
        %gather3A_1307 = arith.constant 1 : i32
        %gather3A_1308 = arith.constant 1 : i32
        %gather3A_1309 = arith.constant 0 : i32
        %gather3A_1310 = arith.constant 0 : i32
        %gather3A_1311 = tpu.memref_slice %arg8[%gather3A_1307, %gather3A_1308, %gather3A_1309, %gather3A_1310] : memref<2x2x128x128xf32, #tpu.memory_space<vmem>> -> memref<1x1x128x128xf32, #tpu.memory_space<vmem>>
        %gather3A_1312 = tpu.memref_squeeze %gather3A_1311 : memref<1x1x128x128xf32, #tpu.memory_space<vmem>> -> memref<128x128xf32, #tpu.memory_space<vmem>>
        %gather3A_1313 = tpu.vector_load_idx %gather3A_1312[%add3A_1285, %add3A_1306] : memref<128x128xf32, #tpu.memory_space<vmem>>[vector<16xi32>, vector<16xi32>], vector<16xf32>,
        %scatter3A_1314 = arith.constant 1 : i32
        %scatter3A_1315 = arith.constant 1 : i32
        %scatter3A_1316 = arith.constant 0 : i32
        %scatter3A_1317 = arith.constant 0 : i32
        %scatter3A_1318 = tpu.memref_slice %arg9[%scatter3A_1314, %scatter3A_1315, %scatter3A_1316, %scatter3A_1317] : memref<2x2x32x128xf32, #tpu.memory_space<vmem>> -> memref<1x1x32x128xf32, #tpu.memory_space<vmem>>
        %scatter3A_1319 = tpu.memref_squeeze %scatter3A_1318 : memref<1x1x32x128xf32, #tpu.memory_space<vmem>> -> memref<32x128xf32, #tpu.memory_space<vmem>>
        tpu.vector_store_idx %scatter3A_1319[%add3A_1305, %add3A_1285], %gather3A_1313 : memref<32x128xf32, #tpu.memory_space<vmem>>[vector<16xi32>, vector<16xi32>], vector<16xf32>,
        %add3A_1320 = arith.constant 48 : i32
        %add3A_1321 = vector.broadcast %add3A_1320 : i32 to vector<16xi32>
        %add3A_1322 = arith.addi %add3A_1321, %iota3A : vector<16xi32>
        %add3A_1323 = arith.constant 0 : i32
        %add3A_1324 = vector.broadcast %add3A_1323 : i32 to vector<16xi32>
        %add3A_1325 = arith.addi %add3A_1324, %and3A_914 : vector<16xi32>
        %add3A_1326 = arith.addi %get3A_859, %add3A_1325 : vector<16xi32>
        %gather3A_1327 = arith.constant 1 : i32
        %gather3A_1328 = arith.constant 1 : i32
        %gather3A_1329 = arith.constant 0 : i32
        %gather3A_1330 = arith.constant 0 : i32
        %gather3A_1331 = tpu.memref_slice %arg8[%gather3A_1327, %gather3A_1328, %gather3A_1329, %gather3A_1330] : memref<2x2x128x128xf32, #tpu.memory_space<vmem>> -> memref<1x1x128x128xf32, #tpu.memory_space<vmem>>
        %gather3A_1332 = tpu.memref_squeeze %gather3A_1331 : memref<1x1x128x128xf32, #tpu.memory_space<vmem>> -> memref<128x128xf32, #tpu.memory_space<vmem>>
        %gather3A_1333 = tpu.vector_load_idx %gather3A_1332[%add3A_1322, %add3A_1326] : memref<128x128xf32, #tpu.memory_space<vmem>>[vector<16xi32>, vector<16xi32>], vector<16xf32>,
        %scatter3A_1334 = arith.constant 1 : i32
        %scatter3A_1335 = arith.constant 1 : i32
        %scatter3A_1336 = arith.constant 0 : i32
        %scatter3A_1337 = arith.constant 0 : i32
        %scatter3A_1338 = tpu.memref_slice %arg9[%scatter3A_1334, %scatter3A_1335, %scatter3A_1336, %scatter3A_1337] : memref<2x2x32x128xf32, #tpu.memory_space<vmem>> -> memref<1x1x32x128xf32, #tpu.memory_space<vmem>>
        %scatter3A_1339 = tpu.memref_squeeze %scatter3A_1338 : memref<1x1x32x128xf32, #tpu.memory_space<vmem>> -> memref<32x128xf32, #tpu.memory_space<vmem>>
        tpu.vector_store_idx %scatter3A_1339[%add3A_1325, %add3A_1322], %gather3A_1333 : memref<32x128xf32, #tpu.memory_space<vmem>>[vector<16xi32>, vector<16xi32>], vector<16xf32>,
        %add3A_1340 = arith.constant 16 : i32
        %add3A_1341 = vector.broadcast %add3A_1340 : i32 to vector<16xi32>
        %add3A_1342 = arith.addi %add3A_1341, %and3A_914 : vector<16xi32>
        %add3A_1343 = arith.addi %get3A_859, %add3A_1342 : vector<16xi32>
        %gather3A_1344 = arith.constant 1 : i32
        %gather3A_1345 = arith.constant 1 : i32
        %gather3A_1346 = arith.constant 0 : i32
        %gather3A_1347 = arith.constant 0 : i32
        %gather3A_1348 = tpu.memref_slice %arg8[%gather3A_1344, %gather3A_1345, %gather3A_1346, %gather3A_1347] : memref<2x2x128x128xf32, #tpu.memory_space<vmem>> -> memref<1x1x128x128xf32, #tpu.memory_space<vmem>>
        %gather3A_1349 = tpu.memref_squeeze %gather3A_1348 : memref<1x1x128x128xf32, #tpu.memory_space<vmem>> -> memref<128x128xf32, #tpu.memory_space<vmem>>
        %gather3A_1350 = tpu.vector_load_idx %gather3A_1349[%add3A_1322, %add3A_1343] : memref<128x128xf32, #tpu.memory_space<vmem>>[vector<16xi32>, vector<16xi32>], vector<16xf32>,
        %scatter3A_1351 = arith.constant 1 : i32
        %scatter3A_1352 = arith.constant 1 : i32
        %scatter3A_1353 = arith.constant 0 : i32
        %scatter3A_1354 = arith.constant 0 : i32
        %scatter3A_1355 = tpu.memref_slice %arg9[%scatter3A_1351, %scatter3A_1352, %scatter3A_1353, %scatter3A_1354] : memref<2x2x32x128xf32, #tpu.memory_space<vmem>> -> memref<1x1x32x128xf32, #tpu.memory_space<vmem>>
        %scatter3A_1356 = tpu.memref_squeeze %scatter3A_1355 : memref<1x1x32x128xf32, #tpu.memory_space<vmem>> -> memref<32x128xf32, #tpu.memory_space<vmem>>
        tpu.vector_store_idx %scatter3A_1356[%add3A_1342, %add3A_1322], %gather3A_1350 : memref<32x128xf32, #tpu.memory_space<vmem>>[vector<16xi32>, vector<16xi32>], vector<16xf32>,
        %add3A_1357 = arith.constant 64 : i32
        %add3A_1358 = vector.broadcast %add3A_1357 : i32 to vector<16xi32>
        %add3A_1359 = arith.addi %add3A_1358, %iota3A : vector<16xi32>
        %add3A_1360 = arith.constant 0 : i32
        %add3A_1361 = vector.broadcast %add3A_1360 : i32 to vector<16xi32>
        %add3A_1362 = arith.addi %add3A_1361, %and3A_914 : vector<16xi32>
        %add3A_1363 = arith.addi %get3A_865, %add3A_1362 : vector<16xi32>
        %gather3A_1364 = arith.constant 1 : i32
        %gather3A_1365 = arith.constant 1 : i32
        %gather3A_1366 = arith.constant 0 : i32
        %gather3A_1367 = arith.constant 0 : i32
        %gather3A_1368 = tpu.memref_slice %arg8[%gather3A_1364, %gather3A_1365, %gather3A_1366, %gather3A_1367] : memref<2x2x128x128xf32, #tpu.memory_space<vmem>> -> memref<1x1x128x128xf32, #tpu.memory_space<vmem>>
        %gather3A_1369 = tpu.memref_squeeze %gather3A_1368 : memref<1x1x128x128xf32, #tpu.memory_space<vmem>> -> memref<128x128xf32, #tpu.memory_space<vmem>>
        %gather3A_1370 = tpu.vector_load_idx %gather3A_1369[%add3A_1359, %add3A_1363] : memref<128x128xf32, #tpu.memory_space<vmem>>[vector<16xi32>, vector<16xi32>], vector<16xf32>,
        %scatter3A_1371 = arith.constant 1 : i32
        %scatter3A_1372 = arith.constant 1 : i32
        %scatter3A_1373 = arith.constant 0 : i32
        %scatter3A_1374 = arith.constant 0 : i32
        %scatter3A_1375 = tpu.memref_slice %arg9[%scatter3A_1371, %scatter3A_1372, %scatter3A_1373, %scatter3A_1374] : memref<2x2x32x128xf32, #tpu.memory_space<vmem>> -> memref<1x1x32x128xf32, #tpu.memory_space<vmem>>
        %scatter3A_1376 = tpu.memref_squeeze %scatter3A_1375 : memref<1x1x32x128xf32, #tpu.memory_space<vmem>> -> memref<32x128xf32, #tpu.memory_space<vmem>>
        tpu.vector_store_idx %scatter3A_1376[%add3A_1362, %add3A_1359], %gather3A_1370 : memref<32x128xf32, #tpu.memory_space<vmem>>[vector<16xi32>, vector<16xi32>], vector<16xf32>,
        %add3A_1377 = arith.constant 16 : i32
        %add3A_1378 = vector.broadcast %add3A_1377 : i32 to vector<16xi32>
        %add3A_1379 = arith.addi %add3A_1378, %and3A_914 : vector<16xi32>
        %add3A_1380 = arith.addi %get3A_865, %add3A_1379 : vector<16xi32>
        %gather3A_1381 = arith.constant 1 : i32
        %gather3A_1382 = arith.constant 1 : i32
        %gather3A_1383 = arith.constant 0 : i32
        %gather3A_1384 = arith.constant 0 : i32
        %gather3A_1385 = tpu.memref_slice %arg8[%gather3A_1381, %gather3A_1382, %gather3A_1383, %gather3A_1384] : memref<2x2x128x128xf32, #tpu.memory_space<vmem>> -> memref<1x1x128x128xf32, #tpu.memory_space<vmem>>
        %gather3A_1386 = tpu.memref_squeeze %gather3A_1385 : memref<1x1x128x128xf32, #tpu.memory_space<vmem>> -> memref<128x128xf32, #tpu.memory_space<vmem>>
        %gather3A_1387 = tpu.vector_load_idx %gather3A_1386[%add3A_1359, %add3A_1380] : memref<128x128xf32, #tpu.memory_space<vmem>>[vector<16xi32>, vector<16xi32>], vector<16xf32>,
        %scatter3A_1388 = arith.constant 1 : i32
        %scatter3A_1389 = arith.constant 1 : i32
        %scatter3A_1390 = arith.constant 0 : i32
        %scatter3A_1391 = arith.constant 0 : i32
        %scatter3A_1392 = tpu.memref_slice %arg9[%scatter3A_1388, %scatter3A_1389, %scatter3A_1390, %scatter3A_1391] : memref<2x2x32x128xf32, #tpu.memory_space<vmem>> -> memref<1x1x32x128xf32, #tpu.memory_space<vmem>>
        %scatter3A_1393 = tpu.memref_squeeze %scatter3A_1392 : memref<1x1x32x128xf32, #tpu.memory_space<vmem>> -> memref<32x128xf32, #tpu.memory_space<vmem>>
        tpu.vector_store_idx %scatter3A_1393[%add3A_1379, %add3A_1359], %gather3A_1387 : memref<32x128xf32, #tpu.memory_space<vmem>>[vector<16xi32>, vector<16xi32>], vector<16xf32>,
        %add3A_1394 = arith.constant 80 : i32
        %add3A_1395 = vector.broadcast %add3A_1394 : i32 to vector<16xi32>
        %add3A_1396 = arith.addi %add3A_1395, %iota3A : vector<16xi32>
        %add3A_1397 = arith.constant 0 : i32
        %add3A_1398 = vector.broadcast %add3A_1397 : i32 to vector<16xi32>
        %add3A_1399 = arith.addi %add3A_1398, %and3A_914 : vector<16xi32>
        %add3A_1400 = arith.addi %get3A_871, %add3A_1399 : vector<16xi32>
        %gather3A_1401 = arith.constant 1 : i32
        %gather3A_1402 = arith.constant 1 : i32
        %gather3A_1403 = arith.constant 0 : i32
        %gather3A_1404 = arith.constant 0 : i32
        %gather3A_1405 = tpu.memref_slice %arg8[%gather3A_1401, %gather3A_1402, %gather3A_1403, %gather3A_1404] : memref<2x2x128x128xf32, #tpu.memory_space<vmem>> -> memref<1x1x128x128xf32, #tpu.memory_space<vmem>>
        %gather3A_1406 = tpu.memref_squeeze %gather3A_1405 : memref<1x1x128x128xf32, #tpu.memory_space<vmem>> -> memref<128x128xf32, #tpu.memory_space<vmem>>
        %gather3A_1407 = tpu.vector_load_idx %gather3A_1406[%add3A_1396, %add3A_1400] : memref<128x128xf32, #tpu.memory_space<vmem>>[vector<16xi32>, vector<16xi32>], vector<16xf32>,
        %scatter3A_1408 = arith.constant 1 : i32
        %scatter3A_1409 = arith.constant 1 : i32
        %scatter3A_1410 = arith.constant 0 : i32
        %scatter3A_1411 = arith.constant 0 : i32
        %scatter3A_1412 = tpu.memref_slice %arg9[%scatter3A_1408, %scatter3A_1409, %scatter3A_1410, %scatter3A_1411] : memref<2x2x32x128xf32, #tpu.memory_space<vmem>> -> memref<1x1x32x128xf32, #tpu.memory_space<vmem>>
        %scatter3A_1413 = tpu.memref_squeeze %scatter3A_1412 : memref<1x1x32x128xf32, #tpu.memory_space<vmem>> -> memref<32x128xf32, #tpu.memory_space<vmem>>
        tpu.vector_store_idx %scatter3A_1413[%add3A_1399, %add3A_1396], %gather3A_1407 : memref<32x128xf32, #tpu.memory_space<vmem>>[vector<16xi32>, vector<16xi32>], vector<16xf32>,
        %add3A_1414 = arith.constant 16 : i32
        %add3A_1415 = vector.broadcast %add3A_1414 : i32 to vector<16xi32>
        %add3A_1416 = arith.addi %add3A_1415, %and3A_914 : vector<16xi32>
        %add3A_1417 = arith.addi %get3A_871, %add3A_1416 : vector<16xi32>
        %gather3A_1418 = arith.constant 1 : i32
        %gather3A_1419 = arith.constant 1 : i32
        %gather3A_1420 = arith.constant 0 : i32
        %gather3A_1421 = arith.constant 0 : i32
        %gather3A_1422 = tpu.memref_slice %arg8[%gather3A_1418, %gather3A_1419, %gather3A_1420, %gather3A_1421] : memref<2x2x128x128xf32, #tpu.memory_space<vmem>> -> memref<1x1x128x128xf32, #tpu.memory_space<vmem>>
        %gather3A_1423 = tpu.memref_squeeze %gather3A_1422 : memref<1x1x128x128xf32, #tpu.memory_space<vmem>> -> memref<128x128xf32, #tpu.memory_space<vmem>>
        %gather3A_1424 = tpu.vector_load_idx %gather3A_1423[%add3A_1396, %add3A_1417] : memref<128x128xf32, #tpu.memory_space<vmem>>[vector<16xi32>, vector<16xi32>], vector<16xf32>,
        %scatter3A_1425 = arith.constant 1 : i32
        %scatter3A_1426 = arith.constant 1 : i32
        %scatter3A_1427 = arith.constant 0 : i32
        %scatter3A_1428 = arith.constant 0 : i32
        %scatter3A_1429 = tpu.memref_slice %arg9[%scatter3A_1425, %scatter3A_1426, %scatter3A_1427, %scatter3A_1428] : memref<2x2x32x128xf32, #tpu.memory_space<vmem>> -> memref<1x1x32x128xf32, #tpu.memory_space<vmem>>
        %scatter3A_1430 = tpu.memref_squeeze %scatter3A_1429 : memref<1x1x32x128xf32, #tpu.memory_space<vmem>> -> memref<32x128xf32, #tpu.memory_space<vmem>>
        tpu.vector_store_idx %scatter3A_1430[%add3A_1416, %add3A_1396], %gather3A_1424 : memref<32x128xf32, #tpu.memory_space<vmem>>[vector<16xi32>, vector<16xi32>], vector<16xf32>,
        %add3A_1431 = arith.constant 96 : i32
        %add3A_1432 = vector.broadcast %add3A_1431 : i32 to vector<16xi32>
        %add3A_1433 = arith.addi %add3A_1432, %iota3A : vector<16xi32>
        %add3A_1434 = arith.constant 0 : i32
        %add3A_1435 = vector.broadcast %add3A_1434 : i32 to vector<16xi32>
        %add3A_1436 = arith.addi %add3A_1435, %and3A_914 : vector<16xi32>
        %add3A_1437 = arith.addi %get3A_877, %add3A_1436 : vector<16xi32>
        %gather3A_1438 = arith.constant 1 : i32
        %gather3A_1439 = arith.constant 1 : i32
        %gather3A_1440 = arith.constant 0 : i32
        %gather3A_1441 = arith.constant 0 : i32
        %gather3A_1442 = tpu.memref_slice %arg8[%gather3A_1438, %gather3A_1439, %gather3A_1440, %gather3A_1441] : memref<2x2x128x128xf32, #tpu.memory_space<vmem>> -> memref<1x1x128x128xf32, #tpu.memory_space<vmem>>
        %gather3A_1443 = tpu.memref_squeeze %gather3A_1442 : memref<1x1x128x128xf32, #tpu.memory_space<vmem>> -> memref<128x128xf32, #tpu.memory_space<vmem>>
        %gather3A_1444 = tpu.vector_load_idx %gather3A_1443[%add3A_1433, %add3A_1437] : memref<128x128xf32, #tpu.memory_space<vmem>>[vector<16xi32>, vector<16xi32>], vector<16xf32>,
        %scatter3A_1445 = arith.constant 1 : i32
        %scatter3A_1446 = arith.constant 1 : i32
        %scatter3A_1447 = arith.constant 0 : i32
        %scatter3A_1448 = arith.constant 0 : i32
        %scatter3A_1449 = tpu.memref_slice %arg9[%scatter3A_1445, %scatter3A_1446, %scatter3A_1447, %scatter3A_1448] : memref<2x2x32x128xf32, #tpu.memory_space<vmem>> -> memref<1x1x32x128xf32, #tpu.memory_space<vmem>>
        %scatter3A_1450 = tpu.memref_squeeze %scatter3A_1449 : memref<1x1x32x128xf32, #tpu.memory_space<vmem>> -> memref<32x128xf32, #tpu.memory_space<vmem>>
        tpu.vector_store_idx %scatter3A_1450[%add3A_1436, %add3A_1433], %gather3A_1444 : memref<32x128xf32, #tpu.memory_space<vmem>>[vector<16xi32>, vector<16xi32>], vector<16xf32>,
        %add3A_1451 = arith.constant 16 : i32
        %add3A_1452 = vector.broadcast %add3A_1451 : i32 to vector<16xi32>
        %add3A_1453 = arith.addi %add3A_1452, %and3A_914 : vector<16xi32>
        %add3A_1454 = arith.addi %get3A_877, %add3A_1453 : vector<16xi32>
        %gather3A_1455 = arith.constant 1 : i32
        %gather3A_1456 = arith.constant 1 : i32
        %gather3A_1457 = arith.constant 0 : i32
        %gather3A_1458 = arith.constant 0 : i32
        %gather3A_1459 = tpu.memref_slice %arg8[%gather3A_1455, %gather3A_1456, %gather3A_1457, %gather3A_1458] : memref<2x2x128x128xf32, #tpu.memory_space<vmem>> -> memref<1x1x128x128xf32, #tpu.memory_space<vmem>>
        %gather3A_1460 = tpu.memref_squeeze %gather3A_1459 : memref<1x1x128x128xf32, #tpu.memory_space<vmem>> -> memref<128x128xf32, #tpu.memory_space<vmem>>
        %gather3A_1461 = tpu.vector_load_idx %gather3A_1460[%add3A_1433, %add3A_1454] : memref<128x128xf32, #tpu.memory_space<vmem>>[vector<16xi32>, vector<16xi32>], vector<16xf32>,
        %scatter3A_1462 = arith.constant 1 : i32
        %scatter3A_1463 = arith.constant 1 : i32
        %scatter3A_1464 = arith.constant 0 : i32
        %scatter3A_1465 = arith.constant 0 : i32
        %scatter3A_1466 = tpu.memref_slice %arg9[%scatter3A_1462, %scatter3A_1463, %scatter3A_1464, %scatter3A_1465] : memref<2x2x32x128xf32, #tpu.memory_space<vmem>> -> memref<1x1x32x128xf32, #tpu.memory_space<vmem>>
        %scatter3A_1467 = tpu.memref_squeeze %scatter3A_1466 : memref<1x1x32x128xf32, #tpu.memory_space<vmem>> -> memref<32x128xf32, #tpu.memory_space<vmem>>
        tpu.vector_store_idx %scatter3A_1467[%add3A_1453, %add3A_1433], %gather3A_1461 : memref<32x128xf32, #tpu.memory_space<vmem>>[vector<16xi32>, vector<16xi32>], vector<16xf32>,
        %add3A_1468 = arith.constant 112 : i32
        %add3A_1469 = vector.broadcast %add3A_1468 : i32 to vector<16xi32>
        %add3A_1470 = arith.addi %add3A_1469, %iota3A : vector<16xi32>
        %add3A_1471 = arith.constant 0 : i32
        %add3A_1472 = vector.broadcast %add3A_1471 : i32 to vector<16xi32>
        %add3A_1473 = arith.addi %add3A_1472, %and3A_914 : vector<16xi32>
        %add3A_1474 = arith.addi %get3A_883, %add3A_1473 : vector<16xi32>
        %gather3A_1475 = arith.constant 1 : i32
        %gather3A_1476 = arith.constant 1 : i32
        %gather3A_1477 = arith.constant 0 : i32
        %gather3A_1478 = arith.constant 0 : i32
        %gather3A_1479 = tpu.memref_slice %arg8[%gather3A_1475, %gather3A_1476, %gather3A_1477, %gather3A_1478] : memref<2x2x128x128xf32, #tpu.memory_space<vmem>> -> memref<1x1x128x128xf32, #tpu.memory_space<vmem>>
        %gather3A_1480 = tpu.memref_squeeze %gather3A_1479 : memref<1x1x128x128xf32, #tpu.memory_space<vmem>> -> memref<128x128xf32, #tpu.memory_space<vmem>>
        %gather3A_1481 = tpu.vector_load_idx %gather3A_1480[%add3A_1470, %add3A_1474] : memref<128x128xf32, #tpu.memory_space<vmem>>[vector<16xi32>, vector<16xi32>], vector<16xf32>,
        %scatter3A_1482 = arith.constant 1 : i32
        %scatter3A_1483 = arith.constant 1 : i32
        %scatter3A_1484 = arith.constant 0 : i32
        %scatter3A_1485 = arith.constant 0 : i32
        %scatter3A_1486 = tpu.memref_slice %arg9[%scatter3A_1482, %scatter3A_1483, %scatter3A_1484, %scatter3A_1485] : memref<2x2x32x128xf32, #tpu.memory_space<vmem>> -> memref<1x1x32x128xf32, #tpu.memory_space<vmem>>
        %scatter3A_1487 = tpu.memref_squeeze %scatter3A_1486 : memref<1x1x32x128xf32, #tpu.memory_space<vmem>> -> memref<32x128xf32, #tpu.memory_space<vmem>>
        tpu.vector_store_idx %scatter3A_1487[%add3A_1473, %add3A_1470], %gather3A_1481 : memref<32x128xf32, #tpu.memory_space<vmem>>[vector<16xi32>, vector<16xi32>], vector<16xf32>,
        %add3A_1488 = arith.constant 16 : i32
        %add3A_1489 = vector.broadcast %add3A_1488 : i32 to vector<16xi32>
        %add3A_1490 = arith.addi %add3A_1489, %and3A_914 : vector<16xi32>
        %add3A_1491 = arith.addi %get3A_883, %add3A_1490 : vector<16xi32>
        %gather3A_1492 = arith.constant 1 : i32
        %gather3A_1493 = arith.constant 1 : i32
        %gather3A_1494 = arith.constant 0 : i32
        %gather3A_1495 = arith.constant 0 : i32
        %gather3A_1496 = tpu.memref_slice %arg8[%gather3A_1492, %gather3A_1493, %gather3A_1494, %gather3A_1495] : memref<2x2x128x128xf32, #tpu.memory_space<vmem>> -> memref<1x1x128x128xf32, #tpu.memory_space<vmem>>
        %gather3A_1497 = tpu.memref_squeeze %gather3A_1496 : memref<1x1x128x128xf32, #tpu.memory_space<vmem>> -> memref<128x128xf32, #tpu.memory_space<vmem>>
        %gather3A_1498 = tpu.vector_load_idx %gather3A_1497[%add3A_1470, %add3A_1491] : memref<128x128xf32, #tpu.memory_space<vmem>>[vector<16xi32>, vector<16xi32>], vector<16xf32>,
        %scatter3A_1499 = arith.constant 1 : i32
        %scatter3A_1500 = arith.constant 1 : i32
        %scatter3A_1501 = arith.constant 0 : i32
        %scatter3A_1502 = arith.constant 0 : i32
        %scatter3A_1503 = tpu.memref_slice %arg9[%scatter3A_1499, %scatter3A_1500, %scatter3A_1501, %scatter3A_1502] : memref<2x2x32x128xf32, #tpu.memory_space<vmem>> -> memref<1x1x32x128xf32, #tpu.memory_space<vmem>>
        %scatter3A_1504 = tpu.memref_squeeze %scatter3A_1503 : memref<1x1x32x128xf32, #tpu.memory_space<vmem>> -> memref<32x128xf32, #tpu.memory_space<vmem>>
        tpu.vector_store_idx %scatter3A_1504[%add3A_1490, %add3A_1470], %gather3A_1498 : memref<32x128xf32, #tpu.memory_space<vmem>>[vector<16xi32>, vector<16xi32>], vector<16xf32>,
      }
      %scan3A_888 = arith.constant 16 : i32
      %mul3A_889 = arith.constant 2 : i32
      %mul3A_890 = arith.muli %add3A_734, %mul3A_889 : i32
      %dma_start3A_891 = arith.constant 1 : i32
      %dma_start3A_892 = arith.constant 1 : i32
      %dma_start3A_893 = arith.constant 0 : i32
      %dma_start3A_894 = arith.constant 0 : i32
      %dma_start3A_895 = arith.constant 0 : i32
      %dma_start3A_896 = tpu.memref_slice %arg9[%dma_start3A_891, %dma_start3A_893, %dma_start3A_894, %dma_start3A_895] : memref<2x2x32x128xf32, #tpu.memory_space<vmem>> -> memref<1x2x32x128xf32, #tpu.memory_space<vmem>>
      %dma_start3A_897 = tpu.memref_squeeze %dma_start3A_896 : memref<1x2x32x128xf32, #tpu.memory_space<vmem>> -> memref<2x32x128xf32, #tpu.memory_space<vmem>>
      %dma_start3A_898 = arith.constant 0 : i32
      %dma_start3A_899 = tpu.memref_slice %arg4[%mul3A_890, %dma_start3A_898, %mul3A_2] : memref<200x32x4096xf32, #tpu.memory_space<hbm>> -> memref<2x32x128xf32, #tpu.memory_space<hbm>>
      %dma_start3A_900 = tpu.memref_slice %arg12[%dma_start3A_892] : memref<2x!tpu.dma_semaphore, #tpu.memory_space<semaphore_mem>> -> memref<1x!tpu.dma_semaphore, #tpu.memory_space<semaphore_mem>>
      %dma_start3A_901 = tpu.memref_squeeze %dma_start3A_900 : memref<1x!tpu.dma_semaphore, #tpu.memory_space<semaphore_mem>> -> memref<!tpu.dma_semaphore, #tpu.memory_space<semaphore_mem>>
      %dma_start3A_902 = arith.constant 0 : i32
      %dma_start3A_903 = tpu.memref_slice %arg4[%mul3A_890, %dma_start3A_902, %mul3A_2] : memref<200x32x4096xf32, #tpu.memory_space<hbm>> -> memref<2x32x128xf32, #tpu.memory_space<hbm>>
      %dma_start3A_904 = arith.constant 0 : i32
      %dma_start3A_905 = arith.constant 0 : i32
      %dma_start3A_906 = arith.constant 0 : i32
      %dma_start3A_907 = tpu.memref_slice %arg9[%dma_start3A_891, %dma_start3A_904, %dma_start3A_905, %dma_start3A_906] : memref<2x2x32x128xf32, #tpu.memory_space<vmem>> -> memref<1x2x32x128xf32, #tpu.memory_space<vmem>>
      %dma_start3A_908 = tpu.memref_squeeze %dma_start3A_907 : memref<1x2x32x128xf32, #tpu.memory_space<vmem>> -> memref<2x32x128xf32, #tpu.memory_space<vmem>>
      tpu.enqueue_dma source(%dma_start3A_908 : memref<2x32x128xf32, #tpu.memory_space<vmem>>) target(%dma_start3A_903 : memref<2x32x128xf32, #tpu.memory_space<hbm>>) target_semaphore(%dma_start3A_901 : memref<!tpu.dma_semaphore, #tpu.memory_space<semaphore_mem>>)
    }
    %scan3A_515 = arith.constant 50 : i32
    %dma_wait3A_516 = arith.constant 0 : i32
    %dma_wait3A_517 = arith.constant 0 : i32
    %dma_wait3A_518 = arith.constant 0 : i32
    %dma_wait3A_519 = arith.constant 0 : i32
    %dma_wait3A_520 = arith.constant 0 : i32
    %dma_wait3A_521 = tpu.memref_slice %arg9[%dma_wait3A_516, %dma_wait3A_518, %dma_wait3A_519, %dma_wait3A_520] : memref<2x2x32x128xf32, #tpu.memory_space<vmem>> -> memref<1x2x32x128xf32, #tpu.memory_space<vmem>>
    %dma_wait3A_522 = tpu.memref_squeeze %dma_wait3A_521 : memref<1x2x32x128xf32, #tpu.memory_space<vmem>> -> memref<2x32x128xf32, #tpu.memory_space<vmem>>
    %dma_wait3A_523 = arith.constant 196 : i32
    %dma_wait3A_524 = arith.constant 0 : i32
    %dma_wait3A_525 = tpu.memref_slice %arg4[%dma_wait3A_523, %dma_wait3A_524, %mul3A_2] : memref<200x32x4096xf32, #tpu.memory_space<hbm>> -> memref<2x32x128xf32, #tpu.memory_space<hbm>>
    %dma_wait3A_526 = tpu.memref_slice %arg12[%dma_wait3A_517] : memref<2x!tpu.dma_semaphore, #tpu.memory_space<semaphore_mem>> -> memref<1x!tpu.dma_semaphore, #tpu.memory_space<semaphore_mem>>
    %dma_wait3A_527 = tpu.memref_squeeze %dma_wait3A_526 : memref<1x!tpu.dma_semaphore, #tpu.memory_space<semaphore_mem>> -> memref<!tpu.dma_semaphore, #tpu.memory_space<semaphore_mem>>
    %dma_wait3A_528 = arith.constant 196 : i32
    %dma_wait3A_529 = arith.constant 0 : i32
    %dma_wait3A_530 = tpu.memref_slice %arg4[%dma_wait3A_528, %dma_wait3A_529, %mul3A_2] : memref<200x32x4096xf32, #tpu.memory_space<hbm>> -> memref<2x32x128xf32, #tpu.memory_space<hbm>>
    %dma_wait3A_531 = arith.constant 0 : i32
    %dma_wait3A_532 = arith.constant 0 : i32
    %dma_wait3A_533 = arith.constant 0 : i32
    %dma_wait3A_534 = tpu.memref_slice %arg9[%dma_wait3A_516, %dma_wait3A_531, %dma_wait3A_532, %dma_wait3A_533] : memref<2x2x32x128xf32, #tpu.memory_space<vmem>> -> memref<1x2x32x128xf32, #tpu.memory_space<vmem>>
    %dma_wait3A_535 = tpu.memref_squeeze %dma_wait3A_534 : memref<1x2x32x128xf32, #tpu.memory_space<vmem>> -> memref<2x32x128xf32, #tpu.memory_space<vmem>>
    tpu.wait_dma2 semaphore(%dma_wait3A_527 : memref<!tpu.dma_semaphore, #tpu.memory_space<semaphore_mem>>) src(%dma_wait3A_535 : memref<2x32x128xf32, #tpu.memory_space<vmem>>) dst(%dma_wait3A_530 : memref<2x32x128xf32, #tpu.memory_space<hbm>>)
    %dma_wait3A_536 = arith.constant 1 : i32
    %dma_wait3A_537 = arith.constant 1 : i32
    %dma_wait3A_538 = arith.constant 0 : i32
    %dma_wait3A_539 = arith.constant 0 : i32
    %dma_wait3A_540 = arith.constant 0 : i32
    %dma_wait3A_541 = tpu.memref_slice %arg9[%dma_wait3A_536, %dma_wait3A_538, %dma_wait3A_539, %dma_wait3A_540] : memref<2x2x32x128xf32, #tpu.memory_space<vmem>> -> memref<1x2x32x128xf32, #tpu.memory_space<vmem>>
    %dma_wait3A_542 = tpu.memref_squeeze %dma_wait3A_541 : memref<1x2x32x128xf32, #tpu.memory_space<vmem>> -> memref<2x32x128xf32, #tpu.memory_space<vmem>>
    %dma_wait3A_543 = arith.constant 198 : i32
    %dma_wait3A_544 = arith.constant 0 : i32
    %dma_wait3A_545 = tpu.memref_slice %arg4[%dma_wait3A_543, %dma_wait3A_544, %mul3A_2] : memref<200x32x4096xf32, #tpu.memory_space<hbm>> -> memref<2x32x128xf32, #tpu.memory_space<hbm>>
    %dma_wait3A_546 = tpu.memref_slice %arg12[%dma_wait3A_537] : memref<2x!tpu.dma_semaphore, #tpu.memory_space<semaphore_mem>> -> memref<1x!tpu.dma_semaphore, #tpu.memory_space<semaphore_mem>>
    %dma_wait3A_547 = tpu.memref_squeeze %dma_wait3A_546 : memref<1x!tpu.dma_semaphore, #tpu.memory_space<semaphore_mem>> -> memref<!tpu.dma_semaphore, #tpu.memory_space<semaphore_mem>>
    %dma_wait3A_548 = arith.constant 198 : i32
    %dma_wait3A_549 = arith.constant 0 : i32
    %dma_wait3A_550 = tpu.memref_slice %arg4[%dma_wait3A_548, %dma_wait3A_549, %mul3A_2] : memref<200x32x4096xf32, #tpu.memory_space<hbm>> -> memref<2x32x128xf32, #tpu.memory_space<hbm>>
    %dma_wait3A_551 = arith.constant 0 : i32
    %dma_wait3A_552 = arith.constant 0 : i32
    %dma_wait3A_553 = arith.constant 0 : i32
    %dma_wait3A_554 = tpu.memref_slice %arg9[%dma_wait3A_536, %dma_wait3A_551, %dma_wait3A_552, %dma_wait3A_553] : memref<2x2x32x128xf32, #tpu.memory_space<vmem>> -> memref<1x2x32x128xf32, #tpu.memory_space<vmem>>
    %dma_wait3A_555 = tpu.memref_squeeze %dma_wait3A_554 : memref<1x2x32x128xf32, #tpu.memory_space<vmem>> -> memref<2x32x128xf32, #tpu.memory_space<vmem>>
    tpu.wait_dma2 semaphore(%dma_wait3A_547 : memref<!tpu.dma_semaphore, #tpu.memory_space<semaphore_mem>>) src(%dma_wait3A_555 : memref<2x32x128xf32, #tpu.memory_space<vmem>>) dst(%dma_wait3A_550 : memref<2x32x128xf32, #tpu.memory_space<hbm>>)
    return
  }
}

</mosaic_0001>

<sc_bundles>
// kernel: kernel.3.cloned.1.call-start
scs
__scs_entry_jumppad:
0x0: {  	(pc) =	sbr.rel $0x88, $3  }
0x1: {  	(tag) =	ssettag $0x0;
	lr =	simm.s32 $0x1  }
0x2: {  	[smem:$0x3F9F] =	sst lr;
	_ =	strace $0xD0000000  }
0x3: {  	_ = 	snop  }
0x4: {  	_ = 	snop  }
0x5: {  	_ = 	snop  }
0x6: {  	_ = 	snop  }
0x7: {  	_ = 	snop  }
__scs_overlays_trampoline_lowered:
0x8: {  	[smem:$0x3FAE] =	sst s0  }
0x9: {  	[smem:$0x3FAF] =	sst s1  }
0xa: {  	[smem:$0x3FB0] =	sst s2  }
0xb: {  	[smem:$0x3FB1] =	sst s3  }
0xc: {  	[smem:$0x3FB2] =	sst s4  }
0xd: {  	[smem:$0x3FB3] =	sst s5  }
0xe: {  	[smem:$0x3FB4] =	sst s6  }
0xf: {  	[smem:$0x3FB5] =	sst s7  }
0x10: {  	[smem:$0x3FB6] =	sst s8  }
0x11: {  	[smem:$0x3FB7] =	sst s9;
	s0 =	simm.s32 @!p0 $0x0  }
0x12: {  	s1 =	sld [smem:$0x3F9D];
	s0 =	simm.s32 @p0 $0x1  }
0x13: {  	[smem:$0x3FB8] =	sst s0;
	s0 =	simm.s32 @!p1 $0x0  }
0x14: {  	s2 =	sld [smem:$0x3F9C];
	s0 =	simm.s32 @p1 $0x1  }
0x15: {  	[smem:$0x3FB9] =	sst s0;
	s0 =	simm.s32 @!p2 $0x0  }
0x16: {  	s3 =	sld [smem:$0x3FDB];
	s0 =	simm.s32 @p2 $0x1  }
0x17: {  	s4 =	simm.s32 $0x1BF5;
	[smem:$0x3FBB] =	sst s0  }
0x18: {  	s0 =	sld [smem:$0x3F9E];
	_ =	swait.ge [sflag:s4], $0x0  }
0x19: {  	s7 =	sld [smem:$0x3F9F]  }
0x1a: {  	s8 =	sadd.s32 $0xFFFFE003, lr  }
0x1b: {  	s9 =	sadd.s32 $0xFFFFFEF7, lr;
	s5 =	simm.s32 $0xFFFFFFFF;
	p2 =	slt.u32 s8, $0xFFFFF086  }
0x1c: {  	p1 =	slt.u32 s9, $0xF7A;
	s5 =	simm.s32 @!p2 $0x0  }
0x1d: {  	s5 =	simm.s32 @p1 $0x1;
	p0 =	seq.s32 s7, s2  }
0x1e: {  	s7 =	smul.u32 @!p0 $0xF7A, s2;
	p2 =	seq.s32 @!p0 s5, $0x0  }
0x1f: {  	s9 =	smul.u32 $0xF7A, s1;
	s8 =	simm.s32 @!p0 $0x1BF5;
	p2 =	por !p2, p0  }
0x20: {  	[sflag:s8] =	ssyncset.s32 @!p0 $0xFFFFF086;
	s6 =	sadd.s32 @!p0 s3, s7;
	s7 =	simm.s32 @!p0 $0x108  }
0x21: {  	s3 =	sadd.s32 s3, s9;
	s6 =	sadd.s32 @!p0 $0x88, s6;
	s7 =	simm.s32 @p2 $0x1082  }
0x22: {  	[simem:s7], [sflag:s8] =	dma.local @!p0 [hbm:s6], $0xF7A  }
0x23: {  	s9 =	sor.u32 $0xD0000000, s2;
	s6 =	simm.s32 $0x108;
	_ =	swait.ge @!p0 [sflag:s8], $0x0  }
0x24: {  	s3 =	sadd.s32 $0x88, s3;
	s6 =	simm.s32 @!p1 $0x1082;
	[sflag:s4] =	ssyncset.s32 $0xFFFFF086  }
0x25: {  	[simem:s6], [sflag:s4] =	dma.local [hbm:s3], $0xF7A  }
0x26: {  	[smem:$0x3F9F] =	sst s1;
	(tag) =	ssettag s2;
	_ =	strace s9  }
0x27: {  	s1 =	sld [smem:$0x3FAF]  }
0x28: {  	s2 =	sld [smem:$0x3FB0]  }
0x29: {  	s4 =	sld [smem:$0x3FB2]  }
0x2a: {  	p0 =	seq.s32 s5, $0x0;
	s5 =	sld [smem:$0x3FB3]  }
0x2b: {  	s6 =	sld [smem:$0x3FB4]  }
0x2c: {  	s7 =	sld [smem:$0x3FB5]  }
0x2d: {  	s3 =	simm.s32 $0x108;
	s8 =	sld [smem:$0x3FB6]  }
0x2e: {  	s3 =	simm.s32 @!p0 $0x1082;
	s9 =	sld [smem:$0x3FB7]  }
0x2f: {  	lr =	sadd.s32 s0, s3;
	s0 =	sld [smem:$0x3FAE]  }
0x30: {  	s3 =	sld [smem:$0x3FB1]  }
0x31: {  	[smem:$0x3FBA] =	sst s10  }
0x32: {  	s10 =	sld [smem:$0x3FB8];
	_ =	sdelay $0x3  }
0x33: {  	p0 =	seq.s32 s10, $0x1;
	s10 =	sld [smem:$0x3FBA];
	_ =	sdelay $0x3  }
0x34: {  	[smem:$0x3FBA] =	sst s10  }
0x35: {  	s10 =	sld [smem:$0x3FB9];
	_ =	sdelay $0x3  }
0x36: {  	p1 =	seq.s32 s10, $0x1;
	s10 =	sld [smem:$0x3FBA];
	_ =	sdelay $0x3  }
0x37: {  	[smem:$0x3FBA] =	sst s10  }
0x38: {  	s10 =	sld [smem:$0x3FBB]  }
0x39: {  	_ = 	snop;
	(pc) =	sbr.ind lr, $3  }
0x3a: {  	_ = 	snop  }
0x3b: {  	_ = 	snop  }
0x3c: {  	p2 =	seq.s32 s10, $0x1;
	s10 =	sld [smem:$0x3FBA]  }
0x3d: {  	_ =	shalt  }
0x3e: {  	_ =	shalt  }
0x3f: {  	_ =	shalt  }
0x40: {  	_ =	shalt  }
0x41: {  	_ =	shalt  }
0x42: {  	_ =	shalt  }
0x43: {  	_ =	shalt  }
0x44: {  	_ =	shalt  }
0x45: {  	_ =	shalt  }
0x46: {  	_ =	shalt  }
0x47: {  	_ =	shalt  }
0x48: {  	_ =	shalt  }
0x49: {  	_ =	shalt  }
0x4a: {  	_ =	shalt  }
0x4b: {  	_ =	shalt  }
0x4c: {  	_ =	shalt  }
0x4d: {  	_ =	shalt  }
0x4e: {  	_ =	shalt  }
0x4f: {  	_ =	shalt  }
0x50: {  	_ =	shalt  }
0x51: {  	_ =	shalt  }
0x52: {  	_ =	shalt  }
0x53: {  	_ =	shalt  }
0x54: {  	_ =	shalt  }
0x55: {  	_ =	shalt  }
0x56: {  	_ =	shalt  }
0x57: {  	_ =	shalt  }
0x58: {  	_ =	shalt  }
0x59: {  	_ =	shalt  }
0x5a: {  	_ =	shalt  }
0x5b: {  	_ =	shalt  }
0x5c: {  	_ =	shalt  }
0x5d: {  	_ =	shalt  }
0x5e: {  	_ =	shalt  }
0x5f: {  	_ =	shalt  }
0x60: {  	_ =	shalt  }
0x61: {  	_ =	shalt  }
0x62: {  	_ =	shalt  }
0x63: {  	_ =	shalt  }
0x64: {  	_ =	shalt  }
0x65: {  	_ =	shalt  }
0x66: {  	_ =	shalt  }
0x67: {  	_ =	shalt  }
0x68: {  	_ =	shalt  }
0x69: {  	_ =	shalt  }
0x6a: {  	_ =	shalt  }
0x6b: {  	_ =	shalt  }
0x6c: {  	_ =	shalt  }
0x6d: {  	_ =	shalt  }
0x6e: {  	_ =	shalt  }
0x6f: {  	_ =	shalt  }
0x70: {  	_ =	shalt  }
0x71: {  	_ =	shalt  }
0x72: {  	_ =	shalt  }
0x73: {  	_ =	shalt  }
0x74: {  	_ =	shalt  }
0x75: {  	_ =	shalt  }
0x76: {  	_ =	shalt  }
0x77: {  	_ =	shalt  }
0x78: {  	_ =	shalt  }
0x79: {  	_ =	shalt  }
0x7a: {  	_ =	shalt  }
0x7b: {  	_ =	shalt  }
0x7c: {  	_ =	shalt  }
0x7d: {  	_ =	shalt  }
0x7e: {  	_ =	shalt  }
0x7f: {  	_ =	shalt  }
0x80: {  	_ =	shalt  }
0x81: {  	_ =	shalt  }
0x82: {  	_ =	shalt  }
0x83: {  	_ =	shalt  }
0x84: {  	_ =	shalt  }
0x85: {  	_ =	shalt  }
0x86: {  	_ =	shalt  }
0x87: {  	_ =	shalt  }
.Lfunc_end0:
.L_simem_size_0:
called_computation_lowered:
.L_overlay_start_0:
0x88: {  	s2 =	sld [smem:$0x3FD9]  }
0x89: {  	s3 =	sld [smem:$0x3FFE];
	_ =	sdelay $0x1  }
0x8a: {  	s1 =	srdreg.scid  }
0x8b: {  	s0 =	sand.u32 $0x1, s1  }
0x8c: {  	s17 =	sshll.u32 s0, $0xA;
	s2 =	sadd.s32 s3, s2  }
0x8d: {  	s2 =	sadd.s32 s2, s17  }
0x8e: {  	[smem:$0x3FC6] =	sst s2  }
0x8f: {  	_ = 	snop  }
0x90: {  	s2 =	sld [smem:$0x3FC9]  }
0x91: {  	s18 =	sld [smem:$0x3FD0];
	(tm) =	ssettm $0x1  }
0x92: {  	s4 =	sld [smem:$0x3FFB];
	_ =	sdelay $0x3  }
0x93: {  	_ =	strace s4  }
0x94: {  	s4 =	sld [smem:$0x3FFC];
	_ =	sdelay $0x3  }
0x95: {  	_ =	strace s4  }
0x96: {  	s4 =	sld [smem:$0x3FFD];
	_ =	sdelay $0x3  }
0x97: {  	_ =	strace s4  }
0x98: {  	_ =	strace $0x8FFFFFFF  }
0x99: {  	s19 =	sld [smem:$0x3FDB];
	_ =	sdelay $0x1  }
0x9a: {  	s5 =	simm.s32 $_scs_section_size  }
0x9b: {  	s6 =	simm.s32 $_size__tile_overlayer_lowered;
	s7 =	simm.s32 $_tile_overlayer_lowered  }
0x9c: {  	s22 =	simm.s32 $0x1BFF;
	s21 =	sshll.u32 s7, $0x1;
	s4 =	sadd.s32 s5, s19  }
0x9d: {  	s8 =	simm.s32 $0x0;
	s20 =	sshll.u32 s6, $0x1;
	s6 =	sadd.s32 s21, s4  }
0x9e: {  	[timem:s8], [sflag:s22] =	dma.local [hbm:s6], s20  }
0x9f: {  	_ =	swait.ge [sflag:s22], s20  }
0xa0: {  	s5 =	ssub.s32 $0x0, s20;
	[sflag:s22] =	ssyncset.done $0x0  }
0xa1: {  	[sflag:s22] =	ssyncadd.s32 s5;
	_ =	sdelay $0x1  }
0xa2: {  	s23 =	simm.s32 $0x1B8B  }
0xa3: {  	_ =	swait.ge [sflag:s23], $0x1  }
0xa4: {  	[sflag:s23] =	ssyncset.done $0x0  }
0xa5: {  	s25 =	simm.s32 $0x1B8E;
	s24 =	sld [smem:$0x3FFE];
	[sflag:s23] =	ssyncadd.s32 $0xFFFFFFFF  }
0xa6: {  	s26 =	simm.s32 $execute0_lowered;
	[smem:$0x3FD2] =	sst s25  }
0xa7: {  	s6 =	sshll.u32 s26, $0x1;
	_ =	strace $0x80000046;
	[dreg:$0x1] =	wrdreg $0xFFFFFFFF  }
0xa8: {  	s28 =	simm.s32 $_size_execute0_lowered;
	s4 =	sadd.s32 s4, s6;
	[dreg:$0x0] =	wrdreg $0x0  }
0xa9: {  	s6 =	sshll.u32 s28, $0x1;
	[dreg:$0x2] =	wrdreg s4  }
0xaa: {  	[dreg:$0x3] =	wrdreg s6  }
0xab: {  	[dreg:$0x4] =	wrdreg $0xC0  }
0xac: {  	_ =	task [dreg:s8], $0x5FFFF  }
0xad: {  	[dreg:$0x1] =	wrdreg $0xFFFFFFFF  }
0xae: {  	[dreg:$0x0] =	wrdreg $0x60  }
0xaf: {  	[dreg:$0x2] =	wrdreg s2  }
0xb0: {  	[dreg:$0x3] =	wrdreg s24  }
0xb1: {  	[dreg:$0x4] =	wrdreg s18  }
0xb2: {  	[dreg:$0x5] =	wrdreg $0x9  }
0xb3: {  	_ =	task.clear_ibuf [dreg:s8], $0x6FFFF;
	_ =	strace $0x90000046  }
0xb4: {  	s29 =	simm.s32 $0x9;
	_ =	strace $0x80000048  }
0xb5: {  	_ =	swait.ge [sflag:s29], $0x1  }
0xb6: {  	[sflag:s29] =	ssyncadd.s32 $0xFFFFFFFF  }
0xb7: {  	_ =	strace $0x90000048  }
0xb8: {  	_ =	sfence  }
0xb9: {  	s30 =	sld [smem:$0x0];
	_ =	sdelay $0x2  }
0xba: {  	s31 =	sshll.u32 s1, $0xD;
	s1 =	sshrl.u32 s1, $0x2  }
0xbb: {  	s3 =	sand.u32 $0x4000, s31;
	s1 =	sadd.s32 s1, s30  }
0xbc: {  	s0 =	sor.u32 s3, s0;
	s1 =	sshll.u32 s1, $0x11  }
0xbd: {  	s0 =	sor.u32 s1, s0  }
0xbe: {  	s0 =	sadd.s32 $0x8F2B, s0  }
0xbf: {  	[sflag:s0] =	ssyncadd.remote.s32 $0x1  }
0xc0: {  	_ =	sfence.sel $0xFFFF  }
0xc1: {  	[dreg:$0x0] =	wrdreg $0xFFFFFFFF;
	(pc) =	sbr.abs _section_cstart, $3  }
0xc2: {  	[dreg:$0x1] =	wrdreg $0xFFFFFFFF  }
0xc3: {  	_ =	task.clear_ibuf [dreg:s8], $0x2FFFF;
	_ =	strace $0x9FFFFFFF  }
0xc4: {  	(tm) =	ssettm $0x7FFFFFFF  }
0xc5: {  	_ =	shalt  }
tec
execute0_lowered:
.L_overlay_start_1:
0x0: {  	(tag) =	ssettag $0x1  }
0x1: {  	s1 =	rddreg [dreg:$0x0]  }
0x2: {  	s0 =	rddreg [dreg:$0x1]  }
0x3: {  	s3 =	rddreg [dreg:$0x2];
	s2 =	srdreg.scid  }
0x4: {  	s5 =	stileid.u32;
	s4 =	simm.s32 $0x0;
	s11 =	simm.s32 $0x1  }
0x5: {  	s12 =	simm.s32 $0x80;
	s14 =	simm.s32 $0x600;
	s15 =	simm.s32 $0x280  }
0x6: {  	s16 =	simm.s32 $0x4600;
	s17 =	simm.s32 $0x100;
	s18 =	simm.s32 $0x2  }
0x7: {  	s19 =	simm.s32 $0x300;
	s20 =	simm.s32 $0x8600;
	s21 =	simm.s32 $0x380  }
0x8: {  	s22 =	simm.s32 $0xC600;
	s23 =	simm.s32 $0x3;
	s24 =	simm.s32 $0x10600  }
0x9: {  	s28 =	simm.s32 $0x8000;
	s29 =	simm.s32 $0x4;
	s30 =	simm.s32 $0x6  }
0xa: {  	s31 =	simm.s32 $0x12600;
	s8 =	simm.s32 $0x0;
	s2 =	sand.u32 $0x1, s2  }
0xb: {  	s5 =	sshll.u32 s5, $0xB;
	[smem:$0x7FF] =	sst s4;
	s6 =	sshll.u32 s2, $0xA  }
0xc: {  	v0 =	vlaneseq.u32;
	s9 =	sadd.s32 $0x8000, s3;
	s2 =	ssub.s32 $0x2, s2;
	s5 =	sor.u32 s6, s5  }
0xd: {  	v1 =	vmul.u32 $0x80, v0;
	v3 =	vor.u32 $0x10, v0;
	v5 =	vor.u32 $0x20, v0;
	_ =	strace $0x80000047;
	s25 =	sshrl.u32 s2, $0x1;
	s7 =	sshrl.u32 s5, $0x3  }
0xe: {  	v7 =	vor.u32 $0x30, v0;
	v9 =	vor.u32 $0x40, v0;
	v11 =	vor.u32 $0x50, v0;
	s6 =	sadd.s32 $0xF42800, s0;
	s0 =	ssub.s32 s2, s25;
	s7 =	sadd.s32 s1, s7  }
0xf: {  	v13 =	vor.u32 $0x60, v0;
	v15 =	vor.u32 $0x70, v0;
	v2 =	vor.u32 $0x800, v1;
	s25 =	simm.s32 $0x11600;
	s0 =	smax.u32 s0, $0x1;
	[dreg:$0x4] =	wrdreg s7  }
0x10: {  	v4 =	vor.u32 $0x1000, v1;
	v6 =	vor.u32 $0x1800, v1;
	v8 =	vor.u32 $0x2000, v1;
	s2 =	simm.s32 $0x5;
	s26 =	sadd.s32 $0x20, s7;
	[dreg:$0x6] =	wrdreg s0  }
0x11: {  	v10 =	vor.u32 $0x2800, v1;
	v12 =	vor.u32 $0x3000, v1;
	v14 =	vor.u32 $0x3800, v1;
	s0 =	simm.s32 $0x13600;
	[dreg:$0x5] =	wrdreg s26;
	s26 =	simm.s32 $0x400  }
.LBB2_1:
0x12: {  	[dreg:$0x7] =	wrdreg s8  }
0x13: {  	s7 =	rddreg [dreg:$0x4]  }
0x14: {  	[tilespmem:s4], [sflag:$0x1] =	stream.linear.gather [hbm4b:s7+s4], $0x100, $0x38;
	[tilespmem:$0x14600] =	vst v63  }
0x15: {  	_ =	swait.ge [sflag:s11], $0x100  }
0x16: {  	[sflag:s11] =	ssyncset.done $0x0  }
0x17: {  	[sflag:s11] =	ssyncadd.s32 $0xFFFFFF00  }
0x18: {  	v16 =	vld [tilespmem:$0x0];
	_ =	sdelay $0x1  }
0x19: {  	v17 =	vld [tilespmem:$0x10];
	_ =	sdelay $0x1  }
0x1a: {  	v18 =	vld [tilespmem:$0x20]  }
0x1b: {  	v19 =	vshra.s32 v16, $0x2;
	v16 =	vshll.u32 v16, $0x5  }
0x1c: {  	v55 =	vld [tilespmem:$0x30];
	[tilespmem:$0x200] =	vst v19;
	v16 =	vand.u32 $0x60, v16  }
0x1d: {  	[tilespmem:$0x400] =	vst v16;
	v16 =	vshra.s32 v17, $0x2;
	v17 =	vshll.u32 v17, $0x5  }
0x1e: {  	[tilespmem:$0x210] =	vst v16;
	v16 =	vand.u32 $0x60, v17;
	v17 =	vld [tilespmem:$0x40]  }
0x1f: {  	[tilespmem:$0x410] =	vst v16;
	v16 =	vshra.s32 v18, $0x2;
	v18 =	vshll.u32 v18, $0x5  }
0x20: {  	v56 =	vld [tilespmem:$0x50];
	[tilespmem:$0x220] =	vst v16;
	v16 =	vand.u32 $0x60, v18  }
0x21: {  	v19 =	vshll.u32 v55, $0x5;
	[tilespmem:$0x420] =	vst v16;
	v16 =	vshra.s32 v55, $0x2  }
0x22: {  	v57 =	vld [tilespmem:$0x60];
	[tilespmem:$0x230] =	vst v16;
	v16 =	vand.u32 $0x60, v19  }
0x23: {  	[tilespmem:$0x430] =	vst v16;
	v16 =	vshra.s32 v17, $0x2;
	v17 =	vshll.u32 v17, $0x5  }
0x24: {  	[tilespmem:$0x240] =	vst v16;
	v16 =	vand.u32 $0x60, v17;
	v17 =	vld [tilespmem:$0x70]  }
0x25: {  	v18 =	vshll.u32 v56, $0x5;
	[tilespmem:$0x440] =	vst v16;
	v16 =	vshra.s32 v56, $0x2  }
0x26: {  	v58 =	vld [tilespmem:$0x80];
	[tilespmem:$0x250] =	vst v16;
	v16 =	vand.u32 $0x60, v18  }
0x27: {  	v19 =	vshll.u32 v57, $0x5;
	[tilespmem:$0x450] =	vst v16;
	v16 =	vshra.s32 v57, $0x2  }
0x28: {  	v59 =	vld [tilespmem:$0x90];
	[tilespmem:$0x260] =	vst v16;
	v16 =	vand.u32 $0x60, v19  }
0x29: {  	[tilespmem:$0x460] =	vst v16;
	v16 =	vshra.s32 v17, $0x2;
	v17 =	vshll.u32 v17, $0x5  }
0x2a: {  	[tilespmem:$0x270] =	vst v16;
	v16 =	vand.u32 $0x60, v17;
	v17 =	vld [tilespmem:$0xA0]  }
0x2b: {  	v18 =	vshll.u32 v58, $0x5;
	[tilespmem:$0x470] =	vst v16;
	v16 =	vshra.s32 v58, $0x2  }
0x2c: {  	v60 =	vld [tilespmem:$0xB0];
	[tilespmem:$0x280] =	vst v16;
	v16 =	vand.u32 $0x60, v18  }
0x2d: {  	v19 =	vshll.u32 v59, $0x5;
	[tilespmem:$0x480] =	vst v16;
	v16 =	vshra.s32 v59, $0x2  }
0x2e: {  	v61 =	vld [tilespmem:$0xC0];
	[tilespmem:$0x290] =	vst v16;
	v16 =	vand.u32 $0x60, v19  }
0x2f: {  	[tilespmem:$0x490] =	vst v16;
	v16 =	vshra.s32 v17, $0x2;
	v17 =	vshll.u32 v17, $0x5  }
0x30: {  	[tilespmem:$0x2A0] =	vst v16;
	v16 =	vand.u32 $0x60, v17;
	v17 =	vld [tilespmem:$0xD0]  }
0x31: {  	v18 =	vshll.u32 v60, $0x5;
	[tilespmem:$0x4A0] =	vst v16;
	v16 =	vshra.s32 v60, $0x2  }
0x32: {  	v62 =	vld [tilespmem:$0xE0];
	[tilespmem:$0x2B0] =	vst v16;
	v16 =	vand.u32 $0x60, v18  }
0x33: {  	v19 =	vshll.u32 v61, $0x5;
	[tilespmem:$0x4B0] =	vst v16;
	v16 =	vshra.s32 v61, $0x2  }
0x34: {  	v63 =	vld [tilespmem:$0xF0];
	[tilespmem:$0x2C0] =	vst v16;
	v16 =	vand.u32 $0x60, v19  }
0x35: {  	[tilespmem:$0x4C0] =	vst v16;
	v16 =	vshra.s32 v17, $0x2;
	v17 =	vshll.u32 v17, $0x5  }
0x36: {  	[tilespmem:$0x2D0] =	vst v16;
	v16 =	vand.u32 $0x60, v17  }
0x37: {  	v17 =	vshll.u32 v62, $0x5;
	[tilespmem:$0x4D0] =	vst v16;
	v16 =	vshra.s32 v62, $0x2  }
0x38: {  	[tilespmem:$0x2E0] =	vst v16;
	v16 =	vand.u32 $0x60, v17  }
0x39: {  	v17 =	vshll.u32 v63, $0x5;
	[tilespmem:$0x4E0] =	vst v16;
	v16 =	vshra.s32 v63, $0x2  }
0x3a: {  	[tilespmem:$0x2F0] =	vst v16;
	v16 =	vand.u32 $0x60, v17  }
0x3b: {  	s10 =	simm.s32 $0x200;
	[tilespmem:$0x4F0] =	vst v16  }
0x3c: {  	[tilespmem:s14], [sflag:$0x3] =	stream.indirect.gather [hbm4b:s6+s12], $0x80, s10, s12, $0xb8;
	[tilespmem:$0x14600] =	vst v63  }
0x3d: {  	_ = 	snop  }
0x3e: {  	[tilespmem:s16], [sflag:$0x3] =	stream.indirect.gather [hbm4b:s6+s12], $0x80, s15, s12, $0xb8;
	[tilespmem:$0x14600] =	vst v63  }
0x3f: {  	s13 =	rddreg [dreg:$0x5];
	s10 =	simm.s32 $0x0  }
0x40: {  	[tilespmem:s17], [sflag:$0x2] =	stream.linear.gather [hbm4b:s13+s4], $0x100, $0x38;
	[tilespmem:$0x14600] =	vst v63  }
.LBB2_2:
0x41: {  	_ =	swait.ge [sflag:s18], $0x100  }
0x42: {  	[sflag:s18] =	ssyncset.done $0x0  }
0x43: {  	[sflag:s18] =	ssyncadd.s32 $0xFFFFFF00  }
0x44: {  	v16 =	vld [tilespmem:$0x100];
	_ =	sdelay $0x1  }
0x45: {  	v17 =	vld [tilespmem:$0x110];
	_ =	sdelay $0x1  }
0x46: {  	v18 =	vld [tilespmem:$0x120]  }
0x47: {  	v19 =	vshra.s32 v16, $0x2;
	v16 =	vshll.u32 v16, $0x5  }
0x48: {  	v55 =	vld [tilespmem:$0x130];
	[tilespmem:$0x300] =	vst v19;
	v16 =	vand.u32 $0x60, v16  }
0x49: {  	[tilespmem:$0x500] =	vst v16;
	v16 =	vshra.s32 v17, $0x2;
	v17 =	vshll.u32 v17, $0x5  }
0x4a: {  	[tilespmem:$0x310] =	vst v16;
	v16 =	vand.u32 $0x60, v17;
	v17 =	vld [tilespmem:$0x140]  }
0x4b: {  	[tilespmem:$0x510] =	vst v16;
	v16 =	vshra.s32 v18, $0x2;
	v18 =	vshll.u32 v18, $0x5  }
0x4c: {  	v56 =	vld [tilespmem:$0x150];
	[tilespmem:$0x320] =	vst v16;
	v16 =	vand.u32 $0x60, v18  }
0x4d: {  	v19 =	vshll.u32 v55, $0x5;
	[tilespmem:$0x520] =	vst v16;
	v16 =	vshra.s32 v55, $0x2  }
0x4e: {  	v57 =	vld [tilespmem:$0x160];
	[tilespmem:$0x330] =	vst v16;
	v16 =	vand.u32 $0x60, v19  }
0x4f: {  	[tilespmem:$0x530] =	vst v16;
	v16 =	vshra.s32 v17, $0x2;
	v17 =	vshll.u32 v17, $0x5  }
0x50: {  	[tilespmem:$0x340] =	vst v16;
	v16 =	vand.u32 $0x60, v17;
	v17 =	vld [tilespmem:$0x170]  }
0x51: {  	v18 =	vshll.u32 v56, $0x5;
	[tilespmem:$0x540] =	vst v16;
	v16 =	vshra.s32 v56, $0x2  }
0x52: {  	v58 =	vld [tilespmem:$0x180];
	[tilespmem:$0x350] =	vst v16;
	v16 =	vand.u32 $0x60, v18  }
0x53: {  	v19 =	vshll.u32 v57, $0x5;
	[tilespmem:$0x550] =	vst v16;
	v16 =	vshra.s32 v57, $0x2  }
0x54: {  	v59 =	vld [tilespmem:$0x190];
	[tilespmem:$0x360] =	vst v16;
	v16 =	vand.u32 $0x60, v19  }
0x55: {  	[tilespmem:$0x560] =	vst v16;
	v16 =	vshra.s32 v17, $0x2;
	v17 =	vshll.u32 v17, $0x5  }
0x56: {  	[tilespmem:$0x370] =	vst v16;
	v16 =	vand.u32 $0x60, v17;
	v17 =	vld [tilespmem:$0x1A0]  }
0x57: {  	v18 =	vshll.u32 v58, $0x5;
	[tilespmem:$0x570] =	vst v16;
	v16 =	vshra.s32 v58, $0x2  }
0x58: {  	v60 =	vld [tilespmem:$0x1B0];
	[tilespmem:$0x380] =	vst v16;
	v16 =	vand.u32 $0x60, v18  }
0x59: {  	v19 =	vshll.u32 v59, $0x5;
	[tilespmem:$0x580] =	vst v16;
	v16 =	vshra.s32 v59, $0x2  }
0x5a: {  	v61 =	vld [tilespmem:$0x1C0];
	[tilespmem:$0x390] =	vst v16;
	v16 =	vand.u32 $0x60, v19  }
0x5b: {  	[tilespmem:$0x590] =	vst v16;
	v16 =	vshra.s32 v17, $0x2;
	v17 =	vshll.u32 v17, $0x5  }
0x5c: {  	[tilespmem:$0x3A0] =	vst v16;
	v16 =	vand.u32 $0x60, v17;
	v17 =	vld [tilespmem:$0x1D0]  }
0x5d: {  	v18 =	vshll.u32 v60, $0x5;
	[tilespmem:$0x5A0] =	vst v16;
	v16 =	vshra.s32 v60, $0x2  }
0x5e: {  	v62 =	vld [tilespmem:$0x1E0];
	[tilespmem:$0x3B0] =	vst v16;
	v16 =	vand.u32 $0x60, v18  }
0x5f: {  	v19 =	vshll.u32 v61, $0x5;
	[tilespmem:$0x5B0] =	vst v16;
	v16 =	vshra.s32 v61, $0x2  }
0x60: {  	v63 =	vld [tilespmem:$0x1F0];
	[tilespmem:$0x3C0] =	vst v16;
	v16 =	vand.u32 $0x60, v19  }
0x61: {  	[tilespmem:$0x5C0] =	vst v16;
	v16 =	vshra.s32 v17, $0x2;
	v17 =	vshll.u32 v17, $0x5  }
0x62: {  	[tilespmem:$0x3D0] =	vst v16;
	v16 =	vand.u32 $0x60, v17  }
0x63: {  	v17 =	vshll.u32 v62, $0x5;
	[tilespmem:$0x5D0] =	vst v16;
	v16 =	vshra.s32 v62, $0x2  }
0x64: {  	[tilespmem:$0x3E0] =	vst v16;
	v16 =	vand.u32 $0x60, v17  }
0x65: {  	v17 =	vshll.u32 v63, $0x5;
	[tilespmem:$0x5E0] =	vst v16;
	v16 =	vshra.s32 v63, $0x2  }
0x66: {  	s7 =	sshll.u32 s10, $0x1;
	p1 =	seq.s32 s10, $0x31;
	[tilespmem:$0x3F0] =	vst v16;
	v16 =	vand.u32 $0x60, v17  }
0x67: {  	s8 =	sadd.s32 @!p1 $0x2, s7;
	[tilespmem:$0x5F0] =	vst v16  }
0x68: {  	[tilespmem:s20], [sflag:$0x4] =	stream.indirect.gather [hbm4b:s6+s12], $0x80, s19, s12, $0xb8;
	[tilespmem:$0x14600] =	vst v63  }
0x69: {  	p0 =	seq.s32 @!p1 s10, $0x0;
	s13 =	sshll.u32 @!p1 s8, $0x8  }
0x6a: {  	[tilespmem:s22], [sflag:$0x4] =	stream.indirect.gather [hbm4b:s6+s12], $0x80, s21, s12, $0xb8;
	[tilespmem:$0x14600] =	vst v63  }
0x6b: {  	s8 =	sshll.u32 @!p1 s8, $0xD;
	p0 =	por p1, !p0;
	_ =	swait.ge [sflag:s23], $0x4000  }
0x6c: {  	s13 =	sand.u32 @!p1 $0x200, s13;
	s8 =	sand.u32 @!p1 $0x1F8000, s8;
	[sflag:s23] =	ssyncset.done $0x0  }
.Ltmp0:
0x6d: {  	s8 =	sor.u32 @!p1 s8, s13;
	[sflag:s23] =	ssyncadd.s32 $0xFFFFC000;
	(pc) =	sbr.rel @!p0 .LBB2_3-.Ltmp0, $4  }
0x6e: {  	s8 =	sor.u32 @!p1 s5, s8;
	_ =	swait.ge [sflag:s23], $0x4000  }
0x6f: {  	s8 =	sshrl.u32 @!p1 s8, $0x3;
	[sflag:s23] =	ssyncset.done $0x0  }
0x70: {  	s13 =	simm.s32 @!p1 $0x0;
	s8 =	sadd.s32 @!p1 s1, s8;
	[sflag:s23] =	ssyncadd.s32 $0xFFFFC000  }
0x71: {  	[tilespmem:s13], [sflag:$0x1] =	stream.linear.gather @!p1 [hbm4b:s8+s13], $0x100, $0x38;
	[tilespmem:$0x14600] =	vst v63  }
.Ltmp1:
0x72: {  	(pc) =	sbr.rel .LBB2_5-.Ltmp1, $4  }
0x73: {  	_ = 	snop  }
0x74: {  	_ =	swait.ge [sflag:s2], $0x2000  }
0x75: {  	[sflag:s2] =	ssyncset.done $0x0  }
0x76: {  	p0 =	por $0x0, $0x0;
	[sflag:s2] =	ssyncadd.s32 $0xFFFFE000  }
.LBB2_3:
0x77: {  	p0 =	por @!p1 $0x1, $0x1  }
.LBB2_5:
0x78: {  	v31 =	vld [tilespmem:$0x400]  }
0x79: {  	v30 =	vld [tilespmem:$0x410]  }
0x7a: {  	v29 =	vld [tilespmem:$0x420];
	s8 =	simm.s32 $0x0  }
0x7b: {  	v28 =	vld [tilespmem:$0x430];
	v16 =	vadd.s32 s8, v0  }
0x7c: {  	v27 =	vld [tilespmem:$0x440];
	v32 =	vand.u32 $0xF, v16  }
0x7d: {  	v26 =	vld [tilespmem:$0x450];
	v17 =	vadd.s32 v31, v32  }
0x7e: {  	v25 =	vld [tilespmem:$0x460];
	v17 =	vadd.s32 v1, v17  }
0x7f: {  	v24 =	vld [tilespmem:$0x470]  }
0x80: {  	v23 =	vld [tilespmem:$0x480]  }
0x81: {  	v22 =	vld [tilespmem:$0x490]  }
0x82: {  	v21 =	vld [tilespmem:$0x4A0];
	v33 =	vor.u32 $0x10, v16;
	v34 =	vshll.u32 v32, $0x7  }
0x83: {  	v36 =	vor.u32 v0, v34;
	v16 =	vadd.s32 v31, v33;
	v35 =	vld.idx.msk [tilespmem:v17+s14+$0x0], $0xffff  }
0x84: {  	v20 =	vld [tilespmem:$0x4B0];
	v37 =	vadd.s32 v1, v16  }
0x85: {  	v19 =	vld [tilespmem:$0x4C0]  }
0x86: {  	v18 =	vld [tilespmem:$0x4D0]  }
0x87: {  	v16 =	vld [tilespmem:$0x4F0]  }
0x88: {  	v63 =	vshll.u32 v33, $0x7;
	v17 =	vld [tilespmem:$0x4E0];
	[tilespmem:v36+s24+$0x0] =	vst.idx.msk $0xffff, v35  }
0x89: {  	v38 =	vor.u32 v0, v63;
	v39 =	vadd.s32 v30, v32;
	v37 =	vld.idx.msk [tilespmem:v37+s14+$0x0], $0xffff  }
0x8a: {  	v39 =	vadd.s32 v2, v39;
	_ =	sdelay $0x3  }
0x8b: {  	[tilespmem:v38+s24+$0x0] =	vst.idx.msk $0xffff, v37  }
0x8c: {  	v54 =	vor.u32 v3, v34;
	v40 =	vadd.s32 v30, v33;
	v37 =	vld.idx.msk [tilespmem:v39+s14+$0x0], $0xffff  }
0x8d: {  	v40 =	vadd.s32 v2, v40;
	_ =	sdelay $0x3  }
0x8e: {  	[tilespmem:v54+s24+$0x0] =	vst.idx.msk $0xffff, v37  }
0x8f: {  	v55 =	vor.u32 v3, v63;
	v41 =	vadd.s32 v29, v32;
	v37 =	vld.idx.msk [tilespmem:v40+s14+$0x0], $0xffff  }
0x90: {  	v41 =	vadd.s32 v4, v41;
	_ =	sdelay $0x3  }
0x91: {  	[tilespmem:v55+s24+$0x0] =	vst.idx.msk $0xffff, v37  }
0x92: {  	v56 =	vor.u32 v5, v34;
	v42 =	vadd.s32 v29, v33;
	v37 =	vld.idx.msk [tilespmem:v41+s14+$0x0], $0xffff  }
0x93: {  	v42 =	vadd.s32 v4, v42;
	_ =	sdelay $0x3  }
0x94: {  	[tilespmem:v56+s24+$0x0] =	vst.idx.msk $0xffff, v37  }
0x95: {  	v57 =	vor.u32 v5, v63;
	v43 =	vadd.s32 v28, v32;
	v37 =	vld.idx.msk [tilespmem:v42+s14+$0x0], $0xffff  }
0x96: {  	v43 =	vadd.s32 v6, v43;
	_ =	sdelay $0x3  }
0x97: {  	[tilespmem:v57+s24+$0x0] =	vst.idx.msk $0xffff, v37  }
0x98: {  	v58 =	vor.u32 v7, v34;
	v44 =	vadd.s32 v28, v33;
	v37 =	vld.idx.msk [tilespmem:v43+s14+$0x0], $0xffff  }
0x99: {  	v44 =	vadd.s32 v6, v44;
	_ =	sdelay $0x3  }
0x9a: {  	[tilespmem:v58+s24+$0x0] =	vst.idx.msk $0xffff, v37  }
0x9b: {  	v59 =	vor.u32 v7, v63;
	v45 =	vadd.s32 v27, v32;
	v37 =	vld.idx.msk [tilespmem:v44+s14+$0x0], $0xffff  }
0x9c: {  	v45 =	vadd.s32 v8, v45;
	_ =	sdelay $0x3  }
0x9d: {  	[tilespmem:v59+s24+$0x0] =	vst.idx.msk $0xffff, v37  }
0x9e: {  	v60 =	vor.u32 v9, v34;
	v46 =	vadd.s32 v27, v33;
	v37 =	vld.idx.msk [tilespmem:v45+s14+$0x0], $0xffff  }
0x9f: {  	v46 =	vadd.s32 v8, v46;
	_ =	sdelay $0x3  }
0xa0: {  	[tilespmem:v60+s24+$0x0] =	vst.idx.msk $0xffff, v37  }
0xa1: {  	v47 =	vadd.s32 v26, v32;
	v37 =	vld.idx.msk [tilespmem:v46+s14+$0x0], $0xffff;
	v46 =	vor.u32 v9, v63  }
0xa2: {  	v47 =	vadd.s32 v10, v47;
	_ =	sdelay $0x3  }
0xa3: {  	[tilespmem:v46+s24+$0x0] =	vst.idx.msk $0xffff, v37  }
0xa4: {  	v48 =	vadd.s32 v26, v33;
	v37 =	vld.idx.msk [tilespmem:v47+s14+$0x0], $0xffff;
	v47 =	vor.u32 v11, v34  }
0xa5: {  	v48 =	vadd.s32 v10, v48;
	_ =	sdelay $0x3  }
0xa6: {  	[tilespmem:v47+s24+$0x0] =	vst.idx.msk $0xffff, v37  }
0xa7: {  	v49 =	vadd.s32 v25, v32;
	v37 =	vld.idx.msk [tilespmem:v48+s14+$0x0], $0xffff;
	v48 =	vor.u32 v11, v63  }
0xa8: {  	v49 =	vadd.s32 v12, v49;
	_ =	sdelay $0x3  }
0xa9: {  	[tilespmem:v48+s24+$0x0] =	vst.idx.msk $0xffff, v37  }
0xaa: {  	v50 =	vadd.s32 v25, v33;
	v37 =	vld.idx.msk [tilespmem:v49+s14+$0x0], $0xffff;
	v49 =	vor.u32 v13, v34  }
0xab: {  	v50 =	vadd.s32 v12, v50;
	_ =	sdelay $0x3  }
0xac: {  	[tilespmem:v49+s24+$0x0] =	vst.idx.msk $0xffff, v37  }
0xad: {  	v51 =	vadd.s32 v24, v32;
	v37 =	vld.idx.msk [tilespmem:v50+s14+$0x0], $0xffff;
	v50 =	vor.u32 v13, v63  }
0xae: {  	v51 =	vadd.s32 v14, v51;
	_ =	sdelay $0x3  }
0xaf: {  	[tilespmem:v50+s24+$0x0] =	vst.idx.msk $0xffff, v37  }
0xb0: {  	v61 =	vadd.s32 v24, v33;
	v37 =	vld.idx.msk [tilespmem:v51+s14+$0x0], $0xffff;
	v51 =	vor.u32 v15, v34  }
0xb1: {  	v34 =	vadd.s32 v14, v61;
	_ =	sdelay $0x3  }
0xb2: {  	[tilespmem:v51+s24+$0x0] =	vst.idx.msk $0xffff, v37  }
0xb3: {  	v62 =	vadd.s32 v23, v32;
	v37 =	vld.idx.msk [tilespmem:v34+s14+$0x0], $0xffff;
	v34 =	vor.u32 v15, v63  }
0xb4: {  	v35 =	vadd.s32 v1, v62;
	_ =	sdelay $0x3  }
0xb5: {  	[tilespmem:v34+s24+$0x0] =	vst.idx.msk $0xffff, v37  }
0xb6: {  	v63 =	vadd.s32 v23, v33;
	v35 =	vld.idx.msk [tilespmem:v35+s16+$0x0], $0xffff  }
0xb7: {  	v37 =	vadd.s32 v1, v63;
	_ =	sdelay $0x3  }
0xb8: {  	[tilespmem:v36+s25+$0x0] =	vst.idx.msk $0xffff, v35  }
0xb9: {  	v52 =	vadd.s32 v22, v32;
	v35 =	vld.idx.msk [tilespmem:v37+s16+$0x0], $0xffff  }
0xba: {  	v36 =	vadd.s32 v2, v52;
	_ =	sdelay $0x3  }
0xbb: {  	[tilespmem:v38+s25+$0x0] =	vst.idx.msk $0xffff, v35  }
0xbc: {  	v53 =	vadd.s32 v22, v33;
	v35 =	vld.idx.msk [tilespmem:v36+s16+$0x0], $0xffff  }
0xbd: {  	v36 =	vadd.s32 v2, v53;
	_ =	sdelay $0x3  }
0xbe: {  	[tilespmem:v54+s25+$0x0] =	vst.idx.msk $0xffff, v35  }
0xbf: {  	v54 =	vadd.s32 v21, v32;
	v35 =	vld.idx.msk [tilespmem:v36+s16+$0x0], $0xffff  }
0xc0: {  	v36 =	vadd.s32 v4, v54;
	_ =	sdelay $0x3  }
0xc1: {  	[tilespmem:v55+s25+$0x0] =	vst.idx.msk $0xffff, v35  }
0xc2: {  	v55 =	vadd.s32 v21, v33;
	v35 =	vld.idx.msk [tilespmem:v36+s16+$0x0], $0xffff  }
0xc3: {  	v36 =	vadd.s32 v4, v55;
	_ =	sdelay $0x3  }
0xc4: {  	[tilespmem:v56+s25+$0x0] =	vst.idx.msk $0xffff, v35  }
0xc5: {  	v56 =	vadd.s32 v20, v32;
	v35 =	vld.idx.msk [tilespmem:v36+s16+$0x0], $0xffff  }
0xc6: {  	v36 =	vadd.s32 v6, v56;
	_ =	sdelay $0x3  }
0xc7: {  	[tilespmem:v57+s25+$0x0] =	vst.idx.msk $0xffff, v35  }
0xc8: {  	v57 =	vadd.s32 v20, v33;
	v35 =	vld.idx.msk [tilespmem:v36+s16+$0x0], $0xffff  }
0xc9: {  	v36 =	vadd.s32 v6, v57;
	_ =	sdelay $0x3  }
0xca: {  	[tilespmem:v58+s25+$0x0] =	vst.idx.msk $0xffff, v35  }
0xcb: {  	v58 =	vadd.s32 v19, v32;
	v35 =	vld.idx.msk [tilespmem:v36+s16+$0x0], $0xffff  }
0xcc: {  	v36 =	vadd.s32 v8, v58;
	_ =	sdelay $0x3  }
0xcd: {  	[tilespmem:v59+s25+$0x0] =	vst.idx.msk $0xffff, v35  }
0xce: {  	v59 =	vadd.s32 v19, v33;
	v35 =	vld.idx.msk [tilespmem:v36+s16+$0x0], $0xffff  }
0xcf: {  	v36 =	vadd.s32 v8, v59;
	_ =	sdelay $0x3  }
0xd0: {  	[tilespmem:v60+s25+$0x0] =	vst.idx.msk $0xffff, v35  }
0xd1: {  	v60 =	vadd.s32 v18, v32;
	v35 =	vld.idx.msk [tilespmem:v36+s16+$0x0], $0xffff  }
0xd2: {  	v36 =	vadd.s32 v10, v60;
	_ =	sdelay $0x3  }
0xd3: {  	[tilespmem:v46+s25+$0x0] =	vst.idx.msk $0xffff, v35  }
0xd4: {  	v61 =	vadd.s32 v18, v33;
	v35 =	vld.idx.msk [tilespmem:v36+s16+$0x0], $0xffff  }
0xd5: {  	v36 =	vadd.s32 v10, v61;
	_ =	sdelay $0x3  }
0xd6: {  	[tilespmem:v47+s25+$0x0] =	vst.idx.msk $0xffff, v35  }
0xd7: {  	v62 =	vadd.s32 v17, v32;
	v35 =	vld.idx.msk [tilespmem:v36+s16+$0x0], $0xffff  }
0xd8: {  	v36 =	vadd.s32 v12, v62;
	_ =	sdelay $0x3  }
0xd9: {  	[tilespmem:v48+s25+$0x0] =	vst.idx.msk $0xffff, v35  }
0xda: {  	v63 =	vadd.s32 v17, v33;
	v35 =	vld.idx.msk [tilespmem:v36+s16+$0x0], $0xffff  }
0xdb: {  	v36 =	vadd.s32 v12, v63;
	_ =	sdelay $0x3  }
0xdc: {  	[tilespmem:v49+s25+$0x0] =	vst.idx.msk $0xffff, v35  }
0xdd: {  	v32 =	vadd.s32 v16, v32;
	v35 =	vld.idx.msk [tilespmem:v36+s16+$0x0], $0xffff  }
0xde: {  	v32 =	vadd.s32 v14, v32;
	_ =	sdelay $0x3  }
0xdf: {  	[tilespmem:v50+s25+$0x0] =	vst.idx.msk $0xffff, v35  }
0xe0: {  	v33 =	vadd.s32 v16, v33;
	v32 =	vld.idx.msk [tilespmem:v32+s16+$0x0], $0xffff  }
0xe1: {  	v35 =	vadd.s32 v14, v33;
	_ =	sdelay $0x2  }
0xe2: {  	s13 =	simm.s32 $0x1  }
0xe3: {  	s8 =	simm.s32 $0x2;
	v33 =	vadd.s32 s13, v0;
	[tilespmem:v51+s25+$0x0] =	vst.idx.msk $0xffff, v32  }
.LBB2_6:
0xe4: {  	p2 =	sne.s32 s8, $0xF;
	v32 =	vand.u32 $0xF, v33;
	v35 =	vld.idx.msk [tilespmem:v35+s16+$0x0], $0xffff  }
0xe5: {  	v36 =	vadd.s32 v31, v32  }
0xe6: {  	v36 =	vadd.s32 v1, v36;
	_ =	sdelay $0x3  }
0xe7: {  	[tilespmem:v34+s25+$0x0] =	vst.idx.msk $0xffff, v35  }
0xe8: {  	v33 =	vor.u32 $0x10, v33;
	v34 =	vshll.u32 v32, $0x7;
	v36 =	vld.idx.msk [tilespmem:v36+s14+$0x0], $0xffff  }
0xe9: {  	v37 =	vadd.s32 v31, v33;
	v35 =	vor.u32 v0, v34  }
0xea: {  	v37 =	vadd.s32 v1, v37;
	_ =	sdelay $0x3  }
0xeb: {  	[tilespmem:v35+s24+$0x0] =	vst.idx.msk $0xffff, v36  }
0xec: {  	v50 =	vshll.u32 v33, $0x7;
	v37 =	vld.idx.msk [tilespmem:v37+s14+$0x0], $0xffff  }
0xed: {  	v38 =	vadd.s32 v30, v32;
	v36 =	vor.u32 v0, v50  }
0xee: {  	v38 =	vadd.s32 v2, v38;
	_ =	sdelay $0x3  }
0xef: {  	[tilespmem:v36+s24+$0x0] =	vst.idx.msk $0xffff, v37  }
0xf0: {  	v38 =	vld.idx.msk [tilespmem:v38+s14+$0x0], $0xffff  }
0xf1: {  	v39 =	vadd.s32 v30, v33;
	v37 =	vor.u32 v3, v34  }
0xf2: {  	v39 =	vadd.s32 v2, v39;
	_ =	sdelay $0x3  }
0xf3: {  	[tilespmem:v37+s24+$0x0] =	vst.idx.msk $0xffff, v38  }
0xf4: {  	v39 =	vld.idx.msk [tilespmem:v39+s14+$0x0], $0xffff  }
0xf5: {  	v40 =	vadd.s32 v29, v32;
	v38 =	vor.u32 v3, v50  }
0xf6: {  	v40 =	vadd.s32 v4, v40;
	_ =	sdelay $0x3  }
0xf7: {  	[tilespmem:v38+s24+$0x0] =	vst.idx.msk $0xffff, v39  }
0xf8: {  	v40 =	vld.idx.msk [tilespmem:v40+s14+$0x0], $0xffff  }
0xf9: {  	v41 =	vadd.s32 v29, v33;
	v39 =	vor.u32 v5, v34  }
0xfa: {  	v41 =	vadd.s32 v4, v41;
	_ =	sdelay $0x3  }
0xfb: {  	[tilespmem:v39+s24+$0x0] =	vst.idx.msk $0xffff, v40  }
0xfc: {  	v41 =	vld.idx.msk [tilespmem:v41+s14+$0x0], $0xffff  }
0xfd: {  	v42 =	vadd.s32 v28, v32;
	v40 =	vor.u32 v5, v50  }
0xfe: {  	v42 =	vadd.s32 v6, v42;
	_ =	sdelay $0x3  }
0xff: {  	[tilespmem:v40+s24+$0x0] =	vst.idx.msk $0xffff, v41  }
0x100: {  	v42 =	vld.idx.msk [tilespmem:v42+s14+$0x0], $0xffff  }
0x101: {  	v43 =	vadd.s32 v28, v33;
	v41 =	vor.u32 v7, v34  }
0x102: {  	v43 =	vadd.s32 v6, v43;
	_ =	sdelay $0x3  }
0x103: {  	[tilespmem:v41+s24+$0x0] =	vst.idx.msk $0xffff, v42  }
0x104: {  	v43 =	vld.idx.msk [tilespmem:v43+s14+$0x0], $0xffff  }
0x105: {  	v44 =	vadd.s32 v27, v32;
	v42 =	vor.u32 v7, v50  }
0x106: {  	v44 =	vadd.s32 v8, v44;
	_ =	sdelay $0x3  }
0x107: {  	[tilespmem:v42+s24+$0x0] =	vst.idx.msk $0xffff, v43  }
0x108: {  	v44 =	vld.idx.msk [tilespmem:v44+s14+$0x0], $0xffff  }
0x109: {  	v45 =	vadd.s32 v27, v33;
	v43 =	vor.u32 v9, v34  }
0x10a: {  	v45 =	vadd.s32 v8, v45;
	_ =	sdelay $0x3  }
0x10b: {  	[tilespmem:v43+s24+$0x0] =	vst.idx.msk $0xffff, v44  }
0x10c: {  	v45 =	vld.idx.msk [tilespmem:v45+s14+$0x0], $0xffff  }
0x10d: {  	v46 =	vadd.s32 v26, v32;
	v44 =	vor.u32 v9, v50  }
0x10e: {  	v46 =	vadd.s32 v10, v46;
	_ =	sdelay $0x3  }
0x10f: {  	[tilespmem:v44+s24+$0x0] =	vst.idx.msk $0xffff, v45  }
0x110: {  	v46 =	vld.idx.msk [tilespmem:v46+s14+$0x0], $0xffff  }
0x111: {  	v47 =	vadd.s32 v26, v33;
	v45 =	vor.u32 v11, v34  }
0x112: {  	v47 =	vadd.s32 v10, v47;
	_ =	sdelay $0x3  }
0x113: {  	[tilespmem:v45+s24+$0x0] =	vst.idx.msk $0xffff, v46  }
0x114: {  	v47 =	vld.idx.msk [tilespmem:v47+s14+$0x0], $0xffff  }
0x115: {  	v48 =	vadd.s32 v25, v32;
	v46 =	vor.u32 v11, v50  }
0x116: {  	v48 =	vadd.s32 v12, v48;
	_ =	sdelay $0x3  }
0x117: {  	[tilespmem:v46+s24+$0x0] =	vst.idx.msk $0xffff, v47  }
0x118: {  	v48 =	vld.idx.msk [tilespmem:v48+s14+$0x0], $0xffff  }
0x119: {  	v49 =	vadd.s32 v25, v33;
	v47 =	vor.u32 v13, v34  }
0x11a: {  	v49 =	vadd.s32 v12, v49;
	_ =	sdelay $0x3  }
0x11b: {  	[tilespmem:v47+s24+$0x0] =	vst.idx.msk $0xffff, v48  }
0x11c: {  	v48 =	vld.idx.msk [tilespmem:v49+s14+$0x0], $0xffff  }
0x11d: {  	v51 =	vadd.s32 v24, v32;
	v49 =	vor.u32 v13, v50  }
0x11e: {  	v51 =	vadd.s32 v14, v51;
	_ =	sdelay $0x3  }
0x11f: {  	[tilespmem:v49+s24+$0x0] =	vst.idx.msk $0xffff, v48  }
0x120: {  	v51 =	vld.idx.msk [tilespmem:v51+s14+$0x0], $0xffff  }
0x121: {  	v48 =	vor.u32 v15, v34;
	v34 =	vadd.s32 v24, v33  }
0x122: {  	v34 =	vadd.s32 v14, v34;
	_ =	sdelay $0x3  }
0x123: {  	[tilespmem:v48+s24+$0x0] =	vst.idx.msk $0xffff, v51  }
0x124: {  	v51 =	vld.idx.msk [tilespmem:v34+s14+$0x0], $0xffff  }
0x125: {  	v34 =	vor.u32 v15, v50;
	v50 =	vadd.s32 v23, v32  }
0x126: {  	v50 =	vadd.s32 v1, v50;
	_ =	sdelay $0x3  }
0x127: {  	[tilespmem:v34+s24+$0x0] =	vst.idx.msk $0xffff, v51  }
0x128: {  	v50 =	vld.idx.msk [tilespmem:v50+s16+$0x0], $0xffff  }
0x129: {  	v51 =	vadd.s32 v23, v33  }
0x12a: {  	v51 =	vadd.s32 v1, v51;
	_ =	sdelay $0x3  }
0x12b: {  	[tilespmem:v35+s25+$0x0] =	vst.idx.msk $0xffff, v50  }
0x12c: {  	v35 =	vld.idx.msk [tilespmem:v51+s16+$0x0], $0xffff  }
0x12d: {  	v50 =	vadd.s32 v22, v32  }
0x12e: {  	v50 =	vadd.s32 v2, v50;
	_ =	sdelay $0x3  }
0x12f: {  	[tilespmem:v36+s25+$0x0] =	vst.idx.msk $0xffff, v35  }
0x130: {  	v35 =	vld.idx.msk [tilespmem:v50+s16+$0x0], $0xffff  }
0x131: {  	v36 =	vadd.s32 v22, v33  }
0x132: {  	v36 =	vadd.s32 v2, v36;
	_ =	sdelay $0x3  }
0x133: {  	[tilespmem:v37+s25+$0x0] =	vst.idx.msk $0xffff, v35  }
0x134: {  	v35 =	vld.idx.msk [tilespmem:v36+s16+$0x0], $0xffff  }
0x135: {  	v36 =	vadd.s32 v21, v32  }
0x136: {  	v36 =	vadd.s32 v4, v36;
	_ =	sdelay $0x3  }
0x137: {  	[tilespmem:v38+s25+$0x0] =	vst.idx.msk $0xffff, v35  }
0x138: {  	v35 =	vld.idx.msk [tilespmem:v36+s16+$0x0], $0xffff  }
0x139: {  	v36 =	vadd.s32 v21, v33  }
0x13a: {  	v36 =	vadd.s32 v4, v36;
	_ =	sdelay $0x3  }
0x13b: {  	[tilespmem:v39+s25+$0x0] =	vst.idx.msk $0xffff, v35  }
0x13c: {  	v35 =	vld.idx.msk [tilespmem:v36+s16+$0x0], $0xffff  }
0x13d: {  	v36 =	vadd.s32 v20, v32  }
0x13e: {  	v36 =	vadd.s32 v6, v36;
	_ =	sdelay $0x3  }
0x13f: {  	[tilespmem:v40+s25+$0x0] =	vst.idx.msk $0xffff, v35  }
0x140: {  	v35 =	vld.idx.msk [tilespmem:v36+s16+$0x0], $0xffff  }
0x141: {  	v36 =	vadd.s32 v20, v33  }
0x142: {  	v36 =	vadd.s32 v6, v36;
	_ =	sdelay $0x3  }
0x143: {  	[tilespmem:v41+s25+$0x0] =	vst.idx.msk $0xffff, v35  }
0x144: {  	v35 =	vld.idx.msk [tilespmem:v36+s16+$0x0], $0xffff  }
0x145: {  	v36 =	vadd.s32 v19, v32  }
0x146: {  	v36 =	vadd.s32 v8, v36;
	_ =	sdelay $0x3  }
0x147: {  	[tilespmem:v42+s25+$0x0] =	vst.idx.msk $0xffff, v35  }
0x148: {  	v35 =	vld.idx.msk [tilespmem:v36+s16+$0x0], $0xffff  }
0x149: {  	v36 =	vadd.s32 v19, v33  }
0x14a: {  	v36 =	vadd.s32 v8, v36;
	_ =	sdelay $0x3  }
0x14b: {  	[tilespmem:v43+s25+$0x0] =	vst.idx.msk $0xffff, v35  }
0x14c: {  	v35 =	vld.idx.msk [tilespmem:v36+s16+$0x0], $0xffff  }
0x14d: {  	v36 =	vadd.s32 v18, v32  }
0x14e: {  	v36 =	vadd.s32 v10, v36;
	_ =	sdelay $0x3  }
0x14f: {  	[tilespmem:v44+s25+$0x0] =	vst.idx.msk $0xffff, v35  }
0x150: {  	v35 =	vld.idx.msk [tilespmem:v36+s16+$0x0], $0xffff  }
0x151: {  	v36 =	vadd.s32 v18, v33  }
0x152: {  	v36 =	vadd.s32 v10, v36;
	_ =	sdelay $0x3  }
0x153: {  	[tilespmem:v45+s25+$0x0] =	vst.idx.msk $0xffff, v35  }
0x154: {  	v35 =	vld.idx.msk [tilespmem:v36+s16+$0x0], $0xffff  }
0x155: {  	v36 =	vadd.s32 v17, v32  }
0x156: {  	v36 =	vadd.s32 v12, v36;
	_ =	sdelay $0x3  }
0x157: {  	[tilespmem:v46+s25+$0x0] =	vst.idx.msk $0xffff, v35  }
0x158: {  	v35 =	vld.idx.msk [tilespmem:v36+s16+$0x0], $0xffff  }
0x159: {  	v36 =	vadd.s32 v17, v33  }
0x15a: {  	v36 =	vadd.s32 v12, v36;
	_ =	sdelay $0x3  }
0x15b: {  	[tilespmem:v47+s25+$0x0] =	vst.idx.msk $0xffff, v35  }
0x15c: {  	v35 =	vld.idx.msk [tilespmem:v36+s16+$0x0], $0xffff  }
0x15d: {  	v32 =	vadd.s32 v16, v32  }
0x15e: {  	v32 =	vadd.s32 v14, v32;
	_ =	sdelay $0x3  }
0x15f: {  	[tilespmem:v49+s25+$0x0] =	vst.idx.msk $0xffff, v35  }
0x160: {  	v32 =	vld.idx.msk [tilespmem:v32+s16+$0x0], $0xffff  }
0x161: {  	v33 =	vadd.s32 v16, v33  }
.Ltmp2:
0x162: {  	v35 =	vadd.s32 v14, v33;
	(pc) =	sbr.rel @p2 .LBB2_6-.Ltmp2, $2  }
0x163: {  	_ =	sdelay $0x2  }
0x164: {  	v33 =	vadd.s32 s8, v0;
	s8 =	sadd.s32 $0x1, s8;
	[tilespmem:v48+s25+$0x0] =	vst.idx.msk $0xffff, v32  }
0x165: {  	_ =	sdelay $0x2  }
0x166: {  	v32 =	vand.u32 $0xF, v33  }
0x167: {  	v35 =	vld.idx.msk [tilespmem:v35+s16+$0x0], $0xffff;
	v36 =	vadd.s32 v31, v32  }
0x168: {  	v36 =	vadd.s32 v1, v36;
	_ =	sdelay $0x3  }
0x169: {  	v33 =	vor.u32 $0x10, v33;
	v51 =	vshll.u32 v32, $0x7;
	[tilespmem:v34+s25+$0x0] =	vst.idx.msk $0xffff, v35  }
0x16a: {  	v52 =	vadd.s32 v31, v33;
	v35 =	vld.idx.msk [tilespmem:v36+s14+$0x0], $0xffff;
	v36 =	vor.u32 v0, v51  }
0x16b: {  	v31 =	vadd.s32 v1, v52;
	_ =	sdelay $0x3  }
0x16c: {  	v53 =	vshll.u32 v33, $0x7;
	[tilespmem:v36+s24+$0x0] =	vst.idx.msk $0xffff, v35  }
0x16d: {  	v38 =	vadd.s32 v30, v32;
	v37 =	vor.u32 v0, v53;
	v31 =	vld.idx.msk [tilespmem:v31+s14+$0x0], $0xffff  }
0x16e: {  	v38 =	vadd.s32 v2, v38;
	_ =	sdelay $0x3  }
0x16f: {  	[tilespmem:v37+s24+$0x0] =	vst.idx.msk $0xffff, v31  }
0x170: {  	v54 =	vadd.s32 v30, v33;
	v31 =	vld.idx.msk [tilespmem:v38+s14+$0x0], $0xffff;
	v38 =	vor.u32 v3, v51  }
0x171: {  	v30 =	vadd.s32 v2, v54;
	_ =	sdelay $0x3  }
0x172: {  	[tilespmem:v38+s24+$0x0] =	vst.idx.msk $0xffff, v31  }
0x173: {  	v39 =	vadd.s32 v29, v32;
	v55 =	vor.u32 v3, v53;
	v30 =	vld.idx.msk [tilespmem:v30+s14+$0x0], $0xffff  }
0x174: {  	v39 =	vadd.s32 v4, v39;
	_ =	sdelay $0x3  }
0x175: {  	[tilespmem:v55+s24+$0x0] =	vst.idx.msk $0xffff, v30  }
0x176: {  	v56 =	vadd.s32 v29, v33;
	v30 =	vld.idx.msk [tilespmem:v39+s14+$0x0], $0xffff;
	v39 =	vor.u32 v5, v51  }
0x177: {  	v29 =	vadd.s32 v4, v56;
	_ =	sdelay $0x3  }
0x178: {  	[tilespmem:v39+s24+$0x0] =	vst.idx.msk $0xffff, v30  }
0x179: {  	v40 =	vadd.s32 v28, v32;
	v57 =	vor.u32 v5, v53;
	v29 =	vld.idx.msk [tilespmem:v29+s14+$0x0], $0xffff  }
0x17a: {  	v40 =	vadd.s32 v6, v40;
	_ =	sdelay $0x3  }
0x17b: {  	[tilespmem:v57+s24+$0x0] =	vst.idx.msk $0xffff, v29  }
0x17c: {  	v58 =	vadd.s32 v28, v33;
	v29 =	vld.idx.msk [tilespmem:v40+s14+$0x0], $0xffff;
	v40 =	vor.u32 v7, v51  }
0x17d: {  	v28 =	vadd.s32 v6, v58;
	_ =	sdelay $0x3  }
0x17e: {  	[tilespmem:v40+s24+$0x0] =	vst.idx.msk $0xffff, v29  }
0x17f: {  	v41 =	vadd.s32 v27, v32;
	v59 =	vor.u32 v7, v53;
	v28 =	vld.idx.msk [tilespmem:v28+s14+$0x0], $0xffff  }
0x180: {  	v41 =	vadd.s32 v8, v41;
	_ =	sdelay $0x3  }
0x181: {  	[tilespmem:v59+s24+$0x0] =	vst.idx.msk $0xffff, v28  }
0x182: {  	v60 =	vadd.s32 v27, v33;
	v28 =	vld.idx.msk [tilespmem:v41+s14+$0x0], $0xffff;
	v41 =	vor.u32 v9, v51  }
0x183: {  	v27 =	vadd.s32 v8, v60;
	_ =	sdelay $0x3  }
0x184: {  	[tilespmem:v41+s24+$0x0] =	vst.idx.msk $0xffff, v28  }
0x185: {  	v42 =	vadd.s32 v26, v32;
	v61 =	vor.u32 v9, v53;
	v27 =	vld.idx.msk [tilespmem:v27+s14+$0x0], $0xffff  }
0x186: {  	v42 =	vadd.s32 v10, v42;
	_ =	sdelay $0x3  }
0x187: {  	[tilespmem:v61+s24+$0x0] =	vst.idx.msk $0xffff, v27  }
0x188: {  	v62 =	vadd.s32 v26, v33;
	v27 =	vld.idx.msk [tilespmem:v42+s14+$0x0], $0xffff;
	v42 =	vor.u32 v11, v51  }
0x189: {  	v26 =	vadd.s32 v10, v62;
	_ =	sdelay $0x3  }
0x18a: {  	[tilespmem:v42+s24+$0x0] =	vst.idx.msk $0xffff, v27  }
0x18b: {  	v43 =	vadd.s32 v25, v32;
	v27 =	vor.u32 v11, v53;
	v26 =	vld.idx.msk [tilespmem:v26+s14+$0x0], $0xffff  }
0x18c: {  	v43 =	vadd.s32 v12, v43;
	_ =	sdelay $0x3  }
0x18d: {  	[tilespmem:v27+s24+$0x0] =	vst.idx.msk $0xffff, v26  }
0x18e: {  	v47 =	vadd.s32 v25, v33;
	v63 =	vor.u32 v13, v51;
	v26 =	vld.idx.msk [tilespmem:v43+s14+$0x0], $0xffff  }
0x18f: {  	v25 =	vadd.s32 v12, v47;
	_ =	sdelay $0x3  }
0x190: {  	[tilespmem:v63+s24+$0x0] =	vst.idx.msk $0xffff, v26  }
0x191: {  	v44 =	vadd.s32 v24, v32;
	v26 =	vor.u32 v13, v53;
	v25 =	vld.idx.msk [tilespmem:v25+s14+$0x0], $0xffff  }
0x192: {  	v44 =	vadd.s32 v14, v44;
	_ =	sdelay $0x3  }
0x193: {  	[tilespmem:v26+s24+$0x0] =	vst.idx.msk $0xffff, v25  }
0x194: {  	v48 =	vadd.s32 v24, v33;
	v34 =	vor.u32 v15, v51;
	v25 =	vld.idx.msk [tilespmem:v44+s14+$0x0], $0xffff  }
0x195: {  	v24 =	vadd.s32 v14, v48;
	_ =	sdelay $0x3  }
0x196: {  	[tilespmem:v34+s24+$0x0] =	vst.idx.msk $0xffff, v25  }
0x197: {  	v50 =	vadd.s32 v23, v32;
	v49 =	vor.u32 v15, v53;
	v24 =	vld.idx.msk [tilespmem:v24+s14+$0x0], $0xffff  }
0x198: {  	v35 =	vadd.s32 v1, v50;
	_ =	sdelay $0x3  }
0x199: {  	[tilespmem:v49+s24+$0x0] =	vst.idx.msk $0xffff, v24  }
0x19a: {  	v51 =	vadd.s32 v23, v33;
	v24 =	vld.idx.msk [tilespmem:v35+s16+$0x0], $0xffff  }
0x19b: {  	v23 =	vadd.s32 v1, v51;
	_ =	sdelay $0x3  }
0x19c: {  	[tilespmem:v36+s25+$0x0] =	vst.idx.msk $0xffff, v24  }
0x19d: {  	v52 =	vadd.s32 v22, v32;
	v23 =	vld.idx.msk [tilespmem:v23+s16+$0x0], $0xffff  }
0x19e: {  	v24 =	vadd.s32 v2, v52;
	_ =	sdelay $0x3  }
0x19f: {  	[tilespmem:v37+s25+$0x0] =	vst.idx.msk $0xffff, v23  }
0x1a0: {  	v53 =	vadd.s32 v22, v33;
	v23 =	vld.idx.msk [tilespmem:v24+s16+$0x0], $0xffff  }
0x1a1: {  	v22 =	vadd.s32 v2, v53;
	_ =	sdelay $0x3  }
0x1a2: {  	[tilespmem:v38+s25+$0x0] =	vst.idx.msk $0xffff, v23  }
0x1a3: {  	v54 =	vadd.s32 v21, v32;
	v22 =	vld.idx.msk [tilespmem:v22+s16+$0x0], $0xffff  }
0x1a4: {  	v23 =	vadd.s32 v4, v54;
	_ =	sdelay $0x3  }
0x1a5: {  	[tilespmem:v55+s25+$0x0] =	vst.idx.msk $0xffff, v22  }
0x1a6: {  	v55 =	vadd.s32 v21, v33;
	v22 =	vld.idx.msk [tilespmem:v23+s16+$0x0], $0xffff  }
0x1a7: {  	v21 =	vadd.s32 v4, v55;
	_ =	sdelay $0x3  }
0x1a8: {  	[tilespmem:v39+s25+$0x0] =	vst.idx.msk $0xffff, v22  }
0x1a9: {  	v56 =	vadd.s32 v20, v32;
	v21 =	vld.idx.msk [tilespmem:v21+s16+$0x0], $0xffff  }
0x1aa: {  	v22 =	vadd.s32 v6, v56;
	_ =	sdelay $0x3  }
0x1ab: {  	[tilespmem:v57+s25+$0x0] =	vst.idx.msk $0xffff, v21  }
0x1ac: {  	v57 =	vadd.s32 v20, v33;
	v21 =	vld.idx.msk [tilespmem:v22+s16+$0x0], $0xffff  }
0x1ad: {  	v20 =	vadd.s32 v6, v57;
	_ =	sdelay $0x3  }
0x1ae: {  	[tilespmem:v40+s25+$0x0] =	vst.idx.msk $0xffff, v21  }
0x1af: {  	v58 =	vadd.s32 v19, v32;
	v20 =	vld.idx.msk [tilespmem:v20+s16+$0x0], $0xffff  }
0x1b0: {  	v21 =	vadd.s32 v8, v58;
	_ =	sdelay $0x3  }
0x1b1: {  	[tilespmem:v59+s25+$0x0] =	vst.idx.msk $0xffff, v20  }
0x1b2: {  	v59 =	vadd.s32 v19, v33;
	v20 =	vld.idx.msk [tilespmem:v21+s16+$0x0], $0xffff  }
0x1b3: {  	v19 =	vadd.s32 v8, v59;
	_ =	sdelay $0x3  }
0x1b4: {  	[tilespmem:v41+s25+$0x0] =	vst.idx.msk $0xffff, v20  }
0x1b5: {  	v60 =	vadd.s32 v18, v32;
	v19 =	vld.idx.msk [tilespmem:v19+s16+$0x0], $0xffff  }
0x1b6: {  	v20 =	vadd.s32 v10, v60;
	_ =	sdelay $0x3  }
0x1b7: {  	[tilespmem:v61+s25+$0x0] =	vst.idx.msk $0xffff, v19  }
0x1b8: {  	v61 =	vadd.s32 v18, v33;
	v19 =	vld.idx.msk [tilespmem:v20+s16+$0x0], $0xffff  }
0x1b9: {  	v18 =	vadd.s32 v10, v61;
	_ =	sdelay $0x3  }
0x1ba: {  	[tilespmem:v42+s25+$0x0] =	vst.idx.msk $0xffff, v19  }
0x1bb: {  	v62 =	vadd.s32 v17, v32;
	v18 =	vld.idx.msk [tilespmem:v18+s16+$0x0], $0xffff  }
0x1bc: {  	v19 =	vadd.s32 v12, v62;
	_ =	sdelay $0x3  }
0x1bd: {  	[tilespmem:v27+s25+$0x0] =	vst.idx.msk $0xffff, v18  }
0x1be: {  	v17 =	vadd.s32 v17, v33;
	v18 =	vld.idx.msk [tilespmem:v19+s16+$0x0], $0xffff  }
0x1bf: {  	v17 =	vadd.s32 v12, v17;
	_ =	sdelay $0x3  }
0x1c0: {  	[tilespmem:v63+s25+$0x0] =	vst.idx.msk $0xffff, v18  }
0x1c1: {  	v63 =	vadd.s32 v16, v32;
	v17 =	vld.idx.msk [tilespmem:v17+s16+$0x0], $0xffff  }
0x1c2: {  	v18 =	vadd.s32 v14, v63;
	_ =	sdelay $0x3  }
0x1c3: {  	[tilespmem:v26+s25+$0x0] =	vst.idx.msk $0xffff, v17  }
0x1c4: {  	v16 =	vadd.s32 v16, v33;
	v17 =	vld.idx.msk [tilespmem:v18+s16+$0x0], $0xffff  }
0x1c5: {  	v16 =	vadd.s32 v14, v16;
	_ =	sdelay $0x3  }
0x1c6: {  	[tilespmem:v34+s25+$0x0] =	vst.idx.msk $0xffff, v17  }
0x1c7: {  	v16 =	vld.idx.msk [tilespmem:v16+s16+$0x0], $0xffff;
	_ =	sdelay $0x1  }
.Ltmp3:
0x1c8: {  	s8 =	sshll.u32 s10, $0x13;
	(pc) =	sbr.rel @!p1 .LBB2_8-.Ltmp3, $4  }
0x1c9: {  	s8 =	sor.u32 s5, s8  }
0x1ca: {  	s8 =	sshrl.u32 s8, $0x3  }
0x1cb: {  	s13 =	sadd.s32 s3, s8;
	[tilespmem:v49+s25+$0x0] =	vst.idx.msk $0xffff, v16  }
0x1cc: {  	[hbm4b:s13+s26] =	stream.strided.scatter [tilespmem:s24], [sflag:$0x5], $0x2000, s28, s26, $0x38;
	[tilespmem:$0x14600] =	vst v63  }
0x1cd: {  	_ =	swait.ge [sflag:s29], $0x4000  }
.Ltmp4:
0x1ce: {  	[sflag:s29] =	ssyncset.done $0x0;
	(pc) =	sbr.rel .LBB2_10-.Ltmp4, $4  }
0x1cf: {  	[sflag:s29] =	ssyncadd.s32 $0xFFFFC000  }
0x1d0: {  	_ =	swait.ge [sflag:s29], $0x4000  }
0x1d1: {  	[sflag:s29] =	ssyncset.done $0x0  }
0x1d2: {  	[sflag:s29] =	ssyncadd.s32 $0xFFFFC000  }
.LBB2_8:
0x1d3: {  	_ =	swait.ge [sflag:s11], $0x100  }
0x1d4: {  	[sflag:s11] =	ssyncset.done $0x0  }
0x1d5: {  	[sflag:s11] =	ssyncadd.s32 $0xFFFFFF00  }
0x1d6: {  	v16 =	vld [tilespmem:$0x0];
	_ =	sdelay $0x1  }
0x1d7: {  	v17 =	vld [tilespmem:$0x10];
	_ =	sdelay $0x1  }
0x1d8: {  	v18 =	vld [tilespmem:$0x20]  }
0x1d9: {  	v19 =	vshra.s32 v16, $0x2;
	v16 =	vshll.u32 v16, $0x5  }
0x1da: {  	v55 =	vld [tilespmem:$0x30];
	[tilespmem:$0x200] =	vst v19;
	v16 =	vand.u32 $0x60, v16  }
0x1db: {  	[tilespmem:$0x400] =	vst v16;
	v16 =	vshra.s32 v17, $0x2;
	v17 =	vshll.u32 v17, $0x5  }
0x1dc: {  	[tilespmem:$0x210] =	vst v16;
	v16 =	vand.u32 $0x60, v17;
	v17 =	vld [tilespmem:$0x40]  }
0x1dd: {  	[tilespmem:$0x410] =	vst v16;
	v16 =	vshra.s32 v18, $0x2;
	v18 =	vshll.u32 v18, $0x5  }
0x1de: {  	v56 =	vld [tilespmem:$0x50];
	[tilespmem:$0x220] =	vst v16;
	v16 =	vand.u32 $0x60, v18  }
0x1df: {  	v19 =	vshll.u32 v55, $0x5;
	[tilespmem:$0x420] =	vst v16;
	v16 =	vshra.s32 v55, $0x2  }
0x1e0: {  	v57 =	vld [tilespmem:$0x60];
	[tilespmem:$0x230] =	vst v16;
	v16 =	vand.u32 $0x60, v19  }
0x1e1: {  	[tilespmem:$0x430] =	vst v16;
	v16 =	vshra.s32 v17, $0x2;
	v17 =	vshll.u32 v17, $0x5  }
0x1e2: {  	[tilespmem:$0x240] =	vst v16;
	v16 =	vand.u32 $0x60, v17;
	v17 =	vld [tilespmem:$0x70]  }
0x1e3: {  	v18 =	vshll.u32 v56, $0x5;
	[tilespmem:$0x440] =	vst v16;
	v16 =	vshra.s32 v56, $0x2  }
0x1e4: {  	v58 =	vld [tilespmem:$0x80];
	[tilespmem:$0x250] =	vst v16;
	v16 =	vand.u32 $0x60, v18  }
0x1e5: {  	v19 =	vshll.u32 v57, $0x5;
	[tilespmem:$0x450] =	vst v16;
	v16 =	vshra.s32 v57, $0x2  }
0x1e6: {  	v59 =	vld [tilespmem:$0x90];
	[tilespmem:$0x260] =	vst v16;
	v16 =	vand.u32 $0x60, v19  }
0x1e7: {  	[tilespmem:$0x460] =	vst v16;
	v16 =	vshra.s32 v17, $0x2;
	v17 =	vshll.u32 v17, $0x5  }
0x1e8: {  	[tilespmem:$0x270] =	vst v16;
	v16 =	vand.u32 $0x60, v17;
	v17 =	vld [tilespmem:$0xA0]  }
0x1e9: {  	v18 =	vshll.u32 v58, $0x5;
	[tilespmem:$0x470] =	vst v16;
	v16 =	vshra.s32 v58, $0x2  }
0x1ea: {  	v60 =	vld [tilespmem:$0xB0];
	[tilespmem:$0x280] =	vst v16;
	v16 =	vand.u32 $0x60, v18  }
0x1eb: {  	v19 =	vshll.u32 v59, $0x5;
	[tilespmem:$0x480] =	vst v16;
	v16 =	vshra.s32 v59, $0x2  }
0x1ec: {  	v61 =	vld [tilespmem:$0xC0];
	[tilespmem:$0x290] =	vst v16;
	v16 =	vand.u32 $0x60, v19  }
0x1ed: {  	[tilespmem:$0x490] =	vst v16;
	v16 =	vshra.s32 v17, $0x2;
	v17 =	vshll.u32 v17, $0x5  }
0x1ee: {  	[tilespmem:$0x2A0] =	vst v16;
	v16 =	vand.u32 $0x60, v17;
	v17 =	vld [tilespmem:$0xD0]  }
0x1ef: {  	v18 =	vshll.u32 v60, $0x5;
	[tilespmem:$0x4A0] =	vst v16;
	v16 =	vshra.s32 v60, $0x2  }
0x1f0: {  	v62 =	vld [tilespmem:$0xE0];
	[tilespmem:$0x2B0] =	vst v16;
	v16 =	vand.u32 $0x60, v18  }
0x1f1: {  	v19 =	vshll.u32 v61, $0x5;
	[tilespmem:$0x4B0] =	vst v16;
	v16 =	vshra.s32 v61, $0x2  }
0x1f2: {  	v63 =	vld [tilespmem:$0xF0];
	[tilespmem:$0x2C0] =	vst v16;
	v16 =	vand.u32 $0x60, v19  }
0x1f3: {  	[tilespmem:$0x4C0] =	vst v16;
	v16 =	vshra.s32 v17, $0x2;
	v17 =	vshll.u32 v17, $0x5  }
0x1f4: {  	[tilespmem:$0x2D0] =	vst v16;
	v16 =	vand.u32 $0x60, v17  }
0x1f5: {  	v17 =	vshll.u32 v62, $0x5;
	[tilespmem:$0x4D0] =	vst v16;
	v16 =	vshra.s32 v62, $0x2  }
0x1f6: {  	[tilespmem:$0x2E0] =	vst v16;
	v16 =	vand.u32 $0x60, v17  }
0x1f7: {  	v17 =	vshll.u32 v63, $0x5;
	[tilespmem:$0x4E0] =	vst v16;
	v16 =	vshra.s32 v63, $0x2  }
0x1f8: {  	[tilespmem:$0x2F0] =	vst v16;
	v16 =	vand.u32 $0x60, v17  }
0x1f9: {  	s13 =	simm.s32 $0x200;
	[tilespmem:$0x4F0] =	vst v16  }
0x1fa: {  	[tilespmem:s14], [sflag:$0x3] =	stream.indirect.gather [hbm4b:s6+s12], $0x80, s13, s12, $0xb8;
	[tilespmem:$0x14600] =	vst v63  }
0x1fb: {  	s7 =	sadd.s32 $0x3, s7  }
0x1fc: {  	[tilespmem:s16], [sflag:$0x3] =	stream.indirect.gather [hbm4b:s6+s12], $0x80, s15, s12, $0xb8;
	[tilespmem:$0x14600] =	vst v63  }
0x1fd: {  	s13 =	sshll.u32 s7, $0x8;
	s7 =	sshll.u32 s7, $0xD;
	_ =	swait.ge [sflag:s29], $0x4000  }
0x1fe: {  	s13 =	sand.u32 $0x300, s13;
	s7 =	sand.u32 $0x1F8000, s7;
	[sflag:s29] =	ssyncset.done $0x0  }
.Ltmp5:
0x1ff: {  	s7 =	sor.u32 s7, s13;
	[sflag:s29] =	ssyncadd.s32 $0xFFFFC000;
	(pc) =	sbr.rel @p0 .LBB2_11-.Ltmp5, $4  }
0x200: {  	s7 =	sor.u32 s5, s7;
	_ =	swait.ge [sflag:s29], $0x4000  }
0x201: {  	s7 =	sshrl.u32 s7, $0x3;
	[sflag:s29] =	ssyncset.done $0x0  }
0x202: {  	s7 =	sadd.s32 s1, s7;
	[sflag:s29] =	ssyncadd.s32 $0xFFFFC000  }
0x203: {  	[tilespmem:s17], [sflag:$0x2] =	stream.linear.gather [hbm4b:s7+s4], $0x100, $0x38;
	[tilespmem:$0x14600] =	vst v63  }
.LBB2_10:
0x204: {  	_ =	swait.ge [sflag:s30], $0x2000  }
0x205: {  	[sflag:s30] =	ssyncset.done $0x0  }
0x206: {  	[sflag:s30] =	ssyncadd.s32 $0xFFFFE000  }
.LBB2_11:
0x207: {  	v31 =	vld [tilespmem:$0x500]  }
0x208: {  	v30 =	vld [tilespmem:$0x510]  }
0x209: {  	v29 =	vld [tilespmem:$0x520];
	s7 =	simm.s32 $0x0  }
0x20a: {  	v28 =	vld [tilespmem:$0x530];
	v16 =	vadd.s32 s7, v0  }
0x20b: {  	v27 =	vld [tilespmem:$0x540];
	v32 =	vand.u32 $0xF, v16  }
0x20c: {  	v26 =	vld [tilespmem:$0x550];
	v17 =	vadd.s32 v31, v32  }
0x20d: {  	v25 =	vld [tilespmem:$0x560];
	v17 =	vadd.s32 v1, v17  }
0x20e: {  	v24 =	vld [tilespmem:$0x570]  }
0x20f: {  	v23 =	vld [tilespmem:$0x580]  }
0x210: {  	v22 =	vld [tilespmem:$0x590]  }
0x211: {  	v21 =	vld [tilespmem:$0x5A0];
	v33 =	vor.u32 $0x10, v16;
	v34 =	vshll.u32 v32, $0x7  }
0x212: {  	v36 =	vor.u32 v0, v34;
	v16 =	vadd.s32 v31, v33;
	v35 =	vld.idx.msk [tilespmem:v17+s20+$0x0], $0xffff  }
0x213: {  	v20 =	vld [tilespmem:$0x5B0];
	v37 =	vadd.s32 v1, v16  }
0x214: {  	v19 =	vld [tilespmem:$0x5C0]  }
0x215: {  	v18 =	vld [tilespmem:$0x5D0]  }
0x216: {  	v16 =	vld [tilespmem:$0x5F0]  }
0x217: {  	v63 =	vshll.u32 v33, $0x7;
	v17 =	vld [tilespmem:$0x5E0];
	[tilespmem:v36+s31+$0x0] =	vst.idx.msk $0xffff, v35  }
0x218: {  	v38 =	vor.u32 v0, v63;
	v39 =	vadd.s32 v30, v32;
	v37 =	vld.idx.msk [tilespmem:v37+s20+$0x0], $0xffff  }
0x219: {  	v39 =	vadd.s32 v2, v39;
	_ =	sdelay $0x3  }
0x21a: {  	[tilespmem:v38+s31+$0x0] =	vst.idx.msk $0xffff, v37  }
0x21b: {  	v54 =	vor.u32 v3, v34;
	v40 =	vadd.s32 v30, v33;
	v37 =	vld.idx.msk [tilespmem:v39+s20+$0x0], $0xffff  }
0x21c: {  	v40 =	vadd.s32 v2, v40;
	_ =	sdelay $0x3  }
0x21d: {  	[tilespmem:v54+s31+$0x0] =	vst.idx.msk $0xffff, v37  }
0x21e: {  	v55 =	vor.u32 v3, v63;
	v41 =	vadd.s32 v29, v32;
	v37 =	vld.idx.msk [tilespmem:v40+s20+$0x0], $0xffff  }
0x21f: {  	v41 =	vadd.s32 v4, v41;
	_ =	sdelay $0x3  }
0x220: {  	[tilespmem:v55+s31+$0x0] =	vst.idx.msk $0xffff, v37  }
0x221: {  	v56 =	vor.u32 v5, v34;
	v42 =	vadd.s32 v29, v33;
	v37 =	vld.idx.msk [tilespmem:v41+s20+$0x0], $0xffff  }
0x222: {  	v42 =	vadd.s32 v4, v42;
	_ =	sdelay $0x3  }
0x223: {  	[tilespmem:v56+s31+$0x0] =	vst.idx.msk $0xffff, v37  }
0x224: {  	v57 =	vor.u32 v5, v63;
	v43 =	vadd.s32 v28, v32;
	v37 =	vld.idx.msk [tilespmem:v42+s20+$0x0], $0xffff  }
0x225: {  	v43 =	vadd.s32 v6, v43;
	_ =	sdelay $0x3  }
0x226: {  	[tilespmem:v57+s31+$0x0] =	vst.idx.msk $0xffff, v37  }
0x227: {  	v58 =	vor.u32 v7, v34;
	v44 =	vadd.s32 v28, v33;
	v37 =	vld.idx.msk [tilespmem:v43+s20+$0x0], $0xffff  }
0x228: {  	v44 =	vadd.s32 v6, v44;
	_ =	sdelay $0x3  }
0x229: {  	[tilespmem:v58+s31+$0x0] =	vst.idx.msk $0xffff, v37  }
0x22a: {  	v59 =	vor.u32 v7, v63;
	v45 =	vadd.s32 v27, v32;
	v37 =	vld.idx.msk [tilespmem:v44+s20+$0x0], $0xffff  }
0x22b: {  	v45 =	vadd.s32 v8, v45;
	_ =	sdelay $0x3  }
0x22c: {  	[tilespmem:v59+s31+$0x0] =	vst.idx.msk $0xffff, v37  }
0x22d: {  	v60 =	vor.u32 v9, v34;
	v46 =	vadd.s32 v27, v33;
	v37 =	vld.idx.msk [tilespmem:v45+s20+$0x0], $0xffff  }
0x22e: {  	v46 =	vadd.s32 v8, v46;
	_ =	sdelay $0x3  }
0x22f: {  	[tilespmem:v60+s31+$0x0] =	vst.idx.msk $0xffff, v37  }
0x230: {  	v47 =	vadd.s32 v26, v32;
	v37 =	vld.idx.msk [tilespmem:v46+s20+$0x0], $0xffff;
	v46 =	vor.u32 v9, v63  }
0x231: {  	v47 =	vadd.s32 v10, v47;
	_ =	sdelay $0x3  }
0x232: {  	[tilespmem:v46+s31+$0x0] =	vst.idx.msk $0xffff, v37  }
0x233: {  	v48 =	vadd.s32 v26, v33;
	v37 =	vld.idx.msk [tilespmem:v47+s20+$0x0], $0xffff;
	v47 =	vor.u32 v11, v34  }
0x234: {  	v48 =	vadd.s32 v10, v48;
	_ =	sdelay $0x3  }
0x235: {  	[tilespmem:v47+s31+$0x0] =	vst.idx.msk $0xffff, v37  }
0x236: {  	v49 =	vadd.s32 v25, v32;
	v37 =	vld.idx.msk [tilespmem:v48+s20+$0x0], $0xffff;
	v48 =	vor.u32 v11, v63  }
0x237: {  	v49 =	vadd.s32 v12, v49;
	_ =	sdelay $0x3  }
0x238: {  	[tilespmem:v48+s31+$0x0] =	vst.idx.msk $0xffff, v37  }
0x239: {  	v50 =	vadd.s32 v25, v33;
	v37 =	vld.idx.msk [tilespmem:v49+s20+$0x0], $0xffff;
	v49 =	vor.u32 v13, v34  }
0x23a: {  	v50 =	vadd.s32 v12, v50;
	_ =	sdelay $0x3  }
0x23b: {  	[tilespmem:v49+s31+$0x0] =	vst.idx.msk $0xffff, v37  }
0x23c: {  	v51 =	vadd.s32 v24, v32;
	v37 =	vld.idx.msk [tilespmem:v50+s20+$0x0], $0xffff;
	v50 =	vor.u32 v13, v63  }
0x23d: {  	v51 =	vadd.s32 v14, v51;
	_ =	sdelay $0x3  }
0x23e: {  	[tilespmem:v50+s31+$0x0] =	vst.idx.msk $0xffff, v37  }
0x23f: {  	v61 =	vadd.s32 v24, v33;
	v37 =	vld.idx.msk [tilespmem:v51+s20+$0x0], $0xffff;
	v51 =	vor.u32 v15, v34  }
0x240: {  	v34 =	vadd.s32 v14, v61;
	_ =	sdelay $0x3  }
0x241: {  	[tilespmem:v51+s31+$0x0] =	vst.idx.msk $0xffff, v37  }
0x242: {  	v62 =	vadd.s32 v23, v32;
	v37 =	vld.idx.msk [tilespmem:v34+s20+$0x0], $0xffff;
	v34 =	vor.u32 v15, v63  }
0x243: {  	v35 =	vadd.s32 v1, v62;
	_ =	sdelay $0x3  }
0x244: {  	[tilespmem:v34+s31+$0x0] =	vst.idx.msk $0xffff, v37  }
0x245: {  	v63 =	vadd.s32 v23, v33;
	v35 =	vld.idx.msk [tilespmem:v35+s22+$0x0], $0xffff  }
0x246: {  	v37 =	vadd.s32 v1, v63;
	_ =	sdelay $0x3  }
0x247: {  	[tilespmem:v36+s0+$0x0] =	vst.idx.msk $0xffff, v35  }
0x248: {  	v52 =	vadd.s32 v22, v32;
	v35 =	vld.idx.msk [tilespmem:v37+s22+$0x0], $0xffff  }
0x249: {  	v36 =	vadd.s32 v2, v52;
	_ =	sdelay $0x3  }
0x24a: {  	[tilespmem:v38+s0+$0x0] =	vst.idx.msk $0xffff, v35  }
0x24b: {  	v53 =	vadd.s32 v22, v33;
	v35 =	vld.idx.msk [tilespmem:v36+s22+$0x0], $0xffff  }
0x24c: {  	v36 =	vadd.s32 v2, v53;
	_ =	sdelay $0x3  }
0x24d: {  	[tilespmem:v54+s0+$0x0] =	vst.idx.msk $0xffff, v35  }
0x24e: {  	v54 =	vadd.s32 v21, v32;
	v35 =	vld.idx.msk [tilespmem:v36+s22+$0x0], $0xffff  }
0x24f: {  	v36 =	vadd.s32 v4, v54;
	_ =	sdelay $0x3  }
0x250: {  	[tilespmem:v55+s0+$0x0] =	vst.idx.msk $0xffff, v35  }
0x251: {  	v55 =	vadd.s32 v21, v33;
	v35 =	vld.idx.msk [tilespmem:v36+s22+$0x0], $0xffff  }
0x252: {  	v36 =	vadd.s32 v4, v55;
	_ =	sdelay $0x3  }
0x253: {  	[tilespmem:v56+s0+$0x0] =	vst.idx.msk $0xffff, v35  }
0x254: {  	v56 =	vadd.s32 v20, v32;
	v35 =	vld.idx.msk [tilespmem:v36+s22+$0x0], $0xffff  }
0x255: {  	v36 =	vadd.s32 v6, v56;
	_ =	sdelay $0x3  }
0x256: {  	[tilespmem:v57+s0+$0x0] =	vst.idx.msk $0xffff, v35  }
0x257: {  	v57 =	vadd.s32 v20, v33;
	v35 =	vld.idx.msk [tilespmem:v36+s22+$0x0], $0xffff  }
0x258: {  	v36 =	vadd.s32 v6, v57;
	_ =	sdelay $0x3  }
0x259: {  	[tilespmem:v58+s0+$0x0] =	vst.idx.msk $0xffff, v35  }
0x25a: {  	v58 =	vadd.s32 v19, v32;
	v35 =	vld.idx.msk [tilespmem:v36+s22+$0x0], $0xffff  }
0x25b: {  	v36 =	vadd.s32 v8, v58;
	_ =	sdelay $0x3  }
0x25c: {  	[tilespmem:v59+s0+$0x0] =	vst.idx.msk $0xffff, v35  }
0x25d: {  	v59 =	vadd.s32 v19, v33;
	v35 =	vld.idx.msk [tilespmem:v36+s22+$0x0], $0xffff  }
0x25e: {  	v36 =	vadd.s32 v8, v59;
	_ =	sdelay $0x3  }
0x25f: {  	[tilespmem:v60+s0+$0x0] =	vst.idx.msk $0xffff, v35  }
0x260: {  	v60 =	vadd.s32 v18, v32;
	v35 =	vld.idx.msk [tilespmem:v36+s22+$0x0], $0xffff  }
0x261: {  	v36 =	vadd.s32 v10, v60;
	_ =	sdelay $0x3  }
0x262: {  	[tilespmem:v46+s0+$0x0] =	vst.idx.msk $0xffff, v35  }
0x263: {  	v61 =	vadd.s32 v18, v33;
	v35 =	vld.idx.msk [tilespmem:v36+s22+$0x0], $0xffff  }
0x264: {  	v36 =	vadd.s32 v10, v61;
	_ =	sdelay $0x3  }
0x265: {  	[tilespmem:v47+s0+$0x0] =	vst.idx.msk $0xffff, v35  }
0x266: {  	v62 =	vadd.s32 v17, v32;
	v35 =	vld.idx.msk [tilespmem:v36+s22+$0x0], $0xffff  }
0x267: {  	v36 =	vadd.s32 v12, v62;
	_ =	sdelay $0x3  }
0x268: {  	[tilespmem:v48+s0+$0x0] =	vst.idx.msk $0xffff, v35  }
0x269: {  	v63 =	vadd.s32 v17, v33;
	v35 =	vld.idx.msk [tilespmem:v36+s22+$0x0], $0xffff  }
0x26a: {  	v36 =	vadd.s32 v12, v63;
	_ =	sdelay $0x3  }
0x26b: {  	[tilespmem:v49+s0+$0x0] =	vst.idx.msk $0xffff, v35  }
0x26c: {  	v32 =	vadd.s32 v16, v32;
	v35 =	vld.idx.msk [tilespmem:v36+s22+$0x0], $0xffff  }
0x26d: {  	v32 =	vadd.s32 v14, v32;
	_ =	sdelay $0x3  }
0x26e: {  	[tilespmem:v50+s0+$0x0] =	vst.idx.msk $0xffff, v35  }
0x26f: {  	v33 =	vadd.s32 v16, v33;
	v32 =	vld.idx.msk [tilespmem:v32+s22+$0x0], $0xffff  }
0x270: {  	v35 =	vadd.s32 v14, v33;
	_ =	sdelay $0x2  }
0x271: {  	s13 =	simm.s32 $0x1  }
0x272: {  	s7 =	simm.s32 $0x2;
	v33 =	vadd.s32 s13, v0;
	[tilespmem:v51+s0+$0x0] =	vst.idx.msk $0xffff, v32  }
.LBB2_12:
0x273: {  	p0 =	sne.s32 s7, $0xF;
	v32 =	vand.u32 $0xF, v33;
	v35 =	vld.idx.msk [tilespmem:v35+s22+$0x0], $0xffff  }
0x274: {  	v36 =	vadd.s32 v31, v32  }
0x275: {  	v36 =	vadd.s32 v1, v36;
	_ =	sdelay $0x3  }
0x276: {  	[tilespmem:v34+s0+$0x0] =	vst.idx.msk $0xffff, v35  }
0x277: {  	v33 =	vor.u32 $0x10, v33;
	v34 =	vshll.u32 v32, $0x7;
	v36 =	vld.idx.msk [tilespmem:v36+s20+$0x0], $0xffff  }
0x278: {  	v37 =	vadd.s32 v31, v33;
	v35 =	vor.u32 v0, v34  }
0x279: {  	v37 =	vadd.s32 v1, v37;
	_ =	sdelay $0x3  }
0x27a: {  	[tilespmem:v35+s31+$0x0] =	vst.idx.msk $0xffff, v36  }
0x27b: {  	v50 =	vshll.u32 v33, $0x7;
	v37 =	vld.idx.msk [tilespmem:v37+s20+$0x0], $0xffff  }
0x27c: {  	v38 =	vadd.s32 v30, v32;
	v36 =	vor.u32 v0, v50  }
0x27d: {  	v38 =	vadd.s32 v2, v38;
	_ =	sdelay $0x3  }
0x27e: {  	[tilespmem:v36+s31+$0x0] =	vst.idx.msk $0xffff, v37  }
0x27f: {  	v38 =	vld.idx.msk [tilespmem:v38+s20+$0x0], $0xffff  }
0x280: {  	v39 =	vadd.s32 v30, v33;
	v37 =	vor.u32 v3, v34  }
0x281: {  	v39 =	vadd.s32 v2, v39;
	_ =	sdelay $0x3  }
0x282: {  	[tilespmem:v37+s31+$0x0] =	vst.idx.msk $0xffff, v38  }
0x283: {  	v39 =	vld.idx.msk [tilespmem:v39+s20+$0x0], $0xffff  }
0x284: {  	v40 =	vadd.s32 v29, v32;
	v38 =	vor.u32 v3, v50  }
0x285: {  	v40 =	vadd.s32 v4, v40;
	_ =	sdelay $0x3  }
0x286: {  	[tilespmem:v38+s31+$0x0] =	vst.idx.msk $0xffff, v39  }
0x287: {  	v40 =	vld.idx.msk [tilespmem:v40+s20+$0x0], $0xffff  }
0x288: {  	v41 =	vadd.s32 v29, v33;
	v39 =	vor.u32 v5, v34  }
0x289: {  	v41 =	vadd.s32 v4, v41;
	_ =	sdelay $0x3  }
0x28a: {  	[tilespmem:v39+s31+$0x0] =	vst.idx.msk $0xffff, v40  }
0x28b: {  	v41 =	vld.idx.msk [tilespmem:v41+s20+$0x0], $0xffff  }
0x28c: {  	v42 =	vadd.s32 v28, v32;
	v40 =	vor.u32 v5, v50  }
0x28d: {  	v42 =	vadd.s32 v6, v42;
	_ =	sdelay $0x3  }
0x28e: {  	[tilespmem:v40+s31+$0x0] =	vst.idx.msk $0xffff, v41  }
0x28f: {  	v42 =	vld.idx.msk [tilespmem:v42+s20+$0x0], $0xffff  }
0x290: {  	v43 =	vadd.s32 v28, v33;
	v41 =	vor.u32 v7, v34  }
0x291: {  	v43 =	vadd.s32 v6, v43;
	_ =	sdelay $0x3  }
0x292: {  	[tilespmem:v41+s31+$0x0] =	vst.idx.msk $0xffff, v42  }
0x293: {  	v43 =	vld.idx.msk [tilespmem:v43+s20+$0x0], $0xffff  }
0x294: {  	v44 =	vadd.s32 v27, v32;
	v42 =	vor.u32 v7, v50  }
0x295: {  	v44 =	vadd.s32 v8, v44;
	_ =	sdelay $0x3  }
0x296: {  	[tilespmem:v42+s31+$0x0] =	vst.idx.msk $0xffff, v43  }
0x297: {  	v44 =	vld.idx.msk [tilespmem:v44+s20+$0x0], $0xffff  }
0x298: {  	v45 =	vadd.s32 v27, v33;
	v43 =	vor.u32 v9, v34  }
0x299: {  	v45 =	vadd.s32 v8, v45;
	_ =	sdelay $0x3  }
0x29a: {  	[tilespmem:v43+s31+$0x0] =	vst.idx.msk $0xffff, v44  }
0x29b: {  	v45 =	vld.idx.msk [tilespmem:v45+s20+$0x0], $0xffff  }
0x29c: {  	v46 =	vadd.s32 v26, v32;
	v44 =	vor.u32 v9, v50  }
0x29d: {  	v46 =	vadd.s32 v10, v46;
	_ =	sdelay $0x3  }
0x29e: {  	[tilespmem:v44+s31+$0x0] =	vst.idx.msk $0xffff, v45  }
0x29f: {  	v46 =	vld.idx.msk [tilespmem:v46+s20+$0x0], $0xffff  }
0x2a0: {  	v47 =	vadd.s32 v26, v33;
	v45 =	vor.u32 v11, v34  }
0x2a1: {  	v47 =	vadd.s32 v10, v47;
	_ =	sdelay $0x3  }
0x2a2: {  	[tilespmem:v45+s31+$0x0] =	vst.idx.msk $0xffff, v46  }
0x2a3: {  	v47 =	vld.idx.msk [tilespmem:v47+s20+$0x0], $0xffff  }
0x2a4: {  	v48 =	vadd.s32 v25, v32;
	v46 =	vor.u32 v11, v50  }
0x2a5: {  	v48 =	vadd.s32 v12, v48;
	_ =	sdelay $0x3  }
0x2a6: {  	[tilespmem:v46+s31+$0x0] =	vst.idx.msk $0xffff, v47  }
0x2a7: {  	v48 =	vld.idx.msk [tilespmem:v48+s20+$0x0], $0xffff  }
0x2a8: {  	v49 =	vadd.s32 v25, v33;
	v47 =	vor.u32 v13, v34  }
0x2a9: {  	v49 =	vadd.s32 v12, v49;
	_ =	sdelay $0x3  }
0x2aa: {  	[tilespmem:v47+s31+$0x0] =	vst.idx.msk $0xffff, v48  }
0x2ab: {  	v48 =	vld.idx.msk [tilespmem:v49+s20+$0x0], $0xffff  }
0x2ac: {  	v51 =	vadd.s32 v24, v32;
	v49 =	vor.u32 v13, v50  }
0x2ad: {  	v51 =	vadd.s32 v14, v51;
	_ =	sdelay $0x3  }
0x2ae: {  	[tilespmem:v49+s31+$0x0] =	vst.idx.msk $0xffff, v48  }
0x2af: {  	v51 =	vld.idx.msk [tilespmem:v51+s20+$0x0], $0xffff  }
0x2b0: {  	v48 =	vor.u32 v15, v34;
	v34 =	vadd.s32 v24, v33  }
0x2b1: {  	v34 =	vadd.s32 v14, v34;
	_ =	sdelay $0x3  }
0x2b2: {  	[tilespmem:v48+s31+$0x0] =	vst.idx.msk $0xffff, v51  }
0x2b3: {  	v51 =	vld.idx.msk [tilespmem:v34+s20+$0x0], $0xffff  }
0x2b4: {  	v34 =	vor.u32 v15, v50;
	v50 =	vadd.s32 v23, v32  }
0x2b5: {  	v50 =	vadd.s32 v1, v50;
	_ =	sdelay $0x3  }
0x2b6: {  	[tilespmem:v34+s31+$0x0] =	vst.idx.msk $0xffff, v51  }
0x2b7: {  	v50 =	vld.idx.msk [tilespmem:v50+s22+$0x0], $0xffff  }
0x2b8: {  	v51 =	vadd.s32 v23, v33  }
0x2b9: {  	v51 =	vadd.s32 v1, v51;
	_ =	sdelay $0x3  }
0x2ba: {  	[tilespmem:v35+s0+$0x0] =	vst.idx.msk $0xffff, v50  }
0x2bb: {  	v35 =	vld.idx.msk [tilespmem:v51+s22+$0x0], $0xffff  }
0x2bc: {  	v50 =	vadd.s32 v22, v32  }
0x2bd: {  	v50 =	vadd.s32 v2, v50;
	_ =	sdelay $0x3  }
0x2be: {  	[tilespmem:v36+s0+$0x0] =	vst.idx.msk $0xffff, v35  }
0x2bf: {  	v35 =	vld.idx.msk [tilespmem:v50+s22+$0x0], $0xffff  }
0x2c0: {  	v36 =	vadd.s32 v22, v33  }
0x2c1: {  	v36 =	vadd.s32 v2, v36;
	_ =	sdelay $0x3  }
0x2c2: {  	[tilespmem:v37+s0+$0x0] =	vst.idx.msk $0xffff, v35  }
0x2c3: {  	v35 =	vld.idx.msk [tilespmem:v36+s22+$0x0], $0xffff  }
0x2c4: {  	v36 =	vadd.s32 v21, v32  }
0x2c5: {  	v36 =	vadd.s32 v4, v36;
	_ =	sdelay $0x3  }
0x2c6: {  	[tilespmem:v38+s0+$0x0] =	vst.idx.msk $0xffff, v35  }
0x2c7: {  	v35 =	vld.idx.msk [tilespmem:v36+s22+$0x0], $0xffff  }
0x2c8: {  	v36 =	vadd.s32 v21, v33  }
0x2c9: {  	v36 =	vadd.s32 v4, v36;
	_ =	sdelay $0x3  }
0x2ca: {  	[tilespmem:v39+s0+$0x0] =	vst.idx.msk $0xffff, v35  }
0x2cb: {  	v35 =	vld.idx.msk [tilespmem:v36+s22+$0x0], $0xffff  }
0x2cc: {  	v36 =	vadd.s32 v20, v32  }
0x2cd: {  	v36 =	vadd.s32 v6, v36;
	_ =	sdelay $0x3  }
0x2ce: {  	[tilespmem:v40+s0+$0x0] =	vst.idx.msk $0xffff, v35  }
0x2cf: {  	v35 =	vld.idx.msk [tilespmem:v36+s22+$0x0], $0xffff  }
0x2d0: {  	v36 =	vadd.s32 v20, v33  }
0x2d1: {  	v36 =	vadd.s32 v6, v36;
	_ =	sdelay $0x3  }
0x2d2: {  	[tilespmem:v41+s0+$0x0] =	vst.idx.msk $0xffff, v35  }
0x2d3: {  	v35 =	vld.idx.msk [tilespmem:v36+s22+$0x0], $0xffff  }
0x2d4: {  	v36 =	vadd.s32 v19, v32  }
0x2d5: {  	v36 =	vadd.s32 v8, v36;
	_ =	sdelay $0x3  }
0x2d6: {  	[tilespmem:v42+s0+$0x0] =	vst.idx.msk $0xffff, v35  }
0x2d7: {  	v35 =	vld.idx.msk [tilespmem:v36+s22+$0x0], $0xffff  }
0x2d8: {  	v36 =	vadd.s32 v19, v33  }
0x2d9: {  	v36 =	vadd.s32 v8, v36;
	_ =	sdelay $0x3  }
0x2da: {  	[tilespmem:v43+s0+$0x0] =	vst.idx.msk $0xffff, v35  }
0x2db: {  	v35 =	vld.idx.msk [tilespmem:v36+s22+$0x0], $0xffff  }
0x2dc: {  	v36 =	vadd.s32 v18, v32  }
0x2dd: {  	v36 =	vadd.s32 v10, v36;
	_ =	sdelay $0x3  }
0x2de: {  	[tilespmem:v44+s0+$0x0] =	vst.idx.msk $0xffff, v35  }
0x2df: {  	v35 =	vld.idx.msk [tilespmem:v36+s22+$0x0], $0xffff  }
0x2e0: {  	v36 =	vadd.s32 v18, v33  }
0x2e1: {  	v36 =	vadd.s32 v10, v36;
	_ =	sdelay $0x3  }
0x2e2: {  	[tilespmem:v45+s0+$0x0] =	vst.idx.msk $0xffff, v35  }
0x2e3: {  	v35 =	vld.idx.msk [tilespmem:v36+s22+$0x0], $0xffff  }
0x2e4: {  	v36 =	vadd.s32 v17, v32  }
0x2e5: {  	v36 =	vadd.s32 v12, v36;
	_ =	sdelay $0x3  }
0x2e6: {  	[tilespmem:v46+s0+$0x0] =	vst.idx.msk $0xffff, v35  }
0x2e7: {  	v35 =	vld.idx.msk [tilespmem:v36+s22+$0x0], $0xffff  }
0x2e8: {  	v36 =	vadd.s32 v17, v33  }
0x2e9: {  	v36 =	vadd.s32 v12, v36;
	_ =	sdelay $0x3  }
0x2ea: {  	[tilespmem:v47+s0+$0x0] =	vst.idx.msk $0xffff, v35  }
0x2eb: {  	v35 =	vld.idx.msk [tilespmem:v36+s22+$0x0], $0xffff  }
0x2ec: {  	v32 =	vadd.s32 v16, v32  }
0x2ed: {  	v32 =	vadd.s32 v14, v32;
	_ =	sdelay $0x3  }
0x2ee: {  	[tilespmem:v49+s0+$0x0] =	vst.idx.msk $0xffff, v35  }
0x2ef: {  	v32 =	vld.idx.msk [tilespmem:v32+s22+$0x0], $0xffff  }
0x2f0: {  	v33 =	vadd.s32 v16, v33  }
.Ltmp6:
0x2f1: {  	v35 =	vadd.s32 v14, v33;
	(pc) =	sbr.rel @p0 .LBB2_12-.Ltmp6, $2  }
0x2f2: {  	_ =	sdelay $0x2  }
0x2f3: {  	v33 =	vadd.s32 s7, v0;
	s7 =	sadd.s32 $0x1, s7;
	[tilespmem:v48+s0+$0x0] =	vst.idx.msk $0xffff, v32  }
0x2f4: {  	_ =	sdelay $0x2  }
0x2f5: {  	v32 =	vand.u32 $0xF, v33  }
0x2f6: {  	v35 =	vld.idx.msk [tilespmem:v35+s22+$0x0], $0xffff;
	v36 =	vadd.s32 v31, v32  }
0x2f7: {  	v36 =	vadd.s32 v1, v36;
	_ =	sdelay $0x3  }
0x2f8: {  	v33 =	vor.u32 $0x10, v33;
	v51 =	vshll.u32 v32, $0x7;
	[tilespmem:v34+s0+$0x0] =	vst.idx.msk $0xffff, v35  }
0x2f9: {  	v52 =	vadd.s32 v31, v33;
	v35 =	vld.idx.msk [tilespmem:v36+s20+$0x0], $0xffff;
	v36 =	vor.u32 v0, v51  }
0x2fa: {  	v31 =	vadd.s32 v1, v52;
	_ =	sdelay $0x3  }
0x2fb: {  	v53 =	vshll.u32 v33, $0x7;
	[tilespmem:v36+s31+$0x0] =	vst.idx.msk $0xffff, v35  }
0x2fc: {  	v38 =	vadd.s32 v30, v32;
	v37 =	vor.u32 v0, v53;
	v31 =	vld.idx.msk [tilespmem:v31+s20+$0x0], $0xffff  }
0x2fd: {  	v38 =	vadd.s32 v2, v38;
	_ =	sdelay $0x3  }
0x2fe: {  	[tilespmem:v37+s31+$0x0] =	vst.idx.msk $0xffff, v31  }
0x2ff: {  	v54 =	vadd.s32 v30, v33;
	v31 =	vld.idx.msk [tilespmem:v38+s20+$0x0], $0xffff;
	v38 =	vor.u32 v3, v51  }
0x300: {  	v30 =	vadd.s32 v2, v54;
	_ =	sdelay $0x3  }
0x301: {  	[tilespmem:v38+s31+$0x0] =	vst.idx.msk $0xffff, v31  }
0x302: {  	v39 =	vadd.s32 v29, v32;
	v55 =	vor.u32 v3, v53;
	v30 =	vld.idx.msk [tilespmem:v30+s20+$0x0], $0xffff  }
0x303: {  	v39 =	vadd.s32 v4, v39;
	_ =	sdelay $0x3  }
0x304: {  	[tilespmem:v55+s31+$0x0] =	vst.idx.msk $0xffff, v30  }
0x305: {  	v56 =	vadd.s32 v29, v33;
	v30 =	vld.idx.msk [tilespmem:v39+s20+$0x0], $0xffff;
	v39 =	vor.u32 v5, v51  }
0x306: {  	v29 =	vadd.s32 v4, v56;
	_ =	sdelay $0x3  }
0x307: {  	[tilespmem:v39+s31+$0x0] =	vst.idx.msk $0xffff, v30  }
0x308: {  	v40 =	vadd.s32 v28, v32;
	v57 =	vor.u32 v5, v53;
	v29 =	vld.idx.msk [tilespmem:v29+s20+$0x0], $0xffff  }
0x309: {  	v40 =	vadd.s32 v6, v40;
	_ =	sdelay $0x3  }
0x30a: {  	[tilespmem:v57+s31+$0x0] =	vst.idx.msk $0xffff, v29  }
0x30b: {  	v58 =	vadd.s32 v28, v33;
	v29 =	vld.idx.msk [tilespmem:v40+s20+$0x0], $0xffff;
	v40 =	vor.u32 v7, v51  }
0x30c: {  	v28 =	vadd.s32 v6, v58;
	_ =	sdelay $0x3  }
0x30d: {  	[tilespmem:v40+s31+$0x0] =	vst.idx.msk $0xffff, v29  }
0x30e: {  	v41 =	vadd.s32 v27, v32;
	v59 =	vor.u32 v7, v53;
	v28 =	vld.idx.msk [tilespmem:v28+s20+$0x0], $0xffff  }
0x30f: {  	v41 =	vadd.s32 v8, v41;
	_ =	sdelay $0x3  }
0x310: {  	[tilespmem:v59+s31+$0x0] =	vst.idx.msk $0xffff, v28  }
0x311: {  	v60 =	vadd.s32 v27, v33;
	v28 =	vld.idx.msk [tilespmem:v41+s20+$0x0], $0xffff;
	v41 =	vor.u32 v9, v51  }
0x312: {  	v27 =	vadd.s32 v8, v60;
	_ =	sdelay $0x3  }
0x313: {  	[tilespmem:v41+s31+$0x0] =	vst.idx.msk $0xffff, v28  }
0x314: {  	v42 =	vadd.s32 v26, v32;
	v61 =	vor.u32 v9, v53;
	v27 =	vld.idx.msk [tilespmem:v27+s20+$0x0], $0xffff  }
0x315: {  	v42 =	vadd.s32 v10, v42;
	_ =	sdelay $0x3  }
0x316: {  	[tilespmem:v61+s31+$0x0] =	vst.idx.msk $0xffff, v27  }
0x317: {  	v62 =	vadd.s32 v26, v33;
	v27 =	vld.idx.msk [tilespmem:v42+s20+$0x0], $0xffff;
	v42 =	vor.u32 v11, v51  }
0x318: {  	v26 =	vadd.s32 v10, v62;
	_ =	sdelay $0x3  }
0x319: {  	[tilespmem:v42+s31+$0x0] =	vst.idx.msk $0xffff, v27  }
0x31a: {  	v43 =	vadd.s32 v25, v32;
	v27 =	vor.u32 v11, v53;
	v26 =	vld.idx.msk [tilespmem:v26+s20+$0x0], $0xffff  }
0x31b: {  	v43 =	vadd.s32 v12, v43;
	_ =	sdelay $0x3  }
0x31c: {  	[tilespmem:v27+s31+$0x0] =	vst.idx.msk $0xffff, v26  }
0x31d: {  	v47 =	vadd.s32 v25, v33;
	v63 =	vor.u32 v13, v51;
	v26 =	vld.idx.msk [tilespmem:v43+s20+$0x0], $0xffff  }
0x31e: {  	v25 =	vadd.s32 v12, v47;
	_ =	sdelay $0x3  }
0x31f: {  	[tilespmem:v63+s31+$0x0] =	vst.idx.msk $0xffff, v26  }
0x320: {  	v44 =	vadd.s32 v24, v32;
	v26 =	vor.u32 v13, v53;
	v25 =	vld.idx.msk [tilespmem:v25+s20+$0x0], $0xffff  }
0x321: {  	v44 =	vadd.s32 v14, v44;
	_ =	sdelay $0x3  }
0x322: {  	[tilespmem:v26+s31+$0x0] =	vst.idx.msk $0xffff, v25  }
0x323: {  	v48 =	vadd.s32 v24, v33;
	v34 =	vor.u32 v15, v51;
	v25 =	vld.idx.msk [tilespmem:v44+s20+$0x0], $0xffff  }
0x324: {  	v24 =	vadd.s32 v14, v48;
	_ =	sdelay $0x3  }
0x325: {  	[tilespmem:v34+s31+$0x0] =	vst.idx.msk $0xffff, v25  }
0x326: {  	v50 =	vadd.s32 v23, v32;
	v49 =	vor.u32 v15, v53;
	v24 =	vld.idx.msk [tilespmem:v24+s20+$0x0], $0xffff  }
0x327: {  	v35 =	vadd.s32 v1, v50;
	_ =	sdelay $0x3  }
0x328: {  	[tilespmem:v49+s31+$0x0] =	vst.idx.msk $0xffff, v24  }
0x329: {  	v51 =	vadd.s32 v23, v33;
	v24 =	vld.idx.msk [tilespmem:v35+s22+$0x0], $0xffff  }
0x32a: {  	v23 =	vadd.s32 v1, v51;
	_ =	sdelay $0x3  }
0x32b: {  	[tilespmem:v36+s0+$0x0] =	vst.idx.msk $0xffff, v24  }
0x32c: {  	v52 =	vadd.s32 v22, v32;
	v23 =	vld.idx.msk [tilespmem:v23+s22+$0x0], $0xffff  }
0x32d: {  	v24 =	vadd.s32 v2, v52;
	_ =	sdelay $0x3  }
0x32e: {  	[tilespmem:v37+s0+$0x0] =	vst.idx.msk $0xffff, v23  }
0x32f: {  	v53 =	vadd.s32 v22, v33;
	v23 =	vld.idx.msk [tilespmem:v24+s22+$0x0], $0xffff  }
0x330: {  	v22 =	vadd.s32 v2, v53;
	_ =	sdelay $0x3  }
0x331: {  	[tilespmem:v38+s0+$0x0] =	vst.idx.msk $0xffff, v23  }
0x332: {  	v54 =	vadd.s32 v21, v32;
	v22 =	vld.idx.msk [tilespmem:v22+s22+$0x0], $0xffff  }
0x333: {  	v23 =	vadd.s32 v4, v54;
	_ =	sdelay $0x3  }
0x334: {  	[tilespmem:v55+s0+$0x0] =	vst.idx.msk $0xffff, v22  }
0x335: {  	v55 =	vadd.s32 v21, v33;
	v22 =	vld.idx.msk [tilespmem:v23+s22+$0x0], $0xffff  }
0x336: {  	v21 =	vadd.s32 v4, v55;
	_ =	sdelay $0x3  }
0x337: {  	[tilespmem:v39+s0+$0x0] =	vst.idx.msk $0xffff, v22  }
0x338: {  	v56 =	vadd.s32 v20, v32;
	v21 =	vld.idx.msk [tilespmem:v21+s22+$0x0], $0xffff  }
0x339: {  	v22 =	vadd.s32 v6, v56;
	_ =	sdelay $0x3  }
0x33a: {  	[tilespmem:v57+s0+$0x0] =	vst.idx.msk $0xffff, v21  }
0x33b: {  	v57 =	vadd.s32 v20, v33;
	v21 =	vld.idx.msk [tilespmem:v22+s22+$0x0], $0xffff  }
0x33c: {  	v20 =	vadd.s32 v6, v57;
	_ =	sdelay $0x3  }
0x33d: {  	[tilespmem:v40+s0+$0x0] =	vst.idx.msk $0xffff, v21  }
0x33e: {  	v58 =	vadd.s32 v19, v32;
	v20 =	vld.idx.msk [tilespmem:v20+s22+$0x0], $0xffff  }
0x33f: {  	v21 =	vadd.s32 v8, v58;
	_ =	sdelay $0x3  }
0x340: {  	[tilespmem:v59+s0+$0x0] =	vst.idx.msk $0xffff, v20  }
0x341: {  	v59 =	vadd.s32 v19, v33;
	v20 =	vld.idx.msk [tilespmem:v21+s22+$0x0], $0xffff  }
0x342: {  	v19 =	vadd.s32 v8, v59;
	_ =	sdelay $0x3  }
0x343: {  	[tilespmem:v41+s0+$0x0] =	vst.idx.msk $0xffff, v20  }
0x344: {  	v60 =	vadd.s32 v18, v32;
	v19 =	vld.idx.msk [tilespmem:v19+s22+$0x0], $0xffff  }
0x345: {  	v20 =	vadd.s32 v10, v60;
	_ =	sdelay $0x3  }
0x346: {  	[tilespmem:v61+s0+$0x0] =	vst.idx.msk $0xffff, v19  }
0x347: {  	v61 =	vadd.s32 v18, v33;
	v19 =	vld.idx.msk [tilespmem:v20+s22+$0x0], $0xffff  }
0x348: {  	v18 =	vadd.s32 v10, v61;
	_ =	sdelay $0x3  }
0x349: {  	[tilespmem:v42+s0+$0x0] =	vst.idx.msk $0xffff, v19  }
0x34a: {  	v62 =	vadd.s32 v17, v32;
	v18 =	vld.idx.msk [tilespmem:v18+s22+$0x0], $0xffff  }
0x34b: {  	v19 =	vadd.s32 v12, v62;
	_ =	sdelay $0x3  }
0x34c: {  	[tilespmem:v27+s0+$0x0] =	vst.idx.msk $0xffff, v18  }
0x34d: {  	v17 =	vadd.s32 v17, v33;
	v18 =	vld.idx.msk [tilespmem:v19+s22+$0x0], $0xffff  }
0x34e: {  	v17 =	vadd.s32 v12, v17;
	_ =	sdelay $0x3  }
0x34f: {  	[tilespmem:v63+s0+$0x0] =	vst.idx.msk $0xffff, v18  }
0x350: {  	v63 =	vadd.s32 v16, v32;
	v17 =	vld.idx.msk [tilespmem:v17+s22+$0x0], $0xffff  }
0x351: {  	v18 =	vadd.s32 v14, v63;
	_ =	sdelay $0x3  }
0x352: {  	[tilespmem:v26+s0+$0x0] =	vst.idx.msk $0xffff, v17  }
0x353: {  	v16 =	vadd.s32 v16, v33;
	v17 =	vld.idx.msk [tilespmem:v18+s22+$0x0], $0xffff  }
0x354: {  	v16 =	vadd.s32 v14, v16;
	_ =	sdelay $0x3  }
0x355: {  	[tilespmem:v34+s0+$0x0] =	vst.idx.msk $0xffff, v17  }
0x356: {  	s10 =	sadd.s32 $0x1, s10;
	v16 =	vld.idx.msk [tilespmem:v16+s22+$0x0], $0xffff  }
0x357: {  	p0 =	sne.s32 s10, $0x32  }
.Ltmp7:
0x358: {  	_ = 	snop;
	(pc) =	sbr.rel @p0 .LBB2_2-.Ltmp7, $3  }
0x359: {  	_ =	sdelay $0x1  }
0x35a: {  	s7 =	sadd.s32 s8, s9;
	[tilespmem:v49+s0+$0x0] =	vst.idx.msk $0xffff, v16  }
0x35b: {  	[hbm4b:s7+s26] =	stream.strided.scatter [tilespmem:s31], [sflag:$0x6], $0x2000, s28, s26, $0x38;
	[tilespmem:$0x14600] =	vst v63  }
0x35c: {  	_ =	swait.ge [sflag:s2], $0x2000  }
0x35d: {  	[sflag:s2] =	ssyncset.done $0x0  }
0x35e: {  	[sflag:s2] =	ssyncadd.s32 $0xFFFFE000  }
0x35f: {  	_ =	swait.ge [sflag:s30], $0x2000  }
0x360: {  	s8 =	rddreg [dreg:$0x7]  }
0x361: {  	s7 =	rddreg [dreg:$0x6];
	s8 =	sadd.s32 $0x1, s8  }
0x362: {  	p0 =	sne.s32 s8, s7  }
.Ltmp8:
0x363: {  	_ = 	snop;
	(pc) =	sbr.rel @p0 .LBB2_1-.Ltmp8, $3  }
0x364: {  	_ =	sdelay $0x1  }
0x365: {  	[sflag:s30] =	ssyncset.done $0x0  }
0x366: {  	[sflag:s30] =	ssyncadd.s32 $0xFFFFE000  }
0x367: {  	_ =	sfence.sel $0x180000  }
0x368: {  	[bflag:$0x0] =	sbarrier.arrive $0xFFFF  }
0x369: {  	_ =	strace $0x90000047  }
0x36a: {  	s0 =	stileid.u32;
	[bflag:$0x2] =	sbarrier.arrive $0xFFFF  }
0x36b: {  	p0 =	sne.s32 s0, $0x0;
	s0 =	rddreg [dreg:$0x3]  }
0x36c: {  	s0 =	sadd.s32 @!p0 $0x100000, s0  }
0x36d: {  	[sflag:s0] =	ssyncadd.tile.s32 @!p0 $0x1;
	_ =	shalt  }
.Lfunc_end2:
_tile_overlayer_lowered:
.L_overlay_start_2:
0x36e: {  	(tag) =	ssettag $0x2  }
0x36f: {  	s0 =	rddreg [dreg:$0x0];
	s2 =	stileid.u32  }
0x370: {  	s1 =	rddreg [dreg:$0x1];
	p0 =	sne.s32 s2, $0x0  }
0x371: {  	s3 =	rddreg [dreg:$0x2];
	[bflag:$0x3] =	sbarrier.arrive $0xFFFF;
	s2 =	simm.s32 @!p0 $0x1C07  }
0x372: {  	[timem:s3], [sflag:s2] =	dma.local @!p0 [hbm:s0], s1  }
0x373: {  	s0 =	simm.s32 @!p0 $0x7  }
0x374: {  	_ =	swait.ge @!p0 [sflag:s0], s1  }
0x375: {  	s1 =	ssub.s32 @!p0 $0x0, s1;
	[sflag:s0] =	ssyncset.done @!p0 $0x0  }
0x376: {  	[sflag:s0] =	ssyncadd.s32 @!p0 s1  }
0x377: {  	[bflag:$0x3] =	sbarrier.arrive $0xFFFF  }
0x378: {  	_ =	shalt  }

</sc_bundles>
